<compile_context>
chip_gen: v7x
topology: tpu7x:2x2x1
jax: 0.10.2.dev20260603
libtpu: 0.0.44.dev20260713+nightly
codegen_flags: <defaults>
</compile_context>

<pallas_src>
import functools

import jax
import jax.numpy as jnp
from jax import lax
from jax.experimental import pallas as pl
from jax.experimental.pallas import tpu as pltpu
from jax.experimental.pallas import tpu_sc as plsc

N = 10000
E = 320000
D = 128
OUT = 2

NC = 2
NS = 16
L = 16
NW = NC * NS
NPAD = 10240
E_PAD = 327680
E_PW = E_PAD // NW
CH = 128
NCHUNK = E_PW // CH
ROWS_PER_SUB = NPAD // NS

_mesh = plsc.VectorSubcoreMesh(core_axis_name="c", subcore_axis_name="s")


def _zero_buf(buf, rows, width):
  @pl.loop(0, rows)
  def _(i):
    @pl.loop(0, width, step=L)
    def _(j):
      buf[i, pl.ds(j, L)] = jnp.zeros((L,), jnp.float32)


def _zero_acc_slice(buf, rows, acc, s):
  @pl.loop(0, ROWS_PER_SUB, step=rows)
  def _(r):
    pltpu.sync_copy(buf, acc.at[pl.ds(s * ROWS_PER_SUB + r, rows)])


def _copy_out(acc, out_hbm, c, s):
  pltpu.sync_copy(acc.at[pl.ds(s * ROWS_PER_SUB, ROWS_PER_SUB)],
                  out_hbm.at[c].at[pl.ds(s * ROWS_PER_SUB, ROWS_PER_SUB)])


def _make_sc_ring(width, chk, nb, ni, sync_scatter=False, tiled=True):
  nchunk = E_PW // chk
  assert E_PW % chk == 0 and nchunk % ni == 0 and ni % nb == 0

  @functools.partial(
      pl.kernel,
      out_type=jax.ShapeDtypeStruct((NC, NPAD, width), jnp.float32),
      mesh=_mesh,
      compiler_params=pltpu.CompilerParams(use_tc_tiling_on_sc=tiled),
      scratch_types=(
          [pltpu.VMEM((chk, width), jnp.float32)] * nb +
          [pltpu.VMEM((chk,), jnp.int32)] * ni +
          [pltpu.VMEM((chk,), jnp.int32)] * ni +
          [pltpu.VMEM_SHARED((NPAD, width), jnp.float32)] +
          [pltpu.SemaphoreType.DMA] * (2 * nb + ni)
      ),
  )
  def k(table_hbm, src_hbm, dst_hbm, out_hbm, *scr):
    bufs = scr[0:nb]
    srcb = scr[nb:nb + ni]
    dstb = scr[nb + ni:nb + 2 * ni]
    acc = scr[nb + 2 * ni]
    gsem = scr[nb + 2 * ni + 1:nb + 2 * ni + 1 + nb]
    ssem = scr[nb + 2 * ni + 1 + nb:nb + 2 * ni + 1 + 2 * nb]
    isem = scr[nb + 2 * ni + 1 + 2 * nb:]
    c = lax.axis_index("c")
    s = lax.axis_index("s")
    w = c * NS + s

    if chk == CH:
      def _idx_slice(hbm, chunk):
        return hbm.at[w, chunk]
    else:
      def _idx_slice(hbm, chunk):
        return hbm.at[pl.ds(w * E_PW + chunk * chk, chk)]

    def start_idx(i, chunk):
      pltpu.async_copy(_idx_slice(src_hbm, chunk), srcb[i], isem[i])
      pltpu.async_copy(_idx_slice(dst_hbm, chunk), dstb[i], isem[i])

    def wait_idx(i, chunk):
      pltpu.make_async_copy(_idx_slice(src_hbm, chunk), srcb[i],
                            isem[i]).wait()
      pltpu.make_async_copy(_idx_slice(dst_hbm, chunk), dstb[i],
                            isem[i]).wait()

    def start_gather(b, i):
      pltpu.async_copy(table_hbm.at[srcb[i]], bufs[b], gsem[b])

    def wait_gather(b, i):
      pltpu.make_async_copy(table_hbm.at[srcb[i]], bufs[b], gsem[b]).wait()

    def start_scatter(b, i):
      pltpu.async_copy(bufs[b], acc.at[dstb[i]], ssem[b], add=True)

    def wait_scatter(b, i):
      pltpu.make_async_copy(bufs[b], acc.at[dstb[i]], ssem[b]).wait()

    _zero_buf(bufs[0], chk, width)
    _zero_acc_slice(bufs[0], chk, acc, s)
    plsc.subcore_barrier()

    for i in range(ni):
      start_idx(i, i)
    for b in range(nb):
      wait_idx(b, b)
      start_gather(b, b)

    if sync_scatter:
      @pl.loop(0, nchunk // ni)
      def _(r):
        c0 = r * ni
        for b in range(ni):
          ci = c0 + b
          rb = b % nb
          wait_gather(rb, b)
          start_scatter(rb, b)
          wait_scatter(rb, b)

          @pl.when(ci + ni < nchunk)
          def _():
            start_idx(b, ci + ni)

          @pl.when(ci + nb < nchunk)
          def _():
            wait_idx((b + nb) % ni, ci + nb)
            start_gather(rb, (b + nb) % ni)

      plsc.subcore_barrier()
      _copy_out(acc, out_hbm, c, s)
      return

    @pl.loop(0, nchunk // ni)
    def _(r):
      c0 = r * ni
      for b in range(ni):
        ci = c0 + b
        rb = b % nb
        wait_gather(rb, b)
        start_scatter(rb, b)
        prb = (b - 1) % nb
        pi = (b - 1) % ni
        gi = (b + nb - 1) % ni

        def _advance():
          wait_scatter(prb, pi)

          @pl.when(ci + ni - 1 < nchunk)
          def _():
            start_idx(pi, ci + ni - 1)

          @pl.when(ci + nb - 1 < nchunk)
          def _():
            wait_idx(gi, ci + nb - 1)
            start_gather(prb, gi)

        if b > 0:
          _advance()
        else:
          @pl.when(r > 0)
          def _():
            _advance()

    wait_scatter((nchunk - 1) % nb, (nchunk - 1) % ni)
    plsc.subcore_barrier()
    _copy_out(acc, out_hbm, c, s)

  return k


def _make_sc_scatter(width, nbuf):
  assert NCHUNK % nbuf == 0

  @functools.partial(
      pl.kernel,
      out_type=jax.ShapeDtypeStruct((NC, NPAD, width), jnp.float32),
      mesh=_mesh,
      compiler_params=pltpu.CompilerParams(use_tc_tiling_on_sc=(width == D)),
      scratch_types=(
          [pltpu.VMEM((NCHUNK, CH), jnp.int32)] * 2 +
          [pltpu.VMEM((CH, width), jnp.float32)] * nbuf +
          [pltpu.VMEM_SHARED((NPAD, width), jnp.float32)] +
          [pltpu.SemaphoreType.DMA] * (2 * nbuf)
      ),
  )
  def k(table_hbm, src_hbm, dst_hbm, out_hbm, *scr):
    src_v, dst_v = scr[0], scr[1]
    bufs = scr[2:2 + nbuf]
    acc = scr[2 + nbuf]
    gsem = scr[3 + nbuf:3 + 2 * nbuf]
    ssem = scr[3 + 2 * nbuf:3 + 3 * nbuf]
    c = lax.axis_index("c")
    s = lax.axis_index("s")
    w = c * NS + s

    pltpu.sync_copy(src_hbm.at[w], src_v)
    pltpu.sync_copy(dst_hbm.at[w], dst_v)

    _zero_buf(bufs[0], CH, width)
    _zero_acc_slice(bufs[0], CH, acc, s)
    plsc.subcore_barrier()

    def start_gather(b, chunk):
      pltpu.async_copy(table_hbm.at[src_v.at[chunk]], bufs[b], gsem[b])

    def wait_gather(b, chunk):
      pltpu.make_async_copy(table_hbm.at[src_v.at[chunk]], bufs[b],
                            gsem[b]).wait()

    def start_scatter(b, chunk):
      pltpu.async_copy(bufs[b], acc.at[dst_v.at[chunk]], ssem[b], add=True)

    def wait_scatter(b, chunk):
      pltpu.make_async_copy(bufs[b], acc.at[dst_v.at[chunk]], ssem[b]).wait()

    for b in range(nbuf):
      start_gather(b, b)

    @pl.loop(0, NCHUNK // nbuf)
    def _(r):
      c0 = r * nbuf
      for b in range(nbuf):
        ci = c0 + b
        wait_gather(b, ci)
        start_scatter(b, ci)
        if b > 0:
          wait_scatter(b - 1, ci - 1)
          nxt = ci - 1 + nbuf

          @pl.when(nxt < NCHUNK)
          def _():
            start_gather(b - 1, nxt)
        else:
          @pl.when(r > 0)
          def _():
            wait_scatter(nbuf - 1, ci - 1)
            start_gather(nbuf - 1, ci - 1 + nbuf)

    wait_scatter(nbuf - 1, NCHUNK - 1)
    plsc.subcore_barrier()
    _copy_out(acc, out_hbm, c, s)

  return k


CHK128 = 80
_sc_scatter128 = _make_sc_ring(D, 80, 4, 8, sync_scatter=True)
_sc_scatter16 = _make_sc_ring(16, 128, 4, 8, sync_scatter=True, tiled=False)


E_RAW_PW = E // NW
DEG_FULLC = E_RAW_PW // CH
DEG_TAIL = E_RAW_PW - DEG_FULLC * CH


@functools.partial(
    pl.kernel,
    out_type=jax.ShapeDtypeStruct((NC, NPAD, 16), jnp.float32),
    mesh=_mesh,
    scratch_types=[
        pltpu.VMEM((DEG_FULLC, CH), jnp.int32),
        pltpu.VMEM((DEG_TAIL,), jnp.int32),
        pltpu.VMEM((CH, 16), jnp.float32),
        pltpu.VMEM((CH, 16), jnp.float32),
        pltpu.SemaphoreType.DMA,
        pltpu.SemaphoreType.DMA,
        pltpu.VMEM_SHARED((NPAD, 16), jnp.float32),
    ],
)
def _sc_degree(dst_hbm, out_hbm, dst_v, dst_t, one_v, z_v, isem, sem, acc):
  c = lax.axis_index("c")
  s = lax.axis_index("s")
  w = c * NS + s
  base = w * E_RAW_PW

  def idx_copy(j):
    return pltpu.make_async_copy(dst_hbm.at[pl.ds(base + j * CH, CH)],
                                 dst_v.at[j], isem)

  tail_idx = pltpu.make_async_copy(
      dst_hbm.at[pl.ds(base + DEG_FULLC * CH, DEG_TAIL)], dst_t, isem)

  @pl.loop(0, DEG_FULLC)
  def _(j):
    idx_copy(j).start()
  tail_idx.start()

  @pl.loop(0, CH)
  def _(i):
    one_v[i, :] = jnp.ones((16,), jnp.float32)
    z_v[i, :] = jnp.zeros((16,), jnp.float32)

  _zero_acc_slice(z_v, CH, acc, s)
  plsc.subcore_barrier()

  @pl.loop(0, DEG_FULLC)
  def _(j):
    idx_copy(j).wait()
    pltpu.async_copy(one_v, acc.at[dst_v.at[j]], sem, add=True)

  tail_idx.wait()
  pltpu.async_copy(one_v.at[pl.ds(0, DEG_TAIL)], acc.at[dst_t], sem, add=True)

  @pl.loop(0, DEG_FULLC)
  def _(j):
    pltpu.make_async_copy(one_v, acc.at[dst_v.at[j]], sem).wait()
  pltpu.make_async_copy(one_v.at[pl.ds(0, DEG_TAIL)], acc.at[dst_t],
                        sem).wait()

  plsc.subcore_barrier()
  _copy_out(acc, out_hbm, c, s)


def _tc_prep_body(x_ref, fi_ref, w1_ref, d_ref, g_ref):
  fw = jax.nn.sigmoid(fi_ref[:])
  xw = x_ref[:] * fw[None, :]
  h0 = jnp.dot(xw, w1_ref[:], preferred_element_type=jnp.float32)
  deg = d_ref[0][0:N, 0:1] + d_ref[1][0:N, 0:1] + 1.0
  dis = lax.rsqrt(deg)
  g_ref[0:N, :] = h0 * dis


def _tc_mid_body(p_ref, g_ref, d_ref, b1_ref, ga_ref, be_ref, rm_ref, rv_ref,
                 w2_ref, q_ref):
  deg = d_ref[0][:, 0:1] + d_ref[1][:, 0:1] + 1.0
  dis = lax.rsqrt(deg)
  h1 = (p_ref[0] + p_ref[1] + g_ref[:]) * dis + b1_ref[:][None, :]
  inv = lax.rsqrt(rv_ref[:] + 1e-5)
  h = (h1 - rm_ref[:][None, :]) * (inv * ga_ref[:])[None, :] + be_ref[:][None, :]
  h = jnp.maximum(h, 0.0)
  q_ref[:] = jnp.dot(h, w2_ref[:], preferred_element_type=jnp.float32) * dis


def _tc_final_body(s_ref, q_ref, d_ref, b2_ref, o_ref):
  deg = d_ref[0][0:N, 0:1] + d_ref[1][0:N, 0:1] + 1.0
  dis = lax.rsqrt(deg)
  val = (s_ref[0][0:N] + s_ref[1][0:N] + q_ref[0:N]) * dis + b2_ref[:][None, :]
  o_ref[:] = val[:, 0:OUT]


_tc_prep = pl.pallas_call(
    _tc_prep_body, out_shape=jax.ShapeDtypeStruct((NPAD, D), jnp.float32))
_tc_mid = pl.pallas_call(
    _tc_mid_body, out_shape=jax.ShapeDtypeStruct((NPAD, 16), jnp.float32))
_tc_final = pl.pallas_call(
    _tc_final_body, out_shape=jax.ShapeDtypeStruct((N, OUT), jnp.float32))


@jax.jit
def kernel(x, edge_index, feature_importance, W1, b1, gamma, beta,
           running_mean, running_var, W2, b2):
  src = edge_index[0].astype(jnp.int32)
  dst = edge_index[1].astype(jnp.int32)
  npadedge = E_PAD - E
  pad_idx = (N + 224 + (jnp.arange(npadedge, dtype=jnp.int32) % 16))
  src_p = jnp.concatenate([src, pad_idx]).reshape(NW, NCHUNK, CH)
  dst_p = jnp.concatenate([dst, pad_idx]).reshape(NW, NCHUNK, CH)
  w2_p = jnp.pad(W2, ((0, 0), (0, 16 - OUT)))
  b2_p = jnp.pad(b2, (0, 16 - OUT))

  deg2 = _sc_degree(dst)
  g = _tc_prep(x, feature_importance, W1, deg2)
  parts = _sc_scatter128(g, src_p.reshape(E_PAD), dst_p.reshape(E_PAD))
  q16 = _tc_mid(parts, g, deg2, b1, gamma, beta, running_mean, running_var,
                w2_p)
  s16 = _sc_scatter16(q16, src_p, dst_p)
  return _tc_final(s16, q16, deg2, b2_p)

# --- scband reference (transcript-rebuilt; emitter-appended) ---
"""Pipeline reference for scband-naa-gcn-24481313587809 (READ-ONLY COPY).

The authoritative reference and input builder live on the scoring server;
editing this copy changes nothing except your own understanding.
"""

import jax, jax.numpy as jnp
import numpy as np

N = 10000
E = 320000
D = 128
H = 128
OUT = 2


def setup_inputs(seed: int = 0) -> dict:
    key = jax.random.key(seed)
    ks = jax.random.split(key, 8)
    x = jax.random.normal(ks[0], (N, D), dtype=jnp.float32)
    edge_index = jax.random.randint(ks[1], (2, E), 0, N)
    # learned parameters
    feature_importance = jnp.ones((D,), dtype=jnp.float32)  # nn.Parameter(torch.ones(in_dim))
    s1 = float(np.sqrt(6.0 / (D + H)))
    W1 = jax.random.uniform(ks[2], (D, H), minval=-s1, maxval=s1, dtype=jnp.float32)
    b1 = jnp.zeros((H,), dtype=jnp.float32)
    gamma = jnp.ones((H,), dtype=jnp.float32)
    beta = jnp.zeros((H,), dtype=jnp.float32)
    running_mean = jnp.zeros((H,), dtype=jnp.float32)
    running_var = jnp.ones((H,), dtype=jnp.float32)
    s2 = float(np.sqrt(6.0 / (H + OUT)))
    W2 = jax.random.uniform(ks[3], (H, OUT), minval=-s2, maxval=s2, dtype=jnp.float32)
    b2 = jnp.zeros((OUT,), dtype=jnp.float32)
    return {"x": x, "edge_index": edge_index, "feature_importance": feature_importance,
            "W1": W1, "b1": b1, "gamma": gamma, "beta": beta,
            "running_mean": running_mean, "running_var": running_var,
            "W2": W2, "b2": b2}


def _gcn_conv(x, edge_index, W, b):
    # GCNConv: lin -> add self loops -> symmetric normalization -> scatter-add aggregate
    h = x @ W
    src = edge_index[0]
    dst = edge_index[1]
    sl = jnp.arange(N, dtype=src.dtype)
    src = jnp.concatenate([src, sl], axis=0)
    dst = jnp.concatenate([dst, sl], axis=0)
    deg = jnp.zeros((N,), dtype=x.dtype).at[dst].add(1.0)
    dis = jax.lax.rsqrt(jnp.maximum(deg, 1e-12))
    norm = dis[src] * dis[dst]
    msg = h[src] * norm[:, None]
    out = jnp.zeros((N, W.shape[1]), dtype=x.dtype).at[dst].add(msg)
    return out + b


def reference(x, edge_index, feature_importance, W1, b1, gamma, beta, running_mean, running_var, W2, b2):
    # eval-mode forward (dropout = identity, BN uses running stats)
    fw = jax.nn.sigmoid(feature_importance)
    xw = x * fw
    h = _gcn_conv(xw, edge_index, W1, b1)
    h = (h - running_mean) / jnp.sqrt(running_var + 1e-5) * gamma + beta
    h = jax.nn.relu(h)
    out = _gcn_conv(h, edge_index, W2, b2)
    return out

if __name__ == "__main__":
    import jax
    _d = setup_inputs()
    print(jax.jit(kernel)(*tuple(_d.values())))

</pallas_src>

<mosaic_0001>
#map = affine_map<(d0, d1) -> (0)>
#map1 = affine_map<(d0, d1) -> (0, 0, 0)>
module attributes {stable_mosaic.version = 14 : i64} {
  func.func @_sc_degree(%arg0: i32, %arg1: i32, %arg2: memref<320000xi32, #tpu.memory_space<hbm>>, %arg3: memref<2x10240x16xf32, #tpu.memory_space<hbm>>, %arg4: memref<78x128xi32, #tpu.memory_space<vmem>>, %arg5: memref<16xi32, #tpu.memory_space<vmem>>, %arg6: memref<128x16xf32, #tpu.memory_space<vmem>>, %arg7: memref<128x16xf32, #tpu.memory_space<vmem>>, %arg8: memref<!tpu.dma_semaphore, #tpu.memory_space<semaphore_mem>>, %arg9: memref<!tpu.dma_semaphore, #tpu.memory_space<semaphore_mem>>, %arg10: memref<10240x16xf32, #tpu.memory_space<vmem_shared>>) attributes {dimension_semantics = [#tpu.dimension_semantics<core_parallel>, #tpu.dimension_semantics<subcore_parallel>], iteration_bounds = array<i64: 2, 16>, scalar_prefetch = 0 : i64, scratch_operands = 7 : i64, tpu.core_type = #tpu.core_type<sc_vector_subcore>, window_params = [{transform_indices = #map}, {transform_indices = #map1}]} {
    %mul3A = arith.constant 16 : i32
    %mul3A_0 = arith.muli %arg0, %mul3A : i32
    %add3A = arith.addi %mul3A_0, %arg1 : i32
    %mul3A_1 = arith.constant 10000 : i32
    %mul3A_2 = arith.muli %add3A, %mul3A_1 : i32
    %add3A_3 = arith.constant 9984 : i32
    %add3A_4 = arith.addi %mul3A_2, %add3A_3 : i32
    %scan3A = arith.constant 0 : i32
    %scan3A_5 = arith.constant 78 : i32
    %scan3A_6 = arith.addi %scan3A, %scan3A_5 : i32
    %scan3A_7 = arith.constant 1 : i32
    scf.for %scan3A_48 = %scan3A to %scan3A_6 step %scan3A_7  : i32 {
      %mul3A_49 = arith.constant 1 : i32
      %mul3A_50 = arith.muli %scan3A_48, %mul3A_49 : i32
      %add3A_51 = arith.constant 0 : i32
      %add3A_52 = arith.addi %add3A_51, %mul3A_50 : i32
      %mul3A_53 = arith.constant 128 : i32
      %mul3A_54 = arith.muli %add3A_52, %mul3A_53 : i32
      %add3A_55 = arith.addi %mul3A_2, %mul3A_54 : i32
      %dma_start3A_56 = arith.constant 0 : i32
      %dma_start3A_57 = tpu.memref_slice %arg4[%add3A_52, %dma_start3A_56] : memref<78x128xi32, #tpu.memory_space<vmem>> -> memref<1x128xi32, #tpu.memory_space<vmem>>
      %dma_start3A_58 = tpu.memref_squeeze %dma_start3A_57 : memref<1x128xi32, #tpu.memory_space<vmem>> -> memref<128xi32, #tpu.memory_space<vmem>>
      %dma_start3A_59 = tpu.memref_slice %arg2[%add3A_55] : memref<320000xi32, #tpu.memory_space<hbm>> -> memref<128xi32, #tpu.memory_space<hbm>>
      %dma_start3A_60 = arith.constant 0 : i32
      %dma_start3A_61 = tpu.memref_slice %arg4[%add3A_52, %dma_start3A_60] : memref<78x128xi32, #tpu.memory_space<vmem>> -> memref<1x128xi32, #tpu.memory_space<vmem>>
      %dma_start3A_62 = tpu.memref_squeeze %dma_start3A_61 : memref<1x128xi32, #tpu.memory_space<vmem>> -> memref<128xi32, #tpu.memory_space<vmem>>
      %dma_start3A_63 = tpu.memref_slice %arg2[%add3A_55] : memref<320000xi32, #tpu.memory_space<hbm>> -> memref<128xi32, #tpu.memory_space<hbm>>
      tpu.enqueue_dma source(%dma_start3A_63 : memref<128xi32, #tpu.memory_space<hbm>>) target(%dma_start3A_62 : memref<128xi32, #tpu.memory_space<vmem>>) target_semaphore(%arg8 : memref<!tpu.dma_semaphore, #tpu.memory_space<semaphore_mem>>)
    }
    %scan3A_8 = arith.constant 78 : i32
    %dma_start3A = tpu.memref_slice %arg2[%add3A_4] : memref<320000xi32, #tpu.memory_space<hbm>> -> memref<16xi32, #tpu.memory_space<hbm>>
    %dma_start3A_9 = tpu.memref_slice %arg2[%add3A_4] : memref<320000xi32, #tpu.memory_space<hbm>> -> memref<16xi32, #tpu.memory_space<hbm>>
    tpu.enqueue_dma source(%dma_start3A_9 : memref<16xi32, #tpu.memory_space<hbm>>) target(%arg5 : memref<16xi32, #tpu.memory_space<vmem>>) target_semaphore(%arg8 : memref<!tpu.dma_semaphore, #tpu.memory_space<semaphore_mem>>)
    %scan3A_10 = arith.constant 0 : i32
    %scan3A_11 = arith.constant 128 : i32
    %scan3A_12 = arith.addi %scan3A_10, %scan3A_11 : i32
    %scan3A_13 = arith.constant 1 : i32
    scf.for %scan3A_48 = %scan3A_10 to %scan3A_12 step %scan3A_13  : i32 {
      %mul3A_49 = arith.constant 1 : i32
      %mul3A_50 = arith.muli %scan3A_48, %mul3A_49 : i32
      %add3A_51 = arith.constant 0 : i32
      %add3A_52 = arith.addi %add3A_51, %mul3A_50 : i32
      %broadcast_in_dim3A = arith.constant 1.000000e+00 : f32
      %broadcast_in_dim3A_53 = vector.broadcast %broadcast_in_dim3A : f32 to vector<16xf32>
      %swap3A = arith.index_cast %add3A_52 : i32 to index
      %swap3A_54 = arith.constant 0 : index
      %swap3A_55 = tpu.vector_load %arg6[%swap3A, %swap3A_54] {strides = array<i32>} : memref<128x16xf32, #tpu.memory_space<vmem>>, vector<1x16xf32>,
      %swap3A_56 = vector.shape_cast %swap3A_55 : vector<1x16xf32> to vector<16xf32>
      %swap3A_57 = vector.shape_cast %broadcast_in_dim3A_53 : vector<16xf32> to vector<1x16xf32>
      tpu.vector_store %arg6[%swap3A, %swap3A_54], %swap3A_57 {strides = array<i32>} : memref<128x16xf32, #tpu.memory_space<vmem>>, vector<1x16xf32>,
      %broadcast_in_dim3A_58 = arith.constant 0.000000e+00 : f32
      %broadcast_in_dim3A_59 = vector.broadcast %broadcast_in_dim3A_58 : f32 to vector<16xf32>
      %swap3A_60 = arith.index_cast %add3A_52 : i32 to index
      %swap3A_61 = arith.constant 0 : index
      %swap3A_62 = tpu.vector_load %arg7[%swap3A_60, %swap3A_61] {strides = array<i32>} : memref<128x16xf32, #tpu.memory_space<vmem>>, vector<1x16xf32>,
      %swap3A_63 = vector.shape_cast %swap3A_62 : vector<1x16xf32> to vector<16xf32>
      %swap3A_64 = vector.shape_cast %broadcast_in_dim3A_59 : vector<16xf32> to vector<1x16xf32>
      tpu.vector_store %arg7[%swap3A_60, %swap3A_61], %swap3A_64 {strides = array<i32>} : memref<128x16xf32, #tpu.memory_space<vmem>>, vector<1x16xf32>,
    }
    %scan3A_14 = arith.constant 128 : i32
    %scan3A_15 = arith.constant 0 : i32
    %scan3A_16 = arith.constant 5 : i32
    %scan3A_17 = arith.addi %scan3A_15, %scan3A_16 : i32
    %scan3A_18 = arith.constant 1 : i32
    scf.for %scan3A_48 = %scan3A_15 to %scan3A_17 step %scan3A_18  : i32 {
      %mul3A_49 = arith.constant 128 : i32
      %mul3A_50 = arith.muli %scan3A_48, %mul3A_49 : i32
      %add3A_51 = arith.constant 0 : i32
      %add3A_52 = arith.addi %add3A_51, %mul3A_50 : i32
      %mul3A_53 = arith.constant 640 : i32
      %mul3A_54 = arith.muli %arg1, %mul3A_53 : i32
      %add3A_55 = arith.addi %mul3A_54, %add3A_52 : i32
      "tpu.region"() ({
        %run_scoped3A = tpu.sem_alloc : memref<!tpu.dma_semaphore, #tpu.memory_space<semaphore_mem>>
        %dma_start3A_56 = arith.constant 0 : i32
        %dma_start3A_57 = tpu.memref_slice %arg10[%add3A_55, %dma_start3A_56] : memref<10240x16xf32, #tpu.memory_space<vmem_shared>> -> memref<128x16xf32, #tpu.memory_space<vmem_shared>>
        %dma_start3A_58 = arith.constant 0 : i32
        %dma_start3A_59 = tpu.memref_slice %arg10[%add3A_55, %dma_start3A_58] : memref<10240x16xf32, #tpu.memory_space<vmem_shared>> -> memref<128x16xf32, #tpu.memory_space<vmem_shared>>
        tpu.enqueue_dma source(%arg7 : memref<128x16xf32, #tpu.memory_space<vmem>>) target(%dma_start3A_59 : memref<128x16xf32, #tpu.memory_space<vmem_shared>>) target_semaphore(%run_scoped3A : memref<!tpu.dma_semaphore, #tpu.memory_space<semaphore_mem>>)
        %dma_wait3A_60 = arith.constant 0 : i32
        %dma_wait3A_61 = tpu.memref_slice %arg10[%add3A_55, %dma_wait3A_60] : memref<10240x16xf32, #tpu.memory_space<vmem_shared>> -> memref<128x16xf32, #tpu.memory_space<vmem_shared>>
        %dma_wait3A_62 = arith.constant 0 : i32
        %dma_wait3A_63 = tpu.memref_slice %arg10[%add3A_55, %dma_wait3A_62] : memref<10240x16xf32, #tpu.memory_space<vmem_shared>> -> memref<128x16xf32, #tpu.memory_space<vmem_shared>>
        tpu.wait_dma2 semaphore(%run_scoped3A : memref<!tpu.dma_semaphore, #tpu.memory_space<semaphore_mem>>) src(%arg7 : memref<128x16xf32, #tpu.memory_space<vmem>>) dst(%dma_wait3A_63 : memref<128x16xf32, #tpu.memory_space<vmem_shared>>)
        tpu.yield
      }) : () -> ()
    }
    %scan3A_19 = arith.constant 5 : i32
    %barrier3A = arith.constant 0 : index
    tpu.barrier barrier_id(%barrier3A)
    %scan3A_20 = arith.constant 0 : i32
    %scan3A_21 = arith.constant 78 : i32
    %scan3A_22 = arith.addi %scan3A_20, %scan3A_21 : i32
    %scan3A_23 = arith.constant 1 : i32
    scf.for %scan3A_48 = %scan3A_20 to %scan3A_22 step %scan3A_23  : i32 {
      %mul3A_49 = arith.constant 1 : i32
      %mul3A_50 = arith.muli %scan3A_48, %mul3A_49 : i32
      %add3A_51 = arith.constant 0 : i32
      %add3A_52 = arith.addi %add3A_51, %mul3A_50 : i32
      %mul3A_53 = arith.constant 128 : i32
      %mul3A_54 = arith.muli %add3A_52, %mul3A_53 : i32
      %add3A_55 = arith.addi %mul3A_2, %mul3A_54 : i32
      %dma_wait3A_56 = arith.constant 0 : i32
      %dma_wait3A_57 = tpu.memref_slice %arg4[%add3A_52, %dma_wait3A_56] : memref<78x128xi32, #tpu.memory_space<vmem>> -> memref<1x128xi32, #tpu.memory_space<vmem>>
      %dma_wait3A_58 = tpu.memref_squeeze %dma_wait3A_57 : memref<1x128xi32, #tpu.memory_space<vmem>> -> memref<128xi32, #tpu.memory_space<vmem>>
      %dma_wait3A_59 = tpu.memref_slice %arg2[%add3A_55] : memref<320000xi32, #tpu.memory_space<hbm>> -> memref<128xi32, #tpu.memory_space<hbm>>
      %dma_wait3A_60 = arith.constant 0 : i32
      %dma_wait3A_61 = tpu.memref_slice %arg4[%add3A_52, %dma_wait3A_60] : memref<78x128xi32, #tpu.memory_space<vmem>> -> memref<1x128xi32, #tpu.memory_space<vmem>>
      %dma_wait3A_62 = tpu.memref_squeeze %dma_wait3A_61 : memref<1x128xi32, #tpu.memory_space<vmem>> -> memref<128xi32, #tpu.memory_space<vmem>>
      %dma_wait3A_63 = tpu.memref_slice %arg2[%add3A_55] : memref<320000xi32, #tpu.memory_space<hbm>> -> memref<128xi32, #tpu.memory_space<hbm>>
      tpu.wait_dma2 semaphore(%arg8 : memref<!tpu.dma_semaphore, #tpu.memory_space<semaphore_mem>>) src(%dma_wait3A_63 : memref<128xi32, #tpu.memory_space<hbm>>) dst(%dma_wait3A_62 : memref<128xi32, #tpu.memory_space<vmem>>)
      %dma_start3A_64 = arith.constant 0 : i32
      %dma_start3A_65 = tpu.memref_slice %arg4[%add3A_52, %dma_start3A_64] : memref<78x128xi32, #tpu.memory_space<vmem>> -> memref<1x128xi32, #tpu.memory_space<vmem>>
      %dma_start3A_66 = tpu.memref_squeeze %dma_start3A_65 : memref<1x128xi32, #tpu.memory_space<vmem>> -> memref<128xi32, #tpu.memory_space<vmem>>
      %dma_start3A_67 = arith.constant 0 : i32
      %dma_start3A_68 = arith.constant 0 : i32
      %dma_start3A_69 = tpu.memref_slice %arg10[%dma_start3A_67, %dma_start3A_68] : memref<10240x16xf32, #tpu.memory_space<vmem_shared>> -> memref<10240x16xf32, #tpu.memory_space<vmem_shared>>
      tpu.enqueue_indirect_dma source(%arg6 : memref<128x16xf32, #tpu.memory_space<vmem>>) target(%dma_start3A_69 : memref<10240x16xf32, #tpu.memory_space<vmem_shared>>) offsets(%dma_start3A_66 : memref<128xi32, #tpu.memory_space<vmem>>) semaphore(%arg9 : memref<!tpu.dma_semaphore, #tpu.memory_space<semaphore_mem>>) {add = true}
    }
    %scan3A_24 = arith.constant 78 : i32
    %dma_wait3A = tpu.memref_slice %arg2[%add3A_4] : memref<320000xi32, #tpu.memory_space<hbm>> -> memref<16xi32, #tpu.memory_space<hbm>>
    %dma_wait3A_25 = tpu.memref_slice %arg2[%add3A_4] : memref<320000xi32, #tpu.memory_space<hbm>> -> memref<16xi32, #tpu.memory_space<hbm>>
    tpu.wait_dma2 semaphore(%arg8 : memref<!tpu.dma_semaphore, #tpu.memory_space<semaphore_mem>>) src(%dma_wait3A_25 : memref<16xi32, #tpu.memory_space<hbm>>) dst(%arg5 : memref<16xi32, #tpu.memory_space<vmem>>)
    %dma_start3A_26 = arith.constant 0 : i32
    %dma_start3A_27 = arith.constant 0 : i32
    %dma_start3A_28 = tpu.memref_slice %arg6[%dma_start3A_26, %dma_start3A_27] : memref<128x16xf32, #tpu.memory_space<vmem>> -> memref<16x16xf32, #tpu.memory_space<vmem>>
    %dma_start3A_29 = arith.constant 0 : i32
    %dma_start3A_30 = arith.constant 0 : i32
    %dma_start3A_31 = tpu.memref_slice %arg10[%dma_start3A_29, %dma_start3A_30] : memref<10240x16xf32, #tpu.memory_space<vmem_shared>> -> memref<10240x16xf32, #tpu.memory_space<vmem_shared>>
    tpu.enqueue_indirect_dma source(%dma_start3A_28 : memref<16x16xf32, #tpu.memory_space<vmem>>) target(%dma_start3A_31 : memref<10240x16xf32, #tpu.memory_space<vmem_shared>>) offsets(%arg5 : memref<16xi32, #tpu.memory_space<vmem>>) semaphore(%arg9 : memref<!tpu.dma_semaphore, #tpu.memory_space<semaphore_mem>>) {add = true}
    %scan3A_32 = arith.constant 0 : i32
    %scan3A_33 = arith.constant 78 : i32
    %scan3A_34 = arith.addi %scan3A_32, %scan3A_33 : i32
    %scan3A_35 = arith.constant 1 : i32
    scf.for %scan3A_48 = %scan3A_32 to %scan3A_34 step %scan3A_35  : i32 {
      %mul3A_49 = arith.constant 1 : i32
      %mul3A_50 = arith.muli %scan3A_48, %mul3A_49 : i32
      %add3A_51 = arith.constant 0 : i32
      %add3A_52 = arith.addi %add3A_51, %mul3A_50 : i32
      %dma_wait3A_53 = arith.constant 0 : i32
      %dma_wait3A_54 = tpu.memref_slice %arg4[%add3A_52, %dma_wait3A_53] : memref<78x128xi32, #tpu.memory_space<vmem>> -> memref<1x128xi32, #tpu.memory_space<vmem>>
      %dma_wait3A_55 = tpu.memref_squeeze %dma_wait3A_54 : memref<1x128xi32, #tpu.memory_space<vmem>> -> memref<128xi32, #tpu.memory_space<vmem>>
      %dma_wait3A_56 = arith.constant 0 : i32
      %dma_wait3A_57 = arith.constant 0 : i32
      %dma_wait3A_58 = tpu.memref_slice %arg10[%dma_wait3A_56, %dma_wait3A_57] : memref<10240x16xf32, #tpu.memory_space<vmem_shared>> -> memref<10240x16xf32, #tpu.memory_space<vmem_shared>>
      tpu.wait_indirect_dma semaphore(%arg9 : memref<!tpu.dma_semaphore, #tpu.memory_space<semaphore_mem>>) src(%arg6 : memref<128x16xf32, #tpu.memory_space<vmem>>) dst(%dma_wait3A_58 : memref<10240x16xf32, #tpu.memory_space<vmem_shared>>)
    }
    %scan3A_36 = arith.constant 78 : i32
    %dma_wait3A_37 = arith.constant 0 : i32
    %dma_wait3A_38 = arith.constant 0 : i32
    %dma_wait3A_39 = tpu.memref_slice %arg6[%dma_wait3A_37, %dma_wait3A_38] : memref<128x16xf32, #tpu.memory_space<vmem>> -> memref<16x16xf32, #tpu.memory_space<vmem>>
    %dma_wait3A_40 = arith.constant 0 : i32
    %dma_wait3A_41 = arith.constant 0 : i32
    %dma_wait3A_42 = tpu.memref_slice %arg10[%dma_wait3A_40, %dma_wait3A_41] : memref<10240x16xf32, #tpu.memory_space<vmem_shared>> -> memref<10240x16xf32, #tpu.memory_space<vmem_shared>>
    tpu.wait_indirect_dma semaphore(%arg9 : memref<!tpu.dma_semaphore, #tpu.memory_space<semaphore_mem>>) src(%dma_wait3A_39 : memref<16x16xf32, #tpu.memory_space<vmem>>) dst(%dma_wait3A_42 : memref<10240x16xf32, #tpu.memory_space<vmem_shared>>)
    %barrier3A_43 = arith.constant 0 : index
    tpu.barrier barrier_id(%barrier3A_43)
    %mul3A_44 = arith.constant 640 : i32
    %mul3A_45 = arith.muli %arg1, %mul3A_44 : i32
    %mul3A_46 = arith.constant 640 : i32
    %mul3A_47 = arith.muli %arg1, %mul3A_46 : i32
    "tpu.region"() ({
      %run_scoped3A = tpu.sem_alloc : memref<!tpu.dma_semaphore, #tpu.memory_space<semaphore_mem>>
      %dma_start3A_48 = arith.constant 0 : i32
      %dma_start3A_49 = arith.constant 0 : i32
      %dma_start3A_50 = tpu.memref_slice %arg3[%arg0, %dma_start3A_48, %dma_start3A_49] : memref<2x10240x16xf32, #tpu.memory_space<hbm>> -> memref<1x10240x16xf32, #tpu.memory_space<hbm>>
      %dma_start3A_51 = tpu.memref_squeeze %dma_start3A_50 : memref<1x10240x16xf32, #tpu.memory_space<hbm>> -> memref<10240x16xf32, #tpu.memory_space<hbm>>
      %dma_start3A_52 = arith.constant 0 : i32
      %dma_start3A_53 = tpu.memref_slice %dma_start3A_51[%mul3A_47, %dma_start3A_52] : memref<10240x16xf32, #tpu.memory_space<hbm>> -> memref<640x16xf32, #tpu.memory_space<hbm>>
      %dma_start3A_54 = arith.constant 0 : i32
      %dma_start3A_55 = tpu.memref_slice %arg10[%mul3A_45, %dma_start3A_54] : memref<10240x16xf32, #tpu.memory_space<vmem_shared>> -> memref<640x16xf32, #tpu.memory_space<vmem_shared>>
      tpu.enqueue_dma source(%dma_start3A_55 : memref<640x16xf32, #tpu.memory_space<vmem_shared>>) target(%dma_start3A_53 : memref<640x16xf32, #tpu.memory_space<hbm>>) target_semaphore(%run_scoped3A : memref<!tpu.dma_semaphore, #tpu.memory_space<semaphore_mem>>)
      %dma_wait3A_56 = arith.constant 0 : i32
      %dma_wait3A_57 = arith.constant 0 : i32
      %dma_wait3A_58 = tpu.memref_slice %arg3[%arg0, %dma_wait3A_56, %dma_wait3A_57] : memref<2x10240x16xf32, #tpu.memory_space<hbm>> -> memref<1x10240x16xf32, #tpu.memory_space<hbm>>
      %dma_wait3A_59 = tpu.memref_squeeze %dma_wait3A_58 : memref<1x10240x16xf32, #tpu.memory_space<hbm>> -> memref<10240x16xf32, #tpu.memory_space<hbm>>
      %dma_wait3A_60 = arith.constant 0 : i32
      %dma_wait3A_61 = tpu.memref_slice %dma_wait3A_59[%mul3A_47, %dma_wait3A_60] : memref<10240x16xf32, #tpu.memory_space<hbm>> -> memref<640x16xf32, #tpu.memory_space<hbm>>
      %dma_wait3A_62 = arith.constant 0 : i32
      %dma_wait3A_63 = tpu.memref_slice %arg10[%mul3A_45, %dma_wait3A_62] : memref<10240x16xf32, #tpu.memory_space<vmem_shared>> -> memref<640x16xf32, #tpu.memory_space<vmem_shared>>
      tpu.wait_dma2 semaphore(%run_scoped3A : memref<!tpu.dma_semaphore, #tpu.memory_space<semaphore_mem>>) src(%dma_wait3A_63 : memref<640x16xf32, #tpu.memory_space<vmem_shared>>) dst(%dma_wait3A_61 : memref<640x16xf32, #tpu.memory_space<hbm>>)
      tpu.yield
    }) : () -> ()
    return
  }
}

#map = affine_map<(d0, d1) -> (0, 0)>
#map1 = affine_map<(d0, d1) -> (0)>
#map2 = affine_map<(d0, d1) -> (0, 0, 0)>
module attributes {stable_mosaic.version = 14 : i64} {
  func.func @k(%arg0: i32, %arg1: i32, %arg2: memref<10240x128xf32, #tpu.memory_space<hbm>>, %arg3: memref<327680xi32, #tpu.memory_space<hbm>>, %arg4: memref<327680xi32, #tpu.memory_space<hbm>>, %arg5: memref<2x10240x128xf32, #tpu.memory_space<hbm>>, %arg6: memref<80x128xf32, #tpu.memory_space<vmem>>, %arg7: memref<80x128xf32, #tpu.memory_space<vmem>>, %arg8: memref<80x128xf32, #tpu.memory_space<vmem>>, %arg9: memref<80x128xf32, #tpu.memory_space<vmem>>, %arg10: memref<80xi32, #tpu.memory_space<vmem>>, %arg11: memref<80xi32, #tpu.memory_space<vmem>>, %arg12: memref<80xi32, #tpu.memory_space<vmem>>, %arg13: memref<80xi32, #tpu.memory_space<vmem>>, %arg14: memref<80xi32, #tpu.memory_space<vmem>>, %arg15: memref<80xi32, #tpu.memory_space<vmem>>, %arg16: memref<80xi32, #tpu.memory_space<vmem>>, %arg17: memref<80xi32, #tpu.memory_space<vmem>>, %arg18: memref<80xi32, #tpu.memory_space<vmem>>, %arg19: memref<80xi32, #tpu.memory_space<vmem>>, %arg20: memref<80xi32, #tpu.memory_space<vmem>>, %arg21: memref<80xi32, #tpu.memory_space<vmem>>, %arg22: memref<80xi32, #tpu.memory_space<vmem>>, %arg23: memref<80xi32, #tpu.memory_space<vmem>>, %arg24: memref<80xi32, #tpu.memory_space<vmem>>, %arg25: memref<80xi32, #tpu.memory_space<vmem>>, %arg26: memref<10240x128xf32, #tpu.memory_space<vmem_shared>>, %arg27: memref<!tpu.dma_semaphore, #tpu.memory_space<semaphore_mem>>, %arg28: memref<!tpu.dma_semaphore, #tpu.memory_space<semaphore_mem>>, %arg29: memref<!tpu.dma_semaphore, #tpu.memory_space<semaphore_mem>>, %arg30: memref<!tpu.dma_semaphore, #tpu.memory_space<semaphore_mem>>, %arg31: memref<!tpu.dma_semaphore, #tpu.memory_space<semaphore_mem>>, %arg32: memref<!tpu.dma_semaphore, #tpu.memory_space<semaphore_mem>>, %arg33: memref<!tpu.dma_semaphore, #tpu.memory_space<semaphore_mem>>, %arg34: memref<!tpu.dma_semaphore, #tpu.memory_space<semaphore_mem>>, %arg35: memref<!tpu.dma_semaphore, #tpu.memory_space<semaphore_mem>>, %arg36: memref<!tpu.dma_semaphore, #tpu.memory_space<semaphore_mem>>, %arg37: memref<!tpu.dma_semaphore, #tpu.memory_space<semaphore_mem>>, %arg38: memref<!tpu.dma_semaphore, #tpu.memory_space<semaphore_mem>>, %arg39: memref<!tpu.dma_semaphore, #tpu.memory_space<semaphore_mem>>, %arg40: memref<!tpu.dma_semaphore, #tpu.memory_space<semaphore_mem>>, %arg41: memref<!tpu.dma_semaphore, #tpu.memory_space<semaphore_mem>>, %arg42: memref<!tpu.dma_semaphore, #tpu.memory_space<semaphore_mem>>) attributes {dimension_semantics = [#tpu.dimension_semantics<core_parallel>, #tpu.dimension_semantics<subcore_parallel>], iteration_bounds = array<i64: 2, 16>, scalar_prefetch = 0 : i64, scratch_operands = 37 : i64, tpu.core_type = #tpu.core_type<sc_vector_subcore>, window_params = [{transform_indices = #map}, {transform_indices = #map1}, {transform_indices = #map1}, {transform_indices = #map2}]} {
    %mul3A = arith.constant 16 : i32
    %mul3A_0 = arith.muli %arg0, %mul3A : i32
    %add3A = arith.addi %mul3A_0, %arg1 : i32
    %scan3A = arith.constant 0 : i32
    %scan3A_1 = arith.constant 80 : i32
    %scan3A_2 = arith.addi %scan3A, %scan3A_1 : i32
    %scan3A_3 = arith.constant 1 : i32
    scf.for %scan3A_174 = %scan3A to %scan3A_2 step %scan3A_3  : i32 {
      %mul3A_175 = arith.constant 1 : i32
      %mul3A_176 = arith.muli %scan3A_174, %mul3A_175 : i32
      %add3A_177 = arith.constant 0 : i32
      %add3A_178 = arith.addi %add3A_177, %mul3A_176 : i32
      %scan3A_179 = arith.constant 0 : i32
      %scan3A_180 = arith.constant 8 : i32
      %scan3A_181 = arith.addi %scan3A_179, %scan3A_180 : i32
      %scan3A_182 = arith.constant 1 : i32
      scf.for %scan3A_184 = %scan3A_179 to %scan3A_181 step %scan3A_182  : i32 {
        %mul3A_185 = arith.constant 16 : i32
        %mul3A_186 = arith.muli %scan3A_184, %mul3A_185 : i32
        %add3A_187 = arith.constant 0 : i32
        %add3A_188 = arith.addi %add3A_187, %mul3A_186 : i32
        %broadcast_in_dim3A = arith.constant 0.000000e+00 : f32
        %broadcast_in_dim3A_189 = vector.broadcast %broadcast_in_dim3A : f32 to vector<16xf32>
        %swap3A = arith.index_cast %add3A_178 : i32 to index
        %swap3A_190 = arith.index_cast %add3A_188 : i32 to index
        %swap3A_191 = tpu.vector_load %arg6[%swap3A, %swap3A_190] {strides = array<i32>} : memref<80x128xf32, #tpu.memory_space<vmem>>, vector<1x16xf32>,
        %swap3A_192 = vector.shape_cast %swap3A_191 : vector<1x16xf32> to vector<16xf32>
        %swap3A_193 = vector.shape_cast %broadcast_in_dim3A_189 : vector<16xf32> to vector<1x16xf32>
        tpu.vector_store %arg6[%swap3A, %swap3A_190], %swap3A_193 {strides = array<i32>} : memref<80x128xf32, #tpu.memory_space<vmem>>, vector<1x16xf32>,
      }
      %scan3A_183 = arith.constant 8 : i32
    }
    %scan3A_4 = arith.constant 80 : i32
    %scan3A_5 = arith.constant 0 : i32
    %scan3A_6 = arith.constant 8 : i32
    %scan3A_7 = arith.addi %scan3A_5, %scan3A_6 : i32
    %scan3A_8 = arith.constant 1 : i32
    scf.for %scan3A_174 = %scan3A_5 to %scan3A_7 step %scan3A_8  : i32 {
      %mul3A_175 = arith.constant 80 : i32
      %mul3A_176 = arith.muli %scan3A_174, %mul3A_175 : i32
      %add3A_177 = arith.constant 0 : i32
      %add3A_178 = arith.addi %add3A_177, %mul3A_176 : i32
      %mul3A_179 = arith.constant 640 : i32
      %mul3A_180 = arith.muli %arg1, %mul3A_179 : i32
      %add3A_181 = arith.addi %mul3A_180, %add3A_178 : i32
      "tpu.region"() ({
        %run_scoped3A = tpu.sem_alloc : memref<!tpu.dma_semaphore, #tpu.memory_space<semaphore_mem>>
        %dma_start3A_182 = arith.constant 0 : i32
        %dma_start3A_183 = tpu.memref_slice %arg26[%add3A_181, %dma_start3A_182] : memref<10240x128xf32, #tpu.memory_space<vmem_shared>> -> memref<80x128xf32, #tpu.memory_space<vmem_shared>>
        %dma_start3A_184 = arith.constant 0 : i32
        %dma_start3A_185 = tpu.memref_slice %arg26[%add3A_181, %dma_start3A_184] : memref<10240x128xf32, #tpu.memory_space<vmem_shared>> -> memref<80x128xf32, #tpu.memory_space<vmem_shared>>
        tpu.enqueue_dma source(%arg6 : memref<80x128xf32, #tpu.memory_space<vmem>>) target(%dma_start3A_185 : memref<80x128xf32, #tpu.memory_space<vmem_shared>>) target_semaphore(%run_scoped3A : memref<!tpu.dma_semaphore, #tpu.memory_space<semaphore_mem>>)
        %dma_wait3A_186 = arith.constant 0 : i32
        %dma_wait3A_187 = tpu.memref_slice %arg26[%add3A_181, %dma_wait3A_186] : memref<10240x128xf32, #tpu.memory_space<vmem_shared>> -> memref<80x128xf32, #tpu.memory_space<vmem_shared>>
        %dma_wait3A_188 = arith.constant 0 : i32
        %dma_wait3A_189 = tpu.memref_slice %arg26[%add3A_181, %dma_wait3A_188] : memref<10240x128xf32, #tpu.memory_space<vmem_shared>> -> memref<80x128xf32, #tpu.memory_space<vmem_shared>>
        tpu.wait_dma2 semaphore(%run_scoped3A : memref<!tpu.dma_semaphore, #tpu.memory_space<semaphore_mem>>) src(%arg6 : memref<80x128xf32, #tpu.memory_space<vmem>>) dst(%dma_wait3A_189 : memref<80x128xf32, #tpu.memory_space<vmem_shared>>)
        tpu.yield
      }) : () -> ()
    }
    %scan3A_9 = arith.constant 8 : i32
    %barrier3A = arith.constant 0 : index
    tpu.barrier barrier_id(%barrier3A)
    %mul3A_10 = arith.constant 10240 : i32
    %mul3A_11 = arith.muli %add3A, %mul3A_10 : i32
    %add3A_12 = arith.constant 0 : i32
    %add3A_13 = arith.addi %mul3A_11, %add3A_12 : i32
    %dma_start3A = tpu.memref_slice %arg3[%add3A_13] : memref<327680xi32, #tpu.memory_space<hbm>> -> memref<80xi32, #tpu.memory_space<hbm>>
    %dma_start3A_14 = tpu.memref_slice %arg3[%add3A_13] : memref<327680xi32, #tpu.memory_space<hbm>> -> memref<80xi32, #tpu.memory_space<hbm>>
    tpu.enqueue_dma source(%dma_start3A_14 : memref<80xi32, #tpu.memory_space<hbm>>) target(%arg10 : memref<80xi32, #tpu.memory_space<vmem>>) target_semaphore(%arg35 : memref<!tpu.dma_semaphore, #tpu.memory_space<semaphore_mem>>)
    %mul3A_15 = arith.constant 10240 : i32
    %mul3A_16 = arith.muli %add3A, %mul3A_15 : i32
    %add3A_17 = arith.constant 0 : i32
    %add3A_18 = arith.addi %mul3A_16, %add3A_17 : i32
    %dma_start3A_19 = tpu.memref_slice %arg4[%add3A_18] : memref<327680xi32, #tpu.memory_space<hbm>> -> memref<80xi32, #tpu.memory_space<hbm>>
    %dma_start3A_20 = tpu.memref_slice %arg4[%add3A_18] : memref<327680xi32, #tpu.memory_space<hbm>> -> memref<80xi32, #tpu.memory_space<hbm>>
    tpu.enqueue_dma source(%dma_start3A_20 : memref<80xi32, #tpu.memory_space<hbm>>) target(%arg18 : memref<80xi32, #tpu.memory_space<vmem>>) target_semaphore(%arg35 : memref<!tpu.dma_semaphore, #tpu.memory_space<semaphore_mem>>)
    %mul3A_21 = arith.constant 10240 : i32
    %mul3A_22 = arith.muli %add3A, %mul3A_21 : i32
    %add3A_23 = arith.constant 80 : i32
    %add3A_24 = arith.addi %mul3A_22, %add3A_23 : i32
    %dma_start3A_25 = tpu.memref_slice %arg3[%add3A_24] : memref<327680xi32, #tpu.memory_space<hbm>> -> memref<80xi32, #tpu.memory_space<hbm>>
    %dma_start3A_26 = tpu.memref_slice %arg3[%add3A_24] : memref<327680xi32, #tpu.memory_space<hbm>> -> memref<80xi32, #tpu.memory_space<hbm>>
    tpu.enqueue_dma source(%dma_start3A_26 : memref<80xi32, #tpu.memory_space<hbm>>) target(%arg11 : memref<80xi32, #tpu.memory_space<vmem>>) target_semaphore(%arg36 : memref<!tpu.dma_semaphore, #tpu.memory_space<semaphore_mem>>)
    %mul3A_27 = arith.constant 10240 : i32
    %mul3A_28 = arith.muli %add3A, %mul3A_27 : i32
    %add3A_29 = arith.constant 80 : i32
    %add3A_30 = arith.addi %mul3A_28, %add3A_29 : i32
    %dma_start3A_31 = tpu.memref_slice %arg4[%add3A_30] : memref<327680xi32, #tpu.memory_space<hbm>> -> memref<80xi32, #tpu.memory_space<hbm>>
    %dma_start3A_32 = tpu.memref_slice %arg4[%add3A_30] : memref<327680xi32, #tpu.memory_space<hbm>> -> memref<80xi32, #tpu.memory_space<hbm>>
    tpu.enqueue_dma source(%dma_start3A_32 : memref<80xi32, #tpu.memory_space<hbm>>) target(%arg19 : memref<80xi32, #tpu.memory_space<vmem>>) target_semaphore(%arg36 : memref<!tpu.dma_semaphore, #tpu.memory_space<semaphore_mem>>)
    %mul3A_33 = arith.constant 10240 : i32
    %mul3A_34 = arith.muli %add3A, %mul3A_33 : i32
    %add3A_35 = arith.constant 160 : i32
    %add3A_36 = arith.addi %mul3A_34, %add3A_35 : i32
    %dma_start3A_37 = tpu.memref_slice %arg3[%add3A_36] : memref<327680xi32, #tpu.memory_space<hbm>> -> memref<80xi32, #tpu.memory_space<hbm>>
    %dma_start3A_38 = tpu.memref_slice %arg3[%add3A_36] : memref<327680xi32, #tpu.memory_space<hbm>> -> memref<80xi32, #tpu.memory_space<hbm>>
    tpu.enqueue_dma source(%dma_start3A_38 : memref<80xi32, #tpu.memory_space<hbm>>) target(%arg12 : memref<80xi32, #tpu.memory_space<vmem>>) target_semaphore(%arg37 : memref<!tpu.dma_semaphore, #tpu.memory_space<semaphore_mem>>)
    %mul3A_39 = arith.constant 10240 : i32
    %mul3A_40 = arith.muli %add3A, %mul3A_39 : i32
    %add3A_41 = arith.constant 160 : i32
    %add3A_42 = arith.addi %mul3A_40, %add3A_41 : i32
    %dma_start3A_43 = tpu.memref_slice %arg4[%add3A_42] : memref<327680xi32, #tpu.memory_space<hbm>> -> memref<80xi32, #tpu.memory_space<hbm>>
    %dma_start3A_44 = tpu.memref_slice %arg4[%add3A_42] : memref<327680xi32, #tpu.memory_space<hbm>> -> memref<80xi32, #tpu.memory_space<hbm>>
    tpu.enqueue_dma source(%dma_start3A_44 : memref<80xi32, #tpu.memory_space<hbm>>) target(%arg20 : memref<80xi32, #tpu.memory_space<vmem>>) target_semaphore(%arg37 : memref<!tpu.dma_semaphore, #tpu.memory_space<semaphore_mem>>)
    %mul3A_45 = arith.constant 10240 : i32
    %mul3A_46 = arith.muli %add3A, %mul3A_45 : i32
    %add3A_47 = arith.constant 240 : i32
    %add3A_48 = arith.addi %mul3A_46, %add3A_47 : i32
    %dma_start3A_49 = tpu.memref_slice %arg3[%add3A_48] : memref<327680xi32, #tpu.memory_space<hbm>> -> memref<80xi32, #tpu.memory_space<hbm>>
    %dma_start3A_50 = tpu.memref_slice %arg3[%add3A_48] : memref<327680xi32, #tpu.memory_space<hbm>> -> memref<80xi32, #tpu.memory_space<hbm>>
    tpu.enqueue_dma source(%dma_start3A_50 : memref<80xi32, #tpu.memory_space<hbm>>) target(%arg13 : memref<80xi32, #tpu.memory_space<vmem>>) target_semaphore(%arg38 : memref<!tpu.dma_semaphore, #tpu.memory_space<semaphore_mem>>)
    %mul3A_51 = arith.constant 10240 : i32
    %mul3A_52 = arith.muli %add3A, %mul3A_51 : i32
    %add3A_53 = arith.constant 240 : i32
    %add3A_54 = arith.addi %mul3A_52, %add3A_53 : i32
    %dma_start3A_55 = tpu.memref_slice %arg4[%add3A_54] : memref<327680xi32, #tpu.memory_space<hbm>> -> memref<80xi32, #tpu.memory_space<hbm>>
    %dma_start3A_56 = tpu.memref_slice %arg4[%add3A_54] : memref<327680xi32, #tpu.memory_space<hbm>> -> memref<80xi32, #tpu.memory_space<hbm>>
    tpu.enqueue_dma source(%dma_start3A_56 : memref<80xi32, #tpu.memory_space<hbm>>) target(%arg21 : memref<80xi32, #tpu.memory_space<vmem>>) target_semaphore(%arg38 : memref<!tpu.dma_semaphore, #tpu.memory_space<semaphore_mem>>)
    %mul3A_57 = arith.constant 10240 : i32
    %mul3A_58 = arith.muli %add3A, %mul3A_57 : i32
    %add3A_59 = arith.constant 320 : i32
    %add3A_60 = arith.addi %mul3A_58, %add3A_59 : i32
    %dma_start3A_61 = tpu.memref_slice %arg3[%add3A_60] : memref<327680xi32, #tpu.memory_space<hbm>> -> memref<80xi32, #tpu.memory_space<hbm>>
    %dma_start3A_62 = tpu.memref_slice %arg3[%add3A_60] : memref<327680xi32, #tpu.memory_space<hbm>> -> memref<80xi32, #tpu.memory_space<hbm>>
    tpu.enqueue_dma source(%dma_start3A_62 : memref<80xi32, #tpu.memory_space<hbm>>) target(%arg14 : memref<80xi32, #tpu.memory_space<vmem>>) target_semaphore(%arg39 : memref<!tpu.dma_semaphore, #tpu.memory_space<semaphore_mem>>)
    %mul3A_63 = arith.constant 10240 : i32
    %mul3A_64 = arith.muli %add3A, %mul3A_63 : i32
    %add3A_65 = arith.constant 320 : i32
    %add3A_66 = arith.addi %mul3A_64, %add3A_65 : i32
    %dma_start3A_67 = tpu.memref_slice %arg4[%add3A_66] : memref<327680xi32, #tpu.memory_space<hbm>> -> memref<80xi32, #tpu.memory_space<hbm>>
    %dma_start3A_68 = tpu.memref_slice %arg4[%add3A_66] : memref<327680xi32, #tpu.memory_space<hbm>> -> memref<80xi32, #tpu.memory_space<hbm>>
    tpu.enqueue_dma source(%dma_start3A_68 : memref<80xi32, #tpu.memory_space<hbm>>) target(%arg22 : memref<80xi32, #tpu.memory_space<vmem>>) target_semaphore(%arg39 : memref<!tpu.dma_semaphore, #tpu.memory_space<semaphore_mem>>)
    %mul3A_69 = arith.constant 10240 : i32
    %mul3A_70 = arith.muli %add3A, %mul3A_69 : i32
    %add3A_71 = arith.constant 400 : i32
    %add3A_72 = arith.addi %mul3A_70, %add3A_71 : i32
    %dma_start3A_73 = tpu.memref_slice %arg3[%add3A_72] : memref<327680xi32, #tpu.memory_space<hbm>> -> memref<80xi32, #tpu.memory_space<hbm>>
    %dma_start3A_74 = tpu.memref_slice %arg3[%add3A_72] : memref<327680xi32, #tpu.memory_space<hbm>> -> memref<80xi32, #tpu.memory_space<hbm>>
    tpu.enqueue_dma source(%dma_start3A_74 : memref<80xi32, #tpu.memory_space<hbm>>) target(%arg15 : memref<80xi32, #tpu.memory_space<vmem>>) target_semaphore(%arg40 : memref<!tpu.dma_semaphore, #tpu.memory_space<semaphore_mem>>)
    %mul3A_75 = arith.constant 10240 : i32
    %mul3A_76 = arith.muli %add3A, %mul3A_75 : i32
    %add3A_77 = arith.constant 400 : i32
    %add3A_78 = arith.addi %mul3A_76, %add3A_77 : i32
    %dma_start3A_79 = tpu.memref_slice %arg4[%add3A_78] : memref<327680xi32, #tpu.memory_space<hbm>> -> memref<80xi32, #tpu.memory_space<hbm>>
    %dma_start3A_80 = tpu.memref_slice %arg4[%add3A_78] : memref<327680xi32, #tpu.memory_space<hbm>> -> memref<80xi32, #tpu.memory_space<hbm>>
    tpu.enqueue_dma source(%dma_start3A_80 : memref<80xi32, #tpu.memory_space<hbm>>) target(%arg23 : memref<80xi32, #tpu.memory_space<vmem>>) target_semaphore(%arg40 : memref<!tpu.dma_semaphore, #tpu.memory_space<semaphore_mem>>)
    %mul3A_81 = arith.constant 10240 : i32
    %mul3A_82 = arith.muli %add3A, %mul3A_81 : i32
    %add3A_83 = arith.constant 480 : i32
    %add3A_84 = arith.addi %mul3A_82, %add3A_83 : i32
    %dma_start3A_85 = tpu.memref_slice %arg3[%add3A_84] : memref<327680xi32, #tpu.memory_space<hbm>> -> memref<80xi32, #tpu.memory_space<hbm>>
    %dma_start3A_86 = tpu.memref_slice %arg3[%add3A_84] : memref<327680xi32, #tpu.memory_space<hbm>> -> memref<80xi32, #tpu.memory_space<hbm>>
    tpu.enqueue_dma source(%dma_start3A_86 : memref<80xi32, #tpu.memory_space<hbm>>) target(%arg16 : memref<80xi32, #tpu.memory_space<vmem>>) target_semaphore(%arg41 : memref<!tpu.dma_semaphore, #tpu.memory_space<semaphore_mem>>)
    %mul3A_87 = arith.constant 10240 : i32
    %mul3A_88 = arith.muli %add3A, %mul3A_87 : i32
    %add3A_89 = arith.constant 480 : i32
    %add3A_90 = arith.addi %mul3A_88, %add3A_89 : i32
    %dma_start3A_91 = tpu.memref_slice %arg4[%add3A_90] : memref<327680xi32, #tpu.memory_space<hbm>> -> memref<80xi32, #tpu.memory_space<hbm>>
    %dma_start3A_92 = tpu.memref_slice %arg4[%add3A_90] : memref<327680xi32, #tpu.memory_space<hbm>> -> memref<80xi32, #tpu.memory_space<hbm>>
    tpu.enqueue_dma source(%dma_start3A_92 : memref<80xi32, #tpu.memory_space<hbm>>) target(%arg24 : memref<80xi32, #tpu.memory_space<vmem>>) target_semaphore(%arg41 : memref<!tpu.dma_semaphore, #tpu.memory_space<semaphore_mem>>)
    %mul3A_93 = arith.constant 10240 : i32
    %mul3A_94 = arith.muli %add3A, %mul3A_93 : i32
    %add3A_95 = arith.constant 560 : i32
    %add3A_96 = arith.addi %mul3A_94, %add3A_95 : i32
    %dma_start3A_97 = tpu.memref_slice %arg3[%add3A_96] : memref<327680xi32, #tpu.memory_space<hbm>> -> memref<80xi32, #tpu.memory_space<hbm>>
    %dma_start3A_98 = tpu.memref_slice %arg3[%add3A_96] : memref<327680xi32, #tpu.memory_space<hbm>> -> memref<80xi32, #tpu.memory_space<hbm>>
    tpu.enqueue_dma source(%dma_start3A_98 : memref<80xi32, #tpu.memory_space<hbm>>) target(%arg17 : memref<80xi32, #tpu.memory_space<vmem>>) target_semaphore(%arg42 : memref<!tpu.dma_semaphore, #tpu.memory_space<semaphore_mem>>)
    %mul3A_99 = arith.constant 10240 : i32
    %mul3A_100 = arith.muli %add3A, %mul3A_99 : i32
    %add3A_101 = arith.constant 560 : i32
    %add3A_102 = arith.addi %mul3A_100, %add3A_101 : i32
    %dma_start3A_103 = tpu.memref_slice %arg4[%add3A_102] : memref<327680xi32, #tpu.memory_space<hbm>> -> memref<80xi32, #tpu.memory_space<hbm>>
    %dma_start3A_104 = tpu.memref_slice %arg4[%add3A_102] : memref<327680xi32, #tpu.memory_space<hbm>> -> memref<80xi32, #tpu.memory_space<hbm>>
    tpu.enqueue_dma source(%dma_start3A_104 : memref<80xi32, #tpu.memory_space<hbm>>) target(%arg25 : memref<80xi32, #tpu.memory_space<vmem>>) target_semaphore(%arg42 : memref<!tpu.dma_semaphore, #tpu.memory_space<semaphore_mem>>)
    %mul3A_105 = arith.constant 10240 : i32
    %mul3A_106 = arith.muli %add3A, %mul3A_105 : i32
    %add3A_107 = arith.constant 0 : i32
    %add3A_108 = arith.addi %mul3A_106, %add3A_107 : i32
    %dma_wait3A = tpu.memref_slice %arg3[%add3A_108] : memref<327680xi32, #tpu.memory_space<hbm>> -> memref<80xi32, #tpu.memory_space<hbm>>
    %dma_wait3A_109 = tpu.memref_slice %arg3[%add3A_108] : memref<327680xi32, #tpu.memory_space<hbm>> -> memref<80xi32, #tpu.memory_space<hbm>>
    tpu.wait_dma2 semaphore(%arg35 : memref<!tpu.dma_semaphore, #tpu.memory_space<semaphore_mem>>) src(%dma_wait3A_109 : memref<80xi32, #tpu.memory_space<hbm>>) dst(%arg10 : memref<80xi32, #tpu.memory_space<vmem>>)
    %mul3A_110 = arith.constant 10240 : i32
    %mul3A_111 = arith.muli %add3A, %mul3A_110 : i32
    %add3A_112 = arith.constant 0 : i32
    %add3A_113 = arith.addi %mul3A_111, %add3A_112 : i32
    %dma_wait3A_114 = tpu.memref_slice %arg4[%add3A_113] : memref<327680xi32, #tpu.memory_space<hbm>> -> memref<80xi32, #tpu.memory_space<hbm>>
    %dma_wait3A_115 = tpu.memref_slice %arg4[%add3A_113] : memref<327680xi32, #tpu.memory_space<hbm>> -> memref<80xi32, #tpu.memory_space<hbm>>
    tpu.wait_dma2 semaphore(%arg35 : memref<!tpu.dma_semaphore, #tpu.memory_space<semaphore_mem>>) src(%dma_wait3A_115 : memref<80xi32, #tpu.memory_space<hbm>>) dst(%arg18 : memref<80xi32, #tpu.memory_space<vmem>>)
    %dma_start3A_116 = arith.constant 0 : i32
    %dma_start3A_117 = arith.constant 0 : i32
    %dma_start3A_118 = tpu.memref_slice %arg2[%dma_start3A_116, %dma_start3A_117] : memref<10240x128xf32, #tpu.memory_space<hbm>> -> memref<10240x128xf32, #tpu.memory_space<hbm>>
    tpu.enqueue_indirect_dma source(%dma_start3A_118 : memref<10240x128xf32, #tpu.memory_space<hbm>>) target(%arg6 : memref<80x128xf32, #tpu.memory_space<vmem>>) offsets(%arg10 : memref<80xi32, #tpu.memory_space<vmem>>) semaphore(%arg27 : memref<!tpu.dma_semaphore, #tpu.memory_space<semaphore_mem>>)
    %mul3A_119 = arith.constant 10240 : i32
    %mul3A_120 = arith.muli %add3A, %mul3A_119 : i32
    %add3A_121 = arith.constant 80 : i32
    %add3A_122 = arith.addi %mul3A_120, %add3A_121 : i32
    %dma_wait3A_123 = tpu.memref_slice %arg3[%add3A_122] : memref<327680xi32, #tpu.memory_space<hbm>> -> memref<80xi32, #tpu.memory_space<hbm>>
    %dma_wait3A_124 = tpu.memref_slice %arg3[%add3A_122] : memref<327680xi32, #tpu.memory_space<hbm>> -> memref<80xi32, #tpu.memory_space<hbm>>
    tpu.wait_dma2 semaphore(%arg36 : memref<!tpu.dma_semaphore, #tpu.memory_space<semaphore_mem>>) src(%dma_wait3A_124 : memref<80xi32, #tpu.memory_space<hbm>>) dst(%arg11 : memref<80xi32, #tpu.memory_space<vmem>>)
    %mul3A_125 = arith.constant 10240 : i32
    %mul3A_126 = arith.muli %add3A, %mul3A_125 : i32
    %add3A_127 = arith.constant 80 : i32
    %add3A_128 = arith.addi %mul3A_126, %add3A_127 : i32
    %dma_wait3A_129 = tpu.memref_slice %arg4[%add3A_128] : memref<327680xi32, #tpu.memory_space<hbm>> -> memref<80xi32, #tpu.memory_space<hbm>>
    %dma_wait3A_130 = tpu.memref_slice %arg4[%add3A_128] : memref<327680xi32, #tpu.memory_space<hbm>> -> memref<80xi32, #tpu.memory_space<hbm>>
    tpu.wait_dma2 semaphore(%arg36 : memref<!tpu.dma_semaphore, #tpu.memory_space<semaphore_mem>>) src(%dma_wait3A_130 : memref<80xi32, #tpu.memory_space<hbm>>) dst(%arg19 : memref<80xi32, #tpu.memory_space<vmem>>)
    %dma_start3A_131 = arith.constant 0 : i32
    %dma_start3A_132 = arith.constant 0 : i32
    %dma_start3A_133 = tpu.memref_slice %arg2[%dma_start3A_131, %dma_start3A_132] : memref<10240x128xf32, #tpu.memory_space<hbm>> -> memref<10240x128xf32, #tpu.memory_space<hbm>>
    tpu.enqueue_indirect_dma source(%dma_start3A_133 : memref<10240x128xf32, #tpu.memory_space<hbm>>) target(%arg7 : memref<80x128xf32, #tpu.memory_space<vmem>>) offsets(%arg11 : memref<80xi32, #tpu.memory_space<vmem>>) semaphore(%arg28 : memref<!tpu.dma_semaphore, #tpu.memory_space<semaphore_mem>>)
    %mul3A_134 = arith.constant 10240 : i32
    %mul3A_135 = arith.muli %add3A, %mul3A_134 : i32
    %add3A_136 = arith.constant 160 : i32
    %add3A_137 = arith.addi %mul3A_135, %add3A_136 : i32
    %dma_wait3A_138 = tpu.memref_slice %arg3[%add3A_137] : memref<327680xi32, #tpu.memory_space<hbm>> -> memref<80xi32, #tpu.memory_space<hbm>>
    %dma_wait3A_139 = tpu.memref_slice %arg3[%add3A_137] : memref<327680xi32, #tpu.memory_space<hbm>> -> memref<80xi32, #tpu.memory_space<hbm>>
    tpu.wait_dma2 semaphore(%arg37 : memref<!tpu.dma_semaphore, #tpu.memory_space<semaphore_mem>>) src(%dma_wait3A_139 : memref<80xi32, #tpu.memory_space<hbm>>) dst(%arg12 : memref<80xi32, #tpu.memory_space<vmem>>)
    %mul3A_140 = arith.constant 10240 : i32
    %mul3A_141 = arith.muli %add3A, %mul3A_140 : i32
    %add3A_142 = arith.constant 160 : i32
    %add3A_143 = arith.addi %mul3A_141, %add3A_142 : i32
    %dma_wait3A_144 = tpu.memref_slice %arg4[%add3A_143] : memref<327680xi32, #tpu.memory_space<hbm>> -> memref<80xi32, #tpu.memory_space<hbm>>
    %dma_wait3A_145 = tpu.memref_slice %arg4[%add3A_143] : memref<327680xi32, #tpu.memory_space<hbm>> -> memref<80xi32, #tpu.memory_space<hbm>>
    tpu.wait_dma2 semaphore(%arg37 : memref<!tpu.dma_semaphore, #tpu.memory_space<semaphore_mem>>) src(%dma_wait3A_145 : memref<80xi32, #tpu.memory_space<hbm>>) dst(%arg20 : memref<80xi32, #tpu.memory_space<vmem>>)
    %dma_start3A_146 = arith.constant 0 : i32
    %dma_start3A_147 = arith.constant 0 : i32
    %dma_start3A_148 = tpu.memref_slice %arg2[%dma_start3A_146, %dma_start3A_147] : memref<10240x128xf32, #tpu.memory_space<hbm>> -> memref<10240x128xf32, #tpu.memory_space<hbm>>
    tpu.enqueue_indirect_dma source(%dma_start3A_148 : memref<10240x128xf32, #tpu.memory_space<hbm>>) target(%arg8 : memref<80x128xf32, #tpu.memory_space<vmem>>) offsets(%arg12 : memref<80xi32, #tpu.memory_space<vmem>>) semaphore(%arg29 : memref<!tpu.dma_semaphore, #tpu.memory_space<semaphore_mem>>)
    %mul3A_149 = arith.constant 10240 : i32
    %mul3A_150 = arith.muli %add3A, %mul3A_149 : i32
    %add3A_151 = arith.constant 240 : i32
    %add3A_152 = arith.addi %mul3A_150, %add3A_151 : i32
    %dma_wait3A_153 = tpu.memref_slice %arg3[%add3A_152] : memref<327680xi32, #tpu.memory_space<hbm>> -> memref<80xi32, #tpu.memory_space<hbm>>
    %dma_wait3A_154 = tpu.memref_slice %arg3[%add3A_152] : memref<327680xi32, #tpu.memory_space<hbm>> -> memref<80xi32, #tpu.memory_space<hbm>>
    tpu.wait_dma2 semaphore(%arg38 : memref<!tpu.dma_semaphore, #tpu.memory_space<semaphore_mem>>) src(%dma_wait3A_154 : memref<80xi32, #tpu.memory_space<hbm>>) dst(%arg13 : memref<80xi32, #tpu.memory_space<vmem>>)
    %mul3A_155 = arith.constant 10240 : i32
    %mul3A_156 = arith.muli %add3A, %mul3A_155 : i32
    %add3A_157 = arith.constant 240 : i32
    %add3A_158 = arith.addi %mul3A_156, %add3A_157 : i32
    %dma_wait3A_159 = tpu.memref_slice %arg4[%add3A_158] : memref<327680xi32, #tpu.memory_space<hbm>> -> memref<80xi32, #tpu.memory_space<hbm>>
    %dma_wait3A_160 = tpu.memref_slice %arg4[%add3A_158] : memref<327680xi32, #tpu.memory_space<hbm>> -> memref<80xi32, #tpu.memory_space<hbm>>
    tpu.wait_dma2 semaphore(%arg38 : memref<!tpu.dma_semaphore, #tpu.memory_space<semaphore_mem>>) src(%dma_wait3A_160 : memref<80xi32, #tpu.memory_space<hbm>>) dst(%arg21 : memref<80xi32, #tpu.memory_space<vmem>>)
    %dma_start3A_161 = arith.constant 0 : i32
    %dma_start3A_162 = arith.constant 0 : i32
    %dma_start3A_163 = tpu.memref_slice %arg2[%dma_start3A_161, %dma_start3A_162] : memref<10240x128xf32, #tpu.memory_space<hbm>> -> memref<10240x128xf32, #tpu.memory_space<hbm>>
    tpu.enqueue_indirect_dma source(%dma_start3A_163 : memref<10240x128xf32, #tpu.memory_space<hbm>>) target(%arg9 : memref<80x128xf32, #tpu.memory_space<vmem>>) offsets(%arg13 : memref<80xi32, #tpu.memory_space<vmem>>) semaphore(%arg30 : memref<!tpu.dma_semaphore, #tpu.memory_space<semaphore_mem>>)
    %scan3A_164 = arith.constant 0 : i32
    %scan3A_165 = arith.constant 16 : i32
    %scan3A_166 = arith.addi %scan3A_164, %scan3A_165 : i32
    %scan3A_167 = arith.constant 1 : i32
    scf.for %scan3A_174 = %scan3A_164 to %scan3A_166 step %scan3A_167  : i32 {
      %mul3A_175 = arith.constant 1 : i32
      %mul3A_176 = arith.muli %scan3A_174, %mul3A_175 : i32
      %add3A_177 = arith.constant 0 : i32
      %add3A_178 = arith.addi %add3A_177, %mul3A_176 : i32
      %mul3A_179 = arith.constant 8 : i32
      %mul3A_180 = arith.muli %add3A_178, %mul3A_179 : i32
      %add3A_181 = arith.constant 0 : i32
      %add3A_182 = arith.addi %mul3A_180, %add3A_181 : i32
      %dma_wait3A_183 = arith.constant 0 : i32
      %dma_wait3A_184 = arith.constant 0 : i32
      %dma_wait3A_185 = tpu.memref_slice %arg2[%dma_wait3A_183, %dma_wait3A_184] : memref<10240x128xf32, #tpu.memory_space<hbm>> -> memref<10240x128xf32, #tpu.memory_space<hbm>>
      tpu.wait_indirect_dma semaphore(%arg27 : memref<!tpu.dma_semaphore, #tpu.memory_space<semaphore_mem>>) src(%dma_wait3A_185 : memref<10240x128xf32, #tpu.memory_space<hbm>>) dst(%arg6 : memref<80x128xf32, #tpu.memory_space<vmem>>)
      %dma_start3A_186 = arith.constant 0 : i32
      %dma_start3A_187 = arith.constant 0 : i32
      %dma_start3A_188 = tpu.memref_slice %arg26[%dma_start3A_186, %dma_start3A_187] : memref<10240x128xf32, #tpu.memory_space<vmem_shared>> -> memref<10240x128xf32, #tpu.memory_space<vmem_shared>>
      tpu.enqueue_indirect_dma source(%arg6 : memref<80x128xf32, #tpu.memory_space<vmem>>) target(%dma_start3A_188 : memref<10240x128xf32, #tpu.memory_space<vmem_shared>>) offsets(%arg18 : memref<80xi32, #tpu.memory_space<vmem>>) semaphore(%arg31 : memref<!tpu.dma_semaphore, #tpu.memory_space<semaphore_mem>>) {add = true}
      %dma_wait3A_189 = arith.constant 0 : i32
      %dma_wait3A_190 = arith.constant 0 : i32
      %dma_wait3A_191 = tpu.memref_slice %arg26[%dma_wait3A_189, %dma_wait3A_190] : memref<10240x128xf32, #tpu.memory_space<vmem_shared>> -> memref<10240x128xf32, #tpu.memory_space<vmem_shared>>
      tpu.wait_indirect_dma semaphore(%arg31 : memref<!tpu.dma_semaphore, #tpu.memory_space<semaphore_mem>>) src(%arg6 : memref<80x128xf32, #tpu.memory_space<vmem>>) dst(%dma_wait3A_191 : memref<10240x128xf32, #tpu.memory_space<vmem_shared>>)
      %add3A_192 = arith.constant 8 : i32
      %add3A_193 = arith.addi %add3A_182, %add3A_192 : i32
      %lt3A = arith.constant 128 : i32
      %lt3A_194 = arith.cmpi slt, %add3A_193, %lt3A : i32
      %convert_element_type3A = arith.extui %lt3A_194 : i1 to i32
      %cond3A = arith.constant 0 : i32
      %cond3A_195 = arith.cmpi ne, %convert_element_type3A, %cond3A : i32
      scf.if %cond3A_195 {
        %add3A_378 = arith.constant 8 : i32
        %add3A_379 = arith.addi %add3A_182, %add3A_378 : i32
        %mul3A_380 = arith.constant 10240 : i32
        %mul3A_381 = arith.muli %add3A, %mul3A_380 : i32
        %mul3A_382 = arith.constant 80 : i32
        %mul3A_383 = arith.muli %add3A_379, %mul3A_382 : i32
        %add3A_384 = arith.addi %mul3A_381, %mul3A_383 : i32
        %dma_start3A_385 = tpu.memref_slice %arg3[%add3A_384] : memref<327680xi32, #tpu.memory_space<hbm>> -> memref<80xi32, #tpu.memory_space<hbm>>
        %dma_start3A_386 = tpu.memref_slice %arg3[%add3A_384] : memref<327680xi32, #tpu.memory_space<hbm>> -> memref<80xi32, #tpu.memory_space<hbm>>
        tpu.enqueue_dma source(%dma_start3A_386 : memref<80xi32, #tpu.memory_space<hbm>>) target(%arg10 : memref<80xi32, #tpu.memory_space<vmem>>) target_semaphore(%arg35 : memref<!tpu.dma_semaphore, #tpu.memory_space<semaphore_mem>>)
        %mul3A_387 = arith.constant 10240 : i32
        %mul3A_388 = arith.muli %add3A, %mul3A_387 : i32
        %mul3A_389 = arith.constant 80 : i32
        %mul3A_390 = arith.muli %add3A_379, %mul3A_389 : i32
        %add3A_391 = arith.addi %mul3A_388, %mul3A_390 : i32
        %dma_start3A_392 = tpu.memref_slice %arg4[%add3A_391] : memref<327680xi32, #tpu.memory_space<hbm>> -> memref<80xi32, #tpu.memory_space<hbm>>
        %dma_start3A_393 = tpu.memref_slice %arg4[%add3A_391] : memref<327680xi32, #tpu.memory_space<hbm>> -> memref<80xi32, #tpu.memory_space<hbm>>
        tpu.enqueue_dma source(%dma_start3A_393 : memref<80xi32, #tpu.memory_space<hbm>>) target(%arg18 : memref<80xi32, #tpu.memory_space<vmem>>) target_semaphore(%arg35 : memref<!tpu.dma_semaphore, #tpu.memory_space<semaphore_mem>>)
      } else {
      }
      %add3A_196 = arith.constant 4 : i32
      %add3A_197 = arith.addi %add3A_182, %add3A_196 : i32
      %lt3A_198 = arith.constant 128 : i32
      %lt3A_199 = arith.cmpi slt, %add3A_197, %lt3A_198 : i32
      %convert_element_type3A_200 = arith.extui %lt3A_199 : i1 to i32
      %cond3A_201 = arith.constant 0 : i32
      %cond3A_202 = arith.cmpi ne, %convert_element_type3A_200, %cond3A_201 : i32
      scf.if %cond3A_202 {
        %add3A_378 = arith.constant 4 : i32
        %add3A_379 = arith.addi %add3A_182, %add3A_378 : i32
        %mul3A_380 = arith.constant 10240 : i32
        %mul3A_381 = arith.muli %add3A, %mul3A_380 : i32
        %mul3A_382 = arith.constant 80 : i32
        %mul3A_383 = arith.muli %add3A_379, %mul3A_382 : i32
        %add3A_384 = arith.addi %mul3A_381, %mul3A_383 : i32
        %dma_wait3A_385 = tpu.memref_slice %arg3[%add3A_384] : memref<327680xi32, #tpu.memory_space<hbm>> -> memref<80xi32, #tpu.memory_space<hbm>>
        %dma_wait3A_386 = tpu.memref_slice %arg3[%add3A_384] : memref<327680xi32, #tpu.memory_space<hbm>> -> memref<80xi32, #tpu.memory_space<hbm>>
        tpu.wait_dma2 semaphore(%arg39 : memref<!tpu.dma_semaphore, #tpu.memory_space<semaphore_mem>>) src(%dma_wait3A_386 : memref<80xi32, #tpu.memory_space<hbm>>) dst(%arg14 : memref<80xi32, #tpu.memory_space<vmem>>)
        %mul3A_387 = arith.constant 10240 : i32
        %mul3A_388 = arith.muli %add3A, %mul3A_387 : i32
        %mul3A_389 = arith.constant 80 : i32
        %mul3A_390 = arith.muli %add3A_379, %mul3A_389 : i32
        %add3A_391 = arith.addi %mul3A_388, %mul3A_390 : i32
        %dma_wait3A_392 = tpu.memref_slice %arg4[%add3A_391] : memref<327680xi32, #tpu.memory_space<hbm>> -> memref<80xi32, #tpu.memory_space<hbm>>
        %dma_wait3A_393 = tpu.memref_slice %arg4[%add3A_391] : memref<327680xi32, #tpu.memory_space<hbm>> -> memref<80xi32, #tpu.memory_space<hbm>>
        tpu.wait_dma2 semaphore(%arg39 : memref<!tpu.dma_semaphore, #tpu.memory_space<semaphore_mem>>) src(%dma_wait3A_393 : memref<80xi32, #tpu.memory_space<hbm>>) dst(%arg22 : memref<80xi32, #tpu.memory_space<vmem>>)
        %dma_start3A_394 = arith.constant 0 : i32
        %dma_start3A_395 = arith.constant 0 : i32
        %dma_start3A_396 = tpu.memref_slice %arg2[%dma_start3A_394, %dma_start3A_395] : memref<10240x128xf32, #tpu.memory_space<hbm>> -> memref<10240x128xf32, #tpu.memory_space<hbm>>
        tpu.enqueue_indirect_dma source(%dma_start3A_396 : memref<10240x128xf32, #tpu.memory_space<hbm>>) target(%arg6 : memref<80x128xf32, #tpu.memory_space<vmem>>) offsets(%arg14 : memref<80xi32, #tpu.memory_space<vmem>>) semaphore(%arg27 : memref<!tpu.dma_semaphore, #tpu.memory_space<semaphore_mem>>)
      } else {
      }
      %add3A_203 = arith.constant 1 : i32
      %add3A_204 = arith.addi %mul3A_180, %add3A_203 : i32
      %dma_wait3A_205 = arith.constant 0 : i32
      %dma_wait3A_206 = arith.constant 0 : i32
      %dma_wait3A_207 = tpu.memref_slice %arg2[%dma_wait3A_205, %dma_wait3A_206] : memref<10240x128xf32, #tpu.memory_space<hbm>> -> memref<10240x128xf32, #tpu.memory_space<hbm>>
      tpu.wait_indirect_dma semaphore(%arg28 : memref<!tpu.dma_semaphore, #tpu.memory_space<semaphore_mem>>) src(%dma_wait3A_207 : memref<10240x128xf32, #tpu.memory_space<hbm>>) dst(%arg7 : memref<80x128xf32, #tpu.memory_space<vmem>>)
      %dma_start3A_208 = arith.constant 0 : i32
      %dma_start3A_209 = arith.constant 0 : i32
      %dma_start3A_210 = tpu.memref_slice %arg26[%dma_start3A_208, %dma_start3A_209] : memref<10240x128xf32, #tpu.memory_space<vmem_shared>> -> memref<10240x128xf32, #tpu.memory_space<vmem_shared>>
      tpu.enqueue_indirect_dma source(%arg7 : memref<80x128xf32, #tpu.memory_space<vmem>>) target(%dma_start3A_210 : memref<10240x128xf32, #tpu.memory_space<vmem_shared>>) offsets(%arg19 : memref<80xi32, #tpu.memory_space<vmem>>) semaphore(%arg32 : memref<!tpu.dma_semaphore, #tpu.memory_space<semaphore_mem>>) {add = true}
      %dma_wait3A_211 = arith.constant 0 : i32
      %dma_wait3A_212 = arith.constant 0 : i32
      %dma_wait3A_213 = tpu.memref_slice %arg26[%dma_wait3A_211, %dma_wait3A_212] : memref<10240x128xf32, #tpu.memory_space<vmem_shared>> -> memref<10240x128xf32, #tpu.memory_space<vmem_shared>>
      tpu.wait_indirect_dma semaphore(%arg32 : memref<!tpu.dma_semaphore, #tpu.memory_space<semaphore_mem>>) src(%arg7 : memref<80x128xf32, #tpu.memory_space<vmem>>) dst(%dma_wait3A_213 : memref<10240x128xf32, #tpu.memory_space<vmem_shared>>)
      %add3A_214 = arith.constant 8 : i32
      %add3A_215 = arith.addi %add3A_204, %add3A_214 : i32
      %lt3A_216 = arith.constant 128 : i32
      %lt3A_217 = arith.cmpi slt, %add3A_215, %lt3A_216 : i32
      %convert_element_type3A_218 = arith.extui %lt3A_217 : i1 to i32
      %cond3A_219 = arith.constant 0 : i32
      %cond3A_220 = arith.cmpi ne, %convert_element_type3A_218, %cond3A_219 : i32
      scf.if %cond3A_220 {
        %add3A_378 = arith.constant 8 : i32
        %add3A_379 = arith.addi %add3A_204, %add3A_378 : i32
        %mul3A_380 = arith.constant 10240 : i32
        %mul3A_381 = arith.muli %add3A, %mul3A_380 : i32
        %mul3A_382 = arith.constant 80 : i32
        %mul3A_383 = arith.muli %add3A_379, %mul3A_382 : i32
        %add3A_384 = arith.addi %mul3A_381, %mul3A_383 : i32
        %dma_start3A_385 = tpu.memref_slice %arg3[%add3A_384] : memref<327680xi32, #tpu.memory_space<hbm>> -> memref<80xi32, #tpu.memory_space<hbm>>
        %dma_start3A_386 = tpu.memref_slice %arg3[%add3A_384] : memref<327680xi32, #tpu.memory_space<hbm>> -> memref<80xi32, #tpu.memory_space<hbm>>
        tpu.enqueue_dma source(%dma_start3A_386 : memref<80xi32, #tpu.memory_space<hbm>>) target(%arg11 : memref<80xi32, #tpu.memory_space<vmem>>) target_semaphore(%arg36 : memref<!tpu.dma_semaphore, #tpu.memory_space<semaphore_mem>>)
        %mul3A_387 = arith.constant 10240 : i32
        %mul3A_388 = arith.muli %add3A, %mul3A_387 : i32
        %mul3A_389 = arith.constant 80 : i32
        %mul3A_390 = arith.muli %add3A_379, %mul3A_389 : i32
        %add3A_391 = arith.addi %mul3A_388, %mul3A_390 : i32
        %dma_start3A_392 = tpu.memref_slice %arg4[%add3A_391] : memref<327680xi32, #tpu.memory_space<hbm>> -> memref<80xi32, #tpu.memory_space<hbm>>
        %dma_start3A_393 = tpu.memref_slice %arg4[%add3A_391] : memref<327680xi32, #tpu.memory_space<hbm>> -> memref<80xi32, #tpu.memory_space<hbm>>
        tpu.enqueue_dma source(%dma_start3A_393 : memref<80xi32, #tpu.memory_space<hbm>>) target(%arg19 : memref<80xi32, #tpu.memory_space<vmem>>) target_semaphore(%arg36 : memref<!tpu.dma_semaphore, #tpu.memory_space<semaphore_mem>>)
      } else {
      }
      %add3A_221 = arith.constant 4 : i32
      %add3A_222 = arith.addi %add3A_204, %add3A_221 : i32
      %lt3A_223 = arith.constant 128 : i32
      %lt3A_224 = arith.cmpi slt, %add3A_222, %lt3A_223 : i32
      %convert_element_type3A_225 = arith.extui %lt3A_224 : i1 to i32
      %cond3A_226 = arith.constant 0 : i32
      %cond3A_227 = arith.cmpi ne, %convert_element_type3A_225, %cond3A_226 : i32
      scf.if %cond3A_227 {
        %add3A_378 = arith.constant 4 : i32
        %add3A_379 = arith.addi %add3A_204, %add3A_378 : i32
        %mul3A_380 = arith.constant 10240 : i32
        %mul3A_381 = arith.muli %add3A, %mul3A_380 : i32
        %mul3A_382 = arith.constant 80 : i32
        %mul3A_383 = arith.muli %add3A_379, %mul3A_382 : i32
        %add3A_384 = arith.addi %mul3A_381, %mul3A_383 : i32
        %dma_wait3A_385 = tpu.memref_slice %arg3[%add3A_384] : memref<327680xi32, #tpu.memory_space<hbm>> -> memref<80xi32, #tpu.memory_space<hbm>>
        %dma_wait3A_386 = tpu.memref_slice %arg3[%add3A_384] : memref<327680xi32, #tpu.memory_space<hbm>> -> memref<80xi32, #tpu.memory_space<hbm>>
        tpu.wait_dma2 semaphore(%arg40 : memref<!tpu.dma_semaphore, #tpu.memory_space<semaphore_mem>>) src(%dma_wait3A_386 : memref<80xi32, #tpu.memory_space<hbm>>) dst(%arg15 : memref<80xi32, #tpu.memory_space<vmem>>)
        %mul3A_387 = arith.constant 10240 : i32
        %mul3A_388 = arith.muli %add3A, %mul3A_387 : i32
        %mul3A_389 = arith.constant 80 : i32
        %mul3A_390 = arith.muli %add3A_379, %mul3A_389 : i32
        %add3A_391 = arith.addi %mul3A_388, %mul3A_390 : i32
        %dma_wait3A_392 = tpu.memref_slice %arg4[%add3A_391] : memref<327680xi32, #tpu.memory_space<hbm>> -> memref<80xi32, #tpu.memory_space<hbm>>
        %dma_wait3A_393 = tpu.memref_slice %arg4[%add3A_391] : memref<327680xi32, #tpu.memory_space<hbm>> -> memref<80xi32, #tpu.memory_space<hbm>>
        tpu.wait_dma2 semaphore(%arg40 : memref<!tpu.dma_semaphore, #tpu.memory_space<semaphore_mem>>) src(%dma_wait3A_393 : memref<80xi32, #tpu.memory_space<hbm>>) dst(%arg23 : memref<80xi32, #tpu.memory_space<vmem>>)
        %dma_start3A_394 = arith.constant 0 : i32
        %dma_start3A_395 = arith.constant 0 : i32
        %dma_start3A_396 = tpu.memref_slice %arg2[%dma_start3A_394, %dma_start3A_395] : memref<10240x128xf32, #tpu.memory_space<hbm>> -> memref<10240x128xf32, #tpu.memory_space<hbm>>
        tpu.enqueue_indirect_dma source(%dma_start3A_396 : memref<10240x128xf32, #tpu.memory_space<hbm>>) target(%arg7 : memref<80x128xf32, #tpu.memory_space<vmem>>) offsets(%arg15 : memref<80xi32, #tpu.memory_space<vmem>>) semaphore(%arg28 : memref<!tpu.dma_semaphore, #tpu.memory_space<semaphore_mem>>)
      } else {
      }
      %add3A_228 = arith.constant 2 : i32
      %add3A_229 = arith.addi %mul3A_180, %add3A_228 : i32
      %dma_wait3A_230 = arith.constant 0 : i32
      %dma_wait3A_231 = arith.constant 0 : i32
      %dma_wait3A_232 = tpu.memref_slice %arg2[%dma_wait3A_230, %dma_wait3A_231] : memref<10240x128xf32, #tpu.memory_space<hbm>> -> memref<10240x128xf32, #tpu.memory_space<hbm>>
      tpu.wait_indirect_dma semaphore(%arg29 : memref<!tpu.dma_semaphore, #tpu.memory_space<semaphore_mem>>) src(%dma_wait3A_232 : memref<10240x128xf32, #tpu.memory_space<hbm>>) dst(%arg8 : memref<80x128xf32, #tpu.memory_space<vmem>>)
      %dma_start3A_233 = arith.constant 0 : i32
      %dma_start3A_234 = arith.constant 0 : i32
      %dma_start3A_235 = tpu.memref_slice %arg26[%dma_start3A_233, %dma_start3A_234] : memref<10240x128xf32, #tpu.memory_space<vmem_shared>> -> memref<10240x128xf32, #tpu.memory_space<vmem_shared>>
      tpu.enqueue_indirect_dma source(%arg8 : memref<80x128xf32, #tpu.memory_space<vmem>>) target(%dma_start3A_235 : memref<10240x128xf32, #tpu.memory_space<vmem_shared>>) offsets(%arg20 : memref<80xi32, #tpu.memory_space<vmem>>) semaphore(%arg33 : memref<!tpu.dma_semaphore, #tpu.memory_space<semaphore_mem>>) {add = true}
      %dma_wait3A_236 = arith.constant 0 : i32
      %dma_wait3A_237 = arith.constant 0 : i32
      %dma_wait3A_238 = tpu.memref_slice %arg26[%dma_wait3A_236, %dma_wait3A_237] : memref<10240x128xf32, #tpu.memory_space<vmem_shared>> -> memref<10240x128xf32, #tpu.memory_space<vmem_shared>>
      tpu.wait_indirect_dma semaphore(%arg33 : memref<!tpu.dma_semaphore, #tpu.memory_space<semaphore_mem>>) src(%arg8 : memref<80x128xf32, #tpu.memory_space<vmem>>) dst(%dma_wait3A_238 : memref<10240x128xf32, #tpu.memory_space<vmem_shared>>)
      %add3A_239 = arith.constant 8 : i32
      %add3A_240 = arith.addi %add3A_229, %add3A_239 : i32
      %lt3A_241 = arith.constant 128 : i32
      %lt3A_242 = arith.cmpi slt, %add3A_240, %lt3A_241 : i32
      %convert_element_type3A_243 = arith.extui %lt3A_242 : i1 to i32
      %cond3A_244 = arith.constant 0 : i32
      %cond3A_245 = arith.cmpi ne, %convert_element_type3A_243, %cond3A_244 : i32
      scf.if %cond3A_245 {
        %add3A_378 = arith.constant 8 : i32
        %add3A_379 = arith.addi %add3A_229, %add3A_378 : i32
        %mul3A_380 = arith.constant 10240 : i32
        %mul3A_381 = arith.muli %add3A, %mul3A_380 : i32
        %mul3A_382 = arith.constant 80 : i32
        %mul3A_383 = arith.muli %add3A_379, %mul3A_382 : i32
        %add3A_384 = arith.addi %mul3A_381, %mul3A_383 : i32
        %dma_start3A_385 = tpu.memref_slice %arg3[%add3A_384] : memref<327680xi32, #tpu.memory_space<hbm>> -> memref<80xi32, #tpu.memory_space<hbm>>
        %dma_start3A_386 = tpu.memref_slice %arg3[%add3A_384] : memref<327680xi32, #tpu.memory_space<hbm>> -> memref<80xi32, #tpu.memory_space<hbm>>
        tpu.enqueue_dma source(%dma_start3A_386 : memref<80xi32, #tpu.memory_space<hbm>>) target(%arg12 : memref<80xi32, #tpu.memory_space<vmem>>) target_semaphore(%arg37 : memref<!tpu.dma_semaphore, #tpu.memory_space<semaphore_mem>>)
        %mul3A_387 = arith.constant 10240 : i32
        %mul3A_388 = arith.muli %add3A, %mul3A_387 : i32
        %mul3A_389 = arith.constant 80 : i32
        %mul3A_390 = arith.muli %add3A_379, %mul3A_389 : i32
        %add3A_391 = arith.addi %mul3A_388, %mul3A_390 : i32
        %dma_start3A_392 = tpu.memref_slice %arg4[%add3A_391] : memref<327680xi32, #tpu.memory_space<hbm>> -> memref<80xi32, #tpu.memory_space<hbm>>
        %dma_start3A_393 = tpu.memref_slice %arg4[%add3A_391] : memref<327680xi32, #tpu.memory_space<hbm>> -> memref<80xi32, #tpu.memory_space<hbm>>
        tpu.enqueue_dma source(%dma_start3A_393 : memref<80xi32, #tpu.memory_space<hbm>>) target(%arg20 : memref<80xi32, #tpu.memory_space<vmem>>) target_semaphore(%arg37 : memref<!tpu.dma_semaphore, #tpu.memory_space<semaphore_mem>>)
      } else {
      }
      %add3A_246 = arith.constant 4 : i32
      %add3A_247 = arith.addi %add3A_229, %add3A_246 : i32
      %lt3A_248 = arith.constant 128 : i32
      %lt3A_249 = arith.cmpi slt, %add3A_247, %lt3A_248 : i32
      %convert_element_type3A_250 = arith.extui %lt3A_249 : i1 to i32
      %cond3A_251 = arith.constant 0 : i32
      %cond3A_252 = arith.cmpi ne, %convert_element_type3A_250, %cond3A_251 : i32
      scf.if %cond3A_252 {
        %add3A_378 = arith.constant 4 : i32
        %add3A_379 = arith.addi %add3A_229, %add3A_378 : i32
        %mul3A_380 = arith.constant 10240 : i32
        %mul3A_381 = arith.muli %add3A, %mul3A_380 : i32
        %mul3A_382 = arith.constant 80 : i32
        %mul3A_383 = arith.muli %add3A_379, %mul3A_382 : i32
        %add3A_384 = arith.addi %mul3A_381, %mul3A_383 : i32
        %dma_wait3A_385 = tpu.memref_slice %arg3[%add3A_384] : memref<327680xi32, #tpu.memory_space<hbm>> -> memref<80xi32, #tpu.memory_space<hbm>>
        %dma_wait3A_386 = tpu.memref_slice %arg3[%add3A_384] : memref<327680xi32, #tpu.memory_space<hbm>> -> memref<80xi32, #tpu.memory_space<hbm>>
        tpu.wait_dma2 semaphore(%arg41 : memref<!tpu.dma_semaphore, #tpu.memory_space<semaphore_mem>>) src(%dma_wait3A_386 : memref<80xi32, #tpu.memory_space<hbm>>) dst(%arg16 : memref<80xi32, #tpu.memory_space<vmem>>)
        %mul3A_387 = arith.constant 10240 : i32
        %mul3A_388 = arith.muli %add3A, %mul3A_387 : i32
        %mul3A_389 = arith.constant 80 : i32
        %mul3A_390 = arith.muli %add3A_379, %mul3A_389 : i32
        %add3A_391 = arith.addi %mul3A_388, %mul3A_390 : i32
        %dma_wait3A_392 = tpu.memref_slice %arg4[%add3A_391] : memref<327680xi32, #tpu.memory_space<hbm>> -> memref<80xi32, #tpu.memory_space<hbm>>
        %dma_wait3A_393 = tpu.memref_slice %arg4[%add3A_391] : memref<327680xi32, #tpu.memory_space<hbm>> -> memref<80xi32, #tpu.memory_space<hbm>>
        tpu.wait_dma2 semaphore(%arg41 : memref<!tpu.dma_semaphore, #tpu.memory_space<semaphore_mem>>) src(%dma_wait3A_393 : memref<80xi32, #tpu.memory_space<hbm>>) dst(%arg24 : memref<80xi32, #tpu.memory_space<vmem>>)
        %dma_start3A_394 = arith.constant 0 : i32
        %dma_start3A_395 = arith.constant 0 : i32
        %dma_start3A_396 = tpu.memref_slice %arg2[%dma_start3A_394, %dma_start3A_395] : memref<10240x128xf32, #tpu.memory_space<hbm>> -> memref<10240x128xf32, #tpu.memory_space<hbm>>
        tpu.enqueue_indirect_dma source(%dma_start3A_396 : memref<10240x128xf32, #tpu.memory_space<hbm>>) target(%arg8 : memref<80x128xf32, #tpu.memory_space<vmem>>) offsets(%arg16 : memref<80xi32, #tpu.memory_space<vmem>>) semaphore(%arg29 : memref<!tpu.dma_semaphore, #tpu.memory_space<semaphore_mem>>)
      } else {
      }
      %add3A_253 = arith.constant 3 : i32
      %add3A_254 = arith.addi %mul3A_180, %add3A_253 : i32
      %dma_wait3A_255 = arith.constant 0 : i32
      %dma_wait3A_256 = arith.constant 0 : i32
      %dma_wait3A_257 = tpu.memref_slice %arg2[%dma_wait3A_255, %dma_wait3A_256] : memref<10240x128xf32, #tpu.memory_space<hbm>> -> memref<10240x128xf32, #tpu.memory_space<hbm>>
      tpu.wait_indirect_dma semaphore(%arg30 : memref<!tpu.dma_semaphore, #tpu.memory_space<semaphore_mem>>) src(%dma_wait3A_257 : memref<10240x128xf32, #tpu.memory_space<hbm>>) dst(%arg9 : memref<80x128xf32, #tpu.memory_space<vmem>>)
      %dma_start3A_258 = arith.constant 0 : i32
      %dma_start3A_259 = arith.constant 0 : i32
      %dma_start3A_260 = tpu.memref_slice %arg26[%dma_start3A_258, %dma_start3A_259] : memref<10240x128xf32, #tpu.memory_space<vmem_shared>> -> memref<10240x128xf32, #tpu.memory_space<vmem_shared>>
      tpu.enqueue_indirect_dma source(%arg9 : memref<80x128xf32, #tpu.memory_space<vmem>>) target(%dma_start3A_260 : memref<10240x128xf32, #tpu.memory_space<vmem_shared>>) offsets(%arg21 : memref<80xi32, #tpu.memory_space<vmem>>) semaphore(%arg34 : memref<!tpu.dma_semaphore, #tpu.memory_space<semaphore_mem>>) {add = true}
      %dma_wait3A_261 = arith.constant 0 : i32
      %dma_wait3A_262 = arith.constant 0 : i32
      %dma_wait3A_263 = tpu.memref_slice %arg26[%dma_wait3A_261, %dma_wait3A_262] : memref<10240x128xf32, #tpu.memory_space<vmem_shared>> -> memref<10240x128xf32, #tpu.memory_space<vmem_shared>>
      tpu.wait_indirect_dma semaphore(%arg34 : memref<!tpu.dma_semaphore, #tpu.memory_space<semaphore_mem>>) src(%arg9 : memref<80x128xf32, #tpu.memory_space<vmem>>) dst(%dma_wait3A_263 : memref<10240x128xf32, #tpu.memory_space<vmem_shared>>)
      %add3A_264 = arith.constant 8 : i32
      %add3A_265 = arith.addi %add3A_254, %add3A_264 : i32
      %lt3A_266 = arith.constant 128 : i32
      %lt3A_267 = arith.cmpi slt, %add3A_265, %lt3A_266 : i32
      %convert_element_type3A_268 = arith.extui %lt3A_267 : i1 to i32
      %cond3A_269 = arith.constant 0 : i32
      %cond3A_270 = arith.cmpi ne, %convert_element_type3A_268, %cond3A_269 : i32
      scf.if %cond3A_270 {
        %add3A_378 = arith.constant 8 : i32
        %add3A_379 = arith.addi %add3A_254, %add3A_378 : i32
        %mul3A_380 = arith.constant 10240 : i32
        %mul3A_381 = arith.muli %add3A, %mul3A_380 : i32
        %mul3A_382 = arith.constant 80 : i32
        %mul3A_383 = arith.muli %add3A_379, %mul3A_382 : i32
        %add3A_384 = arith.addi %mul3A_381, %mul3A_383 : i32
        %dma_start3A_385 = tpu.memref_slice %arg3[%add3A_384] : memref<327680xi32, #tpu.memory_space<hbm>> -> memref<80xi32, #tpu.memory_space<hbm>>
        %dma_start3A_386 = tpu.memref_slice %arg3[%add3A_384] : memref<327680xi32, #tpu.memory_space<hbm>> -> memref<80xi32, #tpu.memory_space<hbm>>
        tpu.enqueue_dma source(%dma_start3A_386 : memref<80xi32, #tpu.memory_space<hbm>>) target(%arg13 : memref<80xi32, #tpu.memory_space<vmem>>) target_semaphore(%arg38 : memref<!tpu.dma_semaphore, #tpu.memory_space<semaphore_mem>>)
        %mul3A_387 = arith.constant 10240 : i32
        %mul3A_388 = arith.muli %add3A, %mul3A_387 : i32
        %mul3A_389 = arith.constant 80 : i32
        %mul3A_390 = arith.muli %add3A_379, %mul3A_389 : i32
        %add3A_391 = arith.addi %mul3A_388, %mul3A_390 : i32
        %dma_start3A_392 = tpu.memref_slice %arg4[%add3A_391] : memref<327680xi32, #tpu.memory_space<hbm>> -> memref<80xi32, #tpu.memory_space<hbm>>
        %dma_start3A_393 = tpu.memref_slice %arg4[%add3A_391] : memref<327680xi32, #tpu.memory_space<hbm>> -> memref<80xi32, #tpu.memory_space<hbm>>
        tpu.enqueue_dma source(%dma_start3A_393 : memref<80xi32, #tpu.memory_space<hbm>>) target(%arg21 : memref<80xi32, #tpu.memory_space<vmem>>) target_semaphore(%arg38 : memref<!tpu.dma_semaphore, #tpu.memory_space<semaphore_mem>>)
      } else {
      }
      %add3A_271 = arith.constant 4 : i32
      %add3A_272 = arith.addi %add3A_254, %add3A_271 : i32
      %lt3A_273 = arith.constant 128 : i32
      %lt3A_274 = arith.cmpi slt, %add3A_272, %lt3A_273 : i32
      %convert_element_type3A_275 = arith.extui %lt3A_274 : i1 to i32
      %cond3A_276 = arith.constant 0 : i32
      %cond3A_277 = arith.cmpi ne, %convert_element_type3A_275, %cond3A_276 : i32
      scf.if %cond3A_277 {
        %add3A_378 = arith.constant 4 : i32
        %add3A_379 = arith.addi %add3A_254, %add3A_378 : i32
        %mul3A_380 = arith.constant 10240 : i32
        %mul3A_381 = arith.muli %add3A, %mul3A_380 : i32
        %mul3A_382 = arith.constant 80 : i32
        %mul3A_383 = arith.muli %add3A_379, %mul3A_382 : i32
        %add3A_384 = arith.addi %mul3A_381, %mul3A_383 : i32
        %dma_wait3A_385 = tpu.memref_slice %arg3[%add3A_384] : memref<327680xi32, #tpu.memory_space<hbm>> -> memref<80xi32, #tpu.memory_space<hbm>>
        %dma_wait3A_386 = tpu.memref_slice %arg3[%add3A_384] : memref<327680xi32, #tpu.memory_space<hbm>> -> memref<80xi32, #tpu.memory_space<hbm>>
        tpu.wait_dma2 semaphore(%arg42 : memref<!tpu.dma_semaphore, #tpu.memory_space<semaphore_mem>>) src(%dma_wait3A_386 : memref<80xi32, #tpu.memory_space<hbm>>) dst(%arg17 : memref<80xi32, #tpu.memory_space<vmem>>)
        %mul3A_387 = arith.constant 10240 : i32
        %mul3A_388 = arith.muli %add3A, %mul3A_387 : i32
        %mul3A_389 = arith.constant 80 : i32
        %mul3A_390 = arith.muli %add3A_379, %mul3A_389 : i32
        %add3A_391 = arith.addi %mul3A_388, %mul3A_390 : i32
        %dma_wait3A_392 = tpu.memref_slice %arg4[%add3A_391] : memref<327680xi32, #tpu.memory_space<hbm>> -> memref<80xi32, #tpu.memory_space<hbm>>
        %dma_wait3A_393 = tpu.memref_slice %arg4[%add3A_391] : memref<327680xi32, #tpu.memory_space<hbm>> -> memref<80xi32, #tpu.memory_space<hbm>>
        tpu.wait_dma2 semaphore(%arg42 : memref<!tpu.dma_semaphore, #tpu.memory_space<semaphore_mem>>) src(%dma_wait3A_393 : memref<80xi32, #tpu.memory_space<hbm>>) dst(%arg25 : memref<80xi32, #tpu.memory_space<vmem>>)
        %dma_start3A_394 = arith.constant 0 : i32
        %dma_start3A_395 = arith.constant 0 : i32
        %dma_start3A_396 = tpu.memref_slice %arg2[%dma_start3A_394, %dma_start3A_395] : memref<10240x128xf32, #tpu.memory_space<hbm>> -> memref<10240x128xf32, #tpu.memory_space<hbm>>
        tpu.enqueue_indirect_dma source(%dma_start3A_396 : memref<10240x128xf32, #tpu.memory_space<hbm>>) target(%arg9 : memref<80x128xf32, #tpu.memory_space<vmem>>) offsets(%arg17 : memref<80xi32, #tpu.memory_space<vmem>>) semaphore(%arg30 : memref<!tpu.dma_semaphore, #tpu.memory_space<semaphore_mem>>)
      } else {
      }
      %add3A_278 = arith.constant 4 : i32
      %add3A_279 = arith.addi %mul3A_180, %add3A_278 : i32
      %dma_wait3A_280 = arith.constant 0 : i32
      %dma_wait3A_281 = arith.constant 0 : i32
      %dma_wait3A_282 = tpu.memref_slice %arg2[%dma_wait3A_280, %dma_wait3A_281] : memref<10240x128xf32, #tpu.memory_space<hbm>> -> memref<10240x128xf32, #tpu.memory_space<hbm>>
      tpu.wait_indirect_dma semaphore(%arg27 : memref<!tpu.dma_semaphore, #tpu.memory_space<semaphore_mem>>) src(%dma_wait3A_282 : memref<10240x128xf32, #tpu.memory_space<hbm>>) dst(%arg6 : memref<80x128xf32, #tpu.memory_space<vmem>>)
      %dma_start3A_283 = arith.constant 0 : i32
      %dma_start3A_284 = arith.constant 0 : i32
      %dma_start3A_285 = tpu.memref_slice %arg26[%dma_start3A_283, %dma_start3A_284] : memref<10240x128xf32, #tpu.memory_space<vmem_shared>> -> memref<10240x128xf32, #tpu.memory_space<vmem_shared>>
      tpu.enqueue_indirect_dma source(%arg6 : memref<80x128xf32, #tpu.memory_space<vmem>>) target(%dma_start3A_285 : memref<10240x128xf32, #tpu.memory_space<vmem_shared>>) offsets(%arg22 : memref<80xi32, #tpu.memory_space<vmem>>) semaphore(%arg31 : memref<!tpu.dma_semaphore, #tpu.memory_space<semaphore_mem>>) {add = true}
      %dma_wait3A_286 = arith.constant 0 : i32
      %dma_wait3A_287 = arith.constant 0 : i32
      %dma_wait3A_288 = tpu.memref_slice %arg26[%dma_wait3A_286, %dma_wait3A_287] : memref<10240x128xf32, #tpu.memory_space<vmem_shared>> -> memref<10240x128xf32, #tpu.memory_space<vmem_shared>>
      tpu.wait_indirect_dma semaphore(%arg31 : memref<!tpu.dma_semaphore, #tpu.memory_space<semaphore_mem>>) src(%arg6 : memref<80x128xf32, #tpu.memory_space<vmem>>) dst(%dma_wait3A_288 : memref<10240x128xf32, #tpu.memory_space<vmem_shared>>)
      %add3A_289 = arith.constant 8 : i32
      %add3A_290 = arith.addi %add3A_279, %add3A_289 : i32
      %lt3A_291 = arith.constant 128 : i32
      %lt3A_292 = arith.cmpi slt, %add3A_290, %lt3A_291 : i32
      %convert_element_type3A_293 = arith.extui %lt3A_292 : i1 to i32
      %cond3A_294 = arith.constant 0 : i32
      %cond3A_295 = arith.cmpi ne, %convert_element_type3A_293, %cond3A_294 : i32
      scf.if %cond3A_295 {
        %add3A_378 = arith.constant 8 : i32
        %add3A_379 = arith.addi %add3A_279, %add3A_378 : i32
        %mul3A_380 = arith.constant 10240 : i32
        %mul3A_381 = arith.muli %add3A, %mul3A_380 : i32
        %mul3A_382 = arith.constant 80 : i32
        %mul3A_383 = arith.muli %add3A_379, %mul3A_382 : i32
        %add3A_384 = arith.addi %mul3A_381, %mul3A_383 : i32
        %dma_start3A_385 = tpu.memref_slice %arg3[%add3A_384] : memref<327680xi32, #tpu.memory_space<hbm>> -> memref<80xi32, #tpu.memory_space<hbm>>
        %dma_start3A_386 = tpu.memref_slice %arg3[%add3A_384] : memref<327680xi32, #tpu.memory_space<hbm>> -> memref<80xi32, #tpu.memory_space<hbm>>
        tpu.enqueue_dma source(%dma_start3A_386 : memref<80xi32, #tpu.memory_space<hbm>>) target(%arg14 : memref<80xi32, #tpu.memory_space<vmem>>) target_semaphore(%arg39 : memref<!tpu.dma_semaphore, #tpu.memory_space<semaphore_mem>>)
        %mul3A_387 = arith.constant 10240 : i32
        %mul3A_388 = arith.muli %add3A, %mul3A_387 : i32
        %mul3A_389 = arith.constant 80 : i32
        %mul3A_390 = arith.muli %add3A_379, %mul3A_389 : i32
        %add3A_391 = arith.addi %mul3A_388, %mul3A_390 : i32
        %dma_start3A_392 = tpu.memref_slice %arg4[%add3A_391] : memref<327680xi32, #tpu.memory_space<hbm>> -> memref<80xi32, #tpu.memory_space<hbm>>
        %dma_start3A_393 = tpu.memref_slice %arg4[%add3A_391] : memref<327680xi32, #tpu.memory_space<hbm>> -> memref<80xi32, #tpu.memory_space<hbm>>
        tpu.enqueue_dma source(%dma_start3A_393 : memref<80xi32, #tpu.memory_space<hbm>>) target(%arg22 : memref<80xi32, #tpu.memory_space<vmem>>) target_semaphore(%arg39 : memref<!tpu.dma_semaphore, #tpu.memory_space<semaphore_mem>>)
      } else {
      }
      %add3A_296 = arith.constant 4 : i32
      %add3A_297 = arith.addi %add3A_279, %add3A_296 : i32
      %lt3A_298 = arith.constant 128 : i32
      %lt3A_299 = arith.cmpi slt, %add3A_297, %lt3A_298 : i32
      %convert_element_type3A_300 = arith.extui %lt3A_299 : i1 to i32
      %cond3A_301 = arith.constant 0 : i32
      %cond3A_302 = arith.cmpi ne, %convert_element_type3A_300, %cond3A_301 : i32
      scf.if %cond3A_302 {
        %add3A_378 = arith.constant 4 : i32
        %add3A_379 = arith.addi %add3A_279, %add3A_378 : i32
        %mul3A_380 = arith.constant 10240 : i32
        %mul3A_381 = arith.muli %add3A, %mul3A_380 : i32
        %mul3A_382 = arith.constant 80 : i32
        %mul3A_383 = arith.muli %add3A_379, %mul3A_382 : i32
        %add3A_384 = arith.addi %mul3A_381, %mul3A_383 : i32
        %dma_wait3A_385 = tpu.memref_slice %arg3[%add3A_384] : memref<327680xi32, #tpu.memory_space<hbm>> -> memref<80xi32, #tpu.memory_space<hbm>>
        %dma_wait3A_386 = tpu.memref_slice %arg3[%add3A_384] : memref<327680xi32, #tpu.memory_space<hbm>> -> memref<80xi32, #tpu.memory_space<hbm>>
        tpu.wait_dma2 semaphore(%arg35 : memref<!tpu.dma_semaphore, #tpu.memory_space<semaphore_mem>>) src(%dma_wait3A_386 : memref<80xi32, #tpu.memory_space<hbm>>) dst(%arg10 : memref<80xi32, #tpu.memory_space<vmem>>)
        %mul3A_387 = arith.constant 10240 : i32
        %mul3A_388 = arith.muli %add3A, %mul3A_387 : i32
        %mul3A_389 = arith.constant 80 : i32
        %mul3A_390 = arith.muli %add3A_379, %mul3A_389 : i32
        %add3A_391 = arith.addi %mul3A_388, %mul3A_390 : i32
        %dma_wait3A_392 = tpu.memref_slice %arg4[%add3A_391] : memref<327680xi32, #tpu.memory_space<hbm>> -> memref<80xi32, #tpu.memory_space<hbm>>
        %dma_wait3A_393 = tpu.memref_slice %arg4[%add3A_391] : memref<327680xi32, #tpu.memory_space<hbm>> -> memref<80xi32, #tpu.memory_space<hbm>>
        tpu.wait_dma2 semaphore(%arg35 : memref<!tpu.dma_semaphore, #tpu.memory_space<semaphore_mem>>) src(%dma_wait3A_393 : memref<80xi32, #tpu.memory_space<hbm>>) dst(%arg18 : memref<80xi32, #tpu.memory_space<vmem>>)
        %dma_start3A_394 = arith.constant 0 : i32
        %dma_start3A_395 = arith.constant 0 : i32
        %dma_start3A_396 = tpu.memref_slice %arg2[%dma_start3A_394, %dma_start3A_395] : memref<10240x128xf32, #tpu.memory_space<hbm>> -> memref<10240x128xf32, #tpu.memory_space<hbm>>
        tpu.enqueue_indirect_dma source(%dma_start3A_396 : memref<10240x128xf32, #tpu.memory_space<hbm>>) target(%arg6 : memref<80x128xf32, #tpu.memory_space<vmem>>) offsets(%arg10 : memref<80xi32, #tpu.memory_space<vmem>>) semaphore(%arg27 : memref<!tpu.dma_semaphore, #tpu.memory_space<semaphore_mem>>)
      } else {
      }
      %add3A_303 = arith.constant 5 : i32
      %add3A_304 = arith.addi %mul3A_180, %add3A_303 : i32
      %dma_wait3A_305 = arith.constant 0 : i32
      %dma_wait3A_306 = arith.constant 0 : i32
      %dma_wait3A_307 = tpu.memref_slice %arg2[%dma_wait3A_305, %dma_wait3A_306] : memref<10240x128xf32, #tpu.memory_space<hbm>> -> memref<10240x128xf32, #tpu.memory_space<hbm>>
      tpu.wait_indirect_dma semaphore(%arg28 : memref<!tpu.dma_semaphore, #tpu.memory_space<semaphore_mem>>) src(%dma_wait3A_307 : memref<10240x128xf32, #tpu.memory_space<hbm>>) dst(%arg7 : memref<80x128xf32, #tpu.memory_space<vmem>>)
      %dma_start3A_308 = arith.constant 0 : i32
      %dma_start3A_309 = arith.constant 0 : i32
      %dma_start3A_310 = tpu.memref_slice %arg26[%dma_start3A_308, %dma_start3A_309] : memref<10240x128xf32, #tpu.memory_space<vmem_shared>> -> memref<10240x128xf32, #tpu.memory_space<vmem_shared>>
      tpu.enqueue_indirect_dma source(%arg7 : memref<80x128xf32, #tpu.memory_space<vmem>>) target(%dma_start3A_310 : memref<10240x128xf32, #tpu.memory_space<vmem_shared>>) offsets(%arg23 : memref<80xi32, #tpu.memory_space<vmem>>) semaphore(%arg32 : memref<!tpu.dma_semaphore, #tpu.memory_space<semaphore_mem>>) {add = true}
      %dma_wait3A_311 = arith.constant 0 : i32
      %dma_wait3A_312 = arith.constant 0 : i32
      %dma_wait3A_313 = tpu.memref_slice %arg26[%dma_wait3A_311, %dma_wait3A_312] : memref<10240x128xf32, #tpu.memory_space<vmem_shared>> -> memref<10240x128xf32, #tpu.memory_space<vmem_shared>>
      tpu.wait_indirect_dma semaphore(%arg32 : memref<!tpu.dma_semaphore, #tpu.memory_space<semaphore_mem>>) src(%arg7 : memref<80x128xf32, #tpu.memory_space<vmem>>) dst(%dma_wait3A_313 : memref<10240x128xf32, #tpu.memory_space<vmem_shared>>)
      %add3A_314 = arith.constant 8 : i32
      %add3A_315 = arith.addi %add3A_304, %add3A_314 : i32
      %lt3A_316 = arith.constant 128 : i32
      %lt3A_317 = arith.cmpi slt, %add3A_315, %lt3A_316 : i32
      %convert_element_type3A_318 = arith.extui %lt3A_317 : i1 to i32
      %cond3A_319 = arith.constant 0 : i32
      %cond3A_320 = arith.cmpi ne, %convert_element_type3A_318, %cond3A_319 : i32
      scf.if %cond3A_320 {
        %add3A_378 = arith.constant 8 : i32
        %add3A_379 = arith.addi %add3A_304, %add3A_378 : i32
        %mul3A_380 = arith.constant 10240 : i32
        %mul3A_381 = arith.muli %add3A, %mul3A_380 : i32
        %mul3A_382 = arith.constant 80 : i32
        %mul3A_383 = arith.muli %add3A_379, %mul3A_382 : i32
        %add3A_384 = arith.addi %mul3A_381, %mul3A_383 : i32
        %dma_start3A_385 = tpu.memref_slice %arg3[%add3A_384] : memref<327680xi32, #tpu.memory_space<hbm>> -> memref<80xi32, #tpu.memory_space<hbm>>
        %dma_start3A_386 = tpu.memref_slice %arg3[%add3A_384] : memref<327680xi32, #tpu.memory_space<hbm>> -> memref<80xi32, #tpu.memory_space<hbm>>
        tpu.enqueue_dma source(%dma_start3A_386 : memref<80xi32, #tpu.memory_space<hbm>>) target(%arg15 : memref<80xi32, #tpu.memory_space<vmem>>) target_semaphore(%arg40 : memref<!tpu.dma_semaphore, #tpu.memory_space<semaphore_mem>>)
        %mul3A_387 = arith.constant 10240 : i32
        %mul3A_388 = arith.muli %add3A, %mul3A_387 : i32
        %mul3A_389 = arith.constant 80 : i32
        %mul3A_390 = arith.muli %add3A_379, %mul3A_389 : i32
        %add3A_391 = arith.addi %mul3A_388, %mul3A_390 : i32
        %dma_start3A_392 = tpu.memref_slice %arg4[%add3A_391] : memref<327680xi32, #tpu.memory_space<hbm>> -> memref<80xi32, #tpu.memory_space<hbm>>
        %dma_start3A_393 = tpu.memref_slice %arg4[%add3A_391] : memref<327680xi32, #tpu.memory_space<hbm>> -> memref<80xi32, #tpu.memory_space<hbm>>
        tpu.enqueue_dma source(%dma_start3A_393 : memref<80xi32, #tpu.memory_space<hbm>>) target(%arg23 : memref<80xi32, #tpu.memory_space<vmem>>) target_semaphore(%arg40 : memref<!tpu.dma_semaphore, #tpu.memory_space<semaphore_mem>>)
      } else {
      }
      %add3A_321 = arith.constant 4 : i32
      %add3A_322 = arith.addi %add3A_304, %add3A_321 : i32
      %lt3A_323 = arith.constant 128 : i32
      %lt3A_324 = arith.cmpi slt, %add3A_322, %lt3A_323 : i32
      %convert_element_type3A_325 = arith.extui %lt3A_324 : i1 to i32
      %cond3A_326 = arith.constant 0 : i32
      %cond3A_327 = arith.cmpi ne, %convert_element_type3A_325, %cond3A_326 : i32
      scf.if %cond3A_327 {
        %add3A_378 = arith.constant 4 : i32
        %add3A_379 = arith.addi %add3A_304, %add3A_378 : i32
        %mul3A_380 = arith.constant 10240 : i32
        %mul3A_381 = arith.muli %add3A, %mul3A_380 : i32
        %mul3A_382 = arith.constant 80 : i32
        %mul3A_383 = arith.muli %add3A_379, %mul3A_382 : i32
        %add3A_384 = arith.addi %mul3A_381, %mul3A_383 : i32
        %dma_wait3A_385 = tpu.memref_slice %arg3[%add3A_384] : memref<327680xi32, #tpu.memory_space<hbm>> -> memref<80xi32, #tpu.memory_space<hbm>>
        %dma_wait3A_386 = tpu.memref_slice %arg3[%add3A_384] : memref<327680xi32, #tpu.memory_space<hbm>> -> memref<80xi32, #tpu.memory_space<hbm>>
        tpu.wait_dma2 semaphore(%arg36 : memref<!tpu.dma_semaphore, #tpu.memory_space<semaphore_mem>>) src(%dma_wait3A_386 : memref<80xi32, #tpu.memory_space<hbm>>) dst(%arg11 : memref<80xi32, #tpu.memory_space<vmem>>)
        %mul3A_387 = arith.constant 10240 : i32
        %mul3A_388 = arith.muli %add3A, %mul3A_387 : i32
        %mul3A_389 = arith.constant 80 : i32
        %mul3A_390 = arith.muli %add3A_379, %mul3A_389 : i32
        %add3A_391 = arith.addi %mul3A_388, %mul3A_390 : i32
        %dma_wait3A_392 = tpu.memref_slice %arg4[%add3A_391] : memref<327680xi32, #tpu.memory_space<hbm>> -> memref<80xi32, #tpu.memory_space<hbm>>
        %dma_wait3A_393 = tpu.memref_slice %arg4[%add3A_391] : memref<327680xi32, #tpu.memory_space<hbm>> -> memref<80xi32, #tpu.memory_space<hbm>>
        tpu.wait_dma2 semaphore(%arg36 : memref<!tpu.dma_semaphore, #tpu.memory_space<semaphore_mem>>) src(%dma_wait3A_393 : memref<80xi32, #tpu.memory_space<hbm>>) dst(%arg19 : memref<80xi32, #tpu.memory_space<vmem>>)
        %dma_start3A_394 = arith.constant 0 : i32
        %dma_start3A_395 = arith.constant 0 : i32
        %dma_start3A_396 = tpu.memref_slice %arg2[%dma_start3A_394, %dma_start3A_395] : memref<10240x128xf32, #tpu.memory_space<hbm>> -> memref<10240x128xf32, #tpu.memory_space<hbm>>
        tpu.enqueue_indirect_dma source(%dma_start3A_396 : memref<10240x128xf32, #tpu.memory_space<hbm>>) target(%arg7 : memref<80x128xf32, #tpu.memory_space<vmem>>) offsets(%arg11 : memref<80xi32, #tpu.memory_space<vmem>>) semaphore(%arg28 : memref<!tpu.dma_semaphore, #tpu.memory_space<semaphore_mem>>)
      } else {
      }
      %add3A_328 = arith.constant 6 : i32
      %add3A_329 = arith.addi %mul3A_180, %add3A_328 : i32
      %dma_wait3A_330 = arith.constant 0 : i32
      %dma_wait3A_331 = arith.constant 0 : i32
      %dma_wait3A_332 = tpu.memref_slice %arg2[%dma_wait3A_330, %dma_wait3A_331] : memref<10240x128xf32, #tpu.memory_space<hbm>> -> memref<10240x128xf32, #tpu.memory_space<hbm>>
      tpu.wait_indirect_dma semaphore(%arg29 : memref<!tpu.dma_semaphore, #tpu.memory_space<semaphore_mem>>) src(%dma_wait3A_332 : memref<10240x128xf32, #tpu.memory_space<hbm>>) dst(%arg8 : memref<80x128xf32, #tpu.memory_space<vmem>>)
      %dma_start3A_333 = arith.constant 0 : i32
      %dma_start3A_334 = arith.constant 0 : i32
      %dma_start3A_335 = tpu.memref_slice %arg26[%dma_start3A_333, %dma_start3A_334] : memref<10240x128xf32, #tpu.memory_space<vmem_shared>> -> memref<10240x128xf32, #tpu.memory_space<vmem_shared>>
      tpu.enqueue_indirect_dma source(%arg8 : memref<80x128xf32, #tpu.memory_space<vmem>>) target(%dma_start3A_335 : memref<10240x128xf32, #tpu.memory_space<vmem_shared>>) offsets(%arg24 : memref<80xi32, #tpu.memory_space<vmem>>) semaphore(%arg33 : memref<!tpu.dma_semaphore, #tpu.memory_space<semaphore_mem>>) {add = true}
      %dma_wait3A_336 = arith.constant 0 : i32
      %dma_wait3A_337 = arith.constant 0 : i32
      %dma_wait3A_338 = tpu.memref_slice %arg26[%dma_wait3A_336, %dma_wait3A_337] : memref<10240x128xf32, #tpu.memory_space<vmem_shared>> -> memref<10240x128xf32, #tpu.memory_space<vmem_shared>>
      tpu.wait_indirect_dma semaphore(%arg33 : memref<!tpu.dma_semaphore, #tpu.memory_space<semaphore_mem>>) src(%arg8 : memref<80x128xf32, #tpu.memory_space<vmem>>) dst(%dma_wait3A_338 : memref<10240x128xf32, #tpu.memory_space<vmem_shared>>)
      %add3A_339 = arith.constant 8 : i32
      %add3A_340 = arith.addi %add3A_329, %add3A_339 : i32
      %lt3A_341 = arith.constant 128 : i32
      %lt3A_342 = arith.cmpi slt, %add3A_340, %lt3A_341 : i32
      %convert_element_type3A_343 = arith.extui %lt3A_342 : i1 to i32
      %cond3A_344 = arith.constant 0 : i32
      %cond3A_345 = arith.cmpi ne, %convert_element_type3A_343, %cond3A_344 : i32
      scf.if %cond3A_345 {
        %add3A_378 = arith.constant 8 : i32
        %add3A_379 = arith.addi %add3A_329, %add3A_378 : i32
        %mul3A_380 = arith.constant 10240 : i32
        %mul3A_381 = arith.muli %add3A, %mul3A_380 : i32
        %mul3A_382 = arith.constant 80 : i32
        %mul3A_383 = arith.muli %add3A_379, %mul3A_382 : i32
        %add3A_384 = arith.addi %mul3A_381, %mul3A_383 : i32
        %dma_start3A_385 = tpu.memref_slice %arg3[%add3A_384] : memref<327680xi32, #tpu.memory_space<hbm>> -> memref<80xi32, #tpu.memory_space<hbm>>
        %dma_start3A_386 = tpu.memref_slice %arg3[%add3A_384] : memref<327680xi32, #tpu.memory_space<hbm>> -> memref<80xi32, #tpu.memory_space<hbm>>
        tpu.enqueue_dma source(%dma_start3A_386 : memref<80xi32, #tpu.memory_space<hbm>>) target(%arg16 : memref<80xi32, #tpu.memory_space<vmem>>) target_semaphore(%arg41 : memref<!tpu.dma_semaphore, #tpu.memory_space<semaphore_mem>>)
        %mul3A_387 = arith.constant 10240 : i32
        %mul3A_388 = arith.muli %add3A, %mul3A_387 : i32
        %mul3A_389 = arith.constant 80 : i32
        %mul3A_390 = arith.muli %add3A_379, %mul3A_389 : i32
        %add3A_391 = arith.addi %mul3A_388, %mul3A_390 : i32
        %dma_start3A_392 = tpu.memref_slice %arg4[%add3A_391] : memref<327680xi32, #tpu.memory_space<hbm>> -> memref<80xi32, #tpu.memory_space<hbm>>
        %dma_start3A_393 = tpu.memref_slice %arg4[%add3A_391] : memref<327680xi32, #tpu.memory_space<hbm>> -> memref<80xi32, #tpu.memory_space<hbm>>
        tpu.enqueue_dma source(%dma_start3A_393 : memref<80xi32, #tpu.memory_space<hbm>>) target(%arg24 : memref<80xi32, #tpu.memory_space<vmem>>) target_semaphore(%arg41 : memref<!tpu.dma_semaphore, #tpu.memory_space<semaphore_mem>>)
      } else {
      }
      %add3A_346 = arith.constant 4 : i32
      %add3A_347 = arith.addi %add3A_329, %add3A_346 : i32
      %lt3A_348 = arith.constant 128 : i32
      %lt3A_349 = arith.cmpi slt, %add3A_347, %lt3A_348 : i32
      %convert_element_type3A_350 = arith.extui %lt3A_349 : i1 to i32
      %cond3A_351 = arith.constant 0 : i32
      %cond3A_352 = arith.cmpi ne, %convert_element_type3A_350, %cond3A_351 : i32
      scf.if %cond3A_352 {
        %add3A_378 = arith.constant 4 : i32
        %add3A_379 = arith.addi %add3A_329, %add3A_378 : i32
        %mul3A_380 = arith.constant 10240 : i32
        %mul3A_381 = arith.muli %add3A, %mul3A_380 : i32
        %mul3A_382 = arith.constant 80 : i32
        %mul3A_383 = arith.muli %add3A_379, %mul3A_382 : i32
        %add3A_384 = arith.addi %mul3A_381, %mul3A_383 : i32
        %dma_wait3A_385 = tpu.memref_slice %arg3[%add3A_384] : memref<327680xi32, #tpu.memory_space<hbm>> -> memref<80xi32, #tpu.memory_space<hbm>>
        %dma_wait3A_386 = tpu.memref_slice %arg3[%add3A_384] : memref<327680xi32, #tpu.memory_space<hbm>> -> memref<80xi32, #tpu.memory_space<hbm>>
        tpu.wait_dma2 semaphore(%arg37 : memref<!tpu.dma_semaphore, #tpu.memory_space<semaphore_mem>>) src(%dma_wait3A_386 : memref<80xi32, #tpu.memory_space<hbm>>) dst(%arg12 : memref<80xi32, #tpu.memory_space<vmem>>)
        %mul3A_387 = arith.constant 10240 : i32
        %mul3A_388 = arith.muli %add3A, %mul3A_387 : i32
        %mul3A_389 = arith.constant 80 : i32
        %mul3A_390 = arith.muli %add3A_379, %mul3A_389 : i32
        %add3A_391 = arith.addi %mul3A_388, %mul3A_390 : i32
        %dma_wait3A_392 = tpu.memref_slice %arg4[%add3A_391] : memref<327680xi32, #tpu.memory_space<hbm>> -> memref<80xi32, #tpu.memory_space<hbm>>
        %dma_wait3A_393 = tpu.memref_slice %arg4[%add3A_391] : memref<327680xi32, #tpu.memory_space<hbm>> -> memref<80xi32, #tpu.memory_space<hbm>>
        tpu.wait_dma2 semaphore(%arg37 : memref<!tpu.dma_semaphore, #tpu.memory_space<semaphore_mem>>) src(%dma_wait3A_393 : memref<80xi32, #tpu.memory_space<hbm>>) dst(%arg20 : memref<80xi32, #tpu.memory_space<vmem>>)
        %dma_start3A_394 = arith.constant 0 : i32
        %dma_start3A_395 = arith.constant 0 : i32
        %dma_start3A_396 = tpu.memref_slice %arg2[%dma_start3A_394, %dma_start3A_395] : memref<10240x128xf32, #tpu.memory_space<hbm>> -> memref<10240x128xf32, #tpu.memory_space<hbm>>
        tpu.enqueue_indirect_dma source(%dma_start3A_396 : memref<10240x128xf32, #tpu.memory_space<hbm>>) target(%arg8 : memref<80x128xf32, #tpu.memory_space<vmem>>) offsets(%arg12 : memref<80xi32, #tpu.memory_space<vmem>>) semaphore(%arg29 : memref<!tpu.dma_semaphore, #tpu.memory_space<semaphore_mem>>)
      } else {
      }
      %add3A_353 = arith.constant 7 : i32
      %add3A_354 = arith.addi %mul3A_180, %add3A_353 : i32
      %dma_wait3A_355 = arith.constant 0 : i32
      %dma_wait3A_356 = arith.constant 0 : i32
      %dma_wait3A_357 = tpu.memref_slice %arg2[%dma_wait3A_355, %dma_wait3A_356] : memref<10240x128xf32, #tpu.memory_space<hbm>> -> memref<10240x128xf32, #tpu.memory_space<hbm>>
      tpu.wait_indirect_dma semaphore(%arg30 : memref<!tpu.dma_semaphore, #tpu.memory_space<semaphore_mem>>) src(%dma_wait3A_357 : memref<10240x128xf32, #tpu.memory_space<hbm>>) dst(%arg9 : memref<80x128xf32, #tpu.memory_space<vmem>>)
      %dma_start3A_358 = arith.constant 0 : i32
      %dma_start3A_359 = arith.constant 0 : i32
      %dma_start3A_360 = tpu.memref_slice %arg26[%dma_start3A_358, %dma_start3A_359] : memref<10240x128xf32, #tpu.memory_space<vmem_shared>> -> memref<10240x128xf32, #tpu.memory_space<vmem_shared>>
      tpu.enqueue_indirect_dma source(%arg9 : memref<80x128xf32, #tpu.memory_space<vmem>>) target(%dma_start3A_360 : memref<10240x128xf32, #tpu.memory_space<vmem_shared>>) offsets(%arg25 : memref<80xi32, #tpu.memory_space<vmem>>) semaphore(%arg34 : memref<!tpu.dma_semaphore, #tpu.memory_space<semaphore_mem>>) {add = true}
      %dma_wait3A_361 = arith.constant 0 : i32
      %dma_wait3A_362 = arith.constant 0 : i32
      %dma_wait3A_363 = tpu.memref_slice %arg26[%dma_wait3A_361, %dma_wait3A_362] : memref<10240x128xf32, #tpu.memory_space<vmem_shared>> -> memref<10240x128xf32, #tpu.memory_space<vmem_shared>>
      tpu.wait_indirect_dma semaphore(%arg34 : memref<!tpu.dma_semaphore, #tpu.memory_space<semaphore_mem>>) src(%arg9 : memref<80x128xf32, #tpu.memory_space<vmem>>) dst(%dma_wait3A_363 : memref<10240x128xf32, #tpu.memory_space<vmem_shared>>)
      %add3A_364 = arith.constant 8 : i32
      %add3A_365 = arith.addi %add3A_354, %add3A_364 : i32
      %lt3A_366 = arith.constant 128 : i32
      %lt3A_367 = arith.cmpi slt, %add3A_365, %lt3A_366 : i32
      %convert_element_type3A_368 = arith.extui %lt3A_367 : i1 to i32
      %cond3A_369 = arith.constant 0 : i32
      %cond3A_370 = arith.cmpi ne, %convert_element_type3A_368, %cond3A_369 : i32
      scf.if %cond3A_370 {
        %add3A_378 = arith.constant 8 : i32
        %add3A_379 = arith.addi %add3A_354, %add3A_378 : i32
        %mul3A_380 = arith.constant 10240 : i32
        %mul3A_381 = arith.muli %add3A, %mul3A_380 : i32
        %mul3A_382 = arith.constant 80 : i32
        %mul3A_383 = arith.muli %add3A_379, %mul3A_382 : i32
        %add3A_384 = arith.addi %mul3A_381, %mul3A_383 : i32
        %dma_start3A_385 = tpu.memref_slice %arg3[%add3A_384] : memref<327680xi32, #tpu.memory_space<hbm>> -> memref<80xi32, #tpu.memory_space<hbm>>
        %dma_start3A_386 = tpu.memref_slice %arg3[%add3A_384] : memref<327680xi32, #tpu.memory_space<hbm>> -> memref<80xi32, #tpu.memory_space<hbm>>
        tpu.enqueue_dma source(%dma_start3A_386 : memref<80xi32, #tpu.memory_space<hbm>>) target(%arg17 : memref<80xi32, #tpu.memory_space<vmem>>) target_semaphore(%arg42 : memref<!tpu.dma_semaphore, #tpu.memory_space<semaphore_mem>>)
        %mul3A_387 = arith.constant 10240 : i32
        %mul3A_388 = arith.muli %add3A, %mul3A_387 : i32
        %mul3A_389 = arith.constant 80 : i32
        %mul3A_390 = arith.muli %add3A_379, %mul3A_389 : i32
        %add3A_391 = arith.addi %mul3A_388, %mul3A_390 : i32
        %dma_start3A_392 = tpu.memref_slice %arg4[%add3A_391] : memref<327680xi32, #tpu.memory_space<hbm>> -> memref<80xi32, #tpu.memory_space<hbm>>
        %dma_start3A_393 = tpu.memref_slice %arg4[%add3A_391] : memref<327680xi32, #tpu.memory_space<hbm>> -> memref<80xi32, #tpu.memory_space<hbm>>
        tpu.enqueue_dma source(%dma_start3A_393 : memref<80xi32, #tpu.memory_space<hbm>>) target(%arg25 : memref<80xi32, #tpu.memory_space<vmem>>) target_semaphore(%arg42 : memref<!tpu.dma_semaphore, #tpu.memory_space<semaphore_mem>>)
      } else {
      }
      %add3A_371 = arith.constant 4 : i32
      %add3A_372 = arith.addi %add3A_354, %add3A_371 : i32
      %lt3A_373 = arith.constant 128 : i32
      %lt3A_374 = arith.cmpi slt, %add3A_372, %lt3A_373 : i32
      %convert_element_type3A_375 = arith.extui %lt3A_374 : i1 to i32
      %cond3A_376 = arith.constant 0 : i32
      %cond3A_377 = arith.cmpi ne, %convert_element_type3A_375, %cond3A_376 : i32
      scf.if %cond3A_377 {
        %add3A_378 = arith.constant 4 : i32
        %add3A_379 = arith.addi %add3A_354, %add3A_378 : i32
        %mul3A_380 = arith.constant 10240 : i32
        %mul3A_381 = arith.muli %add3A, %mul3A_380 : i32
        %mul3A_382 = arith.constant 80 : i32
        %mul3A_383 = arith.muli %add3A_379, %mul3A_382 : i32
        %add3A_384 = arith.addi %mul3A_381, %mul3A_383 : i32
        %dma_wait3A_385 = tpu.memref_slice %arg3[%add3A_384] : memref<327680xi32, #tpu.memory_space<hbm>> -> memref<80xi32, #tpu.memory_space<hbm>>
        %dma_wait3A_386 = tpu.memref_slice %arg3[%add3A_384] : memref<327680xi32, #tpu.memory_space<hbm>> -> memref<80xi32, #tpu.memory_space<hbm>>
        tpu.wait_dma2 semaphore(%arg38 : memref<!tpu.dma_semaphore, #tpu.memory_space<semaphore_mem>>) src(%dma_wait3A_386 : memref<80xi32, #tpu.memory_space<hbm>>) dst(%arg13 : memref<80xi32, #tpu.memory_space<vmem>>)
        %mul3A_387 = arith.constant 10240 : i32
        %mul3A_388 = arith.muli %add3A, %mul3A_387 : i32
        %mul3A_389 = arith.constant 80 : i32
        %mul3A_390 = arith.muli %add3A_379, %mul3A_389 : i32
        %add3A_391 = arith.addi %mul3A_388, %mul3A_390 : i32
        %dma_wait3A_392 = tpu.memref_slice %arg4[%add3A_391] : memref<327680xi32, #tpu.memory_space<hbm>> -> memref<80xi32, #tpu.memory_space<hbm>>
        %dma_wait3A_393 = tpu.memref_slice %arg4[%add3A_391] : memref<327680xi32, #tpu.memory_space<hbm>> -> memref<80xi32, #tpu.memory_space<hbm>>
        tpu.wait_dma2 semaphore(%arg38 : memref<!tpu.dma_semaphore, #tpu.memory_space<semaphore_mem>>) src(%dma_wait3A_393 : memref<80xi32, #tpu.memory_space<hbm>>) dst(%arg21 : memref<80xi32, #tpu.memory_space<vmem>>)
        %dma_start3A_394 = arith.constant 0 : i32
        %dma_start3A_395 = arith.constant 0 : i32
        %dma_start3A_396 = tpu.memref_slice %arg2[%dma_start3A_394, %dma_start3A_395] : memref<10240x128xf32, #tpu.memory_space<hbm>> -> memref<10240x128xf32, #tpu.memory_space<hbm>>
        tpu.enqueue_indirect_dma source(%dma_start3A_396 : memref<10240x128xf32, #tpu.memory_space<hbm>>) target(%arg9 : memref<80x128xf32, #tpu.memory_space<vmem>>) offsets(%arg13 : memref<80xi32, #tpu.memory_space<vmem>>) semaphore(%arg30 : memref<!tpu.dma_semaphore, #tpu.memory_space<semaphore_mem>>)
      } else {
      }
    }
    %scan3A_168 = arith.constant 16 : i32
    %barrier3A_169 = arith.constant 0 : index
    tpu.barrier barrier_id(%barrier3A_169)
    %mul3A_170 = arith.constant 640 : i32
    %mul3A_171 = arith.muli %arg1, %mul3A_170 : i32
    %mul3A_172 = arith.constant 640 : i32
    %mul3A_173 = arith.muli %arg1, %mul3A_172 : i32
    "tpu.region"() ({
      %run_scoped3A = tpu.sem_alloc : memref<!tpu.dma_semaphore, #tpu.memory_space<semaphore_mem>>
      %dma_start3A_174 = arith.constant 0 : i32
      %dma_start3A_175 = arith.constant 0 : i32
      %dma_start3A_176 = tpu.memref_slice %arg5[%arg0, %dma_start3A_174, %dma_start3A_175] : memref<2x10240x128xf32, #tpu.memory_space<hbm>> -> memref<1x10240x128xf32, #tpu.memory_space<hbm>>
      %dma_start3A_177 = tpu.memref_squeeze %dma_start3A_176 : memref<1x10240x128xf32, #tpu.memory_space<hbm>> -> memref<10240x128xf32, #tpu.memory_space<hbm>>
      %dma_start3A_178 = arith.constant 0 : i32
      %dma_start3A_179 = tpu.memref_slice %dma_start3A_177[%mul3A_173, %dma_start3A_178] : memref<10240x128xf32, #tpu.memory_space<hbm>> -> memref<640x128xf32, #tpu.memory_space<hbm>>
      %dma_start3A_180 = arith.constant 0 : i32
      %dma_start3A_181 = tpu.memref_slice %arg26[%mul3A_171, %dma_start3A_180] : memref<10240x128xf32, #tpu.memory_space<vmem_shared>> -> memref<640x128xf32, #tpu.memory_space<vmem_shared>>
      tpu.enqueue_dma source(%dma_start3A_181 : memref<640x128xf32, #tpu.memory_space<vmem_shared>>) target(%dma_start3A_179 : memref<640x128xf32, #tpu.memory_space<hbm>>) target_semaphore(%run_scoped3A : memref<!tpu.dma_semaphore, #tpu.memory_space<semaphore_mem>>)
      %dma_wait3A_182 = arith.constant 0 : i32
      %dma_wait3A_183 = arith.constant 0 : i32
      %dma_wait3A_184 = tpu.memref_slice %arg5[%arg0, %dma_wait3A_182, %dma_wait3A_183] : memref<2x10240x128xf32, #tpu.memory_space<hbm>> -> memref<1x10240x128xf32, #tpu.memory_space<hbm>>
      %dma_wait3A_185 = tpu.memref_squeeze %dma_wait3A_184 : memref<1x10240x128xf32, #tpu.memory_space<hbm>> -> memref<10240x128xf32, #tpu.memory_space<hbm>>
      %dma_wait3A_186 = arith.constant 0 : i32
      %dma_wait3A_187 = tpu.memref_slice %dma_wait3A_185[%mul3A_173, %dma_wait3A_186] : memref<10240x128xf32, #tpu.memory_space<hbm>> -> memref<640x128xf32, #tpu.memory_space<hbm>>
      %dma_wait3A_188 = arith.constant 0 : i32
      %dma_wait3A_189 = tpu.memref_slice %arg26[%mul3A_171, %dma_wait3A_188] : memref<10240x128xf32, #tpu.memory_space<vmem_shared>> -> memref<640x128xf32, #tpu.memory_space<vmem_shared>>
      tpu.wait_dma2 semaphore(%run_scoped3A : memref<!tpu.dma_semaphore, #tpu.memory_space<semaphore_mem>>) src(%dma_wait3A_189 : memref<640x128xf32, #tpu.memory_space<vmem_shared>>) dst(%dma_wait3A_187 : memref<640x128xf32, #tpu.memory_space<hbm>>)
      tpu.yield
    }) : () -> ()
    return
  }
}

#map = affine_map<(d0, d1) -> (0, 0)>
#map1 = affine_map<(d0, d1) -> (0, 0, 0)>
module attributes {stable_mosaic.version = 14 : i64} {
  func.func @k(%arg0: i32, %arg1: i32, %arg2: memref<10240x16xf32, #tpu.memory_space<hbm>>, %arg3: memref<32x80x128xi32, #tpu.memory_space<hbm>>, %arg4: memref<32x80x128xi32, #tpu.memory_space<hbm>>, %arg5: memref<2x10240x16xf32, #tpu.memory_space<hbm>>, %arg6: memref<128x16xf32, #tpu.memory_space<vmem>>, %arg7: memref<128x16xf32, #tpu.memory_space<vmem>>, %arg8: memref<128x16xf32, #tpu.memory_space<vmem>>, %arg9: memref<128x16xf32, #tpu.memory_space<vmem>>, %arg10: memref<128xi32, #tpu.memory_space<vmem>>, %arg11: memref<128xi32, #tpu.memory_space<vmem>>, %arg12: memref<128xi32, #tpu.memory_space<vmem>>, %arg13: memref<128xi32, #tpu.memory_space<vmem>>, %arg14: memref<128xi32, #tpu.memory_space<vmem>>, %arg15: memref<128xi32, #tpu.memory_space<vmem>>, %arg16: memref<128xi32, #tpu.memory_space<vmem>>, %arg17: memref<128xi32, #tpu.memory_space<vmem>>, %arg18: memref<128xi32, #tpu.memory_space<vmem>>, %arg19: memref<128xi32, #tpu.memory_space<vmem>>, %arg20: memref<128xi32, #tpu.memory_space<vmem>>, %arg21: memref<128xi32, #tpu.memory_space<vmem>>, %arg22: memref<128xi32, #tpu.memory_space<vmem>>, %arg23: memref<128xi32, #tpu.memory_space<vmem>>, %arg24: memref<128xi32, #tpu.memory_space<vmem>>, %arg25: memref<128xi32, #tpu.memory_space<vmem>>, %arg26: memref<10240x16xf32, #tpu.memory_space<vmem_shared>>, %arg27: memref<!tpu.dma_semaphore, #tpu.memory_space<semaphore_mem>>, %arg28: memref<!tpu.dma_semaphore, #tpu.memory_space<semaphore_mem>>, %arg29: memref<!tpu.dma_semaphore, #tpu.memory_space<semaphore_mem>>, %arg30: memref<!tpu.dma_semaphore, #tpu.memory_space<semaphore_mem>>, %arg31: memref<!tpu.dma_semaphore, #tpu.memory_space<semaphore_mem>>, %arg32: memref<!tpu.dma_semaphore, #tpu.memory_space<semaphore_mem>>, %arg33: memref<!tpu.dma_semaphore, #tpu.memory_space<semaphore_mem>>, %arg34: memref<!tpu.dma_semaphore, #tpu.memory_space<semaphore_mem>>, %arg35: memref<!tpu.dma_semaphore, #tpu.memory_space<semaphore_mem>>, %arg36: memref<!tpu.dma_semaphore, #tpu.memory_space<semaphore_mem>>, %arg37: memref<!tpu.dma_semaphore, #tpu.memory_space<semaphore_mem>>, %arg38: memref<!tpu.dma_semaphore, #tpu.memory_space<semaphore_mem>>, %arg39: memref<!tpu.dma_semaphore, #tpu.memory_space<semaphore_mem>>, %arg40: memref<!tpu.dma_semaphore, #tpu.memory_space<semaphore_mem>>, %arg41: memref<!tpu.dma_semaphore, #tpu.memory_space<semaphore_mem>>, %arg42: memref<!tpu.dma_semaphore, #tpu.memory_space<semaphore_mem>>) attributes {dimension_semantics = [#tpu.dimension_semantics<core_parallel>, #tpu.dimension_semantics<subcore_parallel>], iteration_bounds = array<i64: 2, 16>, scalar_prefetch = 0 : i64, scratch_operands = 37 : i64, tpu.core_type = #tpu.core_type<sc_vector_subcore>, window_params = [{transform_indices = #map}, {transform_indices = #map1}, {transform_indices = #map1}, {transform_indices = #map1}]} {
    %mul3A = arith.constant 16 : i32
    %mul3A_0 = arith.muli %arg0, %mul3A : i32
    %add3A = arith.addi %mul3A_0, %arg1 : i32
    %scan3A = arith.constant 0 : i32
    %scan3A_1 = arith.constant 128 : i32
    %scan3A_2 = arith.addi %scan3A, %scan3A_1 : i32
    %scan3A_3 = arith.constant 1 : i32
    scf.for %scan3A_198 = %scan3A to %scan3A_2 step %scan3A_3  : i32 {
      %mul3A_199 = arith.constant 1 : i32
      %mul3A_200 = arith.muli %scan3A_198, %mul3A_199 : i32
      %add3A_201 = arith.constant 0 : i32
      %add3A_202 = arith.addi %add3A_201, %mul3A_200 : i32
      %scan3A_203 = arith.constant 0 : i32
      %mul3A_204 = arith.constant 16 : i32
      %mul3A_205 = arith.muli %scan3A_203, %mul3A_204 : i32
      %add3A_206 = arith.constant 0 : i32
      %add3A_207 = arith.addi %add3A_206, %mul3A_205 : i32
      %broadcast_in_dim3A = arith.constant 0.000000e+00 : f32
      %broadcast_in_dim3A_208 = vector.broadcast %broadcast_in_dim3A : f32 to vector<16xf32>
      %swap3A = arith.index_cast %add3A_202 : i32 to index
      %swap3A_209 = arith.index_cast %add3A_207 : i32 to index
      %swap3A_210 = tpu.vector_load %arg6[%swap3A, %swap3A_209] {strides = array<i32>} : memref<128x16xf32, #tpu.memory_space<vmem>>, vector<1x16xf32>,
      %swap3A_211 = vector.shape_cast %swap3A_210 : vector<1x16xf32> to vector<16xf32>
      %swap3A_212 = vector.shape_cast %broadcast_in_dim3A_208 : vector<16xf32> to vector<1x16xf32>
      tpu.vector_store %arg6[%swap3A, %swap3A_209], %swap3A_212 {strides = array<i32>} : memref<128x16xf32, #tpu.memory_space<vmem>>, vector<1x16xf32>,
      %scan3A_213 = arith.constant 1 : i32
    }
    %scan3A_4 = arith.constant 128 : i32
    %scan3A_5 = arith.constant 0 : i32
    %scan3A_6 = arith.constant 5 : i32
    %scan3A_7 = arith.addi %scan3A_5, %scan3A_6 : i32
    %scan3A_8 = arith.constant 1 : i32
    scf.for %scan3A_198 = %scan3A_5 to %scan3A_7 step %scan3A_8  : i32 {
      %mul3A_199 = arith.constant 128 : i32
      %mul3A_200 = arith.muli %scan3A_198, %mul3A_199 : i32
      %add3A_201 = arith.constant 0 : i32
      %add3A_202 = arith.addi %add3A_201, %mul3A_200 : i32
      %mul3A_203 = arith.constant 640 : i32
      %mul3A_204 = arith.muli %arg1, %mul3A_203 : i32
      %add3A_205 = arith.addi %mul3A_204, %add3A_202 : i32
      "tpu.region"() ({
        %run_scoped3A = tpu.sem_alloc : memref<!tpu.dma_semaphore, #tpu.memory_space<semaphore_mem>>
        %dma_start3A_206 = arith.constant 0 : i32
        %dma_start3A_207 = tpu.memref_slice %arg26[%add3A_205, %dma_start3A_206] : memref<10240x16xf32, #tpu.memory_space<vmem_shared>> -> memref<128x16xf32, #tpu.memory_space<vmem_shared>>
        %dma_start3A_208 = arith.constant 0 : i32
        %dma_start3A_209 = tpu.memref_slice %arg26[%add3A_205, %dma_start3A_208] : memref<10240x16xf32, #tpu.memory_space<vmem_shared>> -> memref<128x16xf32, #tpu.memory_space<vmem_shared>>
        tpu.enqueue_dma source(%arg6 : memref<128x16xf32, #tpu.memory_space<vmem>>) target(%dma_start3A_209 : memref<128x16xf32, #tpu.memory_space<vmem_shared>>) target_semaphore(%run_scoped3A : memref<!tpu.dma_semaphore, #tpu.memory_space<semaphore_mem>>)
        %dma_wait3A_210 = arith.constant 0 : i32
        %dma_wait3A_211 = tpu.memref_slice %arg26[%add3A_205, %dma_wait3A_210] : memref<10240x16xf32, #tpu.memory_space<vmem_shared>> -> memref<128x16xf32, #tpu.memory_space<vmem_shared>>
        %dma_wait3A_212 = arith.constant 0 : i32
        %dma_wait3A_213 = tpu.memref_slice %arg26[%add3A_205, %dma_wait3A_212] : memref<10240x16xf32, #tpu.memory_space<vmem_shared>> -> memref<128x16xf32, #tpu.memory_space<vmem_shared>>
        tpu.wait_dma2 semaphore(%run_scoped3A : memref<!tpu.dma_semaphore, #tpu.memory_space<semaphore_mem>>) src(%arg6 : memref<128x16xf32, #tpu.memory_space<vmem>>) dst(%dma_wait3A_213 : memref<128x16xf32, #tpu.memory_space<vmem_shared>>)
        tpu.yield
      }) : () -> ()
    }
    %scan3A_9 = arith.constant 5 : i32
    %barrier3A = arith.constant 0 : index
    tpu.barrier barrier_id(%barrier3A)
    %dma_start3A = arith.constant 0 : i32
    %dma_start3A_10 = arith.constant 0 : i32
    %dma_start3A_11 = tpu.memref_slice %arg3[%add3A, %dma_start3A, %dma_start3A_10] : memref<32x80x128xi32, #tpu.memory_space<hbm>> -> memref<1x1x128xi32, #tpu.memory_space<hbm>>
    %dma_start3A_12 = tpu.memref_squeeze %dma_start3A_11 : memref<1x1x128xi32, #tpu.memory_space<hbm>> -> memref<128xi32, #tpu.memory_space<hbm>>
    %dma_start3A_13 = arith.constant 0 : i32
    %dma_start3A_14 = tpu.memref_slice %arg3[%add3A, %dma_start3A, %dma_start3A_13] : memref<32x80x128xi32, #tpu.memory_space<hbm>> -> memref<1x1x128xi32, #tpu.memory_space<hbm>>
    %dma_start3A_15 = tpu.memref_squeeze %dma_start3A_14 : memref<1x1x128xi32, #tpu.memory_space<hbm>> -> memref<128xi32, #tpu.memory_space<hbm>>
    tpu.enqueue_dma source(%dma_start3A_15 : memref<128xi32, #tpu.memory_space<hbm>>) target(%arg10 : memref<128xi32, #tpu.memory_space<vmem>>) target_semaphore(%arg35 : memref<!tpu.dma_semaphore, #tpu.memory_space<semaphore_mem>>)
    %dma_start3A_16 = arith.constant 0 : i32
    %dma_start3A_17 = arith.constant 0 : i32
    %dma_start3A_18 = tpu.memref_slice %arg4[%add3A, %dma_start3A_16, %dma_start3A_17] : memref<32x80x128xi32, #tpu.memory_space<hbm>> -> memref<1x1x128xi32, #tpu.memory_space<hbm>>
    %dma_start3A_19 = tpu.memref_squeeze %dma_start3A_18 : memref<1x1x128xi32, #tpu.memory_space<hbm>> -> memref<128xi32, #tpu.memory_space<hbm>>
    %dma_start3A_20 = arith.constant 0 : i32
    %dma_start3A_21 = tpu.memref_slice %arg4[%add3A, %dma_start3A_16, %dma_start3A_20] : memref<32x80x128xi32, #tpu.memory_space<hbm>> -> memref<1x1x128xi32, #tpu.memory_space<hbm>>
    %dma_start3A_22 = tpu.memref_squeeze %dma_start3A_21 : memref<1x1x128xi32, #tpu.memory_space<hbm>> -> memref<128xi32, #tpu.memory_space<hbm>>
    tpu.enqueue_dma source(%dma_start3A_22 : memref<128xi32, #tpu.memory_space<hbm>>) target(%arg18 : memref<128xi32, #tpu.memory_space<vmem>>) target_semaphore(%arg35 : memref<!tpu.dma_semaphore, #tpu.memory_space<semaphore_mem>>)
    %dma_start3A_23 = arith.constant 1 : i32
    %dma_start3A_24 = arith.constant 0 : i32
    %dma_start3A_25 = tpu.memref_slice %arg3[%add3A, %dma_start3A_23, %dma_start3A_24] : memref<32x80x128xi32, #tpu.memory_space<hbm>> -> memref<1x1x128xi32, #tpu.memory_space<hbm>>
    %dma_start3A_26 = tpu.memref_squeeze %dma_start3A_25 : memref<1x1x128xi32, #tpu.memory_space<hbm>> -> memref<128xi32, #tpu.memory_space<hbm>>
    %dma_start3A_27 = arith.constant 0 : i32
    %dma_start3A_28 = tpu.memref_slice %arg3[%add3A, %dma_start3A_23, %dma_start3A_27] : memref<32x80x128xi32, #tpu.memory_space<hbm>> -> memref<1x1x128xi32, #tpu.memory_space<hbm>>
    %dma_start3A_29 = tpu.memref_squeeze %dma_start3A_28 : memref<1x1x128xi32, #tpu.memory_space<hbm>> -> memref<128xi32, #tpu.memory_space<hbm>>
    tpu.enqueue_dma source(%dma_start3A_29 : memref<128xi32, #tpu.memory_space<hbm>>) target(%arg11 : memref<128xi32, #tpu.memory_space<vmem>>) target_semaphore(%arg36 : memref<!tpu.dma_semaphore, #tpu.memory_space<semaphore_mem>>)
    %dma_start3A_30 = arith.constant 1 : i32
    %dma_start3A_31 = arith.constant 0 : i32
    %dma_start3A_32 = tpu.memref_slice %arg4[%add3A, %dma_start3A_30, %dma_start3A_31] : memref<32x80x128xi32, #tpu.memory_space<hbm>> -> memref<1x1x128xi32, #tpu.memory_space<hbm>>
    %dma_start3A_33 = tpu.memref_squeeze %dma_start3A_32 : memref<1x1x128xi32, #tpu.memory_space<hbm>> -> memref<128xi32, #tpu.memory_space<hbm>>
    %dma_start3A_34 = arith.constant 0 : i32
    %dma_start3A_35 = tpu.memref_slice %arg4[%add3A, %dma_start3A_30, %dma_start3A_34] : memref<32x80x128xi32, #tpu.memory_space<hbm>> -> memref<1x1x128xi32, #tpu.memory_space<hbm>>
    %dma_start3A_36 = tpu.memref_squeeze %dma_start3A_35 : memref<1x1x128xi32, #tpu.memory_space<hbm>> -> memref<128xi32, #tpu.memory_space<hbm>>
    tpu.enqueue_dma source(%dma_start3A_36 : memref<128xi32, #tpu.memory_space<hbm>>) target(%arg19 : memref<128xi32, #tpu.memory_space<vmem>>) target_semaphore(%arg36 : memref<!tpu.dma_semaphore, #tpu.memory_space<semaphore_mem>>)
    %dma_start3A_37 = arith.constant 2 : i32
    %dma_start3A_38 = arith.constant 0 : i32
    %dma_start3A_39 = tpu.memref_slice %arg3[%add3A, %dma_start3A_37, %dma_start3A_38] : memref<32x80x128xi32, #tpu.memory_space<hbm>> -> memref<1x1x128xi32, #tpu.memory_space<hbm>>
    %dma_start3A_40 = tpu.memref_squeeze %dma_start3A_39 : memref<1x1x128xi32, #tpu.memory_space<hbm>> -> memref<128xi32, #tpu.memory_space<hbm>>
    %dma_start3A_41 = arith.constant 0 : i32
    %dma_start3A_42 = tpu.memref_slice %arg3[%add3A, %dma_start3A_37, %dma_start3A_41] : memref<32x80x128xi32, #tpu.memory_space<hbm>> -> memref<1x1x128xi32, #tpu.memory_space<hbm>>
    %dma_start3A_43 = tpu.memref_squeeze %dma_start3A_42 : memref<1x1x128xi32, #tpu.memory_space<hbm>> -> memref<128xi32, #tpu.memory_space<hbm>>
    tpu.enqueue_dma source(%dma_start3A_43 : memref<128xi32, #tpu.memory_space<hbm>>) target(%arg12 : memref<128xi32, #tpu.memory_space<vmem>>) target_semaphore(%arg37 : memref<!tpu.dma_semaphore, #tpu.memory_space<semaphore_mem>>)
    %dma_start3A_44 = arith.constant 2 : i32
    %dma_start3A_45 = arith.constant 0 : i32
    %dma_start3A_46 = tpu.memref_slice %arg4[%add3A, %dma_start3A_44, %dma_start3A_45] : memref<32x80x128xi32, #tpu.memory_space<hbm>> -> memref<1x1x128xi32, #tpu.memory_space<hbm>>
    %dma_start3A_47 = tpu.memref_squeeze %dma_start3A_46 : memref<1x1x128xi32, #tpu.memory_space<hbm>> -> memref<128xi32, #tpu.memory_space<hbm>>
    %dma_start3A_48 = arith.constant 0 : i32
    %dma_start3A_49 = tpu.memref_slice %arg4[%add3A, %dma_start3A_44, %dma_start3A_48] : memref<32x80x128xi32, #tpu.memory_space<hbm>> -> memref<1x1x128xi32, #tpu.memory_space<hbm>>
    %dma_start3A_50 = tpu.memref_squeeze %dma_start3A_49 : memref<1x1x128xi32, #tpu.memory_space<hbm>> -> memref<128xi32, #tpu.memory_space<hbm>>
    tpu.enqueue_dma source(%dma_start3A_50 : memref<128xi32, #tpu.memory_space<hbm>>) target(%arg20 : memref<128xi32, #tpu.memory_space<vmem>>) target_semaphore(%arg37 : memref<!tpu.dma_semaphore, #tpu.memory_space<semaphore_mem>>)
    %dma_start3A_51 = arith.constant 3 : i32
    %dma_start3A_52 = arith.constant 0 : i32
    %dma_start3A_53 = tpu.memref_slice %arg3[%add3A, %dma_start3A_51, %dma_start3A_52] : memref<32x80x128xi32, #tpu.memory_space<hbm>> -> memref<1x1x128xi32, #tpu.memory_space<hbm>>
    %dma_start3A_54 = tpu.memref_squeeze %dma_start3A_53 : memref<1x1x128xi32, #tpu.memory_space<hbm>> -> memref<128xi32, #tpu.memory_space<hbm>>
    %dma_start3A_55 = arith.constant 0 : i32
    %dma_start3A_56 = tpu.memref_slice %arg3[%add3A, %dma_start3A_51, %dma_start3A_55] : memref<32x80x128xi32, #tpu.memory_space<hbm>> -> memref<1x1x128xi32, #tpu.memory_space<hbm>>
    %dma_start3A_57 = tpu.memref_squeeze %dma_start3A_56 : memref<1x1x128xi32, #tpu.memory_space<hbm>> -> memref<128xi32, #tpu.memory_space<hbm>>
    tpu.enqueue_dma source(%dma_start3A_57 : memref<128xi32, #tpu.memory_space<hbm>>) target(%arg13 : memref<128xi32, #tpu.memory_space<vmem>>) target_semaphore(%arg38 : memref<!tpu.dma_semaphore, #tpu.memory_space<semaphore_mem>>)
    %dma_start3A_58 = arith.constant 3 : i32
    %dma_start3A_59 = arith.constant 0 : i32
    %dma_start3A_60 = tpu.memref_slice %arg4[%add3A, %dma_start3A_58, %dma_start3A_59] : memref<32x80x128xi32, #tpu.memory_space<hbm>> -> memref<1x1x128xi32, #tpu.memory_space<hbm>>
    %dma_start3A_61 = tpu.memref_squeeze %dma_start3A_60 : memref<1x1x128xi32, #tpu.memory_space<hbm>> -> memref<128xi32, #tpu.memory_space<hbm>>
    %dma_start3A_62 = arith.constant 0 : i32
    %dma_start3A_63 = tpu.memref_slice %arg4[%add3A, %dma_start3A_58, %dma_start3A_62] : memref<32x80x128xi32, #tpu.memory_space<hbm>> -> memref<1x1x128xi32, #tpu.memory_space<hbm>>
    %dma_start3A_64 = tpu.memref_squeeze %dma_start3A_63 : memref<1x1x128xi32, #tpu.memory_space<hbm>> -> memref<128xi32, #tpu.memory_space<hbm>>
    tpu.enqueue_dma source(%dma_start3A_64 : memref<128xi32, #tpu.memory_space<hbm>>) target(%arg21 : memref<128xi32, #tpu.memory_space<vmem>>) target_semaphore(%arg38 : memref<!tpu.dma_semaphore, #tpu.memory_space<semaphore_mem>>)
    %dma_start3A_65 = arith.constant 4 : i32
    %dma_start3A_66 = arith.constant 0 : i32
    %dma_start3A_67 = tpu.memref_slice %arg3[%add3A, %dma_start3A_65, %dma_start3A_66] : memref<32x80x128xi32, #tpu.memory_space<hbm>> -> memref<1x1x128xi32, #tpu.memory_space<hbm>>
    %dma_start3A_68 = tpu.memref_squeeze %dma_start3A_67 : memref<1x1x128xi32, #tpu.memory_space<hbm>> -> memref<128xi32, #tpu.memory_space<hbm>>
    %dma_start3A_69 = arith.constant 0 : i32
    %dma_start3A_70 = tpu.memref_slice %arg3[%add3A, %dma_start3A_65, %dma_start3A_69] : memref<32x80x128xi32, #tpu.memory_space<hbm>> -> memref<1x1x128xi32, #tpu.memory_space<hbm>>
    %dma_start3A_71 = tpu.memref_squeeze %dma_start3A_70 : memref<1x1x128xi32, #tpu.memory_space<hbm>> -> memref<128xi32, #tpu.memory_space<hbm>>
    tpu.enqueue_dma source(%dma_start3A_71 : memref<128xi32, #tpu.memory_space<hbm>>) target(%arg14 : memref<128xi32, #tpu.memory_space<vmem>>) target_semaphore(%arg39 : memref<!tpu.dma_semaphore, #tpu.memory_space<semaphore_mem>>)
    %dma_start3A_72 = arith.constant 4 : i32
    %dma_start3A_73 = arith.constant 0 : i32
    %dma_start3A_74 = tpu.memref_slice %arg4[%add3A, %dma_start3A_72, %dma_start3A_73] : memref<32x80x128xi32, #tpu.memory_space<hbm>> -> memref<1x1x128xi32, #tpu.memory_space<hbm>>
    %dma_start3A_75 = tpu.memref_squeeze %dma_start3A_74 : memref<1x1x128xi32, #tpu.memory_space<hbm>> -> memref<128xi32, #tpu.memory_space<hbm>>
    %dma_start3A_76 = arith.constant 0 : i32
    %dma_start3A_77 = tpu.memref_slice %arg4[%add3A, %dma_start3A_72, %dma_start3A_76] : memref<32x80x128xi32, #tpu.memory_space<hbm>> -> memref<1x1x128xi32, #tpu.memory_space<hbm>>
    %dma_start3A_78 = tpu.memref_squeeze %dma_start3A_77 : memref<1x1x128xi32, #tpu.memory_space<hbm>> -> memref<128xi32, #tpu.memory_space<hbm>>
    tpu.enqueue_dma source(%dma_start3A_78 : memref<128xi32, #tpu.memory_space<hbm>>) target(%arg22 : memref<128xi32, #tpu.memory_space<vmem>>) target_semaphore(%arg39 : memref<!tpu.dma_semaphore, #tpu.memory_space<semaphore_mem>>)
    %dma_start3A_79 = arith.constant 5 : i32
    %dma_start3A_80 = arith.constant 0 : i32
    %dma_start3A_81 = tpu.memref_slice %arg3[%add3A, %dma_start3A_79, %dma_start3A_80] : memref<32x80x128xi32, #tpu.memory_space<hbm>> -> memref<1x1x128xi32, #tpu.memory_space<hbm>>
    %dma_start3A_82 = tpu.memref_squeeze %dma_start3A_81 : memref<1x1x128xi32, #tpu.memory_space<hbm>> -> memref<128xi32, #tpu.memory_space<hbm>>
    %dma_start3A_83 = arith.constant 0 : i32
    %dma_start3A_84 = tpu.memref_slice %arg3[%add3A, %dma_start3A_79, %dma_start3A_83] : memref<32x80x128xi32, #tpu.memory_space<hbm>> -> memref<1x1x128xi32, #tpu.memory_space<hbm>>
    %dma_start3A_85 = tpu.memref_squeeze %dma_start3A_84 : memref<1x1x128xi32, #tpu.memory_space<hbm>> -> memref<128xi32, #tpu.memory_space<hbm>>
    tpu.enqueue_dma source(%dma_start3A_85 : memref<128xi32, #tpu.memory_space<hbm>>) target(%arg15 : memref<128xi32, #tpu.memory_space<vmem>>) target_semaphore(%arg40 : memref<!tpu.dma_semaphore, #tpu.memory_space<semaphore_mem>>)
    %dma_start3A_86 = arith.constant 5 : i32
    %dma_start3A_87 = arith.constant 0 : i32
    %dma_start3A_88 = tpu.memref_slice %arg4[%add3A, %dma_start3A_86, %dma_start3A_87] : memref<32x80x128xi32, #tpu.memory_space<hbm>> -> memref<1x1x128xi32, #tpu.memory_space<hbm>>
    %dma_start3A_89 = tpu.memref_squeeze %dma_start3A_88 : memref<1x1x128xi32, #tpu.memory_space<hbm>> -> memref<128xi32, #tpu.memory_space<hbm>>
    %dma_start3A_90 = arith.constant 0 : i32
    %dma_start3A_91 = tpu.memref_slice %arg4[%add3A, %dma_start3A_86, %dma_start3A_90] : memref<32x80x128xi32, #tpu.memory_space<hbm>> -> memref<1x1x128xi32, #tpu.memory_space<hbm>>
    %dma_start3A_92 = tpu.memref_squeeze %dma_start3A_91 : memref<1x1x128xi32, #tpu.memory_space<hbm>> -> memref<128xi32, #tpu.memory_space<hbm>>
    tpu.enqueue_dma source(%dma_start3A_92 : memref<128xi32, #tpu.memory_space<hbm>>) target(%arg23 : memref<128xi32, #tpu.memory_space<vmem>>) target_semaphore(%arg40 : memref<!tpu.dma_semaphore, #tpu.memory_space<semaphore_mem>>)
    %dma_start3A_93 = arith.constant 6 : i32
    %dma_start3A_94 = arith.constant 0 : i32
    %dma_start3A_95 = tpu.memref_slice %arg3[%add3A, %dma_start3A_93, %dma_start3A_94] : memref<32x80x128xi32, #tpu.memory_space<hbm>> -> memref<1x1x128xi32, #tpu.memory_space<hbm>>
    %dma_start3A_96 = tpu.memref_squeeze %dma_start3A_95 : memref<1x1x128xi32, #tpu.memory_space<hbm>> -> memref<128xi32, #tpu.memory_space<hbm>>
    %dma_start3A_97 = arith.constant 0 : i32
    %dma_start3A_98 = tpu.memref_slice %arg3[%add3A, %dma_start3A_93, %dma_start3A_97] : memref<32x80x128xi32, #tpu.memory_space<hbm>> -> memref<1x1x128xi32, #tpu.memory_space<hbm>>
    %dma_start3A_99 = tpu.memref_squeeze %dma_start3A_98 : memref<1x1x128xi32, #tpu.memory_space<hbm>> -> memref<128xi32, #tpu.memory_space<hbm>>
    tpu.enqueue_dma source(%dma_start3A_99 : memref<128xi32, #tpu.memory_space<hbm>>) target(%arg16 : memref<128xi32, #tpu.memory_space<vmem>>) target_semaphore(%arg41 : memref<!tpu.dma_semaphore, #tpu.memory_space<semaphore_mem>>)
    %dma_start3A_100 = arith.constant 6 : i32
    %dma_start3A_101 = arith.constant 0 : i32
    %dma_start3A_102 = tpu.memref_slice %arg4[%add3A, %dma_start3A_100, %dma_start3A_101] : memref<32x80x128xi32, #tpu.memory_space<hbm>> -> memref<1x1x128xi32, #tpu.memory_space<hbm>>
    %dma_start3A_103 = tpu.memref_squeeze %dma_start3A_102 : memref<1x1x128xi32, #tpu.memory_space<hbm>> -> memref<128xi32, #tpu.memory_space<hbm>>
    %dma_start3A_104 = arith.constant 0 : i32
    %dma_start3A_105 = tpu.memref_slice %arg4[%add3A, %dma_start3A_100, %dma_start3A_104] : memref<32x80x128xi32, #tpu.memory_space<hbm>> -> memref<1x1x128xi32, #tpu.memory_space<hbm>>
    %dma_start3A_106 = tpu.memref_squeeze %dma_start3A_105 : memref<1x1x128xi32, #tpu.memory_space<hbm>> -> memref<128xi32, #tpu.memory_space<hbm>>
    tpu.enqueue_dma source(%dma_start3A_106 : memref<128xi32, #tpu.memory_space<hbm>>) target(%arg24 : memref<128xi32, #tpu.memory_space<vmem>>) target_semaphore(%arg41 : memref<!tpu.dma_semaphore, #tpu.memory_space<semaphore_mem>>)
    %dma_start3A_107 = arith.constant 7 : i32
    %dma_start3A_108 = arith.constant 0 : i32
    %dma_start3A_109 = tpu.memref_slice %arg3[%add3A, %dma_start3A_107, %dma_start3A_108] : memref<32x80x128xi32, #tpu.memory_space<hbm>> -> memref<1x1x128xi32, #tpu.memory_space<hbm>>
    %dma_start3A_110 = tpu.memref_squeeze %dma_start3A_109 : memref<1x1x128xi32, #tpu.memory_space<hbm>> -> memref<128xi32, #tpu.memory_space<hbm>>
    %dma_start3A_111 = arith.constant 0 : i32
    %dma_start3A_112 = tpu.memref_slice %arg3[%add3A, %dma_start3A_107, %dma_start3A_111] : memref<32x80x128xi32, #tpu.memory_space<hbm>> -> memref<1x1x128xi32, #tpu.memory_space<hbm>>
    %dma_start3A_113 = tpu.memref_squeeze %dma_start3A_112 : memref<1x1x128xi32, #tpu.memory_space<hbm>> -> memref<128xi32, #tpu.memory_space<hbm>>
    tpu.enqueue_dma source(%dma_start3A_113 : memref<128xi32, #tpu.memory_space<hbm>>) target(%arg17 : memref<128xi32, #tpu.memory_space<vmem>>) target_semaphore(%arg42 : memref<!tpu.dma_semaphore, #tpu.memory_space<semaphore_mem>>)
    %dma_start3A_114 = arith.constant 7 : i32
    %dma_start3A_115 = arith.constant 0 : i32
    %dma_start3A_116 = tpu.memref_slice %arg4[%add3A, %dma_start3A_114, %dma_start3A_115] : memref<32x80x128xi32, #tpu.memory_space<hbm>> -> memref<1x1x128xi32, #tpu.memory_space<hbm>>
    %dma_start3A_117 = tpu.memref_squeeze %dma_start3A_116 : memref<1x1x128xi32, #tpu.memory_space<hbm>> -> memref<128xi32, #tpu.memory_space<hbm>>
    %dma_start3A_118 = arith.constant 0 : i32
    %dma_start3A_119 = tpu.memref_slice %arg4[%add3A, %dma_start3A_114, %dma_start3A_118] : memref<32x80x128xi32, #tpu.memory_space<hbm>> -> memref<1x1x128xi32, #tpu.memory_space<hbm>>
    %dma_start3A_120 = tpu.memref_squeeze %dma_start3A_119 : memref<1x1x128xi32, #tpu.memory_space<hbm>> -> memref<128xi32, #tpu.memory_space<hbm>>
    tpu.enqueue_dma source(%dma_start3A_120 : memref<128xi32, #tpu.memory_space<hbm>>) target(%arg25 : memref<128xi32, #tpu.memory_space<vmem>>) target_semaphore(%arg42 : memref<!tpu.dma_semaphore, #tpu.memory_space<semaphore_mem>>)
    %dma_wait3A = arith.constant 0 : i32
    %dma_wait3A_121 = arith.constant 0 : i32
    %dma_wait3A_122 = tpu.memref_slice %arg3[%add3A, %dma_wait3A, %dma_wait3A_121] : memref<32x80x128xi32, #tpu.memory_space<hbm>> -> memref<1x1x128xi32, #tpu.memory_space<hbm>>
    %dma_wait3A_123 = tpu.memref_squeeze %dma_wait3A_122 : memref<1x1x128xi32, #tpu.memory_space<hbm>> -> memref<128xi32, #tpu.memory_space<hbm>>
    %dma_wait3A_124 = arith.constant 0 : i32
    %dma_wait3A_125 = tpu.memref_slice %arg3[%add3A, %dma_wait3A, %dma_wait3A_124] : memref<32x80x128xi32, #tpu.memory_space<hbm>> -> memref<1x1x128xi32, #tpu.memory_space<hbm>>
    %dma_wait3A_126 = tpu.memref_squeeze %dma_wait3A_125 : memref<1x1x128xi32, #tpu.memory_space<hbm>> -> memref<128xi32, #tpu.memory_space<hbm>>
    tpu.wait_dma2 semaphore(%arg35 : memref<!tpu.dma_semaphore, #tpu.memory_space<semaphore_mem>>) src(%dma_wait3A_126 : memref<128xi32, #tpu.memory_space<hbm>>) dst(%arg10 : memref<128xi32, #tpu.memory_space<vmem>>)
    %dma_wait3A_127 = arith.constant 0 : i32
    %dma_wait3A_128 = arith.constant 0 : i32
    %dma_wait3A_129 = tpu.memref_slice %arg4[%add3A, %dma_wait3A_127, %dma_wait3A_128] : memref<32x80x128xi32, #tpu.memory_space<hbm>> -> memref<1x1x128xi32, #tpu.memory_space<hbm>>
    %dma_wait3A_130 = tpu.memref_squeeze %dma_wait3A_129 : memref<1x1x128xi32, #tpu.memory_space<hbm>> -> memref<128xi32, #tpu.memory_space<hbm>>
    %dma_wait3A_131 = arith.constant 0 : i32
    %dma_wait3A_132 = tpu.memref_slice %arg4[%add3A, %dma_wait3A_127, %dma_wait3A_131] : memref<32x80x128xi32, #tpu.memory_space<hbm>> -> memref<1x1x128xi32, #tpu.memory_space<hbm>>
    %dma_wait3A_133 = tpu.memref_squeeze %dma_wait3A_132 : memref<1x1x128xi32, #tpu.memory_space<hbm>> -> memref<128xi32, #tpu.memory_space<hbm>>
    tpu.wait_dma2 semaphore(%arg35 : memref<!tpu.dma_semaphore, #tpu.memory_space<semaphore_mem>>) src(%dma_wait3A_133 : memref<128xi32, #tpu.memory_space<hbm>>) dst(%arg18 : memref<128xi32, #tpu.memory_space<vmem>>)
    %dma_start3A_134 = arith.constant 0 : i32
    %dma_start3A_135 = arith.constant 0 : i32
    %dma_start3A_136 = tpu.memref_slice %arg2[%dma_start3A_134, %dma_start3A_135] : memref<10240x16xf32, #tpu.memory_space<hbm>> -> memref<10240x16xf32, #tpu.memory_space<hbm>>
    tpu.enqueue_indirect_dma source(%dma_start3A_136 : memref<10240x16xf32, #tpu.memory_space<hbm>>) target(%arg6 : memref<128x16xf32, #tpu.memory_space<vmem>>) offsets(%arg10 : memref<128xi32, #tpu.memory_space<vmem>>) semaphore(%arg27 : memref<!tpu.dma_semaphore, #tpu.memory_space<semaphore_mem>>)
    %dma_wait3A_137 = arith.constant 1 : i32
    %dma_wait3A_138 = arith.constant 0 : i32
    %dma_wait3A_139 = tpu.memref_slice %arg3[%add3A, %dma_wait3A_137, %dma_wait3A_138] : memref<32x80x128xi32, #tpu.memory_space<hbm>> -> memref<1x1x128xi32, #tpu.memory_space<hbm>>
    %dma_wait3A_140 = tpu.memref_squeeze %dma_wait3A_139 : memref<1x1x128xi32, #tpu.memory_space<hbm>> -> memref<128xi32, #tpu.memory_space<hbm>>
    %dma_wait3A_141 = arith.constant 0 : i32
    %dma_wait3A_142 = tpu.memref_slice %arg3[%add3A, %dma_wait3A_137, %dma_wait3A_141] : memref<32x80x128xi32, #tpu.memory_space<hbm>> -> memref<1x1x128xi32, #tpu.memory_space<hbm>>
    %dma_wait3A_143 = tpu.memref_squeeze %dma_wait3A_142 : memref<1x1x128xi32, #tpu.memory_space<hbm>> -> memref<128xi32, #tpu.memory_space<hbm>>
    tpu.wait_dma2 semaphore(%arg36 : memref<!tpu.dma_semaphore, #tpu.memory_space<semaphore_mem>>) src(%dma_wait3A_143 : memref<128xi32, #tpu.memory_space<hbm>>) dst(%arg11 : memref<128xi32, #tpu.memory_space<vmem>>)
    %dma_wait3A_144 = arith.constant 1 : i32
    %dma_wait3A_145 = arith.constant 0 : i32
    %dma_wait3A_146 = tpu.memref_slice %arg4[%add3A, %dma_wait3A_144, %dma_wait3A_145] : memref<32x80x128xi32, #tpu.memory_space<hbm>> -> memref<1x1x128xi32, #tpu.memory_space<hbm>>
    %dma_wait3A_147 = tpu.memref_squeeze %dma_wait3A_146 : memref<1x1x128xi32, #tpu.memory_space<hbm>> -> memref<128xi32, #tpu.memory_space<hbm>>
    %dma_wait3A_148 = arith.constant 0 : i32
    %dma_wait3A_149 = tpu.memref_slice %arg4[%add3A, %dma_wait3A_144, %dma_wait3A_148] : memref<32x80x128xi32, #tpu.memory_space<hbm>> -> memref<1x1x128xi32, #tpu.memory_space<hbm>>
    %dma_wait3A_150 = tpu.memref_squeeze %dma_wait3A_149 : memref<1x1x128xi32, #tpu.memory_space<hbm>> -> memref<128xi32, #tpu.memory_space<hbm>>
    tpu.wait_dma2 semaphore(%arg36 : memref<!tpu.dma_semaphore, #tpu.memory_space<semaphore_mem>>) src(%dma_wait3A_150 : memref<128xi32, #tpu.memory_space<hbm>>) dst(%arg19 : memref<128xi32, #tpu.memory_space<vmem>>)
    %dma_start3A_151 = arith.constant 0 : i32
    %dma_start3A_152 = arith.constant 0 : i32
    %dma_start3A_153 = tpu.memref_slice %arg2[%dma_start3A_151, %dma_start3A_152] : memref<10240x16xf32, #tpu.memory_space<hbm>> -> memref<10240x16xf32, #tpu.memory_space<hbm>>
    tpu.enqueue_indirect_dma source(%dma_start3A_153 : memref<10240x16xf32, #tpu.memory_space<hbm>>) target(%arg7 : memref<128x16xf32, #tpu.memory_space<vmem>>) offsets(%arg11 : memref<128xi32, #tpu.memory_space<vmem>>) semaphore(%arg28 : memref<!tpu.dma_semaphore, #tpu.memory_space<semaphore_mem>>)
    %dma_wait3A_154 = arith.constant 2 : i32
    %dma_wait3A_155 = arith.constant 0 : i32
    %dma_wait3A_156 = tpu.memref_slice %arg3[%add3A, %dma_wait3A_154, %dma_wait3A_155] : memref<32x80x128xi32, #tpu.memory_space<hbm>> -> memref<1x1x128xi32, #tpu.memory_space<hbm>>
    %dma_wait3A_157 = tpu.memref_squeeze %dma_wait3A_156 : memref<1x1x128xi32, #tpu.memory_space<hbm>> -> memref<128xi32, #tpu.memory_space<hbm>>
    %dma_wait3A_158 = arith.constant 0 : i32
    %dma_wait3A_159 = tpu.memref_slice %arg3[%add3A, %dma_wait3A_154, %dma_wait3A_158] : memref<32x80x128xi32, #tpu.memory_space<hbm>> -> memref<1x1x128xi32, #tpu.memory_space<hbm>>
    %dma_wait3A_160 = tpu.memref_squeeze %dma_wait3A_159 : memref<1x1x128xi32, #tpu.memory_space<hbm>> -> memref<128xi32, #tpu.memory_space<hbm>>
    tpu.wait_dma2 semaphore(%arg37 : memref<!tpu.dma_semaphore, #tpu.memory_space<semaphore_mem>>) src(%dma_wait3A_160 : memref<128xi32, #tpu.memory_space<hbm>>) dst(%arg12 : memref<128xi32, #tpu.memory_space<vmem>>)
    %dma_wait3A_161 = arith.constant 2 : i32
    %dma_wait3A_162 = arith.constant 0 : i32
    %dma_wait3A_163 = tpu.memref_slice %arg4[%add3A, %dma_wait3A_161, %dma_wait3A_162] : memref<32x80x128xi32, #tpu.memory_space<hbm>> -> memref<1x1x128xi32, #tpu.memory_space<hbm>>
    %dma_wait3A_164 = tpu.memref_squeeze %dma_wait3A_163 : memref<1x1x128xi32, #tpu.memory_space<hbm>> -> memref<128xi32, #tpu.memory_space<hbm>>
    %dma_wait3A_165 = arith.constant 0 : i32
    %dma_wait3A_166 = tpu.memref_slice %arg4[%add3A, %dma_wait3A_161, %dma_wait3A_165] : memref<32x80x128xi32, #tpu.memory_space<hbm>> -> memref<1x1x128xi32, #tpu.memory_space<hbm>>
    %dma_wait3A_167 = tpu.memref_squeeze %dma_wait3A_166 : memref<1x1x128xi32, #tpu.memory_space<hbm>> -> memref<128xi32, #tpu.memory_space<hbm>>
    tpu.wait_dma2 semaphore(%arg37 : memref<!tpu.dma_semaphore, #tpu.memory_space<semaphore_mem>>) src(%dma_wait3A_167 : memref<128xi32, #tpu.memory_space<hbm>>) dst(%arg20 : memref<128xi32, #tpu.memory_space<vmem>>)
    %dma_start3A_168 = arith.constant 0 : i32
    %dma_start3A_169 = arith.constant 0 : i32
    %dma_start3A_170 = tpu.memref_slice %arg2[%dma_start3A_168, %dma_start3A_169] : memref<10240x16xf32, #tpu.memory_space<hbm>> -> memref<10240x16xf32, #tpu.memory_space<hbm>>
    tpu.enqueue_indirect_dma source(%dma_start3A_170 : memref<10240x16xf32, #tpu.memory_space<hbm>>) target(%arg8 : memref<128x16xf32, #tpu.memory_space<vmem>>) offsets(%arg12 : memref<128xi32, #tpu.memory_space<vmem>>) semaphore(%arg29 : memref<!tpu.dma_semaphore, #tpu.memory_space<semaphore_mem>>)
    %dma_wait3A_171 = arith.constant 3 : i32
    %dma_wait3A_172 = arith.constant 0 : i32
    %dma_wait3A_173 = tpu.memref_slice %arg3[%add3A, %dma_wait3A_171, %dma_wait3A_172] : memref<32x80x128xi32, #tpu.memory_space<hbm>> -> memref<1x1x128xi32, #tpu.memory_space<hbm>>
    %dma_wait3A_174 = tpu.memref_squeeze %dma_wait3A_173 : memref<1x1x128xi32, #tpu.memory_space<hbm>> -> memref<128xi32, #tpu.memory_space<hbm>>
    %dma_wait3A_175 = arith.constant 0 : i32
    %dma_wait3A_176 = tpu.memref_slice %arg3[%add3A, %dma_wait3A_171, %dma_wait3A_175] : memref<32x80x128xi32, #tpu.memory_space<hbm>> -> memref<1x1x128xi32, #tpu.memory_space<hbm>>
    %dma_wait3A_177 = tpu.memref_squeeze %dma_wait3A_176 : memref<1x1x128xi32, #tpu.memory_space<hbm>> -> memref<128xi32, #tpu.memory_space<hbm>>
    tpu.wait_dma2 semaphore(%arg38 : memref<!tpu.dma_semaphore, #tpu.memory_space<semaphore_mem>>) src(%dma_wait3A_177 : memref<128xi32, #tpu.memory_space<hbm>>) dst(%arg13 : memref<128xi32, #tpu.memory_space<vmem>>)
    %dma_wait3A_178 = arith.constant 3 : i32
    %dma_wait3A_179 = arith.constant 0 : i32
    %dma_wait3A_180 = tpu.memref_slice %arg4[%add3A, %dma_wait3A_178, %dma_wait3A_179] : memref<32x80x128xi32, #tpu.memory_space<hbm>> -> memref<1x1x128xi32, #tpu.memory_space<hbm>>
    %dma_wait3A_181 = tpu.memref_squeeze %dma_wait3A_180 : memref<1x1x128xi32, #tpu.memory_space<hbm>> -> memref<128xi32, #tpu.memory_space<hbm>>
    %dma_wait3A_182 = arith.constant 0 : i32
    %dma_wait3A_183 = tpu.memref_slice %arg4[%add3A, %dma_wait3A_178, %dma_wait3A_182] : memref<32x80x128xi32, #tpu.memory_space<hbm>> -> memref<1x1x128xi32, #tpu.memory_space<hbm>>
    %dma_wait3A_184 = tpu.memref_squeeze %dma_wait3A_183 : memref<1x1x128xi32, #tpu.memory_space<hbm>> -> memref<128xi32, #tpu.memory_space<hbm>>
    tpu.wait_dma2 semaphore(%arg38 : memref<!tpu.dma_semaphore, #tpu.memory_space<semaphore_mem>>) src(%dma_wait3A_184 : memref<128xi32, #tpu.memory_space<hbm>>) dst(%arg21 : memref<128xi32, #tpu.memory_space<vmem>>)
    %dma_start3A_185 = arith.constant 0 : i32
    %dma_start3A_186 = arith.constant 0 : i32
    %dma_start3A_187 = tpu.memref_slice %arg2[%dma_start3A_185, %dma_start3A_186] : memref<10240x16xf32, #tpu.memory_space<hbm>> -> memref<10240x16xf32, #tpu.memory_space<hbm>>
    tpu.enqueue_indirect_dma source(%dma_start3A_187 : memref<10240x16xf32, #tpu.memory_space<hbm>>) target(%arg9 : memref<128x16xf32, #tpu.memory_space<vmem>>) offsets(%arg13 : memref<128xi32, #tpu.memory_space<vmem>>) semaphore(%arg30 : memref<!tpu.dma_semaphore, #tpu.memory_space<semaphore_mem>>)
    %scan3A_188 = arith.constant 0 : i32
    %scan3A_189 = arith.constant 10 : i32
    %scan3A_190 = arith.addi %scan3A_188, %scan3A_189 : i32
    %scan3A_191 = arith.constant 1 : i32
    scf.for %scan3A_198 = %scan3A_188 to %scan3A_190 step %scan3A_191  : i32 {
      %mul3A_199 = arith.constant 1 : i32
      %mul3A_200 = arith.muli %scan3A_198, %mul3A_199 : i32
      %add3A_201 = arith.constant 0 : i32
      %add3A_202 = arith.addi %add3A_201, %mul3A_200 : i32
      %mul3A_203 = arith.constant 8 : i32
      %mul3A_204 = arith.muli %add3A_202, %mul3A_203 : i32
      %add3A_205 = arith.constant 0 : i32
      %add3A_206 = arith.addi %mul3A_204, %add3A_205 : i32
      %dma_wait3A_207 = arith.constant 0 : i32
      %dma_wait3A_208 = arith.constant 0 : i32
      %dma_wait3A_209 = tpu.memref_slice %arg2[%dma_wait3A_207, %dma_wait3A_208] : memref<10240x16xf32, #tpu.memory_space<hbm>> -> memref<10240x16xf32, #tpu.memory_space<hbm>>
      tpu.wait_indirect_dma semaphore(%arg27 : memref<!tpu.dma_semaphore, #tpu.memory_space<semaphore_mem>>) src(%dma_wait3A_209 : memref<10240x16xf32, #tpu.memory_space<hbm>>) dst(%arg6 : memref<128x16xf32, #tpu.memory_space<vmem>>)
      %dma_start3A_210 = arith.constant 0 : i32
      %dma_start3A_211 = arith.constant 0 : i32
      %dma_start3A_212 = tpu.memref_slice %arg26[%dma_start3A_210, %dma_start3A_211] : memref<10240x16xf32, #tpu.memory_space<vmem_shared>> -> memref<10240x16xf32, #tpu.memory_space<vmem_shared>>
      tpu.enqueue_indirect_dma source(%arg6 : memref<128x16xf32, #tpu.memory_space<vmem>>) target(%dma_start3A_212 : memref<10240x16xf32, #tpu.memory_space<vmem_shared>>) offsets(%arg18 : memref<128xi32, #tpu.memory_space<vmem>>) semaphore(%arg31 : memref<!tpu.dma_semaphore, #tpu.memory_space<semaphore_mem>>) {add = true}
      %dma_wait3A_213 = arith.constant 0 : i32
      %dma_wait3A_214 = arith.constant 0 : i32
      %dma_wait3A_215 = tpu.memref_slice %arg26[%dma_wait3A_213, %dma_wait3A_214] : memref<10240x16xf32, #tpu.memory_space<vmem_shared>> -> memref<10240x16xf32, #tpu.memory_space<vmem_shared>>
      tpu.wait_indirect_dma semaphore(%arg31 : memref<!tpu.dma_semaphore, #tpu.memory_space<semaphore_mem>>) src(%arg6 : memref<128x16xf32, #tpu.memory_space<vmem>>) dst(%dma_wait3A_215 : memref<10240x16xf32, #tpu.memory_space<vmem_shared>>)
      %add3A_216 = arith.constant 8 : i32
      %add3A_217 = arith.addi %add3A_206, %add3A_216 : i32
      %lt3A = arith.constant 80 : i32
      %lt3A_218 = arith.cmpi slt, %add3A_217, %lt3A : i32
      %convert_element_type3A = arith.extui %lt3A_218 : i1 to i32
      %cond3A = arith.constant 0 : i32
      %cond3A_219 = arith.cmpi ne, %convert_element_type3A, %cond3A : i32
      scf.if %cond3A_219 {
        %add3A_402 = arith.constant 8 : i32
        %add3A_403 = arith.addi %add3A_206, %add3A_402 : i32
        %dma_start3A_404 = arith.constant 0 : i32
        %dma_start3A_405 = tpu.memref_slice %arg3[%add3A, %add3A_403, %dma_start3A_404] : memref<32x80x128xi32, #tpu.memory_space<hbm>> -> memref<1x1x128xi32, #tpu.memory_space<hbm>>
        %dma_start3A_406 = tpu.memref_squeeze %dma_start3A_405 : memref<1x1x128xi32, #tpu.memory_space<hbm>> -> memref<128xi32, #tpu.memory_space<hbm>>
        %dma_start3A_407 = arith.constant 0 : i32
        %dma_start3A_408 = tpu.memref_slice %arg3[%add3A, %add3A_403, %dma_start3A_407] : memref<32x80x128xi32, #tpu.memory_space<hbm>> -> memref<1x1x128xi32, #tpu.memory_space<hbm>>
        %dma_start3A_409 = tpu.memref_squeeze %dma_start3A_408 : memref<1x1x128xi32, #tpu.memory_space<hbm>> -> memref<128xi32, #tpu.memory_space<hbm>>
        tpu.enqueue_dma source(%dma_start3A_409 : memref<128xi32, #tpu.memory_space<hbm>>) target(%arg10 : memref<128xi32, #tpu.memory_space<vmem>>) target_semaphore(%arg35 : memref<!tpu.dma_semaphore, #tpu.memory_space<semaphore_mem>>)
        %dma_start3A_410 = arith.constant 0 : i32
        %dma_start3A_411 = tpu.memref_slice %arg4[%add3A, %add3A_403, %dma_start3A_410] : memref<32x80x128xi32, #tpu.memory_space<hbm>> -> memref<1x1x128xi32, #tpu.memory_space<hbm>>
        %dma_start3A_412 = tpu.memref_squeeze %dma_start3A_411 : memref<1x1x128xi32, #tpu.memory_space<hbm>> -> memref<128xi32, #tpu.memory_space<hbm>>
        %dma_start3A_413 = arith.constant 0 : i32
        %dma_start3A_414 = tpu.memref_slice %arg4[%add3A, %add3A_403, %dma_start3A_413] : memref<32x80x128xi32, #tpu.memory_space<hbm>> -> memref<1x1x128xi32, #tpu.memory_space<hbm>>
        %dma_start3A_415 = tpu.memref_squeeze %dma_start3A_414 : memref<1x1x128xi32, #tpu.memory_space<hbm>> -> memref<128xi32, #tpu.memory_space<hbm>>
        tpu.enqueue_dma source(%dma_start3A_415 : memref<128xi32, #tpu.memory_space<hbm>>) target(%arg18 : memref<128xi32, #tpu.memory_space<vmem>>) target_semaphore(%arg35 : memref<!tpu.dma_semaphore, #tpu.memory_space<semaphore_mem>>)
      } else {
      }
      %add3A_220 = arith.constant 4 : i32
      %add3A_221 = arith.addi %add3A_206, %add3A_220 : i32
      %lt3A_222 = arith.constant 80 : i32
      %lt3A_223 = arith.cmpi slt, %add3A_221, %lt3A_222 : i32
      %convert_element_type3A_224 = arith.extui %lt3A_223 : i1 to i32
      %cond3A_225 = arith.constant 0 : i32
      %cond3A_226 = arith.cmpi ne, %convert_element_type3A_224, %cond3A_225 : i32
      scf.if %cond3A_226 {
        %add3A_402 = arith.constant 4 : i32
        %add3A_403 = arith.addi %add3A_206, %add3A_402 : i32
        %dma_wait3A_404 = arith.constant 0 : i32
        %dma_wait3A_405 = tpu.memref_slice %arg3[%add3A, %add3A_403, %dma_wait3A_404] : memref<32x80x128xi32, #tpu.memory_space<hbm>> -> memref<1x1x128xi32, #tpu.memory_space<hbm>>
        %dma_wait3A_406 = tpu.memref_squeeze %dma_wait3A_405 : memref<1x1x128xi32, #tpu.memory_space<hbm>> -> memref<128xi32, #tpu.memory_space<hbm>>
        %dma_wait3A_407 = arith.constant 0 : i32
        %dma_wait3A_408 = tpu.memref_slice %arg3[%add3A, %add3A_403, %dma_wait3A_407] : memref<32x80x128xi32, #tpu.memory_space<hbm>> -> memref<1x1x128xi32, #tpu.memory_space<hbm>>
        %dma_wait3A_409 = tpu.memref_squeeze %dma_wait3A_408 : memref<1x1x128xi32, #tpu.memory_space<hbm>> -> memref<128xi32, #tpu.memory_space<hbm>>
        tpu.wait_dma2 semaphore(%arg39 : memref<!tpu.dma_semaphore, #tpu.memory_space<semaphore_mem>>) src(%dma_wait3A_409 : memref<128xi32, #tpu.memory_space<hbm>>) dst(%arg14 : memref<128xi32, #tpu.memory_space<vmem>>)
        %dma_wait3A_410 = arith.constant 0 : i32
        %dma_wait3A_411 = tpu.memref_slice %arg4[%add3A, %add3A_403, %dma_wait3A_410] : memref<32x80x128xi32, #tpu.memory_space<hbm>> -> memref<1x1x128xi32, #tpu.memory_space<hbm>>
        %dma_wait3A_412 = tpu.memref_squeeze %dma_wait3A_411 : memref<1x1x128xi32, #tpu.memory_space<hbm>> -> memref<128xi32, #tpu.memory_space<hbm>>
        %dma_wait3A_413 = arith.constant 0 : i32
        %dma_wait3A_414 = tpu.memref_slice %arg4[%add3A, %add3A_403, %dma_wait3A_413] : memref<32x80x128xi32, #tpu.memory_space<hbm>> -> memref<1x1x128xi32, #tpu.memory_space<hbm>>
        %dma_wait3A_415 = tpu.memref_squeeze %dma_wait3A_414 : memref<1x1x128xi32, #tpu.memory_space<hbm>> -> memref<128xi32, #tpu.memory_space<hbm>>
        tpu.wait_dma2 semaphore(%arg39 : memref<!tpu.dma_semaphore, #tpu.memory_space<semaphore_mem>>) src(%dma_wait3A_415 : memref<128xi32, #tpu.memory_space<hbm>>) dst(%arg22 : memref<128xi32, #tpu.memory_space<vmem>>)
        %dma_start3A_416 = arith.constant 0 : i32
        %dma_start3A_417 = arith.constant 0 : i32
        %dma_start3A_418 = tpu.memref_slice %arg2[%dma_start3A_416, %dma_start3A_417] : memref<10240x16xf32, #tpu.memory_space<hbm>> -> memref<10240x16xf32, #tpu.memory_space<hbm>>
        tpu.enqueue_indirect_dma source(%dma_start3A_418 : memref<10240x16xf32, #tpu.memory_space<hbm>>) target(%arg6 : memref<128x16xf32, #tpu.memory_space<vmem>>) offsets(%arg14 : memref<128xi32, #tpu.memory_space<vmem>>) semaphore(%arg27 : memref<!tpu.dma_semaphore, #tpu.memory_space<semaphore_mem>>)
      } else {
      }
      %add3A_227 = arith.constant 1 : i32
      %add3A_228 = arith.addi %mul3A_204, %add3A_227 : i32
      %dma_wait3A_229 = arith.constant 0 : i32
      %dma_wait3A_230 = arith.constant 0 : i32
      %dma_wait3A_231 = tpu.memref_slice %arg2[%dma_wait3A_229, %dma_wait3A_230] : memref<10240x16xf32, #tpu.memory_space<hbm>> -> memref<10240x16xf32, #tpu.memory_space<hbm>>
      tpu.wait_indirect_dma semaphore(%arg28 : memref<!tpu.dma_semaphore, #tpu.memory_space<semaphore_mem>>) src(%dma_wait3A_231 : memref<10240x16xf32, #tpu.memory_space<hbm>>) dst(%arg7 : memref<128x16xf32, #tpu.memory_space<vmem>>)
      %dma_start3A_232 = arith.constant 0 : i32
      %dma_start3A_233 = arith.constant 0 : i32
      %dma_start3A_234 = tpu.memref_slice %arg26[%dma_start3A_232, %dma_start3A_233] : memref<10240x16xf32, #tpu.memory_space<vmem_shared>> -> memref<10240x16xf32, #tpu.memory_space<vmem_shared>>
      tpu.enqueue_indirect_dma source(%arg7 : memref<128x16xf32, #tpu.memory_space<vmem>>) target(%dma_start3A_234 : memref<10240x16xf32, #tpu.memory_space<vmem_shared>>) offsets(%arg19 : memref<128xi32, #tpu.memory_space<vmem>>) semaphore(%arg32 : memref<!tpu.dma_semaphore, #tpu.memory_space<semaphore_mem>>) {add = true}
      %dma_wait3A_235 = arith.constant 0 : i32
      %dma_wait3A_236 = arith.constant 0 : i32
      %dma_wait3A_237 = tpu.memref_slice %arg26[%dma_wait3A_235, %dma_wait3A_236] : memref<10240x16xf32, #tpu.memory_space<vmem_shared>> -> memref<10240x16xf32, #tpu.memory_space<vmem_shared>>
      tpu.wait_indirect_dma semaphore(%arg32 : memref<!tpu.dma_semaphore, #tpu.memory_space<semaphore_mem>>) src(%arg7 : memref<128x16xf32, #tpu.memory_space<vmem>>) dst(%dma_wait3A_237 : memref<10240x16xf32, #tpu.memory_space<vmem_shared>>)
      %add3A_238 = arith.constant 8 : i32
      %add3A_239 = arith.addi %add3A_228, %add3A_238 : i32
      %lt3A_240 = arith.constant 80 : i32
      %lt3A_241 = arith.cmpi slt, %add3A_239, %lt3A_240 : i32
      %convert_element_type3A_242 = arith.extui %lt3A_241 : i1 to i32
      %cond3A_243 = arith.constant 0 : i32
      %cond3A_244 = arith.cmpi ne, %convert_element_type3A_242, %cond3A_243 : i32
      scf.if %cond3A_244 {
        %add3A_402 = arith.constant 8 : i32
        %add3A_403 = arith.addi %add3A_228, %add3A_402 : i32
        %dma_start3A_404 = arith.constant 0 : i32
        %dma_start3A_405 = tpu.memref_slice %arg3[%add3A, %add3A_403, %dma_start3A_404] : memref<32x80x128xi32, #tpu.memory_space<hbm>> -> memref<1x1x128xi32, #tpu.memory_space<hbm>>
        %dma_start3A_406 = tpu.memref_squeeze %dma_start3A_405 : memref<1x1x128xi32, #tpu.memory_space<hbm>> -> memref<128xi32, #tpu.memory_space<hbm>>
        %dma_start3A_407 = arith.constant 0 : i32
        %dma_start3A_408 = tpu.memref_slice %arg3[%add3A, %add3A_403, %dma_start3A_407] : memref<32x80x128xi32, #tpu.memory_space<hbm>> -> memref<1x1x128xi32, #tpu.memory_space<hbm>>
        %dma_start3A_409 = tpu.memref_squeeze %dma_start3A_408 : memref<1x1x128xi32, #tpu.memory_space<hbm>> -> memref<128xi32, #tpu.memory_space<hbm>>
        tpu.enqueue_dma source(%dma_start3A_409 : memref<128xi32, #tpu.memory_space<hbm>>) target(%arg11 : memref<128xi32, #tpu.memory_space<vmem>>) target_semaphore(%arg36 : memref<!tpu.dma_semaphore, #tpu.memory_space<semaphore_mem>>)
        %dma_start3A_410 = arith.constant 0 : i32
        %dma_start3A_411 = tpu.memref_slice %arg4[%add3A, %add3A_403, %dma_start3A_410] : memref<32x80x128xi32, #tpu.memory_space<hbm>> -> memref<1x1x128xi32, #tpu.memory_space<hbm>>
        %dma_start3A_412 = tpu.memref_squeeze %dma_start3A_411 : memref<1x1x128xi32, #tpu.memory_space<hbm>> -> memref<128xi32, #tpu.memory_space<hbm>>
        %dma_start3A_413 = arith.constant 0 : i32
        %dma_start3A_414 = tpu.memref_slice %arg4[%add3A, %add3A_403, %dma_start3A_413] : memref<32x80x128xi32, #tpu.memory_space<hbm>> -> memref<1x1x128xi32, #tpu.memory_space<hbm>>
        %dma_start3A_415 = tpu.memref_squeeze %dma_start3A_414 : memref<1x1x128xi32, #tpu.memory_space<hbm>> -> memref<128xi32, #tpu.memory_space<hbm>>
        tpu.enqueue_dma source(%dma_start3A_415 : memref<128xi32, #tpu.memory_space<hbm>>) target(%arg19 : memref<128xi32, #tpu.memory_space<vmem>>) target_semaphore(%arg36 : memref<!tpu.dma_semaphore, #tpu.memory_space<semaphore_mem>>)
      } else {
      }
      %add3A_245 = arith.constant 4 : i32
      %add3A_246 = arith.addi %add3A_228, %add3A_245 : i32
      %lt3A_247 = arith.constant 80 : i32
      %lt3A_248 = arith.cmpi slt, %add3A_246, %lt3A_247 : i32
      %convert_element_type3A_249 = arith.extui %lt3A_248 : i1 to i32
      %cond3A_250 = arith.constant 0 : i32
      %cond3A_251 = arith.cmpi ne, %convert_element_type3A_249, %cond3A_250 : i32
      scf.if %cond3A_251 {
        %add3A_402 = arith.constant 4 : i32
        %add3A_403 = arith.addi %add3A_228, %add3A_402 : i32
        %dma_wait3A_404 = arith.constant 0 : i32
        %dma_wait3A_405 = tpu.memref_slice %arg3[%add3A, %add3A_403, %dma_wait3A_404] : memref<32x80x128xi32, #tpu.memory_space<hbm>> -> memref<1x1x128xi32, #tpu.memory_space<hbm>>
        %dma_wait3A_406 = tpu.memref_squeeze %dma_wait3A_405 : memref<1x1x128xi32, #tpu.memory_space<hbm>> -> memref<128xi32, #tpu.memory_space<hbm>>
        %dma_wait3A_407 = arith.constant 0 : i32
        %dma_wait3A_408 = tpu.memref_slice %arg3[%add3A, %add3A_403, %dma_wait3A_407] : memref<32x80x128xi32, #tpu.memory_space<hbm>> -> memref<1x1x128xi32, #tpu.memory_space<hbm>>
        %dma_wait3A_409 = tpu.memref_squeeze %dma_wait3A_408 : memref<1x1x128xi32, #tpu.memory_space<hbm>> -> memref<128xi32, #tpu.memory_space<hbm>>
        tpu.wait_dma2 semaphore(%arg40 : memref<!tpu.dma_semaphore, #tpu.memory_space<semaphore_mem>>) src(%dma_wait3A_409 : memref<128xi32, #tpu.memory_space<hbm>>) dst(%arg15 : memref<128xi32, #tpu.memory_space<vmem>>)
        %dma_wait3A_410 = arith.constant 0 : i32
        %dma_wait3A_411 = tpu.memref_slice %arg4[%add3A, %add3A_403, %dma_wait3A_410] : memref<32x80x128xi32, #tpu.memory_space<hbm>> -> memref<1x1x128xi32, #tpu.memory_space<hbm>>
        %dma_wait3A_412 = tpu.memref_squeeze %dma_wait3A_411 : memref<1x1x128xi32, #tpu.memory_space<hbm>> -> memref<128xi32, #tpu.memory_space<hbm>>
        %dma_wait3A_413 = arith.constant 0 : i32
        %dma_wait3A_414 = tpu.memref_slice %arg4[%add3A, %add3A_403, %dma_wait3A_413] : memref<32x80x128xi32, #tpu.memory_space<hbm>> -> memref<1x1x128xi32, #tpu.memory_space<hbm>>
        %dma_wait3A_415 = tpu.memref_squeeze %dma_wait3A_414 : memref<1x1x128xi32, #tpu.memory_space<hbm>> -> memref<128xi32, #tpu.memory_space<hbm>>
        tpu.wait_dma2 semaphore(%arg40 : memref<!tpu.dma_semaphore, #tpu.memory_space<semaphore_mem>>) src(%dma_wait3A_415 : memref<128xi32, #tpu.memory_space<hbm>>) dst(%arg23 : memref<128xi32, #tpu.memory_space<vmem>>)
        %dma_start3A_416 = arith.constant 0 : i32
        %dma_start3A_417 = arith.constant 0 : i32
        %dma_start3A_418 = tpu.memref_slice %arg2[%dma_start3A_416, %dma_start3A_417] : memref<10240x16xf32, #tpu.memory_space<hbm>> -> memref<10240x16xf32, #tpu.memory_space<hbm>>
        tpu.enqueue_indirect_dma source(%dma_start3A_418 : memref<10240x16xf32, #tpu.memory_space<hbm>>) target(%arg7 : memref<128x16xf32, #tpu.memory_space<vmem>>) offsets(%arg15 : memref<128xi32, #tpu.memory_space<vmem>>) semaphore(%arg28 : memref<!tpu.dma_semaphore, #tpu.memory_space<semaphore_mem>>)
      } else {
      }
      %add3A_252 = arith.constant 2 : i32
      %add3A_253 = arith.addi %mul3A_204, %add3A_252 : i32
      %dma_wait3A_254 = arith.constant 0 : i32
      %dma_wait3A_255 = arith.constant 0 : i32
      %dma_wait3A_256 = tpu.memref_slice %arg2[%dma_wait3A_254, %dma_wait3A_255] : memref<10240x16xf32, #tpu.memory_space<hbm>> -> memref<10240x16xf32, #tpu.memory_space<hbm>>
      tpu.wait_indirect_dma semaphore(%arg29 : memref<!tpu.dma_semaphore, #tpu.memory_space<semaphore_mem>>) src(%dma_wait3A_256 : memref<10240x16xf32, #tpu.memory_space<hbm>>) dst(%arg8 : memref<128x16xf32, #tpu.memory_space<vmem>>)
      %dma_start3A_257 = arith.constant 0 : i32
      %dma_start3A_258 = arith.constant 0 : i32
      %dma_start3A_259 = tpu.memref_slice %arg26[%dma_start3A_257, %dma_start3A_258] : memref<10240x16xf32, #tpu.memory_space<vmem_shared>> -> memref<10240x16xf32, #tpu.memory_space<vmem_shared>>
      tpu.enqueue_indirect_dma source(%arg8 : memref<128x16xf32, #tpu.memory_space<vmem>>) target(%dma_start3A_259 : memref<10240x16xf32, #tpu.memory_space<vmem_shared>>) offsets(%arg20 : memref<128xi32, #tpu.memory_space<vmem>>) semaphore(%arg33 : memref<!tpu.dma_semaphore, #tpu.memory_space<semaphore_mem>>) {add = true}
      %dma_wait3A_260 = arith.constant 0 : i32
      %dma_wait3A_261 = arith.constant 0 : i32
      %dma_wait3A_262 = tpu.memref_slice %arg26[%dma_wait3A_260, %dma_wait3A_261] : memref<10240x16xf32, #tpu.memory_space<vmem_shared>> -> memref<10240x16xf32, #tpu.memory_space<vmem_shared>>
      tpu.wait_indirect_dma semaphore(%arg33 : memref<!tpu.dma_semaphore, #tpu.memory_space<semaphore_mem>>) src(%arg8 : memref<128x16xf32, #tpu.memory_space<vmem>>) dst(%dma_wait3A_262 : memref<10240x16xf32, #tpu.memory_space<vmem_shared>>)
      %add3A_263 = arith.constant 8 : i32
      %add3A_264 = arith.addi %add3A_253, %add3A_263 : i32
      %lt3A_265 = arith.constant 80 : i32
      %lt3A_266 = arith.cmpi slt, %add3A_264, %lt3A_265 : i32
      %convert_element_type3A_267 = arith.extui %lt3A_266 : i1 to i32
      %cond3A_268 = arith.constant 0 : i32
      %cond3A_269 = arith.cmpi ne, %convert_element_type3A_267, %cond3A_268 : i32
      scf.if %cond3A_269 {
        %add3A_402 = arith.constant 8 : i32
        %add3A_403 = arith.addi %add3A_253, %add3A_402 : i32
        %dma_start3A_404 = arith.constant 0 : i32
        %dma_start3A_405 = tpu.memref_slice %arg3[%add3A, %add3A_403, %dma_start3A_404] : memref<32x80x128xi32, #tpu.memory_space<hbm>> -> memref<1x1x128xi32, #tpu.memory_space<hbm>>
        %dma_start3A_406 = tpu.memref_squeeze %dma_start3A_405 : memref<1x1x128xi32, #tpu.memory_space<hbm>> -> memref<128xi32, #tpu.memory_space<hbm>>
        %dma_start3A_407 = arith.constant 0 : i32
        %dma_start3A_408 = tpu.memref_slice %arg3[%add3A, %add3A_403, %dma_start3A_407] : memref<32x80x128xi32, #tpu.memory_space<hbm>> -> memref<1x1x128xi32, #tpu.memory_space<hbm>>
        %dma_start3A_409 = tpu.memref_squeeze %dma_start3A_408 : memref<1x1x128xi32, #tpu.memory_space<hbm>> -> memref<128xi32, #tpu.memory_space<hbm>>
        tpu.enqueue_dma source(%dma_start3A_409 : memref<128xi32, #tpu.memory_space<hbm>>) target(%arg12 : memref<128xi32, #tpu.memory_space<vmem>>) target_semaphore(%arg37 : memref<!tpu.dma_semaphore, #tpu.memory_space<semaphore_mem>>)
        %dma_start3A_410 = arith.constant 0 : i32
        %dma_start3A_411 = tpu.memref_slice %arg4[%add3A, %add3A_403, %dma_start3A_410] : memref<32x80x128xi32, #tpu.memory_space<hbm>> -> memref<1x1x128xi32, #tpu.memory_space<hbm>>
        %dma_start3A_412 = tpu.memref_squeeze %dma_start3A_411 : memref<1x1x128xi32, #tpu.memory_space<hbm>> -> memref<128xi32, #tpu.memory_space<hbm>>
        %dma_start3A_413 = arith.constant 0 : i32
        %dma_start3A_414 = tpu.memref_slice %arg4[%add3A, %add3A_403, %dma_start3A_413] : memref<32x80x128xi32, #tpu.memory_space<hbm>> -> memref<1x1x128xi32, #tpu.memory_space<hbm>>
        %dma_start3A_415 = tpu.memref_squeeze %dma_start3A_414 : memref<1x1x128xi32, #tpu.memory_space<hbm>> -> memref<128xi32, #tpu.memory_space<hbm>>
        tpu.enqueue_dma source(%dma_start3A_415 : memref<128xi32, #tpu.memory_space<hbm>>) target(%arg20 : memref<128xi32, #tpu.memory_space<vmem>>) target_semaphore(%arg37 : memref<!tpu.dma_semaphore, #tpu.memory_space<semaphore_mem>>)
      } else {
      }
      %add3A_270 = arith.constant 4 : i32
      %add3A_271 = arith.addi %add3A_253, %add3A_270 : i32
      %lt3A_272 = arith.constant 80 : i32
      %lt3A_273 = arith.cmpi slt, %add3A_271, %lt3A_272 : i32
      %convert_element_type3A_274 = arith.extui %lt3A_273 : i1 to i32
      %cond3A_275 = arith.constant 0 : i32
      %cond3A_276 = arith.cmpi ne, %convert_element_type3A_274, %cond3A_275 : i32
      scf.if %cond3A_276 {
        %add3A_402 = arith.constant 4 : i32
        %add3A_403 = arith.addi %add3A_253, %add3A_402 : i32
        %dma_wait3A_404 = arith.constant 0 : i32
        %dma_wait3A_405 = tpu.memref_slice %arg3[%add3A, %add3A_403, %dma_wait3A_404] : memref<32x80x128xi32, #tpu.memory_space<hbm>> -> memref<1x1x128xi32, #tpu.memory_space<hbm>>
        %dma_wait3A_406 = tpu.memref_squeeze %dma_wait3A_405 : memref<1x1x128xi32, #tpu.memory_space<hbm>> -> memref<128xi32, #tpu.memory_space<hbm>>
        %dma_wait3A_407 = arith.constant 0 : i32
        %dma_wait3A_408 = tpu.memref_slice %arg3[%add3A, %add3A_403, %dma_wait3A_407] : memref<32x80x128xi32, #tpu.memory_space<hbm>> -> memref<1x1x128xi32, #tpu.memory_space<hbm>>
        %dma_wait3A_409 = tpu.memref_squeeze %dma_wait3A_408 : memref<1x1x128xi32, #tpu.memory_space<hbm>> -> memref<128xi32, #tpu.memory_space<hbm>>
        tpu.wait_dma2 semaphore(%arg41 : memref<!tpu.dma_semaphore, #tpu.memory_space<semaphore_mem>>) src(%dma_wait3A_409 : memref<128xi32, #tpu.memory_space<hbm>>) dst(%arg16 : memref<128xi32, #tpu.memory_space<vmem>>)
        %dma_wait3A_410 = arith.constant 0 : i32
        %dma_wait3A_411 = tpu.memref_slice %arg4[%add3A, %add3A_403, %dma_wait3A_410] : memref<32x80x128xi32, #tpu.memory_space<hbm>> -> memref<1x1x128xi32, #tpu.memory_space<hbm>>
        %dma_wait3A_412 = tpu.memref_squeeze %dma_wait3A_411 : memref<1x1x128xi32, #tpu.memory_space<hbm>> -> memref<128xi32, #tpu.memory_space<hbm>>
        %dma_wait3A_413 = arith.constant 0 : i32
        %dma_wait3A_414 = tpu.memref_slice %arg4[%add3A, %add3A_403, %dma_wait3A_413] : memref<32x80x128xi32, #tpu.memory_space<hbm>> -> memref<1x1x128xi32, #tpu.memory_space<hbm>>
        %dma_wait3A_415 = tpu.memref_squeeze %dma_wait3A_414 : memref<1x1x128xi32, #tpu.memory_space<hbm>> -> memref<128xi32, #tpu.memory_space<hbm>>
        tpu.wait_dma2 semaphore(%arg41 : memref<!tpu.dma_semaphore, #tpu.memory_space<semaphore_mem>>) src(%dma_wait3A_415 : memref<128xi32, #tpu.memory_space<hbm>>) dst(%arg24 : memref<128xi32, #tpu.memory_space<vmem>>)
        %dma_start3A_416 = arith.constant 0 : i32
        %dma_start3A_417 = arith.constant 0 : i32
        %dma_start3A_418 = tpu.memref_slice %arg2[%dma_start3A_416, %dma_start3A_417] : memref<10240x16xf32, #tpu.memory_space<hbm>> -> memref<10240x16xf32, #tpu.memory_space<hbm>>
        tpu.enqueue_indirect_dma source(%dma_start3A_418 : memref<10240x16xf32, #tpu.memory_space<hbm>>) target(%arg8 : memref<128x16xf32, #tpu.memory_space<vmem>>) offsets(%arg16 : memref<128xi32, #tpu.memory_space<vmem>>) semaphore(%arg29 : memref<!tpu.dma_semaphore, #tpu.memory_space<semaphore_mem>>)
      } else {
      }
      %add3A_277 = arith.constant 3 : i32
      %add3A_278 = arith.addi %mul3A_204, %add3A_277 : i32
      %dma_wait3A_279 = arith.constant 0 : i32
      %dma_wait3A_280 = arith.constant 0 : i32
      %dma_wait3A_281 = tpu.memref_slice %arg2[%dma_wait3A_279, %dma_wait3A_280] : memref<10240x16xf32, #tpu.memory_space<hbm>> -> memref<10240x16xf32, #tpu.memory_space<hbm>>
      tpu.wait_indirect_dma semaphore(%arg30 : memref<!tpu.dma_semaphore, #tpu.memory_space<semaphore_mem>>) src(%dma_wait3A_281 : memref<10240x16xf32, #tpu.memory_space<hbm>>) dst(%arg9 : memref<128x16xf32, #tpu.memory_space<vmem>>)
      %dma_start3A_282 = arith.constant 0 : i32
      %dma_start3A_283 = arith.constant 0 : i32
      %dma_start3A_284 = tpu.memref_slice %arg26[%dma_start3A_282, %dma_start3A_283] : memref<10240x16xf32, #tpu.memory_space<vmem_shared>> -> memref<10240x16xf32, #tpu.memory_space<vmem_shared>>
      tpu.enqueue_indirect_dma source(%arg9 : memref<128x16xf32, #tpu.memory_space<vmem>>) target(%dma_start3A_284 : memref<10240x16xf32, #tpu.memory_space<vmem_shared>>) offsets(%arg21 : memref<128xi32, #tpu.memory_space<vmem>>) semaphore(%arg34 : memref<!tpu.dma_semaphore, #tpu.memory_space<semaphore_mem>>) {add = true}
      %dma_wait3A_285 = arith.constant 0 : i32
      %dma_wait3A_286 = arith.constant 0 : i32
      %dma_wait3A_287 = tpu.memref_slice %arg26[%dma_wait3A_285, %dma_wait3A_286] : memref<10240x16xf32, #tpu.memory_space<vmem_shared>> -> memref<10240x16xf32, #tpu.memory_space<vmem_shared>>
      tpu.wait_indirect_dma semaphore(%arg34 : memref<!tpu.dma_semaphore, #tpu.memory_space<semaphore_mem>>) src(%arg9 : memref<128x16xf32, #tpu.memory_space<vmem>>) dst(%dma_wait3A_287 : memref<10240x16xf32, #tpu.memory_space<vmem_shared>>)
      %add3A_288 = arith.constant 8 : i32
      %add3A_289 = arith.addi %add3A_278, %add3A_288 : i32
      %lt3A_290 = arith.constant 80 : i32
      %lt3A_291 = arith.cmpi slt, %add3A_289, %lt3A_290 : i32
      %convert_element_type3A_292 = arith.extui %lt3A_291 : i1 to i32
      %cond3A_293 = arith.constant 0 : i32
      %cond3A_294 = arith.cmpi ne, %convert_element_type3A_292, %cond3A_293 : i32
      scf.if %cond3A_294 {
        %add3A_402 = arith.constant 8 : i32
        %add3A_403 = arith.addi %add3A_278, %add3A_402 : i32
        %dma_start3A_404 = arith.constant 0 : i32
        %dma_start3A_405 = tpu.memref_slice %arg3[%add3A, %add3A_403, %dma_start3A_404] : memref<32x80x128xi32, #tpu.memory_space<hbm>> -> memref<1x1x128xi32, #tpu.memory_space<hbm>>
        %dma_start3A_406 = tpu.memref_squeeze %dma_start3A_405 : memref<1x1x128xi32, #tpu.memory_space<hbm>> -> memref<128xi32, #tpu.memory_space<hbm>>
        %dma_start3A_407 = arith.constant 0 : i32
        %dma_start3A_408 = tpu.memref_slice %arg3[%add3A, %add3A_403, %dma_start3A_407] : memref<32x80x128xi32, #tpu.memory_space<hbm>> -> memref<1x1x128xi32, #tpu.memory_space<hbm>>
        %dma_start3A_409 = tpu.memref_squeeze %dma_start3A_408 : memref<1x1x128xi32, #tpu.memory_space<hbm>> -> memref<128xi32, #tpu.memory_space<hbm>>
        tpu.enqueue_dma source(%dma_start3A_409 : memref<128xi32, #tpu.memory_space<hbm>>) target(%arg13 : memref<128xi32, #tpu.memory_space<vmem>>) target_semaphore(%arg38 : memref<!tpu.dma_semaphore, #tpu.memory_space<semaphore_mem>>)
        %dma_start3A_410 = arith.constant 0 : i32
        %dma_start3A_411 = tpu.memref_slice %arg4[%add3A, %add3A_403, %dma_start3A_410] : memref<32x80x128xi32, #tpu.memory_space<hbm>> -> memref<1x1x128xi32, #tpu.memory_space<hbm>>
        %dma_start3A_412 = tpu.memref_squeeze %dma_start3A_411 : memref<1x1x128xi32, #tpu.memory_space<hbm>> -> memref<128xi32, #tpu.memory_space<hbm>>
        %dma_start3A_413 = arith.constant 0 : i32
        %dma_start3A_414 = tpu.memref_slice %arg4[%add3A, %add3A_403, %dma_start3A_413] : memref<32x80x128xi32, #tpu.memory_space<hbm>> -> memref<1x1x128xi32, #tpu.memory_space<hbm>>
        %dma_start3A_415 = tpu.memref_squeeze %dma_start3A_414 : memref<1x1x128xi32, #tpu.memory_space<hbm>> -> memref<128xi32, #tpu.memory_space<hbm>>
        tpu.enqueue_dma source(%dma_start3A_415 : memref<128xi32, #tpu.memory_space<hbm>>) target(%arg21 : memref<128xi32, #tpu.memory_space<vmem>>) target_semaphore(%arg38 : memref<!tpu.dma_semaphore, #tpu.memory_space<semaphore_mem>>)
      } else {
      }
      %add3A_295 = arith.constant 4 : i32
      %add3A_296 = arith.addi %add3A_278, %add3A_295 : i32
      %lt3A_297 = arith.constant 80 : i32
      %lt3A_298 = arith.cmpi slt, %add3A_296, %lt3A_297 : i32
      %convert_element_type3A_299 = arith.extui %lt3A_298 : i1 to i32
      %cond3A_300 = arith.constant 0 : i32
      %cond3A_301 = arith.cmpi ne, %convert_element_type3A_299, %cond3A_300 : i32
      scf.if %cond3A_301 {
        %add3A_402 = arith.constant 4 : i32
        %add3A_403 = arith.addi %add3A_278, %add3A_402 : i32
        %dma_wait3A_404 = arith.constant 0 : i32
        %dma_wait3A_405 = tpu.memref_slice %arg3[%add3A, %add3A_403, %dma_wait3A_404] : memref<32x80x128xi32, #tpu.memory_space<hbm>> -> memref<1x1x128xi32, #tpu.memory_space<hbm>>
        %dma_wait3A_406 = tpu.memref_squeeze %dma_wait3A_405 : memref<1x1x128xi32, #tpu.memory_space<hbm>> -> memref<128xi32, #tpu.memory_space<hbm>>
        %dma_wait3A_407 = arith.constant 0 : i32
        %dma_wait3A_408 = tpu.memref_slice %arg3[%add3A, %add3A_403, %dma_wait3A_407] : memref<32x80x128xi32, #tpu.memory_space<hbm>> -> memref<1x1x128xi32, #tpu.memory_space<hbm>>
        %dma_wait3A_409 = tpu.memref_squeeze %dma_wait3A_408 : memref<1x1x128xi32, #tpu.memory_space<hbm>> -> memref<128xi32, #tpu.memory_space<hbm>>
        tpu.wait_dma2 semaphore(%arg42 : memref<!tpu.dma_semaphore, #tpu.memory_space<semaphore_mem>>) src(%dma_wait3A_409 : memref<128xi32, #tpu.memory_space<hbm>>) dst(%arg17 : memref<128xi32, #tpu.memory_space<vmem>>)
        %dma_wait3A_410 = arith.constant 0 : i32
        %dma_wait3A_411 = tpu.memref_slice %arg4[%add3A, %add3A_403, %dma_wait3A_410] : memref<32x80x128xi32, #tpu.memory_space<hbm>> -> memref<1x1x128xi32, #tpu.memory_space<hbm>>
        %dma_wait3A_412 = tpu.memref_squeeze %dma_wait3A_411 : memref<1x1x128xi32, #tpu.memory_space<hbm>> -> memref<128xi32, #tpu.memory_space<hbm>>
        %dma_wait3A_413 = arith.constant 0 : i32
        %dma_wait3A_414 = tpu.memref_slice %arg4[%add3A, %add3A_403, %dma_wait3A_413] : memref<32x80x128xi32, #tpu.memory_space<hbm>> -> memref<1x1x128xi32, #tpu.memory_space<hbm>>
        %dma_wait3A_415 = tpu.memref_squeeze %dma_wait3A_414 : memref<1x1x128xi32, #tpu.memory_space<hbm>> -> memref<128xi32, #tpu.memory_space<hbm>>
        tpu.wait_dma2 semaphore(%arg42 : memref<!tpu.dma_semaphore, #tpu.memory_space<semaphore_mem>>) src(%dma_wait3A_415 : memref<128xi32, #tpu.memory_space<hbm>>) dst(%arg25 : memref<128xi32, #tpu.memory_space<vmem>>)
        %dma_start3A_416 = arith.constant 0 : i32
        %dma_start3A_417 = arith.constant 0 : i32
        %dma_start3A_418 = tpu.memref_slice %arg2[%dma_start3A_416, %dma_start3A_417] : memref<10240x16xf32, #tpu.memory_space<hbm>> -> memref<10240x16xf32, #tpu.memory_space<hbm>>
        tpu.enqueue_indirect_dma source(%dma_start3A_418 : memref<10240x16xf32, #tpu.memory_space<hbm>>) target(%arg9 : memref<128x16xf32, #tpu.memory_space<vmem>>) offsets(%arg17 : memref<128xi32, #tpu.memory_space<vmem>>) semaphore(%arg30 : memref<!tpu.dma_semaphore, #tpu.memory_space<semaphore_mem>>)
      } else {
      }
      %add3A_302 = arith.constant 4 : i32
      %add3A_303 = arith.addi %mul3A_204, %add3A_302 : i32
      %dma_wait3A_304 = arith.constant 0 : i32
      %dma_wait3A_305 = arith.constant 0 : i32
      %dma_wait3A_306 = tpu.memref_slice %arg2[%dma_wait3A_304, %dma_wait3A_305] : memref<10240x16xf32, #tpu.memory_space<hbm>> -> memref<10240x16xf32, #tpu.memory_space<hbm>>
      tpu.wait_indirect_dma semaphore(%arg27 : memref<!tpu.dma_semaphore, #tpu.memory_space<semaphore_mem>>) src(%dma_wait3A_306 : memref<10240x16xf32, #tpu.memory_space<hbm>>) dst(%arg6 : memref<128x16xf32, #tpu.memory_space<vmem>>)
      %dma_start3A_307 = arith.constant 0 : i32
      %dma_start3A_308 = arith.constant 0 : i32
      %dma_start3A_309 = tpu.memref_slice %arg26[%dma_start3A_307, %dma_start3A_308] : memref<10240x16xf32, #tpu.memory_space<vmem_shared>> -> memref<10240x16xf32, #tpu.memory_space<vmem_shared>>
      tpu.enqueue_indirect_dma source(%arg6 : memref<128x16xf32, #tpu.memory_space<vmem>>) target(%dma_start3A_309 : memref<10240x16xf32, #tpu.memory_space<vmem_shared>>) offsets(%arg22 : memref<128xi32, #tpu.memory_space<vmem>>) semaphore(%arg31 : memref<!tpu.dma_semaphore, #tpu.memory_space<semaphore_mem>>) {add = true}
      %dma_wait3A_310 = arith.constant 0 : i32
      %dma_wait3A_311 = arith.constant 0 : i32
      %dma_wait3A_312 = tpu.memref_slice %arg26[%dma_wait3A_310, %dma_wait3A_311] : memref<10240x16xf32, #tpu.memory_space<vmem_shared>> -> memref<10240x16xf32, #tpu.memory_space<vmem_shared>>
      tpu.wait_indirect_dma semaphore(%arg31 : memref<!tpu.dma_semaphore, #tpu.memory_space<semaphore_mem>>) src(%arg6 : memref<128x16xf32, #tpu.memory_space<vmem>>) dst(%dma_wait3A_312 : memref<10240x16xf32, #tpu.memory_space<vmem_shared>>)
      %add3A_313 = arith.constant 8 : i32
      %add3A_314 = arith.addi %add3A_303, %add3A_313 : i32
      %lt3A_315 = arith.constant 80 : i32
      %lt3A_316 = arith.cmpi slt, %add3A_314, %lt3A_315 : i32
      %convert_element_type3A_317 = arith.extui %lt3A_316 : i1 to i32
      %cond3A_318 = arith.constant 0 : i32
      %cond3A_319 = arith.cmpi ne, %convert_element_type3A_317, %cond3A_318 : i32
      scf.if %cond3A_319 {
        %add3A_402 = arith.constant 8 : i32
        %add3A_403 = arith.addi %add3A_303, %add3A_402 : i32
        %dma_start3A_404 = arith.constant 0 : i32
        %dma_start3A_405 = tpu.memref_slice %arg3[%add3A, %add3A_403, %dma_start3A_404] : memref<32x80x128xi32, #tpu.memory_space<hbm>> -> memref<1x1x128xi32, #tpu.memory_space<hbm>>
        %dma_start3A_406 = tpu.memref_squeeze %dma_start3A_405 : memref<1x1x128xi32, #tpu.memory_space<hbm>> -> memref<128xi32, #tpu.memory_space<hbm>>
        %dma_start3A_407 = arith.constant 0 : i32
        %dma_start3A_408 = tpu.memref_slice %arg3[%add3A, %add3A_403, %dma_start3A_407] : memref<32x80x128xi32, #tpu.memory_space<hbm>> -> memref<1x1x128xi32, #tpu.memory_space<hbm>>
        %dma_start3A_409 = tpu.memref_squeeze %dma_start3A_408 : memref<1x1x128xi32, #tpu.memory_space<hbm>> -> memref<128xi32, #tpu.memory_space<hbm>>
        tpu.enqueue_dma source(%dma_start3A_409 : memref<128xi32, #tpu.memory_space<hbm>>) target(%arg14 : memref<128xi32, #tpu.memory_space<vmem>>) target_semaphore(%arg39 : memref<!tpu.dma_semaphore, #tpu.memory_space<semaphore_mem>>)
        %dma_start3A_410 = arith.constant 0 : i32
        %dma_start3A_411 = tpu.memref_slice %arg4[%add3A, %add3A_403, %dma_start3A_410] : memref<32x80x128xi32, #tpu.memory_space<hbm>> -> memref<1x1x128xi32, #tpu.memory_space<hbm>>
        %dma_start3A_412 = tpu.memref_squeeze %dma_start3A_411 : memref<1x1x128xi32, #tpu.memory_space<hbm>> -> memref<128xi32, #tpu.memory_space<hbm>>
        %dma_start3A_413 = arith.constant 0 : i32
        %dma_start3A_414 = tpu.memref_slice %arg4[%add3A, %add3A_403, %dma_start3A_413] : memref<32x80x128xi32, #tpu.memory_space<hbm>> -> memref<1x1x128xi32, #tpu.memory_space<hbm>>
        %dma_start3A_415 = tpu.memref_squeeze %dma_start3A_414 : memref<1x1x128xi32, #tpu.memory_space<hbm>> -> memref<128xi32, #tpu.memory_space<hbm>>
        tpu.enqueue_dma source(%dma_start3A_415 : memref<128xi32, #tpu.memory_space<hbm>>) target(%arg22 : memref<128xi32, #tpu.memory_space<vmem>>) target_semaphore(%arg39 : memref<!tpu.dma_semaphore, #tpu.memory_space<semaphore_mem>>)
      } else {
      }
      %add3A_320 = arith.constant 4 : i32
      %add3A_321 = arith.addi %add3A_303, %add3A_320 : i32
      %lt3A_322 = arith.constant 80 : i32
      %lt3A_323 = arith.cmpi slt, %add3A_321, %lt3A_322 : i32
      %convert_element_type3A_324 = arith.extui %lt3A_323 : i1 to i32
      %cond3A_325 = arith.constant 0 : i32
      %cond3A_326 = arith.cmpi ne, %convert_element_type3A_324, %cond3A_325 : i32
      scf.if %cond3A_326 {
        %add3A_402 = arith.constant 4 : i32
        %add3A_403 = arith.addi %add3A_303, %add3A_402 : i32
        %dma_wait3A_404 = arith.constant 0 : i32
        %dma_wait3A_405 = tpu.memref_slice %arg3[%add3A, %add3A_403, %dma_wait3A_404] : memref<32x80x128xi32, #tpu.memory_space<hbm>> -> memref<1x1x128xi32, #tpu.memory_space<hbm>>
        %dma_wait3A_406 = tpu.memref_squeeze %dma_wait3A_405 : memref<1x1x128xi32, #tpu.memory_space<hbm>> -> memref<128xi32, #tpu.memory_space<hbm>>
        %dma_wait3A_407 = arith.constant 0 : i32
        %dma_wait3A_408 = tpu.memref_slice %arg3[%add3A, %add3A_403, %dma_wait3A_407] : memref<32x80x128xi32, #tpu.memory_space<hbm>> -> memref<1x1x128xi32, #tpu.memory_space<hbm>>
        %dma_wait3A_409 = tpu.memref_squeeze %dma_wait3A_408 : memref<1x1x128xi32, #tpu.memory_space<hbm>> -> memref<128xi32, #tpu.memory_space<hbm>>
        tpu.wait_dma2 semaphore(%arg35 : memref<!tpu.dma_semaphore, #tpu.memory_space<semaphore_mem>>) src(%dma_wait3A_409 : memref<128xi32, #tpu.memory_space<hbm>>) dst(%arg10 : memref<128xi32, #tpu.memory_space<vmem>>)
        %dma_wait3A_410 = arith.constant 0 : i32
        %dma_wait3A_411 = tpu.memref_slice %arg4[%add3A, %add3A_403, %dma_wait3A_410] : memref<32x80x128xi32, #tpu.memory_space<hbm>> -> memref<1x1x128xi32, #tpu.memory_space<hbm>>
        %dma_wait3A_412 = tpu.memref_squeeze %dma_wait3A_411 : memref<1x1x128xi32, #tpu.memory_space<hbm>> -> memref<128xi32, #tpu.memory_space<hbm>>
        %dma_wait3A_413 = arith.constant 0 : i32
        %dma_wait3A_414 = tpu.memref_slice %arg4[%add3A, %add3A_403, %dma_wait3A_413] : memref<32x80x128xi32, #tpu.memory_space<hbm>> -> memref<1x1x128xi32, #tpu.memory_space<hbm>>
        %dma_wait3A_415 = tpu.memref_squeeze %dma_wait3A_414 : memref<1x1x128xi32, #tpu.memory_space<hbm>> -> memref<128xi32, #tpu.memory_space<hbm>>
        tpu.wait_dma2 semaphore(%arg35 : memref<!tpu.dma_semaphore, #tpu.memory_space<semaphore_mem>>) src(%dma_wait3A_415 : memref<128xi32, #tpu.memory_space<hbm>>) dst(%arg18 : memref<128xi32, #tpu.memory_space<vmem>>)
        %dma_start3A_416 = arith.constant 0 : i32
        %dma_start3A_417 = arith.constant 0 : i32
        %dma_start3A_418 = tpu.memref_slice %arg2[%dma_start3A_416, %dma_start3A_417] : memref<10240x16xf32, #tpu.memory_space<hbm>> -> memref<10240x16xf32, #tpu.memory_space<hbm>>
        tpu.enqueue_indirect_dma source(%dma_start3A_418 : memref<10240x16xf32, #tpu.memory_space<hbm>>) target(%arg6 : memref<128x16xf32, #tpu.memory_space<vmem>>) offsets(%arg10 : memref<128xi32, #tpu.memory_space<vmem>>) semaphore(%arg27 : memref<!tpu.dma_semaphore, #tpu.memory_space<semaphore_mem>>)
      } else {
      }
      %add3A_327 = arith.constant 5 : i32
      %add3A_328 = arith.addi %mul3A_204, %add3A_327 : i32
      %dma_wait3A_329 = arith.constant 0 : i32
      %dma_wait3A_330 = arith.constant 0 : i32
      %dma_wait3A_331 = tpu.memref_slice %arg2[%dma_wait3A_329, %dma_wait3A_330] : memref<10240x16xf32, #tpu.memory_space<hbm>> -> memref<10240x16xf32, #tpu.memory_space<hbm>>
      tpu.wait_indirect_dma semaphore(%arg28 : memref<!tpu.dma_semaphore, #tpu.memory_space<semaphore_mem>>) src(%dma_wait3A_331 : memref<10240x16xf32, #tpu.memory_space<hbm>>) dst(%arg7 : memref<128x16xf32, #tpu.memory_space<vmem>>)
      %dma_start3A_332 = arith.constant 0 : i32
      %dma_start3A_333 = arith.constant 0 : i32
      %dma_start3A_334 = tpu.memref_slice %arg26[%dma_start3A_332, %dma_start3A_333] : memref<10240x16xf32, #tpu.memory_space<vmem_shared>> -> memref<10240x16xf32, #tpu.memory_space<vmem_shared>>
      tpu.enqueue_indirect_dma source(%arg7 : memref<128x16xf32, #tpu.memory_space<vmem>>) target(%dma_start3A_334 : memref<10240x16xf32, #tpu.memory_space<vmem_shared>>) offsets(%arg23 : memref<128xi32, #tpu.memory_space<vmem>>) semaphore(%arg32 : memref<!tpu.dma_semaphore, #tpu.memory_space<semaphore_mem>>) {add = true}
      %dma_wait3A_335 = arith.constant 0 : i32
      %dma_wait3A_336 = arith.constant 0 : i32
      %dma_wait3A_337 = tpu.memref_slice %arg26[%dma_wait3A_335, %dma_wait3A_336] : memref<10240x16xf32, #tpu.memory_space<vmem_shared>> -> memref<10240x16xf32, #tpu.memory_space<vmem_shared>>
      tpu.wait_indirect_dma semaphore(%arg32 : memref<!tpu.dma_semaphore, #tpu.memory_space<semaphore_mem>>) src(%arg7 : memref<128x16xf32, #tpu.memory_space<vmem>>) dst(%dma_wait3A_337 : memref<10240x16xf32, #tpu.memory_space<vmem_shared>>)
      %add3A_338 = arith.constant 8 : i32
      %add3A_339 = arith.addi %add3A_328, %add3A_338 : i32
      %lt3A_340 = arith.constant 80 : i32
      %lt3A_341 = arith.cmpi slt, %add3A_339, %lt3A_340 : i32
      %convert_element_type3A_342 = arith.extui %lt3A_341 : i1 to i32
      %cond3A_343 = arith.constant 0 : i32
      %cond3A_344 = arith.cmpi ne, %convert_element_type3A_342, %cond3A_343 : i32
      scf.if %cond3A_344 {
        %add3A_402 = arith.constant 8 : i32
        %add3A_403 = arith.addi %add3A_328, %add3A_402 : i32
        %dma_start3A_404 = arith.constant 0 : i32
        %dma_start3A_405 = tpu.memref_slice %arg3[%add3A, %add3A_403, %dma_start3A_404] : memref<32x80x128xi32, #tpu.memory_space<hbm>> -> memref<1x1x128xi32, #tpu.memory_space<hbm>>
        %dma_start3A_406 = tpu.memref_squeeze %dma_start3A_405 : memref<1x1x128xi32, #tpu.memory_space<hbm>> -> memref<128xi32, #tpu.memory_space<hbm>>
        %dma_start3A_407 = arith.constant 0 : i32
        %dma_start3A_408 = tpu.memref_slice %arg3[%add3A, %add3A_403, %dma_start3A_407] : memref<32x80x128xi32, #tpu.memory_space<hbm>> -> memref<1x1x128xi32, #tpu.memory_space<hbm>>
        %dma_start3A_409 = tpu.memref_squeeze %dma_start3A_408 : memref<1x1x128xi32, #tpu.memory_space<hbm>> -> memref<128xi32, #tpu.memory_space<hbm>>
        tpu.enqueue_dma source(%dma_start3A_409 : memref<128xi32, #tpu.memory_space<hbm>>) target(%arg15 : memref<128xi32, #tpu.memory_space<vmem>>) target_semaphore(%arg40 : memref<!tpu.dma_semaphore, #tpu.memory_space<semaphore_mem>>)
        %dma_start3A_410 = arith.constant 0 : i32
        %dma_start3A_411 = tpu.memref_slice %arg4[%add3A, %add3A_403, %dma_start3A_410] : memref<32x80x128xi32, #tpu.memory_space<hbm>> -> memref<1x1x128xi32, #tpu.memory_space<hbm>>
        %dma_start3A_412 = tpu.memref_squeeze %dma_start3A_411 : memref<1x1x128xi32, #tpu.memory_space<hbm>> -> memref<128xi32, #tpu.memory_space<hbm>>
        %dma_start3A_413 = arith.constant 0 : i32
        %dma_start3A_414 = tpu.memref_slice %arg4[%add3A, %add3A_403, %dma_start3A_413] : memref<32x80x128xi32, #tpu.memory_space<hbm>> -> memref<1x1x128xi32, #tpu.memory_space<hbm>>
        %dma_start3A_415 = tpu.memref_squeeze %dma_start3A_414 : memref<1x1x128xi32, #tpu.memory_space<hbm>> -> memref<128xi32, #tpu.memory_space<hbm>>
        tpu.enqueue_dma source(%dma_start3A_415 : memref<128xi32, #tpu.memory_space<hbm>>) target(%arg23 : memref<128xi32, #tpu.memory_space<vmem>>) target_semaphore(%arg40 : memref<!tpu.dma_semaphore, #tpu.memory_space<semaphore_mem>>)
      } else {
      }
      %add3A_345 = arith.constant 4 : i32
      %add3A_346 = arith.addi %add3A_328, %add3A_345 : i32
      %lt3A_347 = arith.constant 80 : i32
      %lt3A_348 = arith.cmpi slt, %add3A_346, %lt3A_347 : i32
      %convert_element_type3A_349 = arith.extui %lt3A_348 : i1 to i32
      %cond3A_350 = arith.constant 0 : i32
      %cond3A_351 = arith.cmpi ne, %convert_element_type3A_349, %cond3A_350 : i32
      scf.if %cond3A_351 {
        %add3A_402 = arith.constant 4 : i32
        %add3A_403 = arith.addi %add3A_328, %add3A_402 : i32
        %dma_wait3A_404 = arith.constant 0 : i32
        %dma_wait3A_405 = tpu.memref_slice %arg3[%add3A, %add3A_403, %dma_wait3A_404] : memref<32x80x128xi32, #tpu.memory_space<hbm>> -> memref<1x1x128xi32, #tpu.memory_space<hbm>>
        %dma_wait3A_406 = tpu.memref_squeeze %dma_wait3A_405 : memref<1x1x128xi32, #tpu.memory_space<hbm>> -> memref<128xi32, #tpu.memory_space<hbm>>
        %dma_wait3A_407 = arith.constant 0 : i32
        %dma_wait3A_408 = tpu.memref_slice %arg3[%add3A, %add3A_403, %dma_wait3A_407] : memref<32x80x128xi32, #tpu.memory_space<hbm>> -> memref<1x1x128xi32, #tpu.memory_space<hbm>>
        %dma_wait3A_409 = tpu.memref_squeeze %dma_wait3A_408 : memref<1x1x128xi32, #tpu.memory_space<hbm>> -> memref<128xi32, #tpu.memory_space<hbm>>
        tpu.wait_dma2 semaphore(%arg36 : memref<!tpu.dma_semaphore, #tpu.memory_space<semaphore_mem>>) src(%dma_wait3A_409 : memref<128xi32, #tpu.memory_space<hbm>>) dst(%arg11 : memref<128xi32, #tpu.memory_space<vmem>>)
        %dma_wait3A_410 = arith.constant 0 : i32
        %dma_wait3A_411 = tpu.memref_slice %arg4[%add3A, %add3A_403, %dma_wait3A_410] : memref<32x80x128xi32, #tpu.memory_space<hbm>> -> memref<1x1x128xi32, #tpu.memory_space<hbm>>
        %dma_wait3A_412 = tpu.memref_squeeze %dma_wait3A_411 : memref<1x1x128xi32, #tpu.memory_space<hbm>> -> memref<128xi32, #tpu.memory_space<hbm>>
        %dma_wait3A_413 = arith.constant 0 : i32
        %dma_wait3A_414 = tpu.memref_slice %arg4[%add3A, %add3A_403, %dma_wait3A_413] : memref<32x80x128xi32, #tpu.memory_space<hbm>> -> memref<1x1x128xi32, #tpu.memory_space<hbm>>
        %dma_wait3A_415 = tpu.memref_squeeze %dma_wait3A_414 : memref<1x1x128xi32, #tpu.memory_space<hbm>> -> memref<128xi32, #tpu.memory_space<hbm>>
        tpu.wait_dma2 semaphore(%arg36 : memref<!tpu.dma_semaphore, #tpu.memory_space<semaphore_mem>>) src(%dma_wait3A_415 : memref<128xi32, #tpu.memory_space<hbm>>) dst(%arg19 : memref<128xi32, #tpu.memory_space<vmem>>)
        %dma_start3A_416 = arith.constant 0 : i32
        %dma_start3A_417 = arith.constant 0 : i32
        %dma_start3A_418 = tpu.memref_slice %arg2[%dma_start3A_416, %dma_start3A_417] : memref<10240x16xf32, #tpu.memory_space<hbm>> -> memref<10240x16xf32, #tpu.memory_space<hbm>>
        tpu.enqueue_indirect_dma source(%dma_start3A_418 : memref<10240x16xf32, #tpu.memory_space<hbm>>) target(%arg7 : memref<128x16xf32, #tpu.memory_space<vmem>>) offsets(%arg11 : memref<128xi32, #tpu.memory_space<vmem>>) semaphore(%arg28 : memref<!tpu.dma_semaphore, #tpu.memory_space<semaphore_mem>>)
      } else {
      }
      %add3A_352 = arith.constant 6 : i32
      %add3A_353 = arith.addi %mul3A_204, %add3A_352 : i32
      %dma_wait3A_354 = arith.constant 0 : i32
      %dma_wait3A_355 = arith.constant 0 : i32
      %dma_wait3A_356 = tpu.memref_slice %arg2[%dma_wait3A_354, %dma_wait3A_355] : memref<10240x16xf32, #tpu.memory_space<hbm>> -> memref<10240x16xf32, #tpu.memory_space<hbm>>
      tpu.wait_indirect_dma semaphore(%arg29 : memref<!tpu.dma_semaphore, #tpu.memory_space<semaphore_mem>>) src(%dma_wait3A_356 : memref<10240x16xf32, #tpu.memory_space<hbm>>) dst(%arg8 : memref<128x16xf32, #tpu.memory_space<vmem>>)
      %dma_start3A_357 = arith.constant 0 : i32
      %dma_start3A_358 = arith.constant 0 : i32
      %dma_start3A_359 = tpu.memref_slice %arg26[%dma_start3A_357, %dma_start3A_358] : memref<10240x16xf32, #tpu.memory_space<vmem_shared>> -> memref<10240x16xf32, #tpu.memory_space<vmem_shared>>
      tpu.enqueue_indirect_dma source(%arg8 : memref<128x16xf32, #tpu.memory_space<vmem>>) target(%dma_start3A_359 : memref<10240x16xf32, #tpu.memory_space<vmem_shared>>) offsets(%arg24 : memref<128xi32, #tpu.memory_space<vmem>>) semaphore(%arg33 : memref<!tpu.dma_semaphore, #tpu.memory_space<semaphore_mem>>) {add = true}
      %dma_wait3A_360 = arith.constant 0 : i32
      %dma_wait3A_361 = arith.constant 0 : i32
      %dma_wait3A_362 = tpu.memref_slice %arg26[%dma_wait3A_360, %dma_wait3A_361] : memref<10240x16xf32, #tpu.memory_space<vmem_shared>> -> memref<10240x16xf32, #tpu.memory_space<vmem_shared>>
      tpu.wait_indirect_dma semaphore(%arg33 : memref<!tpu.dma_semaphore, #tpu.memory_space<semaphore_mem>>) src(%arg8 : memref<128x16xf32, #tpu.memory_space<vmem>>) dst(%dma_wait3A_362 : memref<10240x16xf32, #tpu.memory_space<vmem_shared>>)
      %add3A_363 = arith.constant 8 : i32
      %add3A_364 = arith.addi %add3A_353, %add3A_363 : i32
      %lt3A_365 = arith.constant 80 : i32
      %lt3A_366 = arith.cmpi slt, %add3A_364, %lt3A_365 : i32
      %convert_element_type3A_367 = arith.extui %lt3A_366 : i1 to i32
      %cond3A_368 = arith.constant 0 : i32
      %cond3A_369 = arith.cmpi ne, %convert_element_type3A_367, %cond3A_368 : i32
      scf.if %cond3A_369 {
        %add3A_402 = arith.constant 8 : i32
        %add3A_403 = arith.addi %add3A_353, %add3A_402 : i32
        %dma_start3A_404 = arith.constant 0 : i32
        %dma_start3A_405 = tpu.memref_slice %arg3[%add3A, %add3A_403, %dma_start3A_404] : memref<32x80x128xi32, #tpu.memory_space<hbm>> -> memref<1x1x128xi32, #tpu.memory_space<hbm>>
        %dma_start3A_406 = tpu.memref_squeeze %dma_start3A_405 : memref<1x1x128xi32, #tpu.memory_space<hbm>> -> memref<128xi32, #tpu.memory_space<hbm>>
        %dma_start3A_407 = arith.constant 0 : i32
        %dma_start3A_408 = tpu.memref_slice %arg3[%add3A, %add3A_403, %dma_start3A_407] : memref<32x80x128xi32, #tpu.memory_space<hbm>> -> memref<1x1x128xi32, #tpu.memory_space<hbm>>
        %dma_start3A_409 = tpu.memref_squeeze %dma_start3A_408 : memref<1x1x128xi32, #tpu.memory_space<hbm>> -> memref<128xi32, #tpu.memory_space<hbm>>
        tpu.enqueue_dma source(%dma_start3A_409 : memref<128xi32, #tpu.memory_space<hbm>>) target(%arg16 : memref<128xi32, #tpu.memory_space<vmem>>) target_semaphore(%arg41 : memref<!tpu.dma_semaphore, #tpu.memory_space<semaphore_mem>>)
        %dma_start3A_410 = arith.constant 0 : i32
        %dma_start3A_411 = tpu.memref_slice %arg4[%add3A, %add3A_403, %dma_start3A_410] : memref<32x80x128xi32, #tpu.memory_space<hbm>> -> memref<1x1x128xi32, #tpu.memory_space<hbm>>
        %dma_start3A_412 = tpu.memref_squeeze %dma_start3A_411 : memref<1x1x128xi32, #tpu.memory_space<hbm>> -> memref<128xi32, #tpu.memory_space<hbm>>
        %dma_start3A_413 = arith.constant 0 : i32
        %dma_start3A_414 = tpu.memref_slice %arg4[%add3A, %add3A_403, %dma_start3A_413] : memref<32x80x128xi32, #tpu.memory_space<hbm>> -> memref<1x1x128xi32, #tpu.memory_space<hbm>>
        %dma_start3A_415 = tpu.memref_squeeze %dma_start3A_414 : memref<1x1x128xi32, #tpu.memory_space<hbm>> -> memref<128xi32, #tpu.memory_space<hbm>>
        tpu.enqueue_dma source(%dma_start3A_415 : memref<128xi32, #tpu.memory_space<hbm>>) target(%arg24 : memref<128xi32, #tpu.memory_space<vmem>>) target_semaphore(%arg41 : memref<!tpu.dma_semaphore, #tpu.memory_space<semaphore_mem>>)
      } else {
      }
      %add3A_370 = arith.constant 4 : i32
      %add3A_371 = arith.addi %add3A_353, %add3A_370 : i32
      %lt3A_372 = arith.constant 80 : i32
      %lt3A_373 = arith.cmpi slt, %add3A_371, %lt3A_372 : i32
      %convert_element_type3A_374 = arith.extui %lt3A_373 : i1 to i32
      %cond3A_375 = arith.constant 0 : i32
      %cond3A_376 = arith.cmpi ne, %convert_element_type3A_374, %cond3A_375 : i32
      scf.if %cond3A_376 {
        %add3A_402 = arith.constant 4 : i32
        %add3A_403 = arith.addi %add3A_353, %add3A_402 : i32
        %dma_wait3A_404 = arith.constant 0 : i32
        %dma_wait3A_405 = tpu.memref_slice %arg3[%add3A, %add3A_403, %dma_wait3A_404] : memref<32x80x128xi32, #tpu.memory_space<hbm>> -> memref<1x1x128xi32, #tpu.memory_space<hbm>>
        %dma_wait3A_406 = tpu.memref_squeeze %dma_wait3A_405 : memref<1x1x128xi32, #tpu.memory_space<hbm>> -> memref<128xi32, #tpu.memory_space<hbm>>
        %dma_wait3A_407 = arith.constant 0 : i32
        %dma_wait3A_408 = tpu.memref_slice %arg3[%add3A, %add3A_403, %dma_wait3A_407] : memref<32x80x128xi32, #tpu.memory_space<hbm>> -> memref<1x1x128xi32, #tpu.memory_space<hbm>>
        %dma_wait3A_409 = tpu.memref_squeeze %dma_wait3A_408 : memref<1x1x128xi32, #tpu.memory_space<hbm>> -> memref<128xi32, #tpu.memory_space<hbm>>
        tpu.wait_dma2 semaphore(%arg37 : memref<!tpu.dma_semaphore, #tpu.memory_space<semaphore_mem>>) src(%dma_wait3A_409 : memref<128xi32, #tpu.memory_space<hbm>>) dst(%arg12 : memref<128xi32, #tpu.memory_space<vmem>>)
        %dma_wait3A_410 = arith.constant 0 : i32
        %dma_wait3A_411 = tpu.memref_slice %arg4[%add3A, %add3A_403, %dma_wait3A_410] : memref<32x80x128xi32, #tpu.memory_space<hbm>> -> memref<1x1x128xi32, #tpu.memory_space<hbm>>
        %dma_wait3A_412 = tpu.memref_squeeze %dma_wait3A_411 : memref<1x1x128xi32, #tpu.memory_space<hbm>> -> memref<128xi32, #tpu.memory_space<hbm>>
        %dma_wait3A_413 = arith.constant 0 : i32
        %dma_wait3A_414 = tpu.memref_slice %arg4[%add3A, %add3A_403, %dma_wait3A_413] : memref<32x80x128xi32, #tpu.memory_space<hbm>> -> memref<1x1x128xi32, #tpu.memory_space<hbm>>
        %dma_wait3A_415 = tpu.memref_squeeze %dma_wait3A_414 : memref<1x1x128xi32, #tpu.memory_space<hbm>> -> memref<128xi32, #tpu.memory_space<hbm>>
        tpu.wait_dma2 semaphore(%arg37 : memref<!tpu.dma_semaphore, #tpu.memory_space<semaphore_mem>>) src(%dma_wait3A_415 : memref<128xi32, #tpu.memory_space<hbm>>) dst(%arg20 : memref<128xi32, #tpu.memory_space<vmem>>)
        %dma_start3A_416 = arith.constant 0 : i32
        %dma_start3A_417 = arith.constant 0 : i32
        %dma_start3A_418 = tpu.memref_slice %arg2[%dma_start3A_416, %dma_start3A_417] : memref<10240x16xf32, #tpu.memory_space<hbm>> -> memref<10240x16xf32, #tpu.memory_space<hbm>>
        tpu.enqueue_indirect_dma source(%dma_start3A_418 : memref<10240x16xf32, #tpu.memory_space<hbm>>) target(%arg8 : memref<128x16xf32, #tpu.memory_space<vmem>>) offsets(%arg12 : memref<128xi32, #tpu.memory_space<vmem>>) semaphore(%arg29 : memref<!tpu.dma_semaphore, #tpu.memory_space<semaphore_mem>>)
      } else {
      }
      %add3A_377 = arith.constant 7 : i32
      %add3A_378 = arith.addi %mul3A_204, %add3A_377 : i32
      %dma_wait3A_379 = arith.constant 0 : i32
      %dma_wait3A_380 = arith.constant 0 : i32
      %dma_wait3A_381 = tpu.memref_slice %arg2[%dma_wait3A_379, %dma_wait3A_380] : memref<10240x16xf32, #tpu.memory_space<hbm>> -> memref<10240x16xf32, #tpu.memory_space<hbm>>
      tpu.wait_indirect_dma semaphore(%arg30 : memref<!tpu.dma_semaphore, #tpu.memory_space<semaphore_mem>>) src(%dma_wait3A_381 : memref<10240x16xf32, #tpu.memory_space<hbm>>) dst(%arg9 : memref<128x16xf32, #tpu.memory_space<vmem>>)
      %dma_start3A_382 = arith.constant 0 : i32
      %dma_start3A_383 = arith.constant 0 : i32
      %dma_start3A_384 = tpu.memref_slice %arg26[%dma_start3A_382, %dma_start3A_383] : memref<10240x16xf32, #tpu.memory_space<vmem_shared>> -> memref<10240x16xf32, #tpu.memory_space<vmem_shared>>
      tpu.enqueue_indirect_dma source(%arg9 : memref<128x16xf32, #tpu.memory_space<vmem>>) target(%dma_start3A_384 : memref<10240x16xf32, #tpu.memory_space<vmem_shared>>) offsets(%arg25 : memref<128xi32, #tpu.memory_space<vmem>>) semaphore(%arg34 : memref<!tpu.dma_semaphore, #tpu.memory_space<semaphore_mem>>) {add = true}
      %dma_wait3A_385 = arith.constant 0 : i32
      %dma_wait3A_386 = arith.constant 0 : i32
      %dma_wait3A_387 = tpu.memref_slice %arg26[%dma_wait3A_385, %dma_wait3A_386] : memref<10240x16xf32, #tpu.memory_space<vmem_shared>> -> memref<10240x16xf32, #tpu.memory_space<vmem_shared>>
      tpu.wait_indirect_dma semaphore(%arg34 : memref<!tpu.dma_semaphore, #tpu.memory_space<semaphore_mem>>) src(%arg9 : memref<128x16xf32, #tpu.memory_space<vmem>>) dst(%dma_wait3A_387 : memref<10240x16xf32, #tpu.memory_space<vmem_shared>>)
      %add3A_388 = arith.constant 8 : i32
      %add3A_389 = arith.addi %add3A_378, %add3A_388 : i32
      %lt3A_390 = arith.constant 80 : i32
      %lt3A_391 = arith.cmpi slt, %add3A_389, %lt3A_390 : i32
      %convert_element_type3A_392 = arith.extui %lt3A_391 : i1 to i32
      %cond3A_393 = arith.constant 0 : i32
      %cond3A_394 = arith.cmpi ne, %convert_element_type3A_392, %cond3A_393 : i32
      scf.if %cond3A_394 {
        %add3A_402 = arith.constant 8 : i32
        %add3A_403 = arith.addi %add3A_378, %add3A_402 : i32
        %dma_start3A_404 = arith.constant 0 : i32
        %dma_start3A_405 = tpu.memref_slice %arg3[%add3A, %add3A_403, %dma_start3A_404] : memref<32x80x128xi32, #tpu.memory_space<hbm>> -> memref<1x1x128xi32, #tpu.memory_space<hbm>>
        %dma_start3A_406 = tpu.memref_squeeze %dma_start3A_405 : memref<1x1x128xi32, #tpu.memory_space<hbm>> -> memref<128xi32, #tpu.memory_space<hbm>>
        %dma_start3A_407 = arith.constant 0 : i32
        %dma_start3A_408 = tpu.memref_slice %arg3[%add3A, %add3A_403, %dma_start3A_407] : memref<32x80x128xi32, #tpu.memory_space<hbm>> -> memref<1x1x128xi32, #tpu.memory_space<hbm>>
        %dma_start3A_409 = tpu.memref_squeeze %dma_start3A_408 : memref<1x1x128xi32, #tpu.memory_space<hbm>> -> memref<128xi32, #tpu.memory_space<hbm>>
        tpu.enqueue_dma source(%dma_start3A_409 : memref<128xi32, #tpu.memory_space<hbm>>) target(%arg17 : memref<128xi32, #tpu.memory_space<vmem>>) target_semaphore(%arg42 : memref<!tpu.dma_semaphore, #tpu.memory_space<semaphore_mem>>)
        %dma_start3A_410 = arith.constant 0 : i32
        %dma_start3A_411 = tpu.memref_slice %arg4[%add3A, %add3A_403, %dma_start3A_410] : memref<32x80x128xi32, #tpu.memory_space<hbm>> -> memref<1x1x128xi32, #tpu.memory_space<hbm>>
        %dma_start3A_412 = tpu.memref_squeeze %dma_start3A_411 : memref<1x1x128xi32, #tpu.memory_space<hbm>> -> memref<128xi32, #tpu.memory_space<hbm>>
        %dma_start3A_413 = arith.constant 0 : i32
        %dma_start3A_414 = tpu.memref_slice %arg4[%add3A, %add3A_403, %dma_start3A_413] : memref<32x80x128xi32, #tpu.memory_space<hbm>> -> memref<1x1x128xi32, #tpu.memory_space<hbm>>
        %dma_start3A_415 = tpu.memref_squeeze %dma_start3A_414 : memref<1x1x128xi32, #tpu.memory_space<hbm>> -> memref<128xi32, #tpu.memory_space<hbm>>
        tpu.enqueue_dma source(%dma_start3A_415 : memref<128xi32, #tpu.memory_space<hbm>>) target(%arg25 : memref<128xi32, #tpu.memory_space<vmem>>) target_semaphore(%arg42 : memref<!tpu.dma_semaphore, #tpu.memory_space<semaphore_mem>>)
      } else {
      }
      %add3A_395 = arith.constant 4 : i32
      %add3A_396 = arith.addi %add3A_378, %add3A_395 : i32
      %lt3A_397 = arith.constant 80 : i32
      %lt3A_398 = arith.cmpi slt, %add3A_396, %lt3A_397 : i32
      %convert_element_type3A_399 = arith.extui %lt3A_398 : i1 to i32
      %cond3A_400 = arith.constant 0 : i32
      %cond3A_401 = arith.cmpi ne, %convert_element_type3A_399, %cond3A_400 : i32
      scf.if %cond3A_401 {
        %add3A_402 = arith.constant 4 : i32
        %add3A_403 = arith.addi %add3A_378, %add3A_402 : i32
        %dma_wait3A_404 = arith.constant 0 : i32
        %dma_wait3A_405 = tpu.memref_slice %arg3[%add3A, %add3A_403, %dma_wait3A_404] : memref<32x80x128xi32, #tpu.memory_space<hbm>> -> memref<1x1x128xi32, #tpu.memory_space<hbm>>
        %dma_wait3A_406 = tpu.memref_squeeze %dma_wait3A_405 : memref<1x1x128xi32, #tpu.memory_space<hbm>> -> memref<128xi32, #tpu.memory_space<hbm>>
        %dma_wait3A_407 = arith.constant 0 : i32
        %dma_wait3A_408 = tpu.memref_slice %arg3[%add3A, %add3A_403, %dma_wait3A_407] : memref<32x80x128xi32, #tpu.memory_space<hbm>> -> memref<1x1x128xi32, #tpu.memory_space<hbm>>
        %dma_wait3A_409 = tpu.memref_squeeze %dma_wait3A_408 : memref<1x1x128xi32, #tpu.memory_space<hbm>> -> memref<128xi32, #tpu.memory_space<hbm>>
        tpu.wait_dma2 semaphore(%arg38 : memref<!tpu.dma_semaphore, #tpu.memory_space<semaphore_mem>>) src(%dma_wait3A_409 : memref<128xi32, #tpu.memory_space<hbm>>) dst(%arg13 : memref<128xi32, #tpu.memory_space<vmem>>)
        %dma_wait3A_410 = arith.constant 0 : i32
        %dma_wait3A_411 = tpu.memref_slice %arg4[%add3A, %add3A_403, %dma_wait3A_410] : memref<32x80x128xi32, #tpu.memory_space<hbm>> -> memref<1x1x128xi32, #tpu.memory_space<hbm>>
        %dma_wait3A_412 = tpu.memref_squeeze %dma_wait3A_411 : memref<1x1x128xi32, #tpu.memory_space<hbm>> -> memref<128xi32, #tpu.memory_space<hbm>>
        %dma_wait3A_413 = arith.constant 0 : i32
        %dma_wait3A_414 = tpu.memref_slice %arg4[%add3A, %add3A_403, %dma_wait3A_413] : memref<32x80x128xi32, #tpu.memory_space<hbm>> -> memref<1x1x128xi32, #tpu.memory_space<hbm>>
        %dma_wait3A_415 = tpu.memref_squeeze %dma_wait3A_414 : memref<1x1x128xi32, #tpu.memory_space<hbm>> -> memref<128xi32, #tpu.memory_space<hbm>>
        tpu.wait_dma2 semaphore(%arg38 : memref<!tpu.dma_semaphore, #tpu.memory_space<semaphore_mem>>) src(%dma_wait3A_415 : memref<128xi32, #tpu.memory_space<hbm>>) dst(%arg21 : memref<128xi32, #tpu.memory_space<vmem>>)
        %dma_start3A_416 = arith.constant 0 : i32
        %dma_start3A_417 = arith.constant 0 : i32
        %dma_start3A_418 = tpu.memref_slice %arg2[%dma_start3A_416, %dma_start3A_417] : memref<10240x16xf32, #tpu.memory_space<hbm>> -> memref<10240x16xf32, #tpu.memory_space<hbm>>
        tpu.enqueue_indirect_dma source(%dma_start3A_418 : memref<10240x16xf32, #tpu.memory_space<hbm>>) target(%arg9 : memref<128x16xf32, #tpu.memory_space<vmem>>) offsets(%arg13 : memref<128xi32, #tpu.memory_space<vmem>>) semaphore(%arg30 : memref<!tpu.dma_semaphore, #tpu.memory_space<semaphore_mem>>)
      } else {
      }
    }
    %scan3A_192 = arith.constant 10 : i32
    %barrier3A_193 = arith.constant 0 : index
    tpu.barrier barrier_id(%barrier3A_193)
    %mul3A_194 = arith.constant 640 : i32
    %mul3A_195 = arith.muli %arg1, %mul3A_194 : i32
    %mul3A_196 = arith.constant 640 : i32
    %mul3A_197 = arith.muli %arg1, %mul3A_196 : i32
    "tpu.region"() ({
      %run_scoped3A = tpu.sem_alloc : memref<!tpu.dma_semaphore, #tpu.memory_space<semaphore_mem>>
      %dma_start3A_198 = arith.constant 0 : i32
      %dma_start3A_199 = arith.constant 0 : i32
      %dma_start3A_200 = tpu.memref_slice %arg5[%arg0, %dma_start3A_198, %dma_start3A_199] : memref<2x10240x16xf32, #tpu.memory_space<hbm>> -> memref<1x10240x16xf32, #tpu.memory_space<hbm>>
      %dma_start3A_201 = tpu.memref_squeeze %dma_start3A_200 : memref<1x10240x16xf32, #tpu.memory_space<hbm>> -> memref<10240x16xf32, #tpu.memory_space<hbm>>
      %dma_start3A_202 = arith.constant 0 : i32
      %dma_start3A_203 = tpu.memref_slice %dma_start3A_201[%mul3A_197, %dma_start3A_202] : memref<10240x16xf32, #tpu.memory_space<hbm>> -> memref<640x16xf32, #tpu.memory_space<hbm>>
      %dma_start3A_204 = arith.constant 0 : i32
      %dma_start3A_205 = tpu.memref_slice %arg26[%mul3A_195, %dma_start3A_204] : memref<10240x16xf32, #tpu.memory_space<vmem_shared>> -> memref<640x16xf32, #tpu.memory_space<vmem_shared>>
      tpu.enqueue_dma source(%dma_start3A_205 : memref<640x16xf32, #tpu.memory_space<vmem_shared>>) target(%dma_start3A_203 : memref<640x16xf32, #tpu.memory_space<hbm>>) target_semaphore(%run_scoped3A : memref<!tpu.dma_semaphore, #tpu.memory_space<semaphore_mem>>)
      %dma_wait3A_206 = arith.constant 0 : i32
      %dma_wait3A_207 = arith.constant 0 : i32
      %dma_wait3A_208 = tpu.memref_slice %arg5[%arg0, %dma_wait3A_206, %dma_wait3A_207] : memref<2x10240x16xf32, #tpu.memory_space<hbm>> -> memref<1x10240x16xf32, #tpu.memory_space<hbm>>
      %dma_wait3A_209 = tpu.memref_squeeze %dma_wait3A_208 : memref<1x10240x16xf32, #tpu.memory_space<hbm>> -> memref<10240x16xf32, #tpu.memory_space<hbm>>
      %dma_wait3A_210 = arith.constant 0 : i32
      %dma_wait3A_211 = tpu.memref_slice %dma_wait3A_209[%mul3A_197, %dma_wait3A_210] : memref<10240x16xf32, #tpu.memory_space<hbm>> -> memref<640x16xf32, #tpu.memory_space<hbm>>
      %dma_wait3A_212 = arith.constant 0 : i32
      %dma_wait3A_213 = tpu.memref_slice %arg26[%mul3A_195, %dma_wait3A_212] : memref<10240x16xf32, #tpu.memory_space<vmem_shared>> -> memref<640x16xf32, #tpu.memory_space<vmem_shared>>
      tpu.wait_dma2 semaphore(%run_scoped3A : memref<!tpu.dma_semaphore, #tpu.memory_space<semaphore_mem>>) src(%dma_wait3A_213 : memref<640x16xf32, #tpu.memory_space<vmem_shared>>) dst(%dma_wait3A_211 : memref<640x16xf32, #tpu.memory_space<hbm>>)
      tpu.yield
    }) : () -> ()
    return
  }
}

module attributes {stable_mosaic.version = 14 : i64} {
  func.func @_tc_prep_body(%arg0: memref<10000x128xf32, #tpu.memory_space<vmem>>, %arg1: memref<128xf32, #tpu.memory_space<vmem>>, %arg2: memref<128x128xf32, #tpu.memory_space<vmem>>, %arg3: memref<2x10240x16xf32, #tpu.memory_space<vmem>>, %arg4: memref<10240x128xf32, #tpu.memory_space<vmem>>) attributes {dimension_semantics = [], scalar_prefetch = 0 : i64, scratch_operands = 0 : i64, tpu.core_type = #tpu.core_type<tc>} {
    %get3A = arith.constant 0 : index
    %get3A_0 = vector.load %arg1[%get3A] : memref<128xf32, #tpu.memory_space<vmem>>, vector<128xf32>
    %logistic3A = arith.negf %get3A_0 : vector<128xf32>
    %logistic3A_1 = math.exp %logistic3A : vector<128xf32>
    %logistic3A_2 = arith.constant 1.000000e+00 : f32
    %logistic3A_3 = vector.broadcast %logistic3A_2 : f32 to vector<128xf32>
    %logistic3A_4 = arith.addf %logistic3A_3, %logistic3A_1 : vector<128xf32>
    %logistic3A_5 = arith.divf %logistic3A_3, %logistic3A_4 : vector<128xf32>
    %get3A_6 = arith.constant 0 : index
    %get3A_7 = arith.constant 0 : index
    %get3A_8 = vector.load %arg0[%get3A_6, %get3A_7] : memref<10000x128xf32, #tpu.memory_space<vmem>>, vector<10000x128xf32>
    %broadcast_in_dim3A = vector.shape_cast %logistic3A_5 : vector<128xf32> to vector<1x128xf32>
    %mul3A = vector.broadcast %broadcast_in_dim3A : vector<1x128xf32> to vector<10000x128xf32>
    %mul3A_9 = arith.mulf %get3A_8, %mul3A : vector<10000x128xf32>
    %get3A_10 = arith.constant 0 : index
    %get3A_11 = arith.constant 0 : index
    %get3A_12 = vector.load %arg2[%get3A_10, %get3A_11] : memref<128x128xf32, #tpu.memory_space<vmem>>, vector<128x128xf32>
    %dot_general3A = arith.constant dense<0.000000e+00> : vector<10000x128xf32>
    %dot_general3A_13 = tpu.matmul %mul3A_9, %get3A_12, %dot_general3A {dimension_numbers = #tpu.dot_dimension_numbers<[1], [0], [0], [1], [0, 0, 1, 1], [], []>, transpose_lhs_hint = false} : vector<10000x128xf32>, vector<128x128xf32>, vector<10000x128xf32> -> vector<10000x128xf32>
    %get3A_14 = arith.constant 0 : index
    %get3A_15 = arith.constant 0 : index
    %get3A_16 = arith.constant 0 : index
    %get3A_17 = vector.load %arg3[%get3A_14, %get3A_15, %get3A_16] : memref<2x10240x16xf32, #tpu.memory_space<vmem>>, vector<1x10240x16xf32>
    %get3A_18 = vector.shape_cast %get3A_17 : vector<1x10240x16xf32> to vector<10240x16xf32>
    %slice3A = vector.extract_strided_slice %get3A_18 {offsets = [0, 0], sizes = [10000, 1], strides = [1, 1]} : vector<10240x16xf32> to vector<10000x1xf32>
    %get3A_19 = arith.constant 1 : index
    %get3A_20 = arith.constant 0 : index
    %get3A_21 = arith.constant 0 : index
    %get3A_22 = vector.load %arg3[%get3A_19, %get3A_20, %get3A_21] : memref<2x10240x16xf32, #tpu.memory_space<vmem>>, vector<1x10240x16xf32>
    %get3A_23 = vector.shape_cast %get3A_22 : vector<1x10240x16xf32> to vector<10240x16xf32>
    %slice3A_24 = vector.extract_strided_slice %get3A_23 {offsets = [0, 0], sizes = [10000, 1], strides = [1, 1]} : vector<10240x16xf32> to vector<10000x1xf32>
    %add3A = arith.addf %slice3A, %slice3A_24 : vector<10000x1xf32>
    %add3A_25 = arith.constant 1.000000e+00 : f32
    %add3A_26 = vector.broadcast %add3A_25 : f32 to vector<10000x1xf32>
    %add3A_27 = arith.addf %add3A, %add3A_26 : vector<10000x1xf32>
    %rsqrt3A = math.rsqrt %add3A_27 : vector<10000x1xf32>
    %mul3A_28 = vector.broadcast %rsqrt3A : vector<10000x1xf32> to vector<10000x128xf32>
    %mul3A_29 = arith.mulf %dot_general3A_13, %mul3A_28 : vector<10000x128xf32>
    %swap3A = arith.constant 0 : index
    %swap3A_30 = arith.constant 0 : index
    %swap3A_31 = vector.load %arg4[%swap3A, %swap3A_30] : memref<10240x128xf32, #tpu.memory_space<vmem>>, vector<10000x128xf32>
    tpu.vector_store %arg4[%swap3A, %swap3A_30], %mul3A_29 {strides = array<i32>} : memref<10240x128xf32, #tpu.memory_space<vmem>>, vector<10000x128xf32>,
    return
  }
}

module attributes {stable_mosaic.version = 14 : i64} {
  func.func @_tc_mid_body(%arg0: memref<2x10240x128xf32, #tpu.memory_space<vmem>>, %arg1: memref<10240x128xf32, #tpu.memory_space<vmem>>, %arg2: memref<2x10240x16xf32, #tpu.memory_space<vmem>>, %arg3: memref<128xf32, #tpu.memory_space<vmem>>, %arg4: memref<128xf32, #tpu.memory_space<vmem>>, %arg5: memref<128xf32, #tpu.memory_space<vmem>>, %arg6: memref<128xf32, #tpu.memory_space<vmem>>, %arg7: memref<128xf32, #tpu.memory_space<vmem>>, %arg8: memref<128x16xf32, #tpu.memory_space<vmem>>, %arg9: memref<10240x16xf32, #tpu.memory_space<vmem>>) attributes {dimension_semantics = [], scalar_prefetch = 0 : i64, scratch_operands = 0 : i64, tpu.core_type = #tpu.core_type<tc>} {
    %get3A = arith.constant 0 : index
    %get3A_0 = arith.constant 0 : index
    %get3A_1 = arith.constant 0 : index
    %get3A_2 = vector.load %arg2[%get3A, %get3A_0, %get3A_1] : memref<2x10240x16xf32, #tpu.memory_space<vmem>>, vector<1x10240x16xf32>
    %get3A_3 = vector.shape_cast %get3A_2 : vector<1x10240x16xf32> to vector<10240x16xf32>
    %slice3A = vector.extract_strided_slice %get3A_3 {offsets = [0, 0], sizes = [10240, 1], strides = [1, 1]} : vector<10240x16xf32> to vector<10240x1xf32>
    %get3A_4 = arith.constant 1 : index
    %get3A_5 = arith.constant 0 : index
    %get3A_6 = arith.constant 0 : index
    %get3A_7 = vector.load %arg2[%get3A_4, %get3A_5, %get3A_6] : memref<2x10240x16xf32, #tpu.memory_space<vmem>>, vector<1x10240x16xf32>
    %get3A_8 = vector.shape_cast %get3A_7 : vector<1x10240x16xf32> to vector<10240x16xf32>
    %slice3A_9 = vector.extract_strided_slice %get3A_8 {offsets = [0, 0], sizes = [10240, 1], strides = [1, 1]} : vector<10240x16xf32> to vector<10240x1xf32>
    %add3A = arith.addf %slice3A, %slice3A_9 : vector<10240x1xf32>
    %add3A_10 = arith.constant 1.000000e+00 : f32
    %add3A_11 = vector.broadcast %add3A_10 : f32 to vector<10240x1xf32>
    %add3A_12 = arith.addf %add3A, %add3A_11 : vector<10240x1xf32>
    %rsqrt3A = math.rsqrt %add3A_12 : vector<10240x1xf32>
    %get3A_13 = arith.constant 0 : index
    %get3A_14 = arith.constant 0 : index
    %get3A_15 = arith.constant 0 : index
    %get3A_16 = vector.load %arg0[%get3A_13, %get3A_14, %get3A_15] : memref<2x10240x128xf32, #tpu.memory_space<vmem>>, vector<1x10240x128xf32>
    %get3A_17 = vector.shape_cast %get3A_16 : vector<1x10240x128xf32> to vector<10240x128xf32>
    %get3A_18 = arith.constant 1 : index
    %get3A_19 = arith.constant 0 : index
    %get3A_20 = arith.constant 0 : index
    %get3A_21 = vector.load %arg0[%get3A_18, %get3A_19, %get3A_20] : memref<2x10240x128xf32, #tpu.memory_space<vmem>>, vector<1x10240x128xf32>
    %get3A_22 = vector.shape_cast %get3A_21 : vector<1x10240x128xf32> to vector<10240x128xf32>
    %add3A_23 = arith.addf %get3A_17, %get3A_22 : vector<10240x128xf32>
    %get3A_24 = arith.constant 0 : index
    %get3A_25 = arith.constant 0 : index
    %get3A_26 = vector.load %arg1[%get3A_24, %get3A_25] : memref<10240x128xf32, #tpu.memory_space<vmem>>, vector<10240x128xf32>
    %add3A_27 = arith.addf %add3A_23, %get3A_26 : vector<10240x128xf32>
    %mul3A = vector.broadcast %rsqrt3A : vector<10240x1xf32> to vector<10240x128xf32>
    %mul3A_28 = arith.mulf %add3A_27, %mul3A : vector<10240x128xf32>
    %get3A_29 = arith.constant 0 : index
    %get3A_30 = vector.load %arg3[%get3A_29] : memref<128xf32, #tpu.memory_space<vmem>>, vector<128xf32>
    %broadcast_in_dim3A = vector.shape_cast %get3A_30 : vector<128xf32> to vector<1x128xf32>
    %add3A_31 = vector.broadcast %broadcast_in_dim3A : vector<1x128xf32> to vector<10240x128xf32>
    %add3A_32 = arith.addf %mul3A_28, %add3A_31 : vector<10240x128xf32>
    %get3A_33 = arith.constant 0 : index
    %get3A_34 = vector.load %arg7[%get3A_33] : memref<128xf32, #tpu.memory_space<vmem>>, vector<128xf32>
    %add3A_35 = arith.constant 9.99999974E-6 : f32
    %add3A_36 = vector.broadcast %add3A_35 : f32 to vector<128xf32>
    %add3A_37 = arith.addf %get3A_34, %add3A_36 : vector<128xf32>
    %rsqrt3A_38 = math.rsqrt %add3A_37 : vector<128xf32>
    %get3A_39 = arith.constant 0 : index
    %get3A_40 = vector.load %arg6[%get3A_39] : memref<128xf32, #tpu.memory_space<vmem>>, vector<128xf32>
    %broadcast_in_dim3A_41 = vector.shape_cast %get3A_40 : vector<128xf32> to vector<1x128xf32>
    %sub3A = vector.broadcast %broadcast_in_dim3A_41 : vector<1x128xf32> to vector<10240x128xf32>
    %sub3A_42 = arith.subf %add3A_32, %sub3A : vector<10240x128xf32>
    %get3A_43 = arith.constant 0 : index
    %get3A_44 = vector.load %arg4[%get3A_43] : memref<128xf32, #tpu.memory_space<vmem>>, vector<128xf32>
    %mul3A_45 = arith.mulf %rsqrt3A_38, %get3A_44 : vector<128xf32>
    %broadcast_in_dim3A_46 = vector.shape_cast %mul3A_45 : vector<128xf32> to vector<1x128xf32>
    %mul3A_47 = vector.broadcast %broadcast_in_dim3A_46 : vector<1x128xf32> to vector<10240x128xf32>
    %mul3A_48 = arith.mulf %sub3A_42, %mul3A_47 : vector<10240x128xf32>
    %get3A_49 = arith.constant 0 : index
    %get3A_50 = vector.load %arg5[%get3A_49] : memref<128xf32, #tpu.memory_space<vmem>>, vector<128xf32>
    %broadcast_in_dim3A_51 = vector.shape_cast %get3A_50 : vector<128xf32> to vector<1x128xf32>
    %add3A_52 = vector.broadcast %broadcast_in_dim3A_51 : vector<1x128xf32> to vector<10240x128xf32>
    %add3A_53 = arith.addf %mul3A_48, %add3A_52 : vector<10240x128xf32>
    %max3A = arith.constant 0.000000e+00 : f32
    %max3A_54 = vector.broadcast %max3A : f32 to vector<10240x128xf32>
    %max3A_55 = arith.maximumf %add3A_53, %max3A_54 : vector<10240x128xf32>
    %get3A_56 = arith.constant 0 : index
    %get3A_57 = arith.constant 0 : index
    %get3A_58 = vector.load %arg8[%get3A_56, %get3A_57] : memref<128x16xf32, #tpu.memory_space<vmem>>, vector<128x16xf32>
    %dot_general3A = arith.constant dense<0.000000e+00> : vector<10240x16xf32>
    %dot_general3A_59 = tpu.matmul %max3A_55, %get3A_58, %dot_general3A {dimension_numbers = #tpu.dot_dimension_numbers<[1], [0], [0], [1], [0, 0, 1, 1], [], []>, transpose_lhs_hint = false} : vector<10240x128xf32>, vector<128x16xf32>, vector<10240x16xf32> -> vector<10240x16xf32>
    %mul3A_60 = vector.broadcast %rsqrt3A : vector<10240x1xf32> to vector<10240x16xf32>
    %mul3A_61 = arith.mulf %dot_general3A_59, %mul3A_60 : vector<10240x16xf32>
    %swap3A = arith.constant 0 : index
    %swap3A_62 = arith.constant 0 : index
    %swap3A_63 = vector.load %arg9[%swap3A, %swap3A_62] : memref<10240x16xf32, #tpu.memory_space<vmem>>, vector<10240x16xf32>
    tpu.vector_store %arg9[%swap3A, %swap3A_62], %mul3A_61 {strides = array<i32>} : memref<10240x16xf32, #tpu.memory_space<vmem>>, vector<10240x16xf32>,
    return
  }
}

module attributes {stable_mosaic.version = 14 : i64} {
  func.func @_tc_final_body(%arg0: memref<2x10240x16xf32, #tpu.memory_space<vmem>>, %arg1: memref<10240x16xf32, #tpu.memory_space<vmem>>, %arg2: memref<2x10240x16xf32, #tpu.memory_space<vmem>>, %arg3: memref<16xf32, #tpu.memory_space<vmem>>, %arg4: memref<10000x2xf32, #tpu.memory_space<vmem>>) attributes {dimension_semantics = [], scalar_prefetch = 0 : i64, scratch_operands = 0 : i64, tpu.core_type = #tpu.core_type<tc>} {
    %get3A = arith.constant 0 : index
    %get3A_0 = arith.constant 0 : index
    %get3A_1 = arith.constant 0 : index
    %get3A_2 = vector.load %arg2[%get3A, %get3A_0, %get3A_1] : memref<2x10240x16xf32, #tpu.memory_space<vmem>>, vector<1x10240x16xf32>
    %get3A_3 = vector.shape_cast %get3A_2 : vector<1x10240x16xf32> to vector<10240x16xf32>
    %slice3A = vector.extract_strided_slice %get3A_3 {offsets = [0, 0], sizes = [10000, 1], strides = [1, 1]} : vector<10240x16xf32> to vector<10000x1xf32>
    %get3A_4 = arith.constant 1 : index
    %get3A_5 = arith.constant 0 : index
    %get3A_6 = arith.constant 0 : index
    %get3A_7 = vector.load %arg2[%get3A_4, %get3A_5, %get3A_6] : memref<2x10240x16xf32, #tpu.memory_space<vmem>>, vector<1x10240x16xf32>
    %get3A_8 = vector.shape_cast %get3A_7 : vector<1x10240x16xf32> to vector<10240x16xf32>
    %slice3A_9 = vector.extract_strided_slice %get3A_8 {offsets = [0, 0], sizes = [10000, 1], strides = [1, 1]} : vector<10240x16xf32> to vector<10000x1xf32>
    %add3A = arith.addf %slice3A, %slice3A_9 : vector<10000x1xf32>
    %add3A_10 = arith.constant 1.000000e+00 : f32
    %add3A_11 = vector.broadcast %add3A_10 : f32 to vector<10000x1xf32>
    %add3A_12 = arith.addf %add3A, %add3A_11 : vector<10000x1xf32>
    %rsqrt3A = math.rsqrt %add3A_12 : vector<10000x1xf32>
    %get3A_13 = arith.constant 0 : index
    %get3A_14 = arith.constant 0 : index
    %get3A_15 = arith.constant 0 : index
    %get3A_16 = vector.load %arg0[%get3A_13, %get3A_14, %get3A_15] : memref<2x10240x16xf32, #tpu.memory_space<vmem>>, vector<1x10240x16xf32>
    %get3A_17 = vector.shape_cast %get3A_16 : vector<1x10240x16xf32> to vector<10240x16xf32>
    %slice3A_18 = vector.extract_strided_slice %get3A_17 {offsets = [0, 0], sizes = [10000, 16], strides = [1, 1]} : vector<10240x16xf32> to vector<10000x16xf32>
    %get3A_19 = arith.constant 1 : index
    %get3A_20 = arith.constant 0 : index
    %get3A_21 = arith.constant 0 : index
    %get3A_22 = vector.load %arg0[%get3A_19, %get3A_20, %get3A_21] : memref<2x10240x16xf32, #tpu.memory_space<vmem>>, vector<1x10240x16xf32>
    %get3A_23 = vector.shape_cast %get3A_22 : vector<1x10240x16xf32> to vector<10240x16xf32>
    %slice3A_24 = vector.extract_strided_slice %get3A_23 {offsets = [0, 0], sizes = [10000, 16], strides = [1, 1]} : vector<10240x16xf32> to vector<10000x16xf32>
    %add3A_25 = arith.addf %slice3A_18, %slice3A_24 : vector<10000x16xf32>
    %get3A_26 = arith.constant 0 : index
    %get3A_27 = arith.constant 0 : index
    %get3A_28 = vector.load %arg1[%get3A_26, %get3A_27] : memref<10240x16xf32, #tpu.memory_space<vmem>>, vector<10000x16xf32>
    %add3A_29 = arith.addf %add3A_25, %get3A_28 : vector<10000x16xf32>
    %mul3A = vector.broadcast %rsqrt3A : vector<10000x1xf32> to vector<10000x16xf32>
    %mul3A_30 = arith.mulf %add3A_29, %mul3A : vector<10000x16xf32>
    %get3A_31 = arith.constant 0 : index
    %get3A_32 = vector.load %arg3[%get3A_31] : memref<16xf32, #tpu.memory_space<vmem>>, vector<16xf32>
    %broadcast_in_dim3A = vector.shape_cast %get3A_32 : vector<16xf32> to vector<1x16xf32>
    %add3A_33 = vector.broadcast %broadcast_in_dim3A : vector<1x16xf32> to vector<10000x16xf32>
    %add3A_34 = arith.addf %mul3A_30, %add3A_33 : vector<10000x16xf32>
    %slice3A_35 = vector.extract_strided_slice %add3A_34 {offsets = [0, 0], sizes = [10000, 2], strides = [1, 1]} : vector<10000x16xf32> to vector<10000x2xf32>
    %swap3A = arith.constant 0 : index
    %swap3A_36 = arith.constant 0 : index
    %swap3A_37 = vector.load %arg4[%swap3A, %swap3A_36] : memref<10000x2xf32, #tpu.memory_space<vmem>>, vector<10000x2xf32>
    tpu.vector_store %arg4[%swap3A, %swap3A_36], %slice3A_35 {strides = array<i32>} : memref<10000x2xf32, #tpu.memory_space<vmem>>, vector<10000x2xf32>,
    return
  }
}

</mosaic_0001>

<sc_bundles>
// kernel: kernel.11.cloned.1.call-start
scs
__scs_entry_jumppad:
0x0: {  	(pc) =	sbr.rel $0x88, $3  }
0x1: {  	(tag) =	ssettag $0x0;
	lr =	simm.s32 $0x1  }
0x2: {  	[smem:$0x3F96] =	sst lr;
	_ =	strace $0xD0000000  }
0x3: {  	_ = 	snop  }
0x4: {  	_ = 	snop  }
0x5: {  	_ = 	snop  }
0x6: {  	_ = 	snop  }
0x7: {  	_ = 	snop  }
__scs_overlays_trampoline_lowered:
0x8: {  	[smem:$0x3FA5] =	sst s0  }
0x9: {  	[smem:$0x3FA6] =	sst s1  }
0xa: {  	[smem:$0x3FA7] =	sst s2  }
0xb: {  	[smem:$0x3FA8] =	sst s3  }
0xc: {  	[smem:$0x3FA9] =	sst s4  }
0xd: {  	[smem:$0x3FAA] =	sst s5  }
0xe: {  	[smem:$0x3FAB] =	sst s6  }
0xf: {  	[smem:$0x3FAC] =	sst s7  }
0x10: {  	[smem:$0x3FAD] =	sst s8  }
0x11: {  	[smem:$0x3FAE] =	sst s9;
	s0 =	simm.s32 @!p0 $0x0  }
0x12: {  	s1 =	sld [smem:$0x3F94];
	s0 =	simm.s32 @p0 $0x1  }
0x13: {  	[smem:$0x3FAF] =	sst s0;
	s0 =	simm.s32 @!p1 $0x0  }
0x14: {  	s2 =	sld [smem:$0x3F93];
	s0 =	simm.s32 @p1 $0x1  }
0x15: {  	[smem:$0x3FB0] =	sst s0;
	s0 =	simm.s32 @!p2 $0x0  }
0x16: {  	s3 =	sld [smem:$0x3FDB];
	s0 =	simm.s32 @p2 $0x1  }
0x17: {  	s4 =	simm.s32 $0x1BF5;
	[smem:$0x3FB2] =	sst s0  }
0x18: {  	s0 =	sld [smem:$0x3F95];
	_ =	swait.ge [sflag:s4], $0x0  }
0x19: {  	s7 =	sld [smem:$0x3F96]  }
0x1a: {  	s8 =	sadd.s32 $0xFFFFE003, lr  }
0x1b: {  	s9 =	sadd.s32 $0xFFFFFEF7, lr;
	s5 =	simm.s32 $0xFFFFFFFF;
	p2 =	slt.u32 s8, $0xFFFFF086  }
0x1c: {  	p1 =	slt.u32 s9, $0xF7A;
	s5 =	simm.s32 @!p2 $0x0  }
0x1d: {  	s5 =	simm.s32 @p1 $0x1;
	p0 =	seq.s32 s7, s2  }
0x1e: {  	s7 =	smul.u32 @!p0 $0xF7A, s2;
	p2 =	seq.s32 @!p0 s5, $0x0  }
0x1f: {  	s9 =	smul.u32 $0xF7A, s1;
	s8 =	simm.s32 @!p0 $0x1BF5;
	p2 =	por !p2, p0  }
0x20: {  	[sflag:s8] =	ssyncset.s32 @!p0 $0xFFFFF086;
	s6 =	sadd.s32 @!p0 s3, s7;
	s7 =	simm.s32 @!p0 $0x108  }
0x21: {  	s3 =	sadd.s32 s3, s9;
	s6 =	sadd.s32 @!p0 $0x88, s6;
	s7 =	simm.s32 @p2 $0x1082  }
0x22: {  	[simem:s7], [sflag:s8] =	dma.local @!p0 [hbm:s6], $0xF7A  }
0x23: {  	s9 =	sor.u32 $0xD0000000, s2;
	s6 =	simm.s32 $0x108;
	_ =	swait.ge @!p0 [sflag:s8], $0x0  }
0x24: {  	s3 =	sadd.s32 $0x88, s3;
	s6 =	simm.s32 @!p1 $0x1082;
	[sflag:s4] =	ssyncset.s32 $0xFFFFF086  }
0x25: {  	[simem:s6], [sflag:s4] =	dma.local [hbm:s3], $0xF7A  }
0x26: {  	[smem:$0x3F96] =	sst s1;
	(tag) =	ssettag s2;
	_ =	strace s9  }
0x27: {  	s1 =	sld [smem:$0x3FA6]  }
0x28: {  	s2 =	sld [smem:$0x3FA7]  }
0x29: {  	s4 =	sld [smem:$0x3FA9]  }
0x2a: {  	p0 =	seq.s32 s5, $0x0;
	s5 =	sld [smem:$0x3FAA]  }
0x2b: {  	s6 =	sld [smem:$0x3FAB]  }
0x2c: {  	s7 =	sld [smem:$0x3FAC]  }
0x2d: {  	s3 =	simm.s32 $0x108;
	s8 =	sld [smem:$0x3FAD]  }
0x2e: {  	s3 =	simm.s32 @!p0 $0x1082;
	s9 =	sld [smem:$0x3FAE]  }
0x2f: {  	lr =	sadd.s32 s0, s3;
	s0 =	sld [smem:$0x3FA5]  }
0x30: {  	s3 =	sld [smem:$0x3FA8]  }
0x31: {  	[smem:$0x3FB1] =	sst s10  }
0x32: {  	s10 =	sld [smem:$0x3FAF];
	_ =	sdelay $0x3  }
0x33: {  	p0 =	seq.s32 s10, $0x1;
	s10 =	sld [smem:$0x3FB1];
	_ =	sdelay $0x3  }
0x34: {  	[smem:$0x3FB1] =	sst s10  }
0x35: {  	s10 =	sld [smem:$0x3FB0];
	_ =	sdelay $0x3  }
0x36: {  	p1 =	seq.s32 s10, $0x1;
	s10 =	sld [smem:$0x3FB1];
	_ =	sdelay $0x3  }
0x37: {  	[smem:$0x3FB1] =	sst s10  }
0x38: {  	s10 =	sld [smem:$0x3FB2]  }
0x39: {  	_ = 	snop;
	(pc) =	sbr.ind lr, $3  }
0x3a: {  	_ = 	snop  }
0x3b: {  	_ = 	snop  }
0x3c: {  	p2 =	seq.s32 s10, $0x1;
	s10 =	sld [smem:$0x3FB1]  }
0x3d: {  	_ =	shalt  }
0x3e: {  	_ =	shalt  }
0x3f: {  	_ =	shalt  }
0x40: {  	_ =	shalt  }
0x41: {  	_ =	shalt  }
0x42: {  	_ =	shalt  }
0x43: {  	_ =	shalt  }
0x44: {  	_ =	shalt  }
0x45: {  	_ =	shalt  }
0x46: {  	_ =	shalt  }
0x47: {  	_ =	shalt  }
0x48: {  	_ =	shalt  }
0x49: {  	_ =	shalt  }
0x4a: {  	_ =	shalt  }
0x4b: {  	_ =	shalt  }
0x4c: {  	_ =	shalt  }
0x4d: {  	_ =	shalt  }
0x4e: {  	_ =	shalt  }
0x4f: {  	_ =	shalt  }
0x50: {  	_ =	shalt  }
0x51: {  	_ =	shalt  }
0x52: {  	_ =	shalt  }
0x53: {  	_ =	shalt  }
0x54: {  	_ =	shalt  }
0x55: {  	_ =	shalt  }
0x56: {  	_ =	shalt  }
0x57: {  	_ =	shalt  }
0x58: {  	_ =	shalt  }
0x59: {  	_ =	shalt  }
0x5a: {  	_ =	shalt  }
0x5b: {  	_ =	shalt  }
0x5c: {  	_ =	shalt  }
0x5d: {  	_ =	shalt  }
0x5e: {  	_ =	shalt  }
0x5f: {  	_ =	shalt  }
0x60: {  	_ =	shalt  }
0x61: {  	_ =	shalt  }
0x62: {  	_ =	shalt  }
0x63: {  	_ =	shalt  }
0x64: {  	_ =	shalt  }
0x65: {  	_ =	shalt  }
0x66: {  	_ =	shalt  }
0x67: {  	_ =	shalt  }
0x68: {  	_ =	shalt  }
0x69: {  	_ =	shalt  }
0x6a: {  	_ =	shalt  }
0x6b: {  	_ =	shalt  }
0x6c: {  	_ =	shalt  }
0x6d: {  	_ =	shalt  }
0x6e: {  	_ =	shalt  }
0x6f: {  	_ =	shalt  }
0x70: {  	_ =	shalt  }
0x71: {  	_ =	shalt  }
0x72: {  	_ =	shalt  }
0x73: {  	_ =	shalt  }
0x74: {  	_ =	shalt  }
0x75: {  	_ =	shalt  }
0x76: {  	_ =	shalt  }
0x77: {  	_ =	shalt  }
0x78: {  	_ =	shalt  }
0x79: {  	_ =	shalt  }
0x7a: {  	_ =	shalt  }
0x7b: {  	_ =	shalt  }
0x7c: {  	_ =	shalt  }
0x7d: {  	_ =	shalt  }
0x7e: {  	_ =	shalt  }
0x7f: {  	_ =	shalt  }
0x80: {  	_ =	shalt  }
0x81: {  	_ =	shalt  }
0x82: {  	_ =	shalt  }
0x83: {  	_ =	shalt  }
0x84: {  	_ =	shalt  }
0x85: {  	_ =	shalt  }
0x86: {  	_ =	shalt  }
0x87: {  	_ =	shalt  }
.Lfunc_end0:
.L_simem_size_0:
called_computation.1_lowered:
.L_overlay_start_0:
0x88: {  	s2 =	sld [smem:$0x3FD9]  }
0x89: {  	s3 =	sld [smem:$0x3FFE];
	_ =	sdelay $0x1  }
0x8a: {  	s1 =	srdreg.scid  }
0x8b: {  	s0 =	sand.u32 $0x1, s1  }
0x8c: {  	s16 =	sshll.u32 s0, $0xA;
	s2 =	sadd.s32 s3, s2  }
0x8d: {  	s2 =	sadd.s32 s2, s16  }
0x8e: {  	[smem:$0x3FBD] =	sst s2  }
0x8f: {  	_ = 	snop  }
0x90: {  	(tm) =	ssettm $0x1  }
0x91: {  	s17 =	sld [smem:$0x3FFB];
	_ =	sdelay $0x3  }
0x92: {  	_ =	strace s17  }
0x93: {  	s2 =	sld [smem:$0x3FFC];
	_ =	sdelay $0x3  }
0x94: {  	_ =	strace s2  }
0x95: {  	s2 =	sld [smem:$0x3FFD];
	_ =	sdelay $0x3  }
0x96: {  	_ =	strace s2  }
0x97: {  	_ =	strace $0x8FFFFFFF  }
0x98: {  	s18 =	sld [smem:$0x3FDB];
	_ =	sdelay $0x1  }
0x99: {  	s19 =	simm.s32 $_scs_section_size  }
0x9a: {  	s4 =	simm.s32 $_size__tile_overlayer_lowered;
	s5 =	simm.s32 $_tile_overlayer_lowered  }
0x9b: {  	s22 =	simm.s32 $0x1BFF;
	s21 =	sshll.u32 s5, $0x1;
	s2 =	sadd.s32 s19, s18  }
0x9c: {  	s6 =	simm.s32 $0x0;
	s20 =	sshll.u32 s4, $0x1;
	s4 =	sadd.s32 s21, s2  }
0x9d: {  	[timem:s6], [sflag:s22] =	dma.local [hbm:s4], s20  }
0x9e: {  	_ =	swait.ge [sflag:s22], s20  }
0x9f: {  	s3 =	ssub.s32 $0x0, s20;
	[sflag:s22] =	ssyncset.done $0x0  }
0xa0: {  	[sflag:s22] =	ssyncadd.s32 s3;
	_ =	sdelay $0x1  }
0xa1: {  	s23 =	simm.s32 $0x1B8B  }
0xa2: {  	_ =	swait.ge [sflag:s23], $0x1  }
0xa3: {  	[sflag:s23] =	ssyncset.done $0x0  }
0xa4: {  	s25 =	simm.s32 $0x1B8E;
	s24 =	sld [smem:$0x3FFE];
	[sflag:s23] =	ssyncadd.s32 $0xFFFFFFFF  }
0xa5: {  	s26 =	simm.s32 $execute0_lowered;
	[smem:$0x3FD2] =	sst s25  }
0xa6: {  	s4 =	sshll.u32 s26, $0x1;
	_ =	strace $0x80000049;
	[dreg:$0x1] =	wrdreg $0xFFFFFFFF  }
0xa7: {  	s28 =	simm.s32 $_size_execute0_lowered;
	s2 =	sadd.s32 s2, s4;
	[dreg:$0x0] =	wrdreg $0x0  }
0xa8: {  	s4 =	sshll.u32 s28, $0x1;
	[dreg:$0x2] =	wrdreg s2  }
0xa9: {  	[dreg:$0x3] =	wrdreg s4  }
0xaa: {  	[dreg:$0x4] =	wrdreg $0xC0  }
0xab: {  	_ =	task [dreg:s6], $0x5FFFF  }
0xac: {  	[dreg:$0x1] =	wrdreg $0xFFFFFFFF  }
0xad: {  	[dreg:$0x0] =	wrdreg $0x60  }
0xae: {  	[dreg:$0x2] =	wrdreg s24  }
0xaf: {  	[dreg:$0x3] =	wrdreg $0xA8000  }
0xb0: {  	[dreg:$0x4] =	wrdreg $0x9  }
0xb1: {  	_ =	task.clear_ibuf [dreg:s6], $0x5FFFF;
	_ =	strace $0x90000049  }
0xb2: {  	s29 =	simm.s32 $0x9;
	_ =	strace $0x8000004B  }
0xb3: {  	_ =	swait.ge [sflag:s29], $0x1  }
0xb4: {  	[sflag:s29] =	ssyncadd.s32 $0xFFFFFFFF  }
0xb5: {  	_ =	strace $0x9000004B  }
0xb6: {  	_ =	sfence  }
0xb7: {  	s30 =	sld [smem:$0x0];
	_ =	sdelay $0x2  }
0xb8: {  	s31 =	sshll.u32 s1, $0xD;
	s1 =	sshrl.u32 s1, $0x2  }
0xb9: {  	s3 =	sand.u32 $0x4000, s31;
	s1 =	sadd.s32 s1, s30  }
0xba: {  	s0 =	sor.u32 s3, s0;
	s1 =	sshll.u32 s1, $0x11  }
0xbb: {  	s0 =	sor.u32 s1, s0  }
0xbc: {  	s0 =	sadd.s32 $0x8F2B, s0  }
0xbd: {  	[sflag:s0] =	ssyncadd.remote.s32 $0x1  }
0xbe: {  	_ =	sfence.sel $0xFFFF  }
0xbf: {  	[dreg:$0x0] =	wrdreg $0xFFFFFFFF;
	(pc) =	sbr.abs _section_cstart, $3  }
0xc0: {  	[dreg:$0x1] =	wrdreg $0xFFFFFFFF  }
0xc1: {  	_ =	task.clear_ibuf [dreg:s6], $0x2FFFF;
	_ =	strace $0x9FFFFFFF  }
0xc2: {  	(tm) =	ssettm $0x7FFFFFFF  }
0xc3: {  	_ =	shalt  }
tec
execute0_lowered:
.L_overlay_start_1:
0x0: {  	(tag) =	ssettag $0x1  }
0x1: {  	s0 =	srdreg.scid  }
0x2: {  	s2 =	sand.u32 $0x1, s0  }
0x3: {  	s11 =	stileid.u32;
	s3 =	sshll.u32 s2, $0x4  }
0x4: {  	s3 =	sor.u32 s11, s3  }
0x5: {  	s1 =	simm.s32 $0x0;
	s0 =	rddreg [dreg:$0x0];
	s3 =	smul.u32 $0x2800, s3  }
0x6: {  	[smem:$0x7FF] =	sst s1;
	s4 =	sadd.s32 $0x66E00, s0  }
0x7: {  	s6 =	smul.u32 $0x28000, s2;
	s2 =	ssub.s32 $0x2, s2;
	s3 =	sshrl.u32 s3, $0x3  }
0x8: {  	s7 =	sadd.s32 $0x5CE00, s0;
	s5 =	sshrl.u32 s2, $0x1;
	s19 =	sadd.s32 s4, s3  }
0x9: {  	s20 =	sadd.s32 s7, s3;
	s21 =	sor.u32 $0xA, s3;
	[dreg:$0x3] =	wrdreg s19  }
0xa: {  	s5 =	ssub.s32 s2, s5;
	[dreg:$0x4] =	wrdreg s20;
	s10 =	sadd.s32 s4, s21  }
0xb: {  	s9 =	sor.u32 $0x14, s3;
	s2 =	sadd.s32 s7, s21;
	[dreg:$0x5] =	wrdreg s10  }
0xc: {  	s22 =	sadd.s32 s4, s9;
	[dreg:$0x6] =	wrdreg s2  }
0xd: {  	s24 =	sor.u32 $0x1E, s3;
	s23 =	sadd.s32 s7, s9;
	[dreg:$0x7] =	wrdreg s22  }
0xe: {  	s25 =	sor.u32 $0x28, s3;
	s26 =	sadd.s32 s4, s24;
	[dreg:$0x8] =	wrdreg s23  }
0xf: {  	s29 =	sadd.s32 s4, s25;
	[dreg:$0x9] =	wrdreg s26  }
0x10: {  	s31 =	sor.u32 $0x32, s3;
	s30 =	sadd.s32 s7, s25;
	[dreg:$0xb] =	wrdreg s29  }
0x11: {  	s13 =	sor.u32 $0x3C, s3;
	s12 =	sadd.s32 s4, s31;
	[dreg:$0xc] =	wrdreg s30  }
0x12: {  	s3 =	sor.u32 $0x46, s3;
	s14 =	sadd.s32 s4, s13;
	[dreg:$0xd] =	wrdreg s12  }
0x13: {  	s15 =	sadd.s32 s4, s3;
	[dreg:$0xf] =	wrdreg s14  }
0x14: {  	s3 =	sadd.s32 s7, s3;
	[dreg:$0x11] =	wrdreg s15  }
0x15: {  	s9 =	smul.u32 $0x2800, s11;
	s2 =	sadd.s32 s7, s24;
	[dreg:$0x12] =	wrdreg s3  }
0x16: {  	s28 =	simm.s32 $0x10;
	[dreg:$0xa] =	wrdreg s2;
	s2 =	sadd.s32 s7, s31  }
0x17: {  	s8 =	sadd.s32 s6, s0;
	s6 =	sadd.s32 s9, s6;
	[dreg:$0xe] =	wrdreg s2  }
0x18: {  	s2 =	sadd.s32 s7, s13;
	s16 =	sor.u32 $0x4B0, s6;
	s17 =	sor.u32 $0x460, s6  }
0x19: {  	s19 =	sor.u32 $0x410, s6;
	s23 =	sor.u32 $0x3C0, s6;
	s25 =	sor.u32 $0x370, s6  }
0x1a: {  	s29 =	sor.u32 $0x320, s6;
	[dreg:$0x10] =	wrdreg s2;
	s2 =	sshrl.u32 s16, $0x3  }
0x1b: {  	s12 =	sor.u32 $0x2D0, s6;
	s14 =	sor.u32 $0x280, s6;
	s18 =	sadd.s32 s2, s7  }
0x1c: {  	s3 =	sshrl.u32 s17, $0x3;
	s2 =	sadd.s32 s2, s4;
	[dreg:$0x13] =	wrdreg s18  }
0x1d: {  	s6 =	sadd.s32 $0x70E00, s0;
	s21 =	sadd.s32 s3, s7;
	[dreg:$0x14] =	wrdreg s2  }
0x1e: {  	s20 =	sshrl.u32 s19, $0x3;
	s3 =	sadd.s32 s3, s4;
	[dreg:$0x15] =	wrdreg s21  }
0x1f: {  	s24 =	sshrl.u32 s23, $0x3;
	s22 =	sadd.s32 s20, s7;
	[dreg:$0x16] =	wrdreg s3  }
0x20: {  	s30 =	sshrl.u32 s29, $0x3;
	s26 =	sadd.s32 s24, s7;
	[dreg:$0x17] =	wrdreg s22  }
0x21: {  	s13 =	sshrl.u32 s12, $0x3;
	s10 =	sadd.s32 s30, s7;
	[dreg:$0x19] =	wrdreg s26  }
0x22: {  	s16 =	sshrl.u32 s14, $0x3;
	s15 =	sadd.s32 s13, s7;
	[dreg:$0x1d] =	wrdreg s10  }
0x23: {  	s12 =	simm.s32 $0xC;
	s17 =	sadd.s32 s16, s7;
	[dreg:$0x1f] =	wrdreg s15  }
0x24: {  	s14 =	simm.s32 $0x5;
	s19 =	sadd.s32 s16, s4;
	[smem:$0x7F2] =	sst s17  }
0x25: {  	s2 =	sadd.s32 s20, s4;
	s3 =	sshrl.u32 s25, $0x3;
	[smem:$0x7F3] =	sst s19  }
0x26: {  	s18 =	smul.u32 $0x50000, s11;
	[dreg:$0x18] =	wrdreg s2;
	s2 =	sadd.s32 s24, s4  }
0x27: {  	s20 =	sadd.s32 $0x98E00, s8;
	s31 =	sadd.s32 s3, s7;
	[dreg:$0x1a] =	wrdreg s2  }
0x28: {  	s22 =	smax.u32 s5, $0x1;
	s3 =	sadd.s32 s3, s4;
	[dreg:$0x1b] =	wrdreg s31  }
0x29: {  	s5 =	simm.s32 $0xA700;
	s19 =	simm.s32 $0x2800;
	[dreg:$0x1c] =	wrdreg s3  }
0x2a: {  	s11 =	simm.s32 $0xB;
	s21 =	sadd.s32 s9, s20;
	s3 =	rddreg [dreg:$0x1]  }
0x2b: {  	s17 =	simm.s32 $0x5000;
	s2 =	sadd.s32 s30, s4;
	[smem:$0x7F4] =	sst s21  }
0x2c: {  	s7 =	sshrl.u32 s18, $0x2;
	[dreg:$0x1e] =	wrdreg s2;
	s2 =	sadd.s32 s13, s4  }
0x2d: {  	s8 =	simm.s32 $0x1;
	s7 =	sadd.s32 s7, s3;
	[smem:$0x7F1] =	sst s2  }
0x2e: {  	s23 =	sadd.s32 $0x2800, s7;
	_ =	strace $0x8000004A;
	[smem:$0x7F5] =	sst s22  }
0x2f: {  	s9 =	simm.s32 $0x50;
	s24 =	sadd.s32 $0x5000, s7;
	[smem:$0x7F6] =	sst s23  }
0x30: {  	s20 =	simm.s32 $0x6;
	s25 =	sadd.s32 $0x7800, s7;
	[smem:$0x7F7] =	sst s24  }
0x31: {  	s18 =	simm.s32 $0xD;
	s26 =	sadd.s32 $0xA000, s7;
	[smem:$0x7F8] =	sst s25  }
0x32: {  	s21 =	simm.s32 $0xE;
	s29 =	sadd.s32 $0xC800, s7;
	[smem:$0x7F9] =	sst s26  }
.Ltmp0:
0x33: {  	s30 =	sadd.s32 $0xF000, s7;
	[smem:$0x7FA] =	sst s29;
	(pc) =	sbr.rel .LBB2_1-.Ltmp0, $4  }
0x34: {  	s13 =	simm.s32 $0x7800;
	s31 =	sadd.s32 $0x11800, s7;
	[smem:$0x7FB] =	sst s30  }
0x35: {  	s4 =	simm.s32 $0x0;
	s2 =	simm.s32 $0x11;
	[smem:$0x7FC] =	sst s31  }
0x36: {  	s22 =	simm.s32 $0x3;
	s23 =	simm.s32 $0x7;
	s24 =	simm.s32 $0xF  }
0x37: {  	v0 =	vimm.f32 $0.0e+00;
	s25 =	simm.s32 $0x4;
	s26 =	simm.s32 $0x8;
	[smem:$0x7FD] =	sst s7  }
.LBB2_6:
0x38: {  	_ =	swait.ge [sflag:s25], $0x2800  }
0x39: {  	[sflag:s25] =	ssyncset.done $0x0  }
0x3a: {  	s0 =	simm.s32 $0xA780;
	[sflag:s25] =	ssyncadd.s32 $0xFFFFD800  }
0x3b: {  	[spmem:s3] =	stream.indirect.scatter.add.f32 [tilespmem:s13], [sflag:$0x8], $0x80, s0, s9, $0xb8;
	[tilespmem:$0x1E800] =	vst v63  }
0x3c: {  	_ =	swait.ge [sflag:s26], $0x2800  }
0x3d: {  	[sflag:s26] =	ssyncset.done $0x0  }
0x3e: {  	[sflag:s26] =	ssyncadd.s32 $0xFFFFD800  }
0x3f: {  	[bflag:$0x0] =	sbarrier.arrive $0xFFFF  }
0x40: {  	s7 =	sld [smem:$0x7FD]  }
0x41: {  	s29 =	stileid.u32;
	s4 =	sld [smem:$0x7F4]  }
0x42: {  	s0 =	sshll.u32 s29, $0x6  }
0x43: {  	s0 =	sor.u32 $0x1C11, s0;
	s2 =	sshrl.u32 s7, $0x3  }
0x44: {  	[hbm:s4], [sflag:s0] =	dma.local [spmem:s2], $0x2800  }
0x45: {  	s2 =	simm.s32 $0x11  }
0x46: {  	_ =	swait.ge [sflag:s2], $0x2800  }
0x47: {  	s30 =	sld [smem:$0x7F0]  }
0x48: {  	s31 =	sld [smem:$0x7F5];
	_ =	sdelay $0x1  }
0x49: {  	s4 =	sadd.s32 $0x1, s30  }
0x4a: {  	p0 =	sne.s32 s4, s31  }
.Ltmp1:
0x4b: {  	_ = 	snop;
	(pc) =	sbr.rel @!p0 .LBB2_7-.Ltmp1, $3  }
0x4c: {  	_ =	sdelay $0x1  }
0x4d: {  	[sflag:s2] =	ssyncset.done $0x0  }
0x4e: {  	[sflag:s2] =	ssyncadd.s32 $0xFFFFD800  }
.LBB2_1:
0x4f: {  	[smem:$0x7F0] =	sst s4;
	s0 =	simm.s32 $0x70;
	s29 =	simm.s32 $0x3C0  }
.LBB2_2:
0x50: {  	p0 =	sne.s32 s29, $0x9FC0;
	[tilespmem:s0+$0x0] =	vst v0  }
0x51: {  	[tilespmem:s0+$0xFFFFFF90] =	vst v0  }
0x52: {  	[tilespmem:s0+$0xFFFFFFA0] =	vst v0  }
.Ltmp2:
0x53: {  	[tilespmem:s0+$0xFFFFFFB0] =	vst v0;
	(pc) =	sbr.rel @p0 .LBB2_2-.Ltmp2, $4  }
0x54: {  	[tilespmem:s0+$0xFFFFFFC0] =	vst v0  }
0x55: {  	[tilespmem:s0+$0xFFFFFFD0] =	vst v0  }
0x56: {  	[tilespmem:s0+$0xFFFFFFE0] =	vst v0  }
0x57: {  	[tilespmem:s0+$0xFFFFFFF0] =	vst v0;
	s0 =	sshra.s32 s29, $0x2;
	s29 =	sadd.s32 $0x200, s29  }
0x58: {  	[tilespmem:s0+$0x0] =	vst v0  }
0x59: {  	[tilespmem:s0+$0xFFFFFF90] =	vst v0  }
0x5a: {  	[tilespmem:s0+$0xFFFFFFA0] =	vst v0  }
0x5b: {  	[tilespmem:s0+$0xFFFFFFB0] =	vst v0  }
0x5c: {  	[tilespmem:s0+$0xFFFFFFC0] =	vst v0  }
0x5d: {  	[tilespmem:s0+$0xFFFFFFD0] =	vst v0  }
0x5e: {  	[tilespmem:s0+$0xFFFFFFE0] =	vst v0  }
0x5f: {  	[tilespmem:s0+$0xFFFFFFF0] =	vst v0;
	s29 =	simm.s32 $0x0  }
0x60: {  	[spmem:s7] =	stream.linear.scatter [tilespmem:s29], [sflag:$0x11], $0x2800, $0x38;
	[tilespmem:$0x1E800] =	vst v63  }
0x61: {  	_ =	swait.ge [sflag:s2], $0x2800  }
0x62: {  	s30 =	sld [smem:$0x7F6]  }
0x63: {  	[sflag:s2] =	ssyncset.done $0x0  }
0x64: {  	[sflag:s2] =	ssyncadd.s32 $0xFFFFD800  }
0x65: {  	[spmem:s30] =	stream.linear.scatter [tilespmem:s29], [sflag:$0x11], $0x2800, $0x38;
	[tilespmem:$0x1E800] =	vst v63  }
0x66: {  	_ =	swait.ge [sflag:s2], $0x2800  }
0x67: {  	s31 =	sld [smem:$0x7F7]  }
0x68: {  	[sflag:s2] =	ssyncset.done $0x0  }
0x69: {  	[sflag:s2] =	ssyncadd.s32 $0xFFFFD800  }
0x6a: {  	[spmem:s31] =	stream.linear.scatter [tilespmem:s29], [sflag:$0x11], $0x2800, $0x38;
	[tilespmem:$0x1E800] =	vst v63  }
0x6b: {  	_ =	swait.ge [sflag:s2], $0x2800  }
0x6c: {  	s4 =	sld [smem:$0x7F8]  }
0x6d: {  	[sflag:s2] =	ssyncset.done $0x0  }
0x6e: {  	[sflag:s2] =	ssyncadd.s32 $0xFFFFD800  }
0x6f: {  	[spmem:s4] =	stream.linear.scatter [tilespmem:s29], [sflag:$0x11], $0x2800, $0x38;
	[tilespmem:$0x1E800] =	vst v63  }
0x70: {  	_ =	swait.ge [sflag:s2], $0x2800  }
0x71: {  	s7 =	sld [smem:$0x7F9]  }
0x72: {  	[sflag:s2] =	ssyncset.done $0x0  }
0x73: {  	[sflag:s2] =	ssyncadd.s32 $0xFFFFD800  }
0x74: {  	[spmem:s7] =	stream.linear.scatter [tilespmem:s29], [sflag:$0x11], $0x2800, $0x38;
	[tilespmem:$0x1E800] =	vst v63  }
0x75: {  	_ =	swait.ge [sflag:s2], $0x2800  }
0x76: {  	s10 =	sld [smem:$0x7FA]  }
0x77: {  	[sflag:s2] =	ssyncset.done $0x0  }
0x78: {  	[sflag:s2] =	ssyncadd.s32 $0xFFFFD800  }
0x79: {  	[spmem:s10] =	stream.linear.scatter [tilespmem:s29], [sflag:$0x11], $0x2800, $0x38;
	[tilespmem:$0x1E800] =	vst v63  }
0x7a: {  	_ =	swait.ge [sflag:s2], $0x2800  }
0x7b: {  	s15 =	sld [smem:$0x7FB]  }
0x7c: {  	[sflag:s2] =	ssyncset.done $0x0  }
0x7d: {  	[sflag:s2] =	ssyncadd.s32 $0xFFFFD800  }
0x7e: {  	[spmem:s15] =	stream.linear.scatter [tilespmem:s29], [sflag:$0x11], $0x2800, $0x38;
	[tilespmem:$0x1E800] =	vst v63  }
0x7f: {  	_ =	swait.ge [sflag:s2], $0x2800  }
0x80: {  	s16 =	sld [smem:$0x7FC]  }
0x81: {  	[sflag:s2] =	ssyncset.done $0x0  }
0x82: {  	[sflag:s2] =	ssyncadd.s32 $0xFFFFD800  }
0x83: {  	[spmem:s16] =	stream.linear.scatter [tilespmem:s29], [sflag:$0x11], $0x2800, $0x38;
	[tilespmem:$0x1E800] =	vst v63  }
0x84: {  	_ =	swait.ge [sflag:s2], $0x2800  }
0x85: {  	[sflag:s2] =	ssyncset.done $0x0  }
0x86: {  	[sflag:s2] =	ssyncadd.s32 $0xFFFFD800  }
0x87: {  	[bflag:$0x0] =	sbarrier.arrive $0xFFFF  }
0x88: {  	s2 =	simm.s32 $0xA000;
	s30 =	rddreg [dreg:$0x3]  }
0x89: {  	[tilespmem:s2], [sflag:$0x9] =	stream.linear.gather [hbm4b:s30+s29], $0x50, $0x38;
	[tilespmem:$0x1E800] =	vst v63  }
0x8a: {  	s4 =	simm.s32 $0xA400;
	s31 =	rddreg [dreg:$0x4]  }
0x8b: {  	[tilespmem:s4], [sflag:$0x9] =	stream.linear.gather [hbm4b:s31+s29], $0x50, $0x38;
	[tilespmem:$0x1E800] =	vst v63  }
0x8c: {  	s7 =	rddreg [dreg:$0x5];
	s4 =	simm.s32 $0xA080  }
0x8d: {  	[tilespmem:s4], [sflag:$0xA] =	stream.linear.gather [hbm4b:s7+s29], $0x50, $0x38;
	[tilespmem:$0x1E800] =	vst v63  }
0x8e: {  	s15 =	simm.s32 $0xA480;
	s10 =	rddreg [dreg:$0x6]  }
0x8f: {  	[tilespmem:s15], [sflag:$0xA] =	stream.linear.gather [hbm4b:s10+s29], $0x50, $0x38;
	[tilespmem:$0x1E800] =	vst v63  }
0x90: {  	s16 =	rddreg [dreg:$0x7];
	s7 =	simm.s32 $0xA100  }
0x91: {  	[tilespmem:s7], [sflag:$0xB] =	stream.linear.gather [hbm4b:s16+s29], $0x50, $0x38;
	[tilespmem:$0x1E800] =	vst v63  }
0x92: {  	s30 =	rddreg [dreg:$0x8];
	s15 =	simm.s32 $0xA500  }
0x93: {  	[tilespmem:s15], [sflag:$0xB] =	stream.linear.gather [hbm4b:s30+s29], $0x50, $0x38;
	[tilespmem:$0x1E800] =	vst v63  }
0x94: {  	s31 =	rddreg [dreg:$0x9];
	s15 =	simm.s32 $0xA180  }
0x95: {  	[tilespmem:s15], [sflag:$0xC] =	stream.linear.gather [hbm4b:s31+s29], $0x50, $0x38;
	[tilespmem:$0x1E800] =	vst v63  }
0x96: {  	s10 =	rddreg [dreg:$0xa];
	s30 =	simm.s32 $0xA580  }
0x97: {  	[tilespmem:s30], [sflag:$0xC] =	stream.linear.gather [hbm4b:s10+s29], $0x50, $0x38;
	[tilespmem:$0x1E800] =	vst v63  }
0x98: {  	s16 =	rddreg [dreg:$0xb];
	s31 =	simm.s32 $0xA200  }
0x99: {  	[tilespmem:s31], [sflag:$0xD] =	stream.linear.gather [hbm4b:s16+s29], $0x50, $0x38;
	[tilespmem:$0x1E800] =	vst v63  }
0x9a: {  	s10 =	rddreg [dreg:$0xc];
	s16 =	simm.s32 $0xA600  }
0x9b: {  	[tilespmem:s16], [sflag:$0xD] =	stream.linear.gather [hbm4b:s10+s29], $0x50, $0x38;
	[tilespmem:$0x1E800] =	vst v63  }
0x9c: {  	s31 =	rddreg [dreg:$0xd];
	s10 =	simm.s32 $0xA280  }
0x9d: {  	[tilespmem:s10], [sflag:$0xE] =	stream.linear.gather [hbm4b:s31+s29], $0x50, $0x38;
	[tilespmem:$0x1E800] =	vst v63  }
0x9e: {  	s16 =	rddreg [dreg:$0xe];
	s31 =	simm.s32 $0xA680  }
0x9f: {  	[tilespmem:s31], [sflag:$0xE] =	stream.linear.gather [hbm4b:s16+s29], $0x50, $0x38;
	[tilespmem:$0x1E800] =	vst v63  }
0xa0: {  	s10 =	rddreg [dreg:$0xf];
	s16 =	simm.s32 $0xA300  }
0xa1: {  	[tilespmem:s16], [sflag:$0xF] =	stream.linear.gather [hbm4b:s10+s29], $0x50, $0x38;
	[tilespmem:$0x1E800] =	vst v63  }
0xa2: {  	s30 =	rddreg [dreg:$0x10]  }
0xa3: {  	[tilespmem:s5], [sflag:$0xF] =	stream.linear.gather [hbm4b:s30+s29], $0x50, $0x38;
	[tilespmem:$0x1E800] =	vst v63  }
0xa4: {  	s31 =	rddreg [dreg:$0x11];
	s16 =	simm.s32 $0xA380  }
0xa5: {  	[tilespmem:s16], [sflag:$0x10] =	stream.linear.gather [hbm4b:s31+s29], $0x50, $0x38;
	[tilespmem:$0x1E800] =	vst v63  }
0xa6: {  	s10 =	simm.s32 $0xA780;
	s5 =	rddreg [dreg:$0x12];
	s30 =	simm.s32 $0x9  }
0xa7: {  	[tilespmem:s10], [sflag:$0x10] =	stream.linear.gather [hbm4b:s5+s29], $0x50, $0x38;
	[tilespmem:$0x1E800] =	vst v63  }
0xa8: {  	_ =	swait.ge [sflag:s30], $0x50  }
0xa9: {  	[sflag:s30] =	ssyncset.done $0x0  }
0xaa: {  	[sflag:s30] =	ssyncadd.s32 $0xFFFFFFB0  }
0xab: {  	_ =	swait.ge [sflag:s30], $0x50  }
0xac: {  	[sflag:s30] =	ssyncset.done $0x0  }
0xad: {  	s31 =	simm.s32 $0xA;
	[sflag:s30] =	ssyncadd.s32 $0xFFFFFFB0  }
0xae: {  	[tilespmem:s29], [sflag:$0x1] =	stream.indirect.gather [hbm4b:s6+s9], $0x80, s2, s9, $0xb8;
	[tilespmem:$0x1E800] =	vst v63  }
0xaf: {  	_ =	swait.ge [sflag:s31], $0x50  }
0xb0: {  	[sflag:s31] =	ssyncset.done $0x0  }
0xb1: {  	[sflag:s31] =	ssyncadd.s32 $0xFFFFFFB0  }
0xb2: {  	_ =	swait.ge [sflag:s31], $0x50  }
0xb3: {  	[sflag:s31] =	ssyncset.done $0x0  }
0xb4: {  	[sflag:s31] =	ssyncadd.s32 $0xFFFFFFB0  }
0xb5: {  	[tilespmem:s19], [sflag:$0x2] =	stream.indirect.gather [hbm4b:s6+s9], $0x80, s4, s9, $0xb8;
	[tilespmem:$0x1E800] =	vst v63  }
0xb6: {  	_ =	swait.ge [sflag:s11], $0x50  }
0xb7: {  	[sflag:s11] =	ssyncset.done $0x0  }
0xb8: {  	[sflag:s11] =	ssyncadd.s32 $0xFFFFFFB0  }
0xb9: {  	_ =	swait.ge [sflag:s11], $0x50  }
0xba: {  	[sflag:s11] =	ssyncset.done $0x0  }
0xbb: {  	[sflag:s11] =	ssyncadd.s32 $0xFFFFFFB0  }
0xbc: {  	[tilespmem:s17], [sflag:$0x3] =	stream.indirect.gather [hbm4b:s6+s9], $0x80, s7, s9, $0xb8;
	[tilespmem:$0x1E800] =	vst v63  }
0xbd: {  	_ =	swait.ge [sflag:s12], $0x50  }
0xbe: {  	[sflag:s12] =	ssyncset.done $0x0  }
0xbf: {  	[sflag:s12] =	ssyncadd.s32 $0xFFFFFFB0  }
0xc0: {  	_ =	swait.ge [sflag:s12], $0x50  }
0xc1: {  	[sflag:s12] =	ssyncset.done $0x0  }
0xc2: {  	s5 =	simm.s32 $0xA700;
	s7 =	simm.s32 $0xA300;
	[sflag:s12] =	ssyncadd.s32 $0xFFFFFFB0  }
0xc3: {  	[tilespmem:s13], [sflag:$0x4] =	stream.indirect.gather [hbm4b:s6+s9], $0x80, s15, s9, $0xb8;
	[tilespmem:$0x1E800] =	vst v63  }
.LBB2_4:
0xc4: {  	_ =	swait.ge [sflag:s8], $0x2800  }
0xc5: {  	[sflag:s8] =	ssyncset.done $0x0  }
0xc6: {  	s0 =	simm.s32 $0xA400;
	[sflag:s8] =	ssyncadd.s32 $0xFFFFD800  }
0xc7: {  	[spmem:s3] =	stream.indirect.scatter.add.f32 [tilespmem:s1], [sflag:$0x5], $0x80, s0, s9, $0xb8;
	[tilespmem:$0x1E800] =	vst v63  }
0xc8: {  	_ =	swait.ge [sflag:s14], $0x2800  }
0xc9: {  	s0 =	sld [smem:$0x7F3]  }
0xca: {  	p0 =	seq.s32 s29, $0x4B0  }
0xcb: {  	s30 =	simm.s32 @!p0 $0x0;
	[sflag:s14] =	ssyncset.done $0x0;
	s2 =	sld [smem:$0x7F2]  }
0xcc: {  	[sflag:s14] =	ssyncadd.s32 $0xFFFFD800;
	s31 =	sadd.s32 @!p0 s29, s0;
	s0 =	simm.s32 @!p0 $0xA000  }
0xcd: {  	[tilespmem:s0], [sflag:$0x9] =	stream.linear.gather @!p0 [hbm4b:s31+s30], $0x50, $0x38;
	[tilespmem:$0x1E800] =	vst v63  }
0xce: {  	s31 =	sadd.s32 @!p0 s29, s2;
	s2 =	simm.s32 @!p0 $0xA400  }
0xcf: {  	[tilespmem:s2], [sflag:$0x9] =	stream.linear.gather @!p0 [hbm4b:s31+s30], $0x50, $0x38;
	[tilespmem:$0x1E800] =	vst v63  }
0xd0: {  	_ =	swait.ge [sflag:s18], $0x50  }
0xd1: {  	[sflag:s18] =	ssyncset.done $0x0  }
0xd2: {  	[sflag:s18] =	ssyncadd.s32 $0xFFFFFFB0  }
0xd3: {  	_ =	swait.ge [sflag:s18], $0x50  }
0xd4: {  	[sflag:s18] =	ssyncset.done $0x0  }
0xd5: {  	s15 =	simm.s32 $0xA200;
	s19 =	simm.s32 $0x2;
	[sflag:s18] =	ssyncadd.s32 $0xFFFFFFB0  }
0xd6: {  	[tilespmem:s1], [sflag:$0x1] =	stream.indirect.gather [hbm4b:s6+s9], $0x80, s15, s9, $0xb8;
	[tilespmem:$0x1E800] =	vst v63  }
0xd7: {  	_ =	swait.ge [sflag:s19], $0x2800  }
0xd8: {  	[sflag:s19] =	ssyncset.done $0x0  }
0xd9: {  	s10 =	simm.s32 $0x2800;
	s31 =	simm.s32 $0xA480;
	[sflag:s19] =	ssyncadd.s32 $0xFFFFD800  }
0xda: {  	[spmem:s3] =	stream.indirect.scatter.add.f32 [tilespmem:s10], [sflag:$0x6], $0x80, s31, s9, $0xb8;
	[tilespmem:$0x1E800] =	vst v63  }
0xdb: {  	_ =	swait.ge [sflag:s20], $0x2800  }
0xdc: {  	s2 =	sld [smem:$0x7F1];
	_ =	sdelay $0x1  }
0xdd: {  	[sflag:s20] =	ssyncset.done $0x0  }
0xde: {  	s31 =	simm.s32 @!p0 $0xA080;
	[sflag:s20] =	ssyncadd.s32 $0xFFFFD800;
	s2 =	sadd.s32 @!p0 s29, s2  }
0xdf: {  	[tilespmem:s31], [sflag:$0xA] =	stream.linear.gather @!p0 [hbm4b:s2+s30], $0x50, $0x38;
	[tilespmem:$0x1E800] =	vst v63  }
0xe0: {  	s2 =	rddreg [dreg:$0x1f]  }
0xe1: {  	s4 =	simm.s32 @!p0 $0xA480;
	s2 =	sadd.s32 @!p0 s29, s2  }
0xe2: {  	[tilespmem:s4], [sflag:$0xA] =	stream.linear.gather @!p0 [hbm4b:s2+s30], $0x50, $0x38;
	[tilespmem:$0x1E800] =	vst v63  }
0xe3: {  	_ =	swait.ge [sflag:s21], $0x50  }
0xe4: {  	[sflag:s21] =	ssyncset.done $0x0  }
0xe5: {  	[sflag:s21] =	ssyncadd.s32 $0xFFFFFFB0  }
0xe6: {  	_ =	swait.ge [sflag:s21], $0x50  }
0xe7: {  	[sflag:s21] =	ssyncset.done $0x0  }
0xe8: {  	s4 =	simm.s32 $0xA280;
	[sflag:s21] =	ssyncadd.s32 $0xFFFFFFB0  }
0xe9: {  	[tilespmem:s10], [sflag:$0x2] =	stream.indirect.gather [hbm4b:s6+s9], $0x80, s4, s9, $0xb8;
	[tilespmem:$0x1E800] =	vst v63  }
0xea: {  	_ =	swait.ge [sflag:s22], $0x2800  }
0xeb: {  	[sflag:s22] =	ssyncset.done $0x0  }
0xec: {  	s10 =	simm.s32 $0xA500;
	[sflag:s22] =	ssyncadd.s32 $0xFFFFD800  }
0xed: {  	[spmem:s3] =	stream.indirect.scatter.add.f32 [tilespmem:s17], [sflag:$0x7], $0x80, s10, s9, $0xb8;
	[tilespmem:$0x1E800] =	vst v63  }
0xee: {  	_ =	swait.ge [sflag:s23], $0x2800  }
0xef: {  	[sflag:s23] =	ssyncset.done $0x0;
	s2 =	rddreg [dreg:$0x1e]  }
0xf0: {  	s4 =	simm.s32 @!p0 $0xA100;
	[sflag:s23] =	ssyncadd.s32 $0xFFFFD800;
	s2 =	sadd.s32 @!p0 s29, s2  }
0xf1: {  	[tilespmem:s4], [sflag:$0xB] =	stream.linear.gather @!p0 [hbm4b:s2+s30], $0x50, $0x38;
	[tilespmem:$0x1E800] =	vst v63  }
0xf2: {  	s2 =	rddreg [dreg:$0x1d]  }
0xf3: {  	s4 =	simm.s32 @!p0 $0xA500;
	s2 =	sadd.s32 @!p0 s29, s2  }
0xf4: {  	[tilespmem:s4], [sflag:$0xB] =	stream.linear.gather @!p0 [hbm4b:s2+s30], $0x50, $0x38;
	[tilespmem:$0x1E800] =	vst v63  }
0xf5: {  	_ =	swait.ge [sflag:s24], $0x50  }
0xf6: {  	[sflag:s24] =	ssyncset.done $0x0  }
0xf7: {  	[sflag:s24] =	ssyncadd.s32 $0xFFFFFFB0  }
0xf8: {  	_ =	swait.ge [sflag:s24], $0x50  }
0xf9: {  	[sflag:s24] =	ssyncset.done $0x0  }
0xfa: {  	[sflag:s24] =	ssyncadd.s32 $0xFFFFFFB0  }
0xfb: {  	[tilespmem:s17], [sflag:$0x3] =	stream.indirect.gather [hbm4b:s6+s9], $0x80, s7, s9, $0xb8;
	[tilespmem:$0x1E800] =	vst v63  }
0xfc: {  	_ =	swait.ge [sflag:s25], $0x2800  }
0xfd: {  	[sflag:s25] =	ssyncset.done $0x0  }
0xfe: {  	s15 =	simm.s32 $0xA580;
	[sflag:s25] =	ssyncadd.s32 $0xFFFFD800  }
0xff: {  	[spmem:s3] =	stream.indirect.scatter.add.f32 [tilespmem:s13], [sflag:$0x8], $0x80, s15, s9, $0xb8;
	[tilespmem:$0x1E800] =	vst v63  }
0x100: {  	_ =	swait.ge [sflag:s26], $0x2800  }
0x101: {  	[sflag:s26] =	ssyncset.done $0x0;
	s2 =	rddreg [dreg:$0x1c]  }
0x102: {  	s4 =	simm.s32 @!p0 $0xA180;
	[sflag:s26] =	ssyncadd.s32 $0xFFFFD800;
	s2 =	sadd.s32 @!p0 s29, s2  }
0x103: {  	[tilespmem:s4], [sflag:$0xC] =	stream.linear.gather @!p0 [hbm4b:s2+s30], $0x50, $0x38;
	[tilespmem:$0x1E800] =	vst v63  }
0x104: {  	s2 =	rddreg [dreg:$0x1b]  }
0x105: {  	s4 =	simm.s32 @!p0 $0xA580;
	s2 =	sadd.s32 @!p0 s29, s2  }
0x106: {  	[tilespmem:s4], [sflag:$0xC] =	stream.linear.gather @!p0 [hbm4b:s2+s30], $0x50, $0x38;
	[tilespmem:$0x1E800] =	vst v63  }
0x107: {  	_ =	swait.ge [sflag:s28], $0x50  }
0x108: {  	[sflag:s28] =	ssyncset.done $0x0  }
0x109: {  	[sflag:s28] =	ssyncadd.s32 $0xFFFFFFB0  }
0x10a: {  	_ =	swait.ge [sflag:s28], $0x50  }
0x10b: {  	[sflag:s28] =	ssyncset.done $0x0  }
0x10c: {  	[sflag:s28] =	ssyncadd.s32 $0xFFFFFFB0  }
0x10d: {  	[tilespmem:s13], [sflag:$0x4] =	stream.indirect.gather [hbm4b:s6+s9], $0x80, s16, s9, $0xb8;
	[tilespmem:$0x1E800] =	vst v63  }
0x10e: {  	_ =	swait.ge [sflag:s8], $0x2800  }
0x10f: {  	[sflag:s8] =	ssyncset.done $0x0  }
0x110: {  	s16 =	simm.s32 $0xA600;
	[sflag:s8] =	ssyncadd.s32 $0xFFFFD800  }
0x111: {  	[spmem:s3] =	stream.indirect.scatter.add.f32 [tilespmem:s1], [sflag:$0x5], $0x80, s16, s9, $0xb8;
	[tilespmem:$0x1E800] =	vst v63  }
0x112: {  	_ =	swait.ge [sflag:s14], $0x2800  }
0x113: {  	[sflag:s14] =	ssyncset.done $0x0  }
0x114: {  	s2 =	simm.s32 @p0 $0x2;
	[sflag:s14] =	ssyncadd.s32 $0xFFFFD800  }
0x115: {  	_ =	swait.ge @p0 [sflag:s2], $0x2800  }
0x116: {  	s15 =	simm.s32 @p0 $0x2800;
	[sflag:s2] =	ssyncset.done @p0 $0x0  }
0x117: {  	s4 =	simm.s32 @p0 $0xA680;
	[sflag:s2] =	ssyncadd.s32 @p0 $0xFFFFD800;
	s2 =	simm.s32 @p0 $0x50  }
0x118: {  	[spmem:s3] =	stream.indirect.scatter.add.f32 @p0 [tilespmem:s15], [sflag:$0x6], $0x80, s4, s2, $0xb8;
	[tilespmem:$0x1E800] =	vst v63  }
0x119: {  	s2 =	simm.s32 @p0 $0x6  }
0x11a: {  	_ =	swait.ge @p0 [sflag:s2], $0x2800  }
0x11b: {  	[sflag:s2] =	ssyncset.done @p0 $0x0  }
0x11c: {  	[sflag:s2] =	ssyncadd.s32 @p0 $0xFFFFD800;
	s2 =	rddreg [dreg:$0x1a]  }
0x11d: {  	s4 =	simm.s32 @!p0 $0xA200;
	s2 =	sadd.s32 @!p0 s29, s2  }
0x11e: {  	[tilespmem:s4], [sflag:$0xD] =	stream.linear.gather @!p0 [hbm4b:s2+s30], $0x50, $0x38;
	[tilespmem:$0x1E800] =	vst v63  }
0x11f: {  	s2 =	rddreg [dreg:$0x19]  }
0x120: {  	s4 =	simm.s32 @!p0 $0xA600;
	s2 =	sadd.s32 @!p0 s29, s2  }
0x121: {  	[tilespmem:s4], [sflag:$0xD] =	stream.linear.gather @!p0 [hbm4b:s2+s30], $0x50, $0x38;
	[tilespmem:$0x1E800] =	vst v63  }
0x122: {  	s2 =	simm.s32 @!p0 $0x9  }
0x123: {  	_ =	swait.ge @!p0 [sflag:s2], $0x50  }
0x124: {  	[sflag:s2] =	ssyncset.done @!p0 $0x0  }
0x125: {  	[sflag:s2] =	ssyncadd.s32 @!p0 $0xFFFFFFB0  }
0x126: {  	_ =	swait.ge @!p0 [sflag:s2], $0x50  }
0x127: {  	[sflag:s2] =	ssyncset.done @!p0 $0x0  }
0x128: {  	[sflag:s2] =	ssyncadd.s32 @!p0 $0xFFFFFFB0;
	s2 =	simm.s32 @!p0 $0x50  }
0x129: {  	[tilespmem:s30], [sflag:$0x1] =	stream.indirect.gather @!p0 [hbm4b:s6+s2], $0x80, s0, s2, $0xb8;
	[tilespmem:$0x1E800] =	vst v63  }
0x12a: {  	s0 =	simm.s32 @!p0 $0x2  }
0x12b: {  	_ =	swait.ge @!p0 [sflag:s0], $0x2800  }
0x12c: {  	s15 =	simm.s32 @!p0 $0x6;
	[sflag:s0] =	ssyncset.done @!p0 $0x0  }
0x12d: {  	s4 =	simm.s32 @!p0 $0x2800;
	[sflag:s0] =	ssyncadd.s32 @!p0 $0xFFFFD800;
	s0 =	simm.s32 @!p0 $0xA680  }
0x12e: {  	[spmem:s3] =	stream.indirect.scatter.add.f32 @!p0 [tilespmem:s4], [sflag:$0x6], $0x80, s0, s2, $0xb8;
	[tilespmem:$0x1E800] =	vst v63  }
0x12f: {  	_ =	swait.ge @!p0 [sflag:s15], $0x2800  }
0x130: {  	[sflag:s15] =	ssyncset.done @!p0 $0x0;
	s7 =	rddreg [dreg:$0x18]  }
0x131: {  	[sflag:s15] =	ssyncadd.s32 @!p0 $0xFFFFD800;
	s15 =	sadd.s32 @!p0 s29, s7;
	s7 =	simm.s32 @!p0 $0xA280  }
0x132: {  	[tilespmem:s7], [sflag:$0xE] =	stream.linear.gather @!p0 [hbm4b:s15+s30], $0x50, $0x38;
	[tilespmem:$0x1E800] =	vst v63  }
0x133: {  	s7 =	rddreg [dreg:$0x17]  }
0x134: {  	s7 =	sadd.s32 @!p0 s29, s7  }
0x135: {  	[tilespmem:s0], [sflag:$0xE] =	stream.linear.gather @!p0 [hbm4b:s7+s30], $0x50, $0x38;
	[tilespmem:$0x1E800] =	vst v63  }
0x136: {  	s0 =	simm.s32 @!p0 $0xA  }
0x137: {  	_ =	swait.ge @!p0 [sflag:s0], $0x50  }
0x138: {  	[sflag:s0] =	ssyncset.done @!p0 $0x0  }
0x139: {  	[sflag:s0] =	ssyncadd.s32 @!p0 $0xFFFFFFB0  }
0x13a: {  	_ =	swait.ge @!p0 [sflag:s0], $0x50  }
0x13b: {  	[sflag:s0] =	ssyncset.done @!p0 $0x0  }
0x13c: {  	[sflag:s0] =	ssyncadd.s32 @!p0 $0xFFFFFFB0  }
0x13d: {  	[tilespmem:s4], [sflag:$0x2] =	stream.indirect.gather @!p0 [hbm4b:s6+s2], $0x80, s31, s2, $0xb8;
	[tilespmem:$0x1E800] =	vst v63  }
0x13e: {  	_ =	swait.ge [sflag:s22], $0x2800  }
0x13f: {  	[sflag:s22] =	ssyncset.done $0x0  }
.Ltmp3:
0x140: {  	[sflag:s22] =	ssyncadd.s32 $0xFFFFD800;
	(pc) =	sbr.rel @p0 .LBB2_6-.Ltmp3, $4  }
0x141: {  	[spmem:s3] =	stream.indirect.scatter.add.f32 [tilespmem:s17], [sflag:$0x7], $0x80, s5, s9, $0xb8;
	[tilespmem:$0x1E800] =	vst v63  }
0x142: {  	_ =	swait.ge [sflag:s23], $0x2800  }
0x143: {  	s19 =	simm.s32 $0x2800;
	s10 =	simm.s32 $0xA380;
	[sflag:s23] =	ssyncset.done $0x0  }
0x144: {  	s16 =	simm.s32 $0xA300;
	s5 =	simm.s32 $0xA700;
	[sflag:s23] =	ssyncadd.s32 $0xFFFFD800  }
0x145: {  	s0 =	rddreg [dreg:$0x16]  }
0x146: {  	s15 =	rddreg [dreg:$0x15];
	s0 =	sadd.s32 s29, s0  }
0x147: {  	[tilespmem:s16], [sflag:$0xF] =	stream.linear.gather [hbm4b:s0+s1], $0x50, $0x38;
	[tilespmem:$0x1E800] =	vst v63  }
0x148: {  	s0 =	sadd.s32 s29, s15  }
0x149: {  	[tilespmem:s5], [sflag:$0xF] =	stream.linear.gather [hbm4b:s0+s1], $0x50, $0x38;
	[tilespmem:$0x1E800] =	vst v63  }
0x14a: {  	_ =	swait.ge [sflag:s11], $0x50  }
0x14b: {  	[sflag:s11] =	ssyncset.done $0x0  }
0x14c: {  	[sflag:s11] =	ssyncadd.s32 $0xFFFFFFB0  }
0x14d: {  	_ =	swait.ge [sflag:s11], $0x50  }
0x14e: {  	[sflag:s11] =	ssyncset.done $0x0  }
0x14f: {  	s16 =	simm.s32 $0xA100;
	[sflag:s11] =	ssyncadd.s32 $0xFFFFFFB0  }
0x150: {  	[tilespmem:s17], [sflag:$0x3] =	stream.indirect.gather [hbm4b:s6+s9], $0x80, s16, s9, $0xb8;
	[tilespmem:$0x1E800] =	vst v63  }
0x151: {  	_ =	swait.ge [sflag:s25], $0x2800  }
0x152: {  	[sflag:s25] =	ssyncset.done $0x0  }
0x153: {  	s2 =	simm.s32 $0xA780;
	[sflag:s25] =	ssyncadd.s32 $0xFFFFD800  }
0x154: {  	[spmem:s3] =	stream.indirect.scatter.add.f32 [tilespmem:s13], [sflag:$0x8], $0x80, s2, s9, $0xb8;
	[tilespmem:$0x1E800] =	vst v63  }
0x155: {  	_ =	swait.ge [sflag:s26], $0x2800  }
0x156: {  	[sflag:s26] =	ssyncset.done $0x0;
	s19 =	rddreg [dreg:$0x14]  }
0x157: {  	s30 =	rddreg [dreg:$0x13];
	[sflag:s26] =	ssyncadd.s32 $0xFFFFD800;
	s0 =	sadd.s32 s29, s19  }
0x158: {  	[tilespmem:s10], [sflag:$0x10] =	stream.linear.gather [hbm4b:s0+s1], $0x50, $0x38;
	[tilespmem:$0x1E800] =	vst v63  }
0x159: {  	s0 =	sadd.s32 s29, s30  }
0x15a: {  	[tilespmem:s2], [sflag:$0x10] =	stream.linear.gather [hbm4b:s0+s1], $0x50, $0x38;
	[tilespmem:$0x1E800] =	vst v63  }
0x15b: {  	_ =	swait.ge [sflag:s12], $0x50  }
0x15c: {  	[sflag:s12] =	ssyncset.done $0x0  }
.Ltmp4:
0x15d: {  	[sflag:s12] =	ssyncadd.s32 $0xFFFFFFB0;
	(pc) =	sbr.rel .LBB2_4-.Ltmp4, $4  }
0x15e: {  	s31 =	simm.s32 $0xA180;
	_ =	swait.ge [sflag:s12], $0x50  }
0x15f: {  	s7 =	simm.s32 $0xA300;
	s5 =	simm.s32 $0xA700;
	[sflag:s12] =	ssyncset.done $0x0  }
0x160: {  	s16 =	simm.s32 $0xA380;
	s29 =	sadd.s32 $0x50, s29;
	[sflag:s12] =	ssyncadd.s32 $0xFFFFFFB0  }
0x161: {  	[tilespmem:s13], [sflag:$0x4] =	stream.indirect.gather [hbm4b:s6+s9], $0x80, s31, s9, $0xb8;
	[tilespmem:$0x1E800] =	vst v63  }
.LBB2_7:
0x162: {  	_ =	sfence.sel $0x180000  }
0x163: {  	[bflag:$0x0] =	sbarrier.arrive $0xFFFF  }
0x164: {  	_ =	strace $0x9000004A  }
0x165: {  	s0 =	stileid.u32;
	[bflag:$0x2] =	sbarrier.arrive $0xFFFF  }
0x166: {  	p0 =	sne.s32 s0, $0x0;
	s0 =	rddreg [dreg:$0x2]  }
0x167: {  	s0 =	sadd.s32 @!p0 $0x100000, s0  }
0x168: {  	[sflag:s0] =	ssyncadd.tile.s32 @!p0 $0x1;
	_ =	shalt  }
.Lfunc_end2:
_tile_overlayer_lowered:
.L_overlay_start_2:
0x169: {  	(tag) =	ssettag $0x2  }
0x16a: {  	s0 =	rddreg [dreg:$0x0];
	s2 =	stileid.u32  }
0x16b: {  	s1 =	rddreg [dreg:$0x1];
	p0 =	sne.s32 s2, $0x0  }
0x16c: {  	s3 =	rddreg [dreg:$0x2];
	[bflag:$0x3] =	sbarrier.arrive $0xFFFF;
	s2 =	simm.s32 @!p0 $0x1C11  }
0x16d: {  	[timem:s3], [sflag:s2] =	dma.local @!p0 [hbm:s0], s1  }
0x16e: {  	s0 =	simm.s32 @!p0 $0x11  }
0x16f: {  	_ =	swait.ge @!p0 [sflag:s0], s1  }
0x170: {  	s1 =	ssub.s32 @!p0 $0x0, s1;
	[sflag:s0] =	ssyncset.done @!p0 $0x0  }
0x171: {  	[sflag:s0] =	ssyncadd.s32 @!p0 s1  }
0x172: {  	[bflag:$0x3] =	sbarrier.arrive $0xFFFF  }
0x173: {  	_ =	shalt  }

// kernel: kernel.14.cloned.1.call-start
scs
__scs_entry_jumppad:
0x0: {  	(pc) =	sbr.rel $0x88, $3  }
0x1: {  	(tag) =	ssettag $0x0;
	lr =	simm.s32 $0x1  }
0x2: {  	[smem:$0x3F96] =	sst lr;
	_ =	strace $0xD0000000  }
0x3: {  	_ = 	snop  }
0x4: {  	_ = 	snop  }
0x5: {  	_ = 	snop  }
0x6: {  	_ = 	snop  }
0x7: {  	_ = 	snop  }
__scs_overlays_trampoline_lowered:
0x8: {  	[smem:$0x3FA5] =	sst s0  }
0x9: {  	[smem:$0x3FA6] =	sst s1  }
0xa: {  	[smem:$0x3FA7] =	sst s2  }
0xb: {  	[smem:$0x3FA8] =	sst s3  }
0xc: {  	[smem:$0x3FA9] =	sst s4  }
0xd: {  	[smem:$0x3FAA] =	sst s5  }
0xe: {  	[smem:$0x3FAB] =	sst s6  }
0xf: {  	[smem:$0x3FAC] =	sst s7  }
0x10: {  	[smem:$0x3FAD] =	sst s8  }
0x11: {  	[smem:$0x3FAE] =	sst s9;
	s0 =	simm.s32 @!p0 $0x0  }
0x12: {  	s1 =	sld [smem:$0x3F94];
	s0 =	simm.s32 @p0 $0x1  }
0x13: {  	[smem:$0x3FAF] =	sst s0;
	s0 =	simm.s32 @!p1 $0x0  }
0x14: {  	s2 =	sld [smem:$0x3F93];
	s0 =	simm.s32 @p1 $0x1  }
0x15: {  	[smem:$0x3FB0] =	sst s0;
	s0 =	simm.s32 @!p2 $0x0  }
0x16: {  	s3 =	sld [smem:$0x3FDB];
	s0 =	simm.s32 @p2 $0x1  }
0x17: {  	s4 =	simm.s32 $0x1BF5;
	[smem:$0x3FB2] =	sst s0  }
0x18: {  	s0 =	sld [smem:$0x3F95];
	_ =	swait.ge [sflag:s4], $0x0  }
0x19: {  	s7 =	sld [smem:$0x3F96]  }
0x1a: {  	s8 =	sadd.s32 $0xFFFFE003, lr  }
0x1b: {  	s9 =	sadd.s32 $0xFFFFFEF7, lr;
	s5 =	simm.s32 $0xFFFFFFFF;
	p2 =	slt.u32 s8, $0xFFFFF086  }
0x1c: {  	p1 =	slt.u32 s9, $0xF7A;
	s5 =	simm.s32 @!p2 $0x0  }
0x1d: {  	s5 =	simm.s32 @p1 $0x1;
	p0 =	seq.s32 s7, s2  }
0x1e: {  	s7 =	smul.u32 @!p0 $0xF7A, s2;
	p2 =	seq.s32 @!p0 s5, $0x0  }
0x1f: {  	s9 =	smul.u32 $0xF7A, s1;
	s8 =	simm.s32 @!p0 $0x1BF5;
	p2 =	por !p2, p0  }
0x20: {  	[sflag:s8] =	ssyncset.s32 @!p0 $0xFFFFF086;
	s6 =	sadd.s32 @!p0 s3, s7;
	s7 =	simm.s32 @!p0 $0x108  }
0x21: {  	s3 =	sadd.s32 s3, s9;
	s6 =	sadd.s32 @!p0 $0x88, s6;
	s7 =	simm.s32 @p2 $0x1082  }
0x22: {  	[simem:s7], [sflag:s8] =	dma.local @!p0 [hbm:s6], $0xF7A  }
0x23: {  	s9 =	sor.u32 $0xD0000000, s2;
	s6 =	simm.s32 $0x108;
	_ =	swait.ge @!p0 [sflag:s8], $0x0  }
0x24: {  	s3 =	sadd.s32 $0x88, s3;
	s6 =	simm.s32 @!p1 $0x1082;
	[sflag:s4] =	ssyncset.s32 $0xFFFFF086  }
0x25: {  	[simem:s6], [sflag:s4] =	dma.local [hbm:s3], $0xF7A  }
0x26: {  	[smem:$0x3F96] =	sst s1;
	(tag) =	ssettag s2;
	_ =	strace s9  }
0x27: {  	s1 =	sld [smem:$0x3FA6]  }
0x28: {  	s2 =	sld [smem:$0x3FA7]  }
0x29: {  	s4 =	sld [smem:$0x3FA9]  }
0x2a: {  	p0 =	seq.s32 s5, $0x0;
	s5 =	sld [smem:$0x3FAA]  }
0x2b: {  	s6 =	sld [smem:$0x3FAB]  }
0x2c: {  	s7 =	sld [smem:$0x3FAC]  }
0x2d: {  	s3 =	simm.s32 $0x108;
	s8 =	sld [smem:$0x3FAD]  }
0x2e: {  	s3 =	simm.s32 @!p0 $0x1082;
	s9 =	sld [smem:$0x3FAE]  }
0x2f: {  	lr =	sadd.s32 s0, s3;
	s0 =	sld [smem:$0x3FA5]  }
0x30: {  	s3 =	sld [smem:$0x3FA8]  }
0x31: {  	[smem:$0x3FB1] =	sst s10  }
0x32: {  	s10 =	sld [smem:$0x3FAF];
	_ =	sdelay $0x3  }
0x33: {  	p0 =	seq.s32 s10, $0x1;
	s10 =	sld [smem:$0x3FB1];
	_ =	sdelay $0x3  }
0x34: {  	[smem:$0x3FB1] =	sst s10  }
0x35: {  	s10 =	sld [smem:$0x3FB0];
	_ =	sdelay $0x3  }
0x36: {  	p1 =	seq.s32 s10, $0x1;
	s10 =	sld [smem:$0x3FB1];
	_ =	sdelay $0x3  }
0x37: {  	[smem:$0x3FB1] =	sst s10  }
0x38: {  	s10 =	sld [smem:$0x3FB2]  }
0x39: {  	_ = 	snop;
	(pc) =	sbr.ind lr, $3  }
0x3a: {  	_ = 	snop  }
0x3b: {  	_ = 	snop  }
0x3c: {  	p2 =	seq.s32 s10, $0x1;
	s10 =	sld [smem:$0x3FB1]  }
0x3d: {  	_ =	shalt  }
0x3e: {  	_ =	shalt  }
0x3f: {  	_ =	shalt  }
0x40: {  	_ =	shalt  }
0x41: {  	_ =	shalt  }
0x42: {  	_ =	shalt  }
0x43: {  	_ =	shalt  }
0x44: {  	_ =	shalt  }
0x45: {  	_ =	shalt  }
0x46: {  	_ =	shalt  }
0x47: {  	_ =	shalt  }
0x48: {  	_ =	shalt  }
0x49: {  	_ =	shalt  }
0x4a: {  	_ =	shalt  }
0x4b: {  	_ =	shalt  }
0x4c: {  	_ =	shalt  }
0x4d: {  	_ =	shalt  }
0x4e: {  	_ =	shalt  }
0x4f: {  	_ =	shalt  }
0x50: {  	_ =	shalt  }
0x51: {  	_ =	shalt  }
0x52: {  	_ =	shalt  }
0x53: {  	_ =	shalt  }
0x54: {  	_ =	shalt  }
0x55: {  	_ =	shalt  }
0x56: {  	_ =	shalt  }
0x57: {  	_ =	shalt  }
0x58: {  	_ =	shalt  }
0x59: {  	_ =	shalt  }
0x5a: {  	_ =	shalt  }
0x5b: {  	_ =	shalt  }
0x5c: {  	_ =	shalt  }
0x5d: {  	_ =	shalt  }
0x5e: {  	_ =	shalt  }
0x5f: {  	_ =	shalt  }
0x60: {  	_ =	shalt  }
0x61: {  	_ =	shalt  }
0x62: {  	_ =	shalt  }
0x63: {  	_ =	shalt  }
0x64: {  	_ =	shalt  }
0x65: {  	_ =	shalt  }
0x66: {  	_ =	shalt  }
0x67: {  	_ =	shalt  }
0x68: {  	_ =	shalt  }
0x69: {  	_ =	shalt  }
0x6a: {  	_ =	shalt  }
0x6b: {  	_ =	shalt  }
0x6c: {  	_ =	shalt  }
0x6d: {  	_ =	shalt  }
0x6e: {  	_ =	shalt  }
0x6f: {  	_ =	shalt  }
0x70: {  	_ =	shalt  }
0x71: {  	_ =	shalt  }
0x72: {  	_ =	shalt  }
0x73: {  	_ =	shalt  }
0x74: {  	_ =	shalt  }
0x75: {  	_ =	shalt  }
0x76: {  	_ =	shalt  }
0x77: {  	_ =	shalt  }
0x78: {  	_ =	shalt  }
0x79: {  	_ =	shalt  }
0x7a: {  	_ =	shalt  }
0x7b: {  	_ =	shalt  }
0x7c: {  	_ =	shalt  }
0x7d: {  	_ =	shalt  }
0x7e: {  	_ =	shalt  }
0x7f: {  	_ =	shalt  }
0x80: {  	_ =	shalt  }
0x81: {  	_ =	shalt  }
0x82: {  	_ =	shalt  }
0x83: {  	_ =	shalt  }
0x84: {  	_ =	shalt  }
0x85: {  	_ =	shalt  }
0x86: {  	_ =	shalt  }
0x87: {  	_ =	shalt  }
.Lfunc_end0:
.L_simem_size_0:
called_computation.2_lowered:
.L_overlay_start_0:
0x88: {  	s2 =	sld [smem:$0x3FD9]  }
0x89: {  	s3 =	sld [smem:$0x3FFE];
	_ =	sdelay $0x1  }
0x8a: {  	s1 =	srdreg.scid  }
0x8b: {  	s0 =	sand.u32 $0x1, s1  }
0x8c: {  	s16 =	sshll.u32 s0, $0xA;
	s2 =	sadd.s32 s3, s2  }
0x8d: {  	s2 =	sadd.s32 s2, s16  }
0x8e: {  	[smem:$0x3FBD] =	sst s2  }
0x8f: {  	_ = 	snop  }
0x90: {  	(tm) =	ssettm $0x1  }
0x91: {  	s17 =	sld [smem:$0x3FFB];
	_ =	sdelay $0x3  }
0x92: {  	_ =	strace s17  }
0x93: {  	s2 =	sld [smem:$0x3FFC];
	_ =	sdelay $0x3  }
0x94: {  	_ =	strace s2  }
0x95: {  	s2 =	sld [smem:$0x3FFD];
	_ =	sdelay $0x3  }
0x96: {  	_ =	strace s2  }
0x97: {  	_ =	strace $0x8FFFFFFF  }
0x98: {  	s18 =	sld [smem:$0x3FDB];
	_ =	sdelay $0x1  }
0x99: {  	s19 =	simm.s32 $_scs_section_size  }
0x9a: {  	s4 =	simm.s32 $_size__tile_overlayer_lowered;
	s5 =	simm.s32 $_tile_overlayer_lowered  }
0x9b: {  	s22 =	simm.s32 $0x1BFF;
	s21 =	sshll.u32 s5, $0x1;
	s2 =	sadd.s32 s19, s18  }
0x9c: {  	s6 =	simm.s32 $0x0;
	s20 =	sshll.u32 s4, $0x1;
	s4 =	sadd.s32 s21, s2  }
0x9d: {  	[timem:s6], [sflag:s22] =	dma.local [hbm:s4], s20  }
0x9e: {  	_ =	swait.ge [sflag:s22], s20  }
0x9f: {  	s3 =	ssub.s32 $0x0, s20;
	[sflag:s22] =	ssyncset.done $0x0  }
0xa0: {  	[sflag:s22] =	ssyncadd.s32 s3;
	_ =	sdelay $0x1  }
0xa1: {  	s23 =	simm.s32 $0x1B8B  }
0xa2: {  	_ =	swait.ge [sflag:s23], $0x1  }
0xa3: {  	[sflag:s23] =	ssyncset.done $0x0  }
0xa4: {  	s25 =	simm.s32 $0x1B8E;
	s24 =	sld [smem:$0x3FFE];
	[sflag:s23] =	ssyncadd.s32 $0xFFFFFFFF  }
0xa5: {  	s26 =	simm.s32 $execute0_lowered;
	[smem:$0x3FD2] =	sst s25  }
0xa6: {  	s4 =	sshll.u32 s26, $0x1;
	_ =	strace $0x8000004C;
	[dreg:$0x1] =	wrdreg $0xFFFFFFFF  }
0xa7: {  	s28 =	simm.s32 $_size_execute0_lowered;
	s2 =	sadd.s32 s2, s4;
	[dreg:$0x0] =	wrdreg $0x0  }
0xa8: {  	s4 =	sshll.u32 s28, $0x1;
	[dreg:$0x2] =	wrdreg s2  }
0xa9: {  	[dreg:$0x3] =	wrdreg s4  }
0xaa: {  	[dreg:$0x4] =	wrdreg $0xC0  }
0xab: {  	_ =	task [dreg:s6], $0x5FFFF  }
0xac: {  	[dreg:$0x1] =	wrdreg $0xFFFFFFFF  }
0xad: {  	[dreg:$0x0] =	wrdreg $0x60  }
0xae: {  	[dreg:$0x2] =	wrdreg s24  }
0xaf: {  	[dreg:$0x3] =	wrdreg $0x28000  }
0xb0: {  	[dreg:$0x4] =	wrdreg $0x9  }
0xb1: {  	_ =	task.clear_ibuf [dreg:s6], $0x5FFFF;
	_ =	strace $0x9000004C  }
0xb2: {  	s29 =	simm.s32 $0x9;
	_ =	strace $0x8000004E  }
0xb3: {  	_ =	swait.ge [sflag:s29], $0x1  }
0xb4: {  	[sflag:s29] =	ssyncadd.s32 $0xFFFFFFFF  }
0xb5: {  	_ =	strace $0x9000004E  }
0xb6: {  	_ =	sfence  }
0xb7: {  	s30 =	sld [smem:$0x0];
	_ =	sdelay $0x2  }
0xb8: {  	s31 =	sshll.u32 s1, $0xD;
	s1 =	sshrl.u32 s1, $0x2  }
0xb9: {  	s3 =	sand.u32 $0x4000, s31;
	s1 =	sadd.s32 s1, s30  }
0xba: {  	s0 =	sor.u32 s3, s0;
	s1 =	sshll.u32 s1, $0x11  }
0xbb: {  	s0 =	sor.u32 s1, s0  }
0xbc: {  	s0 =	sadd.s32 $0x8F2B, s0  }
0xbd: {  	[sflag:s0] =	ssyncadd.remote.s32 $0x1  }
0xbe: {  	_ =	sfence.sel $0xFFFF  }
0xbf: {  	[dreg:$0x0] =	wrdreg $0xFFFFFFFF;
	(pc) =	sbr.abs _section_cstart, $3  }
0xc0: {  	[dreg:$0x1] =	wrdreg $0xFFFFFFFF  }
0xc1: {  	_ =	task.clear_ibuf [dreg:s6], $0x2FFFF;
	_ =	strace $0x9FFFFFFF  }
0xc2: {  	(tm) =	ssettm $0x7FFFFFFF  }
0xc3: {  	_ =	shalt  }
tec
execute0_lowered:
.L_overlay_start_1:
0x0: {  	(tag) =	ssettag $0x1  }
0x1: {  	s0 =	srdreg.scid  }
0x2: {  	s3 =	sand.u32 $0x1, s0  }
0x3: {  	s11 =	stileid.u32;
	s2 =	sshll.u32 s3, $0x4  }
0x4: {  	s2 =	sor.u32 s11, s2  }
0x5: {  	s1 =	simm.s32 $0x0;
	s0 =	rddreg [dreg:$0x0];
	s6 =	smul.u32 $0x2800, s2  }
0x6: {  	[smem:$0x7FF] =	sst s1;
	s5 =	smul.u32 $0x5000, s3;
	s7 =	ssub.s32 $0x2, s3  }
0x7: {  	s4 =	sadd.s32 $0x66E00, s0;
	s24 =	sshrl.u32 s7, $0x1;
	s6 =	sshrl.u32 s6, $0x3  }
0x8: {  	s2 =	sadd.s32 $0x5CE00, s0;
	s8 =	sadd.s32 s5, s0;
	s25 =	sadd.s32 s4, s6  }
0x9: {  	s26 =	sor.u32 $0x10, s6;
	s9 =	sadd.s32 s2, s6;
	[dreg:$0x3] =	wrdreg s25  }
0xa: {  	s5 =	ssub.s32 s7, s24;
	[dreg:$0x4] =	wrdreg s9;
	s29 =	sadd.s32 s4, s26  }
0xb: {  	s30 =	sor.u32 $0x20, s6;
	s7 =	sadd.s32 s2, s26;
	[dreg:$0x5] =	wrdreg s29  }
0xc: {  	s10 =	sor.u32 $0x30, s6;
	s31 =	sadd.s32 s4, s30;
	[dreg:$0x6] =	wrdreg s7  }
0xd: {  	s13 =	sor.u32 $0x40, s6;
	s9 =	sadd.s32 s2, s30;
	[dreg:$0x7] =	wrdreg s31  }
0xe: {  	s15 =	sor.u32 $0x50, s6;
	s12 =	sadd.s32 s4, s10;
	[dreg:$0x8] =	wrdreg s9  }
0xf: {  	s16 =	sor.u32 $0x60, s6;
	s14 =	sadd.s32 s4, s13;
	[dreg:$0x9] =	wrdreg s12  }
0x10: {  	s6 =	sor.u32 $0x70, s6;
	s17 =	sadd.s32 s4, s16;
	[dreg:$0xb] =	wrdreg s14  }
0x11: {  	s18 =	sadd.s32 s4, s6;
	[dreg:$0xf] =	wrdreg s17  }
0x12: {  	s6 =	sadd.s32 s2, s6;
	[dreg:$0x11] =	wrdreg s18  }
0x13: {  	s7 =	sadd.s32 s2, s10;
	[dreg:$0x12] =	wrdreg s6  }
0x14: {  	s28 =	simm.s32 $0x10;
	s9 =	sadd.s32 s2, s13;
	[dreg:$0xa] =	wrdreg s7  }
0x15: {  	s3 =	smul.u32 $0x28000, s3;
	s10 =	sadd.s32 s4, s15;
	[dreg:$0xc] =	wrdreg s9  }
0x16: {  	s7 =	smul.u32 $0x2800, s11;
	[dreg:$0xd] =	wrdreg s10;
	s9 =	sadd.s32 s2, s15  }
0x17: {  	s8 =	sadd.s32 $0x70E00, s8;
	[dreg:$0xe] =	wrdreg s9;
	s9 =	sadd.s32 s2, s16  }
0x18: {  	s10 =	simm.s32 $0xC;
	s3 =	sadd.s32 s7, s3;
	[dreg:$0x10] =	wrdreg s9  }
0x19: {  	s19 =	sor.u32 $0x780, s3;
	s21 =	sor.u32 $0x700, s3;
	s24 =	sor.u32 $0x680, s3  }
0x1a: {  	s25 =	sor.u32 $0x600, s3;
	s29 =	sor.u32 $0x580, s3;
	s13 =	sor.u32 $0x500, s3  }
0x1b: {  	s15 =	sor.u32 $0x480, s3;
	s3 =	sor.u32 $0x400, s3;
	s20 =	sshrl.u32 s19, $0x3  }
0x1c: {  	s9 =	sshrl.u32 s21, $0x3;
	s30 =	sshrl.u32 s29, $0x3;
	s14 =	sshrl.u32 s13, $0x3  }
0x1d: {  	s17 =	sshrl.u32 s3, $0x3;
	s3 =	rddreg [dreg:$0x1];
	s22 =	sadd.s32 s20, s2  }
0x1e: {  	s21 =	sshrl.u32 s7, $0x3;
	s6 =	sadd.s32 s20, s4;
	[dreg:$0x13] =	wrdreg s22  }
0x1f: {  	s23 =	sadd.s32 s9, s2;
	s9 =	sadd.s32 s9, s4;
	[dreg:$0x14] =	wrdreg s6  }
0x20: {  	s12 =	sadd.s32 s30, s2;
	s16 =	sadd.s32 s14, s2;
	[dreg:$0x15] =	wrdreg s23  }
0x21: {  	s20 =	smul.u32 $0xA000, s11;
	s7 =	sadd.s32 s7, s3;
	[dreg:$0x16] =	wrdreg s9  }
0x22: {  	s11 =	simm.s32 $0x1800;
	s6 =	sshrl.u32 s24, $0x3;
	[dreg:$0x1b] =	wrdreg s12  }
0x23: {  	s9 =	sshrl.u32 s25, $0x3;
	[dreg:$0x1d] =	wrdreg s16;
	s22 =	sadd.s32 s17, s4  }
0x24: {  	s23 =	sadd.s32 s21, s8;
	s25 =	smax.u32 s5, $0x1;
	s16 =	simm.s32 $0x2700  }
0x25: {  	s5 =	simm.s32 $0x80;
	s12 =	simm.s32 $0x5;
	[smem:$0x7F5] =	sst s22  }
0x26: {  	s21 =	simm.s32 $0xE;
	s26 =	sadd.s32 s6, s2;
	[smem:$0x7F6] =	sst s23  }
0x27: {  	s6 =	sadd.s32 s6, s4;
	s31 =	sadd.s32 s9, s2;
	[dreg:$0x17] =	wrdreg s26  }
0x28: {  	s9 =	sadd.s32 s9, s4;
	s24 =	sshrl.u32 s20, $0x2;
	[dreg:$0x18] =	wrdreg s6  }
0x29: {  	s20 =	simm.s32 $0x6;
	s22 =	simm.s32 $0x3;
	[dreg:$0x19] =	wrdreg s31  }
0x2a: {  	s23 =	simm.s32 $0x7;
	[dreg:$0x1a] =	wrdreg s9;
	s6 =	sadd.s32 s30, s4  }
0x2b: {  	s9 =	sshrl.u32 s15, $0x3;
	[dreg:$0x1c] =	wrdreg s6;
	s6 =	sadd.s32 s14, s4  }
0x2c: {  	s26 =	sshrl.u32 s7, $0x3;
	s18 =	sadd.s32 s9, s2;
	[dreg:$0x1e] =	wrdreg s6  }
0x2d: {  	s15 =	simm.s32 $0x1000;
	s19 =	sadd.s32 s9, s4;
	[dreg:$0x1f] =	wrdreg s18  }
0x2e: {  	s2 =	sadd.s32 s17, s2;
	s9 =	simm.s32 $0xB;
	[smem:$0x7F3] =	sst s19  }
0x2f: {  	s17 =	simm.s32 $0x1;
	s4 =	simm.s32 $0x0;
	[smem:$0x7F4] =	sst s2  }
0x30: {  	s6 =	sadd.s32 $0x3000, s0;
	_ =	strace $0x8000004D;
	[smem:$0x7F7] =	sst s25  }
0x31: {  	s0 =	sadd.s32 s24, s3;
	s2 =	simm.s32 $0x11;
	[smem:$0x7F8] =	sst s26  }
.Ltmp0:
0x32: {  	s29 =	sadd.s32 $0x800, s0;
	[smem:$0x7FC] =	sst s0;
	(pc) =	sbr.rel .LBB2_1-.Ltmp0, $4  }
0x33: {  	s19 =	simm.s32 $0x800;
	s30 =	sadd.s32 $0x1000, s0;
	[smem:$0x7F9] =	sst s29  }
0x34: {  	s18 =	simm.s32 $0xD;
	s31 =	sadd.s32 $0x1800, s0;
	[smem:$0x7FA] =	sst s30  }
0x35: {  	s24 =	simm.s32 $0xF;
	s0 =	sadd.s32 $0x2000, s0;
	[smem:$0x7FB] =	sst s31  }
0x36: {  	v0 =	vimm.f32 $0.0e+00;
	s25 =	simm.s32 $0x4;
	s26 =	simm.s32 $0x8;
	[smem:$0x7FD] =	sst s0  }
.LBB2_6:
0x37: {  	_ =	swait.ge [sflag:s25], $0x800  }
0x38: {  	[sflag:s25] =	ssyncset.done $0x0  }
0x39: {  	s0 =	simm.s32 $0x2780;
	[sflag:s25] =	ssyncadd.s32 $0xFFFFF800  }
0x3a: {  	[spmem:s3] =	stream.indirect.scatter.add.f32 [tilespmem:s11], [sflag:$0x8], $0x10, s0, s5, $0xb8;
	[tilespmem:$0x5000] =	vst v63  }
0x3b: {  	_ =	swait.ge [sflag:s26], $0x800  }
0x3c: {  	[sflag:s26] =	ssyncset.done $0x0  }
0x3d: {  	[sflag:s26] =	ssyncadd.s32 $0xFFFFF800  }
0x3e: {  	[bflag:$0x0] =	sbarrier.arrive $0xFFFF  }
0x3f: {  	s2 =	sld [smem:$0x7F6]  }
0x40: {  	s29 =	stileid.u32;
	s4 =	sld [smem:$0x7F8]  }
0x41: {  	s0 =	sshll.u32 s29, $0x6  }
0x42: {  	s0 =	sor.u32 $0x1C11, s0  }
0x43: {  	[hbm:s2], [sflag:s0] =	dma.local [spmem:s4], $0x500  }
0x44: {  	s2 =	simm.s32 $0x11  }
0x45: {  	_ =	swait.ge [sflag:s2], $0x500  }
0x46: {  	s30 =	sld [smem:$0x7F2]  }
0x47: {  	s31 =	sld [smem:$0x7F7];
	_ =	sdelay $0x1  }
0x48: {  	s4 =	sadd.s32 $0x1, s30  }
0x49: {  	p0 =	sne.s32 s4, s31  }
.Ltmp1:
0x4a: {  	_ = 	snop;
	(pc) =	sbr.rel @!p0 .LBB2_7-.Ltmp1, $3  }
0x4b: {  	_ =	sdelay $0x1  }
0x4c: {  	[sflag:s2] =	ssyncset.done $0x0  }
0x4d: {  	[sflag:s2] =	ssyncadd.s32 $0xFFFFFB00  }
.LBB2_1:
0x4e: {  	[smem:$0x7F2] =	sst s4;
	s0 =	simm.s32 $0x40;
	s29 =	simm.s32 $0x0  }
.LBB2_2:
0x4f: {  	p0 =	sne.s32 s0, $0x1FC0;
	[tilespmem:s29+$0x0] =	vst v0;
	s29 =	smov.u32 s0;
	s0 =	sadd.s32 $0x40, s0  }
.Ltmp2:
0x50: {  	(pc) =	sbr.rel @p0 .LBB2_2-.Ltmp2, $2  }
0x51: {  	_ =	sdelay $0x2  }
0x52: {  	s29 =	sshra.s32 s29, $0x2  }
0x53: {  	s0 =	sld [smem:$0x7FC];
	_ =	sdelay $0x1  }
0x54: {  	[tilespmem:s29+$0x0] =	vst v0;
	s29 =	simm.s32 $0x0  }
0x55: {  	[spmem:s0] =	stream.linear.scatter [tilespmem:s29], [sflag:$0x11], $0x800, $0x38;
	[tilespmem:$0x5000] =	vst v63  }
0x56: {  	_ =	swait.ge [sflag:s2], $0x800  }
0x57: {  	s7 =	sld [smem:$0x7F9]  }
0x58: {  	[sflag:s2] =	ssyncset.done $0x0  }
0x59: {  	[sflag:s2] =	ssyncadd.s32 $0xFFFFF800  }
0x5a: {  	[spmem:s7] =	stream.linear.scatter [tilespmem:s29], [sflag:$0x11], $0x800, $0x38;
	[tilespmem:$0x5000] =	vst v63  }
0x5b: {  	_ =	swait.ge [sflag:s2], $0x800  }
0x5c: {  	s8 =	sld [smem:$0x7FA]  }
0x5d: {  	[sflag:s2] =	ssyncset.done $0x0  }
0x5e: {  	[sflag:s2] =	ssyncadd.s32 $0xFFFFF800  }
0x5f: {  	[spmem:s8] =	stream.linear.scatter [tilespmem:s29], [sflag:$0x11], $0x800, $0x38;
	[tilespmem:$0x5000] =	vst v63  }
0x60: {  	_ =	swait.ge [sflag:s2], $0x800  }
0x61: {  	s13 =	sld [smem:$0x7FB]  }
0x62: {  	[sflag:s2] =	ssyncset.done $0x0  }
0x63: {  	[sflag:s2] =	ssyncadd.s32 $0xFFFFF800  }
0x64: {  	[spmem:s13] =	stream.linear.scatter [tilespmem:s29], [sflag:$0x11], $0x800, $0x38;
	[tilespmem:$0x5000] =	vst v63  }
0x65: {  	_ =	swait.ge [sflag:s2], $0x800  }
0x66: {  	s14 =	sld [smem:$0x7FD]  }
0x67: {  	[sflag:s2] =	ssyncset.done $0x0  }
0x68: {  	[sflag:s2] =	ssyncadd.s32 $0xFFFFF800  }
0x69: {  	[spmem:s14] =	stream.linear.scatter [tilespmem:s29], [sflag:$0x11], $0x800, $0x38;
	[tilespmem:$0x5000] =	vst v63  }
0x6a: {  	_ =	swait.ge [sflag:s2], $0x800  }
0x6b: {  	[sflag:s2] =	ssyncset.done $0x0  }
0x6c: {  	[sflag:s2] =	ssyncadd.s32 $0xFFFFF800  }
0x6d: {  	[bflag:$0x0] =	sbarrier.arrive $0xFFFF  }
0x6e: {  	s2 =	simm.s32 $0x2000;
	s30 =	rddreg [dreg:$0x3]  }
0x6f: {  	[tilespmem:s2], [sflag:$0x9] =	stream.linear.gather [hbm4b:s30+s29], $0x80, $0x38;
	[tilespmem:$0x5000] =	vst v63  }
0x70: {  	s4 =	simm.s32 $0x2400;
	s31 =	rddreg [dreg:$0x4]  }
0x71: {  	[tilespmem:s4], [sflag:$0x9] =	stream.linear.gather [hbm4b:s31+s29], $0x80, $0x38;
	[tilespmem:$0x5000] =	vst v63  }
0x72: {  	s7 =	rddreg [dreg:$0x5];
	s4 =	simm.s32 $0x2080  }
0x73: {  	[tilespmem:s4], [sflag:$0xA] =	stream.linear.gather [hbm4b:s7+s29], $0x80, $0x38;
	[tilespmem:$0x5000] =	vst v63  }
0x74: {  	s8 =	rddreg [dreg:$0x6];
	s7 =	simm.s32 $0x2480  }
0x75: {  	[tilespmem:s7], [sflag:$0xA] =	stream.linear.gather [hbm4b:s8+s29], $0x80, $0x38;
	[tilespmem:$0x5000] =	vst v63  }
0x76: {  	s13 =	rddreg [dreg:$0x7];
	s7 =	simm.s32 $0x2100  }
0x77: {  	[tilespmem:s7], [sflag:$0xB] =	stream.linear.gather [hbm4b:s13+s29], $0x80, $0x38;
	[tilespmem:$0x5000] =	vst v63  }
0x78: {  	s14 =	rddreg [dreg:$0x8];
	s13 =	simm.s32 $0x2500  }
0x79: {  	[tilespmem:s13], [sflag:$0xB] =	stream.linear.gather [hbm4b:s14+s29], $0x80, $0x38;
	[tilespmem:$0x5000] =	vst v63  }
0x7a: {  	s30 =	rddreg [dreg:$0x9];
	s13 =	simm.s32 $0x2180  }
0x7b: {  	[tilespmem:s13], [sflag:$0xC] =	stream.linear.gather [hbm4b:s30+s29], $0x80, $0x38;
	[tilespmem:$0x5000] =	vst v63  }
0x7c: {  	s31 =	rddreg [dreg:$0xa];
	s30 =	simm.s32 $0x2580  }
0x7d: {  	[tilespmem:s30], [sflag:$0xC] =	stream.linear.gather [hbm4b:s31+s29], $0x80, $0x38;
	[tilespmem:$0x5000] =	vst v63  }
0x7e: {  	s8 =	rddreg [dreg:$0xb];
	s14 =	simm.s32 $0x2200  }
0x7f: {  	[tilespmem:s14], [sflag:$0xD] =	stream.linear.gather [hbm4b:s8+s29], $0x80, $0x38;
	[tilespmem:$0x5000] =	vst v63  }
0x80: {  	s31 =	rddreg [dreg:$0xc];
	s8 =	simm.s32 $0x2600  }
0x81: {  	[tilespmem:s8], [sflag:$0xD] =	stream.linear.gather [hbm4b:s31+s29], $0x80, $0x38;
	[tilespmem:$0x5000] =	vst v63  }
0x82: {  	s14 =	rddreg [dreg:$0xd];
	s31 =	simm.s32 $0x2280  }
0x83: {  	[tilespmem:s31], [sflag:$0xE] =	stream.linear.gather [hbm4b:s14+s29], $0x80, $0x38;
	[tilespmem:$0x5000] =	vst v63  }
0x84: {  	s8 =	rddreg [dreg:$0xe];
	s14 =	simm.s32 $0x2680  }
0x85: {  	[tilespmem:s14], [sflag:$0xE] =	stream.linear.gather [hbm4b:s8+s29], $0x80, $0x38;
	[tilespmem:$0x5000] =	vst v63  }
0x86: {  	s30 =	rddreg [dreg:$0xf];
	s14 =	simm.s32 $0x2300  }
0x87: {  	[tilespmem:s14], [sflag:$0xF] =	stream.linear.gather [hbm4b:s30+s29], $0x80, $0x38;
	[tilespmem:$0x5000] =	vst v63  }
0x88: {  	s31 =	rddreg [dreg:$0x10]  }
0x89: {  	[tilespmem:s16], [sflag:$0xF] =	stream.linear.gather [hbm4b:s31+s29], $0x80, $0x38;
	[tilespmem:$0x5000] =	vst v63  }
0x8a: {  	s8 =	rddreg [dreg:$0x11];
	s14 =	simm.s32 $0x2380  }
0x8b: {  	[tilespmem:s14], [sflag:$0x10] =	stream.linear.gather [hbm4b:s8+s29], $0x80, $0x38;
	[tilespmem:$0x5000] =	vst v63  }
0x8c: {  	s30 =	simm.s32 $0x9;
	s16 =	rddreg [dreg:$0x12];
	s8 =	simm.s32 $0x2780  }
0x8d: {  	[tilespmem:s8], [sflag:$0x10] =	stream.linear.gather [hbm4b:s16+s29], $0x80, $0x38;
	[tilespmem:$0x5000] =	vst v63  }
0x8e: {  	_ =	swait.ge [sflag:s30], $0x80  }
0x8f: {  	[sflag:s30] =	ssyncset.done $0x0  }
0x90: {  	[sflag:s30] =	ssyncadd.s32 $0xFFFFFF80  }
0x91: {  	_ =	swait.ge [sflag:s30], $0x80  }
0x92: {  	[sflag:s30] =	ssyncset.done $0x0  }
0x93: {  	s31 =	simm.s32 $0xA;
	[sflag:s30] =	ssyncadd.s32 $0xFFFFFF80  }
0x94: {  	[tilespmem:s29], [sflag:$0x1] =	stream.indirect.gather [hbm4b:s6+s5], $0x10, s2, s5, $0xb8;
	[tilespmem:$0x5000] =	vst v63  }
0x95: {  	_ =	swait.ge [sflag:s31], $0x80  }
0x96: {  	[sflag:s31] =	ssyncset.done $0x0  }
0x97: {  	[sflag:s31] =	ssyncadd.s32 $0xFFFFFF80  }
0x98: {  	_ =	swait.ge [sflag:s31], $0x80  }
0x99: {  	[sflag:s31] =	ssyncset.done $0x0  }
0x9a: {  	[sflag:s31] =	ssyncadd.s32 $0xFFFFFF80  }
0x9b: {  	[tilespmem:s19], [sflag:$0x2] =	stream.indirect.gather [hbm4b:s6+s5], $0x10, s4, s5, $0xb8;
	[tilespmem:$0x5000] =	vst v63  }
0x9c: {  	_ =	swait.ge [sflag:s9], $0x80  }
0x9d: {  	[sflag:s9] =	ssyncset.done $0x0  }
0x9e: {  	[sflag:s9] =	ssyncadd.s32 $0xFFFFFF80  }
0x9f: {  	_ =	swait.ge [sflag:s9], $0x80  }
0xa0: {  	[sflag:s9] =	ssyncset.done $0x0  }
0xa1: {  	[sflag:s9] =	ssyncadd.s32 $0xFFFFFF80  }
0xa2: {  	[tilespmem:s15], [sflag:$0x3] =	stream.indirect.gather [hbm4b:s6+s5], $0x10, s7, s5, $0xb8;
	[tilespmem:$0x5000] =	vst v63  }
0xa3: {  	_ =	swait.ge [sflag:s10], $0x80  }
0xa4: {  	[sflag:s10] =	ssyncset.done $0x0  }
0xa5: {  	[sflag:s10] =	ssyncadd.s32 $0xFFFFFF80  }
0xa6: {  	_ =	swait.ge [sflag:s10], $0x80  }
0xa7: {  	[sflag:s10] =	ssyncset.done $0x0  }
0xa8: {  	s16 =	simm.s32 $0x2700;
	s7 =	simm.s32 $0x2300;
	[sflag:s10] =	ssyncadd.s32 $0xFFFFFF80  }
0xa9: {  	[tilespmem:s11], [sflag:$0x4] =	stream.indirect.gather [hbm4b:s6+s5], $0x10, s13, s5, $0xb8;
	[tilespmem:$0x5000] =	vst v63  }
.LBB2_4:
0xaa: {  	_ =	swait.ge [sflag:s17], $0x800  }
0xab: {  	[sflag:s17] =	ssyncset.done $0x0  }
0xac: {  	s0 =	simm.s32 $0x2400;
	[sflag:s17] =	ssyncadd.s32 $0xFFFFF800  }
0xad: {  	[spmem:s3] =	stream.indirect.scatter.add.f32 [tilespmem:s1], [sflag:$0x5], $0x10, s0, s5, $0xb8;
	[tilespmem:$0x5000] =	vst v63  }
0xae: {  	_ =	swait.ge [sflag:s12], $0x800  }
0xaf: {  	s0 =	sld [smem:$0x7F5]  }
0xb0: {  	p0 =	seq.s32 s29, $0x480  }
0xb1: {  	s31 =	simm.s32 @!p0 $0x0;
	[sflag:s12] =	ssyncset.done $0x0;
	s2 =	sld [smem:$0x7F4]  }
0xb2: {  	[sflag:s12] =	ssyncadd.s32 $0xFFFFF800;
	s30 =	sadd.s32 @!p0 s29, s0;
	s0 =	simm.s32 @!p0 $0x2000  }
0xb3: {  	[tilespmem:s0], [sflag:$0x9] =	stream.linear.gather @!p0 [hbm4b:s30+s31], $0x80, $0x38;
	[tilespmem:$0x5000] =	vst v63  }
0xb4: {  	s30 =	sadd.s32 @!p0 s29, s2;
	s2 =	simm.s32 @!p0 $0x2400  }
0xb5: {  	[tilespmem:s2], [sflag:$0x9] =	stream.linear.gather @!p0 [hbm4b:s30+s31], $0x80, $0x38;
	[tilespmem:$0x5000] =	vst v63  }
0xb6: {  	_ =	swait.ge [sflag:s18], $0x80  }
0xb7: {  	[sflag:s18] =	ssyncset.done $0x0  }
0xb8: {  	[sflag:s18] =	ssyncadd.s32 $0xFFFFFF80  }
0xb9: {  	_ =	swait.ge [sflag:s18], $0x80  }
0xba: {  	[sflag:s18] =	ssyncset.done $0x0  }
0xbb: {  	s13 =	simm.s32 $0x2200;
	s19 =	simm.s32 $0x2;
	[sflag:s18] =	ssyncadd.s32 $0xFFFFFF80  }
0xbc: {  	[tilespmem:s1], [sflag:$0x1] =	stream.indirect.gather [hbm4b:s6+s5], $0x10, s13, s5, $0xb8;
	[tilespmem:$0x5000] =	vst v63  }
0xbd: {  	_ =	swait.ge [sflag:s19], $0x800  }
0xbe: {  	[sflag:s19] =	ssyncset.done $0x0  }
0xbf: {  	s8 =	simm.s32 $0x800;
	s30 =	simm.s32 $0x2480;
	[sflag:s19] =	ssyncadd.s32 $0xFFFFF800  }
0xc0: {  	[spmem:s3] =	stream.indirect.scatter.add.f32 [tilespmem:s8], [sflag:$0x6], $0x10, s30, s5, $0xb8;
	[tilespmem:$0x5000] =	vst v63  }
0xc1: {  	_ =	swait.ge [sflag:s20], $0x800  }
0xc2: {  	s2 =	sld [smem:$0x7F3];
	_ =	sdelay $0x1  }
0xc3: {  	[sflag:s20] =	ssyncset.done $0x0  }
0xc4: {  	s30 =	simm.s32 @!p0 $0x2080;
	[sflag:s20] =	ssyncadd.s32 $0xFFFFF800;
	s2 =	sadd.s32 @!p0 s29, s2  }
0xc5: {  	[tilespmem:s30], [sflag:$0xA] =	stream.linear.gather @!p0 [hbm4b:s2+s31], $0x80, $0x38;
	[tilespmem:$0x5000] =	vst v63  }
0xc6: {  	s2 =	rddreg [dreg:$0x1f]  }
0xc7: {  	s4 =	simm.s32 @!p0 $0x2480;
	s2 =	sadd.s32 @!p0 s29, s2  }
0xc8: {  	[tilespmem:s4], [sflag:$0xA] =	stream.linear.gather @!p0 [hbm4b:s2+s31], $0x80, $0x38;
	[tilespmem:$0x5000] =	vst v63  }
0xc9: {  	_ =	swait.ge [sflag:s21], $0x80  }
0xca: {  	[sflag:s21] =	ssyncset.done $0x0  }
0xcb: {  	[sflag:s21] =	ssyncadd.s32 $0xFFFFFF80  }
0xcc: {  	_ =	swait.ge [sflag:s21], $0x80  }
0xcd: {  	[sflag:s21] =	ssyncset.done $0x0  }
0xce: {  	s4 =	simm.s32 $0x2280;
	[sflag:s21] =	ssyncadd.s32 $0xFFFFFF80  }
0xcf: {  	[tilespmem:s8], [sflag:$0x2] =	stream.indirect.gather [hbm4b:s6+s5], $0x10, s4, s5, $0xb8;
	[tilespmem:$0x5000] =	vst v63  }
0xd0: {  	_ =	swait.ge [sflag:s22], $0x800  }
0xd1: {  	[sflag:s22] =	ssyncset.done $0x0  }
0xd2: {  	s8 =	simm.s32 $0x2500;
	[sflag:s22] =	ssyncadd.s32 $0xFFFFF800  }
0xd3: {  	[spmem:s3] =	stream.indirect.scatter.add.f32 [tilespmem:s15], [sflag:$0x7], $0x10, s8, s5, $0xb8;
	[tilespmem:$0x5000] =	vst v63  }
0xd4: {  	_ =	swait.ge [sflag:s23], $0x800  }
0xd5: {  	[sflag:s23] =	ssyncset.done $0x0;
	s2 =	rddreg [dreg:$0x1e]  }
0xd6: {  	s4 =	simm.s32 @!p0 $0x2100;
	[sflag:s23] =	ssyncadd.s32 $0xFFFFF800;
	s2 =	sadd.s32 @!p0 s29, s2  }
0xd7: {  	[tilespmem:s4], [sflag:$0xB] =	stream.linear.gather @!p0 [hbm4b:s2+s31], $0x80, $0x38;
	[tilespmem:$0x5000] =	vst v63  }
0xd8: {  	s2 =	rddreg [dreg:$0x1d]  }
0xd9: {  	s4 =	simm.s32 @!p0 $0x2500;
	s2 =	sadd.s32 @!p0 s29, s2  }
0xda: {  	[tilespmem:s4], [sflag:$0xB] =	stream.linear.gather @!p0 [hbm4b:s2+s31], $0x80, $0x38;
	[tilespmem:$0x5000] =	vst v63  }
0xdb: {  	_ =	swait.ge [sflag:s24], $0x80  }
0xdc: {  	[sflag:s24] =	ssyncset.done $0x0  }
0xdd: {  	[sflag:s24] =	ssyncadd.s32 $0xFFFFFF80  }
0xde: {  	_ =	swait.ge [sflag:s24], $0x80  }
0xdf: {  	[sflag:s24] =	ssyncset.done $0x0  }
0xe0: {  	[sflag:s24] =	ssyncadd.s32 $0xFFFFFF80  }
0xe1: {  	[tilespmem:s15], [sflag:$0x3] =	stream.indirect.gather [hbm4b:s6+s5], $0x10, s7, s5, $0xb8;
	[tilespmem:$0x5000] =	vst v63  }
0xe2: {  	_ =	swait.ge [sflag:s25], $0x800  }
0xe3: {  	[sflag:s25] =	ssyncset.done $0x0  }
0xe4: {  	s13 =	simm.s32 $0x2580;
	[sflag:s25] =	ssyncadd.s32 $0xFFFFF800  }
0xe5: {  	[spmem:s3] =	stream.indirect.scatter.add.f32 [tilespmem:s11], [sflag:$0x8], $0x10, s13, s5, $0xb8;
	[tilespmem:$0x5000] =	vst v63  }
0xe6: {  	_ =	swait.ge [sflag:s26], $0x800  }
0xe7: {  	[sflag:s26] =	ssyncset.done $0x0;
	s2 =	rddreg [dreg:$0x1c]  }
0xe8: {  	s4 =	simm.s32 @!p0 $0x2180;
	[sflag:s26] =	ssyncadd.s32 $0xFFFFF800;
	s2 =	sadd.s32 @!p0 s29, s2  }
0xe9: {  	[tilespmem:s4], [sflag:$0xC] =	stream.linear.gather @!p0 [hbm4b:s2+s31], $0x80, $0x38;
	[tilespmem:$0x5000] =	vst v63  }
0xea: {  	s2 =	rddreg [dreg:$0x1b]  }
0xeb: {  	s4 =	simm.s32 @!p0 $0x2580;
	s2 =	sadd.s32 @!p0 s29, s2  }
0xec: {  	[tilespmem:s4], [sflag:$0xC] =	stream.linear.gather @!p0 [hbm4b:s2+s31], $0x80, $0x38;
	[tilespmem:$0x5000] =	vst v63  }
0xed: {  	_ =	swait.ge [sflag:s28], $0x80  }
0xee: {  	[sflag:s28] =	ssyncset.done $0x0  }
0xef: {  	[sflag:s28] =	ssyncadd.s32 $0xFFFFFF80  }
0xf0: {  	_ =	swait.ge [sflag:s28], $0x80  }
0xf1: {  	[sflag:s28] =	ssyncset.done $0x0  }
0xf2: {  	[sflag:s28] =	ssyncadd.s32 $0xFFFFFF80  }
0xf3: {  	[tilespmem:s11], [sflag:$0x4] =	stream.indirect.gather [hbm4b:s6+s5], $0x10, s14, s5, $0xb8;
	[tilespmem:$0x5000] =	vst v63  }
0xf4: {  	_ =	swait.ge [sflag:s17], $0x800  }
0xf5: {  	[sflag:s17] =	ssyncset.done $0x0  }
0xf6: {  	s14 =	simm.s32 $0x2600;
	[sflag:s17] =	ssyncadd.s32 $0xFFFFF800  }
0xf7: {  	[spmem:s3] =	stream.indirect.scatter.add.f32 [tilespmem:s1], [sflag:$0x5], $0x10, s14, s5, $0xb8;
	[tilespmem:$0x5000] =	vst v63  }
0xf8: {  	_ =	swait.ge [sflag:s12], $0x800  }
0xf9: {  	[sflag:s12] =	ssyncset.done $0x0  }
0xfa: {  	s2 =	simm.s32 @p0 $0x2;
	[sflag:s12] =	ssyncadd.s32 $0xFFFFF800  }
0xfb: {  	_ =	swait.ge @p0 [sflag:s2], $0x800  }
0xfc: {  	s13 =	simm.s32 @p0 $0x800;
	[sflag:s2] =	ssyncset.done @p0 $0x0  }
0xfd: {  	s4 =	simm.s32 @p0 $0x2680;
	[sflag:s2] =	ssyncadd.s32 @p0 $0xFFFFF800;
	s2 =	simm.s32 @p0 $0x80  }
0xfe: {  	[spmem:s3] =	stream.indirect.scatter.add.f32 @p0 [tilespmem:s13], [sflag:$0x6], $0x10, s4, s2, $0xb8;
	[tilespmem:$0x5000] =	vst v63  }
0xff: {  	s2 =	simm.s32 @p0 $0x6  }
0x100: {  	_ =	swait.ge @p0 [sflag:s2], $0x800  }
0x101: {  	[sflag:s2] =	ssyncset.done @p0 $0x0  }
0x102: {  	[sflag:s2] =	ssyncadd.s32 @p0 $0xFFFFF800;
	s2 =	rddreg [dreg:$0x1a]  }
0x103: {  	s4 =	simm.s32 @!p0 $0x2200;
	s2 =	sadd.s32 @!p0 s29, s2  }
0x104: {  	[tilespmem:s4], [sflag:$0xD] =	stream.linear.gather @!p0 [hbm4b:s2+s31], $0x80, $0x38;
	[tilespmem:$0x5000] =	vst v63  }
0x105: {  	s2 =	rddreg [dreg:$0x19]  }
0x106: {  	s4 =	simm.s32 @!p0 $0x2600;
	s2 =	sadd.s32 @!p0 s29, s2  }
0x107: {  	[tilespmem:s4], [sflag:$0xD] =	stream.linear.gather @!p0 [hbm4b:s2+s31], $0x80, $0x38;
	[tilespmem:$0x5000] =	vst v63  }
0x108: {  	s2 =	simm.s32 @!p0 $0x9  }
0x109: {  	_ =	swait.ge @!p0 [sflag:s2], $0x80  }
0x10a: {  	[sflag:s2] =	ssyncset.done @!p0 $0x0  }
0x10b: {  	[sflag:s2] =	ssyncadd.s32 @!p0 $0xFFFFFF80  }
0x10c: {  	_ =	swait.ge @!p0 [sflag:s2], $0x80  }
0x10d: {  	[sflag:s2] =	ssyncset.done @!p0 $0x0  }
0x10e: {  	[sflag:s2] =	ssyncadd.s32 @!p0 $0xFFFFFF80;
	s2 =	simm.s32 @!p0 $0x80  }
0x10f: {  	[tilespmem:s31], [sflag:$0x1] =	stream.indirect.gather @!p0 [hbm4b:s6+s2], $0x10, s0, s2, $0xb8;
	[tilespmem:$0x5000] =	vst v63  }
0x110: {  	s0 =	simm.s32 @!p0 $0x2  }
0x111: {  	_ =	swait.ge @!p0 [sflag:s0], $0x800  }
0x112: {  	s13 =	simm.s32 @!p0 $0x6;
	[sflag:s0] =	ssyncset.done @!p0 $0x0  }
0x113: {  	s4 =	simm.s32 @!p0 $0x800;
	[sflag:s0] =	ssyncadd.s32 @!p0 $0xFFFFF800;
	s0 =	simm.s32 @!p0 $0x2680  }
0x114: {  	[spmem:s3] =	stream.indirect.scatter.add.f32 @!p0 [tilespmem:s4], [sflag:$0x6], $0x10, s0, s2, $0xb8;
	[tilespmem:$0x5000] =	vst v63  }
0x115: {  	_ =	swait.ge @!p0 [sflag:s13], $0x800  }
0x116: {  	[sflag:s13] =	ssyncset.done @!p0 $0x0;
	s7 =	rddreg [dreg:$0x18]  }
0x117: {  	[sflag:s13] =	ssyncadd.s32 @!p0 $0xFFFFF800;
	s13 =	sadd.s32 @!p0 s29, s7;
	s7 =	simm.s32 @!p0 $0x2280  }
0x118: {  	[tilespmem:s7], [sflag:$0xE] =	stream.linear.gather @!p0 [hbm4b:s13+s31], $0x80, $0x38;
	[tilespmem:$0x5000] =	vst v63  }
0x119: {  	s7 =	rddreg [dreg:$0x17]  }
0x11a: {  	s7 =	sadd.s32 @!p0 s29, s7  }
0x11b: {  	[tilespmem:s0], [sflag:$0xE] =	stream.linear.gather @!p0 [hbm4b:s7+s31], $0x80, $0x38;
	[tilespmem:$0x5000] =	vst v63  }
0x11c: {  	s0 =	simm.s32 @!p0 $0xA  }
0x11d: {  	_ =	swait.ge @!p0 [sflag:s0], $0x80  }
0x11e: {  	[sflag:s0] =	ssyncset.done @!p0 $0x0  }
0x11f: {  	[sflag:s0] =	ssyncadd.s32 @!p0 $0xFFFFFF80  }
0x120: {  	_ =	swait.ge @!p0 [sflag:s0], $0x80  }
0x121: {  	[sflag:s0] =	ssyncset.done @!p0 $0x0  }
0x122: {  	[sflag:s0] =	ssyncadd.s32 @!p0 $0xFFFFFF80  }
0x123: {  	[tilespmem:s4], [sflag:$0x2] =	stream.indirect.gather @!p0 [hbm4b:s6+s2], $0x10, s30, s2, $0xb8;
	[tilespmem:$0x5000] =	vst v63  }
0x124: {  	_ =	swait.ge [sflag:s22], $0x800  }
0x125: {  	[sflag:s22] =	ssyncset.done $0x0  }
.Ltmp3:
0x126: {  	[sflag:s22] =	ssyncadd.s32 $0xFFFFF800;
	(pc) =	sbr.rel @p0 .LBB2_6-.Ltmp3, $4  }
0x127: {  	[spmem:s3] =	stream.indirect.scatter.add.f32 [tilespmem:s15], [sflag:$0x7], $0x10, s16, s5, $0xb8;
	[tilespmem:$0x5000] =	vst v63  }
0x128: {  	_ =	swait.ge [sflag:s23], $0x800  }
0x129: {  	s19 =	simm.s32 $0x800;
	s8 =	simm.s32 $0x2380;
	[sflag:s23] =	ssyncset.done $0x0  }
0x12a: {  	s14 =	simm.s32 $0x2300;
	s16 =	simm.s32 $0x2700;
	[sflag:s23] =	ssyncadd.s32 $0xFFFFF800  }
0x12b: {  	s0 =	rddreg [dreg:$0x16]  }
0x12c: {  	s0 =	sadd.s32 s29, s0  }
0x12d: {  	[tilespmem:s14], [sflag:$0xF] =	stream.linear.gather [hbm4b:s0+s1], $0x80, $0x38;
	[tilespmem:$0x5000] =	vst v63  }
0x12e: {  	s14 =	rddreg [dreg:$0x15]  }
0x12f: {  	s0 =	sadd.s32 s29, s14  }
0x130: {  	[tilespmem:s16], [sflag:$0xF] =	stream.linear.gather [hbm4b:s0+s1], $0x80, $0x38;
	[tilespmem:$0x5000] =	vst v63  }
0x131: {  	_ =	swait.ge [sflag:s9], $0x80  }
0x132: {  	[sflag:s9] =	ssyncset.done $0x0  }
0x133: {  	[sflag:s9] =	ssyncadd.s32 $0xFFFFFF80  }
0x134: {  	_ =	swait.ge [sflag:s9], $0x80  }
0x135: {  	[sflag:s9] =	ssyncset.done $0x0  }
0x136: {  	s16 =	simm.s32 $0x2100;
	[sflag:s9] =	ssyncadd.s32 $0xFFFFFF80  }
0x137: {  	[tilespmem:s15], [sflag:$0x3] =	stream.indirect.gather [hbm4b:s6+s5], $0x10, s16, s5, $0xb8;
	[tilespmem:$0x5000] =	vst v63  }
0x138: {  	_ =	swait.ge [sflag:s25], $0x800  }
0x139: {  	[sflag:s25] =	ssyncset.done $0x0  }
0x13a: {  	s2 =	simm.s32 $0x2780;
	[sflag:s25] =	ssyncadd.s32 $0xFFFFF800  }
0x13b: {  	[spmem:s3] =	stream.indirect.scatter.add.f32 [tilespmem:s11], [sflag:$0x8], $0x10, s2, s5, $0xb8;
	[tilespmem:$0x5000] =	vst v63  }
0x13c: {  	_ =	swait.ge [sflag:s26], $0x800  }
0x13d: {  	[sflag:s26] =	ssyncset.done $0x0;
	s19 =	rddreg [dreg:$0x14]  }
0x13e: {  	s30 =	rddreg [dreg:$0x13];
	[sflag:s26] =	ssyncadd.s32 $0xFFFFF800;
	s0 =	sadd.s32 s29, s19  }
0x13f: {  	[tilespmem:s8], [sflag:$0x10] =	stream.linear.gather [hbm4b:s0+s1], $0x80, $0x38;
	[tilespmem:$0x5000] =	vst v63  }
0x140: {  	s0 =	sadd.s32 s29, s30  }
0x141: {  	[tilespmem:s2], [sflag:$0x10] =	stream.linear.gather [hbm4b:s0+s1], $0x80, $0x38;
	[tilespmem:$0x5000] =	vst v63  }
0x142: {  	_ =	swait.ge [sflag:s10], $0x80  }
0x143: {  	[sflag:s10] =	ssyncset.done $0x0  }
.Ltmp4:
0x144: {  	[sflag:s10] =	ssyncadd.s32 $0xFFFFFF80;
	(pc) =	sbr.rel .LBB2_4-.Ltmp4, $4  }
0x145: {  	s31 =	simm.s32 $0x2180;
	_ =	swait.ge [sflag:s10], $0x80  }
0x146: {  	s7 =	simm.s32 $0x2300;
	s14 =	simm.s32 $0x2380;
	[sflag:s10] =	ssyncset.done $0x0  }
0x147: {  	s16 =	simm.s32 $0x2700;
	s29 =	sadd.s32 $0x80, s29;
	[sflag:s10] =	ssyncadd.s32 $0xFFFFFF80  }
0x148: {  	[tilespmem:s11], [sflag:$0x4] =	stream.indirect.gather [hbm4b:s6+s5], $0x10, s31, s5, $0xb8;
	[tilespmem:$0x5000] =	vst v63  }
.LBB2_7:
0x149: {  	_ =	sfence.sel $0x180000  }
0x14a: {  	[bflag:$0x0] =	sbarrier.arrive $0xFFFF  }
0x14b: {  	_ =	strace $0x9000004D  }
0x14c: {  	s0 =	stileid.u32;
	[bflag:$0x2] =	sbarrier.arrive $0xFFFF  }
0x14d: {  	p0 =	sne.s32 s0, $0x0;
	s0 =	rddreg [dreg:$0x2]  }
0x14e: {  	s0 =	sadd.s32 @!p0 $0x100000, s0  }
0x14f: {  	[sflag:s0] =	ssyncadd.tile.s32 @!p0 $0x1;
	_ =	shalt  }
.Lfunc_end2:
_tile_overlayer_lowered:
.L_overlay_start_2:
0x150: {  	(tag) =	ssettag $0x2  }
0x151: {  	s0 =	rddreg [dreg:$0x0];
	s2 =	stileid.u32  }
0x152: {  	s1 =	rddreg [dreg:$0x1];
	p0 =	sne.s32 s2, $0x0  }
0x153: {  	s3 =	rddreg [dreg:$0x2];
	[bflag:$0x3] =	sbarrier.arrive $0xFFFF;
	s2 =	simm.s32 @!p0 $0x1C11  }
0x154: {  	[timem:s3], [sflag:s2] =	dma.local @!p0 [hbm:s0], s1  }
0x155: {  	s0 =	simm.s32 @!p0 $0x11  }
0x156: {  	_ =	swait.ge @!p0 [sflag:s0], s1  }
0x157: {  	s1 =	ssub.s32 @!p0 $0x0, s1;
	[sflag:s0] =	ssyncset.done @!p0 $0x0  }
0x158: {  	[sflag:s0] =	ssyncadd.s32 @!p0 s1  }
0x159: {  	[bflag:$0x3] =	sbarrier.arrive $0xFFFF  }
0x15a: {  	_ =	shalt  }

// kernel: kernel.8.cloned.1.call-start
scs
__scs_entry_jumppad:
0x0: {  	(pc) =	sbr.rel $0x88, $3  }
0x1: {  	(tag) =	ssettag $0x0;
	lr =	simm.s32 $0x1  }
0x2: {  	[smem:$0x3F96] =	sst lr;
	_ =	strace $0xD0000000  }
0x3: {  	_ = 	snop  }
0x4: {  	_ = 	snop  }
0x5: {  	_ = 	snop  }
0x6: {  	_ = 	snop  }
0x7: {  	_ = 	snop  }
__scs_overlays_trampoline_lowered:
0x8: {  	[smem:$0x3FA5] =	sst s0  }
0x9: {  	[smem:$0x3FA6] =	sst s1  }
0xa: {  	[smem:$0x3FA7] =	sst s2  }
0xb: {  	[smem:$0x3FA8] =	sst s3  }
0xc: {  	[smem:$0x3FA9] =	sst s4  }
0xd: {  	[smem:$0x3FAA] =	sst s5  }
0xe: {  	[smem:$0x3FAB] =	sst s6  }
0xf: {  	[smem:$0x3FAC] =	sst s7  }
0x10: {  	[smem:$0x3FAD] =	sst s8  }
0x11: {  	[smem:$0x3FAE] =	sst s9;
	s0 =	simm.s32 @!p0 $0x0  }
0x12: {  	s1 =	sld [smem:$0x3F94];
	s0 =	simm.s32 @p0 $0x1  }
0x13: {  	[smem:$0x3FAF] =	sst s0;
	s0 =	simm.s32 @!p1 $0x0  }
0x14: {  	s2 =	sld [smem:$0x3F93];
	s0 =	simm.s32 @p1 $0x1  }
0x15: {  	[smem:$0x3FB0] =	sst s0;
	s0 =	simm.s32 @!p2 $0x0  }
0x16: {  	s3 =	sld [smem:$0x3FDB];
	s0 =	simm.s32 @p2 $0x1  }
0x17: {  	s4 =	simm.s32 $0x1BF5;
	[smem:$0x3FB2] =	sst s0  }
0x18: {  	s0 =	sld [smem:$0x3F95];
	_ =	swait.ge [sflag:s4], $0x0  }
0x19: {  	s7 =	sld [smem:$0x3F96]  }
0x1a: {  	s8 =	sadd.s32 $0xFFFFE003, lr  }
0x1b: {  	s9 =	sadd.s32 $0xFFFFFEF7, lr;
	s5 =	simm.s32 $0xFFFFFFFF;
	p2 =	slt.u32 s8, $0xFFFFF086  }
0x1c: {  	p1 =	slt.u32 s9, $0xF7A;
	s5 =	simm.s32 @!p2 $0x0  }
0x1d: {  	s5 =	simm.s32 @p1 $0x1;
	p0 =	seq.s32 s7, s2  }
0x1e: {  	s7 =	smul.u32 @!p0 $0xF7A, s2;
	p2 =	seq.s32 @!p0 s5, $0x0  }
0x1f: {  	s9 =	smul.u32 $0xF7A, s1;
	s8 =	simm.s32 @!p0 $0x1BF5;
	p2 =	por !p2, p0  }
0x20: {  	[sflag:s8] =	ssyncset.s32 @!p0 $0xFFFFF086;
	s6 =	sadd.s32 @!p0 s3, s7;
	s7 =	simm.s32 @!p0 $0x108  }
0x21: {  	s3 =	sadd.s32 s3, s9;
	s6 =	sadd.s32 @!p0 $0x88, s6;
	s7 =	simm.s32 @p2 $0x1082  }
0x22: {  	[simem:s7], [sflag:s8] =	dma.local @!p0 [hbm:s6], $0xF7A  }
0x23: {  	s9 =	sor.u32 $0xD0000000, s2;
	s6 =	simm.s32 $0x108;
	_ =	swait.ge @!p0 [sflag:s8], $0x0  }
0x24: {  	s3 =	sadd.s32 $0x88, s3;
	s6 =	simm.s32 @!p1 $0x1082;
	[sflag:s4] =	ssyncset.s32 $0xFFFFF086  }
0x25: {  	[simem:s6], [sflag:s4] =	dma.local [hbm:s3], $0xF7A  }
0x26: {  	[smem:$0x3F96] =	sst s1;
	(tag) =	ssettag s2;
	_ =	strace s9  }
0x27: {  	s1 =	sld [smem:$0x3FA6]  }
0x28: {  	s2 =	sld [smem:$0x3FA7]  }
0x29: {  	s4 =	sld [smem:$0x3FA9]  }
0x2a: {  	p0 =	seq.s32 s5, $0x0;
	s5 =	sld [smem:$0x3FAA]  }
0x2b: {  	s6 =	sld [smem:$0x3FAB]  }
0x2c: {  	s7 =	sld [smem:$0x3FAC]  }
0x2d: {  	s3 =	simm.s32 $0x108;
	s8 =	sld [smem:$0x3FAD]  }
0x2e: {  	s3 =	simm.s32 @!p0 $0x1082;
	s9 =	sld [smem:$0x3FAE]  }
0x2f: {  	lr =	sadd.s32 s0, s3;
	s0 =	sld [smem:$0x3FA5]  }
0x30: {  	s3 =	sld [smem:$0x3FA8]  }
0x31: {  	[smem:$0x3FB1] =	sst s10  }
0x32: {  	s10 =	sld [smem:$0x3FAF];
	_ =	sdelay $0x3  }
0x33: {  	p0 =	seq.s32 s10, $0x1;
	s10 =	sld [smem:$0x3FB1];
	_ =	sdelay $0x3  }
0x34: {  	[smem:$0x3FB1] =	sst s10  }
0x35: {  	s10 =	sld [smem:$0x3FB0];
	_ =	sdelay $0x3  }
0x36: {  	p1 =	seq.s32 s10, $0x1;
	s10 =	sld [smem:$0x3FB1];
	_ =	sdelay $0x3  }
0x37: {  	[smem:$0x3FB1] =	sst s10  }
0x38: {  	s10 =	sld [smem:$0x3FB2]  }
0x39: {  	_ = 	snop;
	(pc) =	sbr.ind lr, $3  }
0x3a: {  	_ = 	snop  }
0x3b: {  	_ = 	snop  }
0x3c: {  	p2 =	seq.s32 s10, $0x1;
	s10 =	sld [smem:$0x3FB1]  }
0x3d: {  	_ =	shalt  }
0x3e: {  	_ =	shalt  }
0x3f: {  	_ =	shalt  }
0x40: {  	_ =	shalt  }
0x41: {  	_ =	shalt  }
0x42: {  	_ =	shalt  }
0x43: {  	_ =	shalt  }
0x44: {  	_ =	shalt  }
0x45: {  	_ =	shalt  }
0x46: {  	_ =	shalt  }
0x47: {  	_ =	shalt  }
0x48: {  	_ =	shalt  }
0x49: {  	_ =	shalt  }
0x4a: {  	_ =	shalt  }
0x4b: {  	_ =	shalt  }
0x4c: {  	_ =	shalt  }
0x4d: {  	_ =	shalt  }
0x4e: {  	_ =	shalt  }
0x4f: {  	_ =	shalt  }
0x50: {  	_ =	shalt  }
0x51: {  	_ =	shalt  }
0x52: {  	_ =	shalt  }
0x53: {  	_ =	shalt  }
0x54: {  	_ =	shalt  }
0x55: {  	_ =	shalt  }
0x56: {  	_ =	shalt  }
0x57: {  	_ =	shalt  }
0x58: {  	_ =	shalt  }
0x59: {  	_ =	shalt  }
0x5a: {  	_ =	shalt  }
0x5b: {  	_ =	shalt  }
0x5c: {  	_ =	shalt  }
0x5d: {  	_ =	shalt  }
0x5e: {  	_ =	shalt  }
0x5f: {  	_ =	shalt  }
0x60: {  	_ =	shalt  }
0x61: {  	_ =	shalt  }
0x62: {  	_ =	shalt  }
0x63: {  	_ =	shalt  }
0x64: {  	_ =	shalt  }
0x65: {  	_ =	shalt  }
0x66: {  	_ =	shalt  }
0x67: {  	_ =	shalt  }
0x68: {  	_ =	shalt  }
0x69: {  	_ =	shalt  }
0x6a: {  	_ =	shalt  }
0x6b: {  	_ =	shalt  }
0x6c: {  	_ =	shalt  }
0x6d: {  	_ =	shalt  }
0x6e: {  	_ =	shalt  }
0x6f: {  	_ =	shalt  }
0x70: {  	_ =	shalt  }
0x71: {  	_ =	shalt  }
0x72: {  	_ =	shalt  }
0x73: {  	_ =	shalt  }
0x74: {  	_ =	shalt  }
0x75: {  	_ =	shalt  }
0x76: {  	_ =	shalt  }
0x77: {  	_ =	shalt  }
0x78: {  	_ =	shalt  }
0x79: {  	_ =	shalt  }
0x7a: {  	_ =	shalt  }
0x7b: {  	_ =	shalt  }
0x7c: {  	_ =	shalt  }
0x7d: {  	_ =	shalt  }
0x7e: {  	_ =	shalt  }
0x7f: {  	_ =	shalt  }
0x80: {  	_ =	shalt  }
0x81: {  	_ =	shalt  }
0x82: {  	_ =	shalt  }
0x83: {  	_ =	shalt  }
0x84: {  	_ =	shalt  }
0x85: {  	_ =	shalt  }
0x86: {  	_ =	shalt  }
0x87: {  	_ =	shalt  }
.Lfunc_end0:
.L_simem_size_0:
called_computation_lowered:
.L_overlay_start_0:
0x88: {  	s2 =	sld [smem:$0x3FD9]  }
0x89: {  	s3 =	sld [smem:$0x3FFE];
	_ =	sdelay $0x1  }
0x8a: {  	s1 =	srdreg.scid  }
0x8b: {  	s0 =	sand.u32 $0x1, s1  }
0x8c: {  	s16 =	sshll.u32 s0, $0xA;
	s2 =	sadd.s32 s3, s2  }
0x8d: {  	s2 =	sadd.s32 s2, s16  }
0x8e: {  	[smem:$0x3FBD] =	sst s2  }
0x8f: {  	_ = 	snop  }
0x90: {  	(tm) =	ssettm $0x1  }
0x91: {  	s17 =	sld [smem:$0x3FFB];
	_ =	sdelay $0x3  }
0x92: {  	_ =	strace s17  }
0x93: {  	s2 =	sld [smem:$0x3FFC];
	_ =	sdelay $0x3  }
0x94: {  	_ =	strace s2  }
0x95: {  	s2 =	sld [smem:$0x3FFD];
	_ =	sdelay $0x3  }
0x96: {  	_ =	strace s2  }
0x97: {  	_ =	strace $0x8FFFFFFF  }
0x98: {  	s18 =	sld [smem:$0x3FDB];
	_ =	sdelay $0x1  }
0x99: {  	s19 =	simm.s32 $_scs_section_size  }
0x9a: {  	s4 =	simm.s32 $_size__tile_overlayer_lowered;
	s5 =	simm.s32 $_tile_overlayer_lowered  }
0x9b: {  	s22 =	simm.s32 $0x1BFF;
	s21 =	sshll.u32 s5, $0x1;
	s2 =	sadd.s32 s19, s18  }
0x9c: {  	s6 =	simm.s32 $0x0;
	s20 =	sshll.u32 s4, $0x1;
	s4 =	sadd.s32 s21, s2  }
0x9d: {  	[timem:s6], [sflag:s22] =	dma.local [hbm:s4], s20  }
0x9e: {  	_ =	swait.ge [sflag:s22], s20  }
0x9f: {  	s3 =	ssub.s32 $0x0, s20;
	[sflag:s22] =	ssyncset.done $0x0  }
0xa0: {  	[sflag:s22] =	ssyncadd.s32 s3;
	_ =	sdelay $0x1  }
0xa1: {  	s23 =	simm.s32 $0x1B8B  }
0xa2: {  	_ =	swait.ge [sflag:s23], $0x1  }
0xa3: {  	[sflag:s23] =	ssyncset.done $0x0  }
0xa4: {  	s25 =	simm.s32 $0x1B8E;
	s24 =	sld [smem:$0x3FFE];
	[sflag:s23] =	ssyncadd.s32 $0xFFFFFFFF  }
0xa5: {  	s26 =	simm.s32 $execute0_lowered;
	[smem:$0x3FD2] =	sst s25  }
0xa6: {  	s4 =	sshll.u32 s26, $0x1;
	_ =	strace $0x80000046;
	[dreg:$0x1] =	wrdreg $0xFFFFFFFF  }
0xa7: {  	s28 =	simm.s32 $_size_execute0_lowered;
	s2 =	sadd.s32 s2, s4;
	[dreg:$0x0] =	wrdreg $0x0  }
0xa8: {  	s4 =	sshll.u32 s28, $0x1;
	[dreg:$0x2] =	wrdreg s2  }
0xa9: {  	[dreg:$0x3] =	wrdreg s4  }
0xaa: {  	[dreg:$0x4] =	wrdreg $0xC0  }
0xab: {  	_ =	task [dreg:s6], $0x5FFFF  }
0xac: {  	[dreg:$0x1] =	wrdreg $0xFFFFFFFF  }
0xad: {  	[dreg:$0x0] =	wrdreg $0x60  }
0xae: {  	[dreg:$0x2] =	wrdreg s24  }
0xaf: {  	[dreg:$0x3] =	wrdreg $0xA8800  }
0xb0: {  	[dreg:$0x4] =	wrdreg $0x9  }
0xb1: {  	_ =	task.clear_ibuf [dreg:s6], $0x5FFFF;
	_ =	strace $0x90000046  }
0xb2: {  	s29 =	simm.s32 $0x9;
	_ =	strace $0x80000048  }
0xb3: {  	_ =	swait.ge [sflag:s29], $0x1  }
0xb4: {  	[sflag:s29] =	ssyncadd.s32 $0xFFFFFFFF  }
0xb5: {  	_ =	strace $0x90000048  }
0xb6: {  	_ =	sfence  }
0xb7: {  	s30 =	sld [smem:$0x0];
	_ =	sdelay $0x2  }
0xb8: {  	s31 =	sshll.u32 s1, $0xD;
	s1 =	sshrl.u32 s1, $0x2  }
0xb9: {  	s3 =	sand.u32 $0x4000, s31;
	s1 =	sadd.s32 s1, s30  }
0xba: {  	s0 =	sor.u32 s3, s0;
	s1 =	sshll.u32 s1, $0x11  }
0xbb: {  	s0 =	sor.u32 s1, s0  }
0xbc: {  	s0 =	sadd.s32 $0x8F2B, s0  }
0xbd: {  	[sflag:s0] =	ssyncadd.remote.s32 $0x1  }
0xbe: {  	_ =	sfence.sel $0xFFFF  }
0xbf: {  	[dreg:$0x0] =	wrdreg $0xFFFFFFFF;
	(pc) =	sbr.abs _section_cstart, $3  }
0xc0: {  	[dreg:$0x1] =	wrdreg $0xFFFFFFFF  }
0xc1: {  	_ =	task.clear_ibuf [dreg:s6], $0x2FFFF;
	_ =	strace $0x9FFFFFFF  }
0xc2: {  	(tm) =	ssettm $0x7FFFFFFF  }
0xc3: {  	_ =	shalt  }
tec
execute0_lowered:
.L_overlay_start_1:
0x0: {  	(tag) =	ssettag $0x1  }
0x1: {  	s4 =	rddreg [dreg:$0x0]  }
0x2: {  	s1 =	rddreg [dreg:$0x1]  }
0x3: {  	s2 =	srdreg.scid;
	s0 =	rddreg [dreg:$0x2]  }
0x4: {  	s3 =	simm.s32 $0x0;
	s13 =	simm.s32 $0x6880;
	s14 =	simm.s32 $0x3  }
0x5: {  	s15 =	simm.s32 $0x1;
	s16 =	simm.s32 $0x80;
	s5 =	sand.u32 $0x1, s2  }
0x6: {  	s17 =	simm.s32 $0x2880;
	s2 =	stileid.u32;
	s7 =	smul.u32 $0x28000, s5  }
0x7: {  	s18 =	simm.s32 $0x10;
	s19 =	simm.s32 $0x2;
	s9 =	smul.u32 $0x50000, s2  }
0x8: {  	[smem:$0x7FF] =	sst s3;
	s11 =	sadd.s32 $0x3000, s4;
	s10 =	smul.u32 $0x27100, s5  }
0x9: {  	s6 =	sshll.u32 s5, $0x4;
	_ =	strace $0x80000047;
	s31 =	smul.u32 $0x2710, s2  }
0xa: {  	s28 =	ssub.s32 $0x2, s5;
	s21 =	smul.u32 $0x2800, s2;
	s6 =	sor.u32 s2, s6  }
0xb: {  	s8 =	sshrl.u32 s28, $0x1;
	s6 =	smul.u32 $0x2710, s6;
	s7 =	sadd.s32 s7, s4  }
0xc: {  	s8 =	ssub.s32 s28, s8;
	s30 =	sshrl.u32 s9, $0x2;
	s10 =	sadd.s32 s31, s10  }
0xd: {  	s5 =	sadd.s32 s30, s1;
	s20 =	sadd.s32 $0xCE00, s7;
	s12 =	sshrl.u32 s10, $0x3  }
0xe: {  	s6 =	sshrl.u32 s6, $0x3;
	s7 =	sadd.s32 $0x4000, s5;
	s9 =	sadd.s32 $0xC000, s5  }
0xf: {  	s10 =	sadd.s32 $0x10000, s5;
	s20 =	sadd.s32 s21, s20;
	s21 =	simm.s32 $0x0  }
0x10: {  	s29 =	sadd.s32 s11, s6;
	s6 =	smax.u32 s8, $0x1;
	s8 =	sadd.s32 $0x8000, s5  }
0x11: {  	v0 =	vimm.f32 $1.000000000e+00;
	v1 =	vimm.f32 $0.0e+00;
	s11 =	sadd.s32 s12, s11;
	s12 =	simm.s32 $0x2800;
	s4 =	sadd.s32 $0x4E0, s29  }
.LBB2_1:
0x12: {  	s22 =	simm.s32 $0x10  }
0x13: {  	s25 =	sadd.s32 $0x0, s11;
	s23 =	simm.s32 $0x80;
	s24 =	simm.s32 $0x0  }
.LBB2_2:
0x14: {  	[tilespmem:s24], [sflag:$0x1] =	stream.linear.gather [hbm4b:s25+s3], $0x80, $0x38;
	[tilespmem:$0xD080] =	vst v63  }
0x15: {  	s25 =	smov.u32 s22;
	s24 =	smov.u32 s23;
	p0 =	sne.s32 s22, $0x4D0  }
.Ltmp0:
0x16: {  	s22 =	sadd.s32 $0x10, s22;
	(pc) =	sbr.rel @p0 .LBB2_2-.Ltmp0, $2  }
0x17: {  	_ =	sdelay $0x2  }
0x18: {  	s23 =	sadd.s32 $0x80, s23;
	s25 =	sadd.s32 s25, s11  }
0x19: {  	[tilespmem:s24], [sflag:$0x1] =	stream.linear.gather [hbm4b:s25+s3], $0x80, $0x38;
	[tilespmem:$0xD080] =	vst v63  }
0x1a: {  	s22 =	simm.s32 $0x0  }
0x1b: {  	[tilespmem:s12], [sflag:$0x1] =	stream.linear.gather [hbm4b:s4+s22], $0x10, $0x38;
	[tilespmem:$0xD080] =	vst v63  }
0x1c: {  	s23 =	simm.s32 $0x0;
	s22 =	simm.s32 $0x200  }
.LBB2_4:
0x1d: {  	p0 =	seq.s32 s22, $0xFE00;
	[tilespmem:s23+$0x2880] =	vst v0;
	s24 =	smov.u32 s22;
	s22 =	sadd.s32 $0x200, s22  }
.Ltmp1:
0x1e: {  	[tilespmem:s23+$0x6880] =	vst v1;
	(pc) =	sbr.rel @!p0 .LBB2_4-.Ltmp1, $2  }
0x1f: {  	_ =	sdelay $0x2  }
0x20: {  	s23 =	sshra.s32 s24, $0x2  }
0x21: {  	[tilespmem:s23+$0x2880] =	vst v0  }
0x22: {  	[tilespmem:s23+$0x6880] =	vst v1  }
0x23: {  	[spmem:s5] =	stream.linear.scatter [tilespmem:s13], [sflag:$0x3], $0x4000, $0x38;
	[tilespmem:$0xD080] =	vst v63  }
0x24: {  	_ =	swait.ge [sflag:s14], $0x4000  }
0x25: {  	[sflag:s14] =	ssyncset.done $0x0  }
0x26: {  	[sflag:s14] =	ssyncadd.s32 $0xFFFFC000  }
0x27: {  	[spmem:s7] =	stream.linear.scatter [tilespmem:s13], [sflag:$0x3], $0x4000, $0x38;
	[tilespmem:$0xD080] =	vst v63  }
0x28: {  	_ =	swait.ge [sflag:s14], $0x4000  }
0x29: {  	[sflag:s14] =	ssyncset.done $0x0  }
0x2a: {  	[sflag:s14] =	ssyncadd.s32 $0xFFFFC000  }
0x2b: {  	[spmem:s8] =	stream.linear.scatter [tilespmem:s13], [sflag:$0x3], $0x4000, $0x38;
	[tilespmem:$0xD080] =	vst v63  }
0x2c: {  	_ =	swait.ge [sflag:s14], $0x4000  }
0x2d: {  	[sflag:s14] =	ssyncset.done $0x0  }
0x2e: {  	[sflag:s14] =	ssyncadd.s32 $0xFFFFC000  }
0x2f: {  	[spmem:s9] =	stream.linear.scatter [tilespmem:s13], [sflag:$0x3], $0x4000, $0x38;
	[tilespmem:$0xD080] =	vst v63  }
0x30: {  	_ =	swait.ge [sflag:s14], $0x4000  }
0x31: {  	[sflag:s14] =	ssyncset.done $0x0  }
0x32: {  	[sflag:s14] =	ssyncadd.s32 $0xFFFFC000  }
0x33: {  	[spmem:s10] =	stream.linear.scatter [tilespmem:s13], [sflag:$0x3], $0x4000, $0x38;
	[tilespmem:$0xD080] =	vst v63  }
0x34: {  	_ =	swait.ge [sflag:s14], $0x4000  }
0x35: {  	[sflag:s14] =	ssyncset.done $0x0  }
0x36: {  	[sflag:s14] =	ssyncadd.s32 $0xFFFFC000  }
0x37: {  	[bflag:$0x0] =	sbarrier.arrive $0xFFFF  }
0x38: {  	_ =	swait.ge [sflag:s15], $0x80  }
0x39: {  	[sflag:s15] =	ssyncset.done $0x0  }
0x3a: {  	s22 =	simm.s32 $0x200;
	s23 =	simm.s32 $0x0;
	[sflag:s15] =	ssyncadd.s32 $0xFFFFFF80  }
.LBB2_6:
0x3b: {  	[spmem:s1] =	stream.indirect.scatter.add.f32 [tilespmem:s17], [sflag:$0x2], $0x10, s23, s16, $0xb8;
	[tilespmem:$0xD080] =	vst v63  }
0x3c: {  	s23 =	smov.u32 s22;
	p0 =	sne.s32 s22, $0x9A00  }
.Ltmp2:
0x3d: {  	s22 =	sadd.s32 $0x200, s22;
	(pc) =	sbr.rel @p0 .LBB2_6-.Ltmp2, $4  }
0x3e: {  	_ = 	snop  }
0x3f: {  	_ =	swait.ge [sflag:s15], $0x80  }
0x40: {  	[sflag:s15] =	ssyncset.done $0x0  }
0x41: {  	s23 =	sshra.s32 s23, $0x2;
	[sflag:s15] =	ssyncadd.s32 $0xFFFFFF80  }
0x42: {  	[spmem:s1] =	stream.indirect.scatter.add.f32 [tilespmem:s17], [sflag:$0x2], $0x10, s23, s16, $0xb8;
	[tilespmem:$0xD080] =	vst v63  }
0x43: {  	_ =	swait.ge [sflag:s15], $0x10  }
0x44: {  	[sflag:s15] =	ssyncset.done $0x0  }
0x45: {  	[sflag:s15] =	ssyncadd.s32 $0xFFFFFFF0  }
0x46: {  	[spmem:s1] =	stream.indirect.scatter.add.f32 [tilespmem:s17], [sflag:$0x2], $0x10, s12, s18, $0xb8;
	[tilespmem:$0xD080] =	vst v63  }
0x47: {  	_ =	swait.ge [sflag:s19], $0x800  }
0x48: {  	s22 =	simm.s32 $0x4D;
	[sflag:s19] =	ssyncset.done $0x0  }
.LBB2_8:
0x49: {  	p0 =	sne.s32 s22, $0x1;
	s22 =	sadd.s32 $0xFFFFFFFF, s22;
	[sflag:s19] =	ssyncadd.s32 $0xFFFFF800  }
.Ltmp3:
0x4a: {  	(pc) =	sbr.rel @p0 .LBB2_8-.Ltmp3, $3  }
0x4b: {  	_ =	sdelay $0x1  }
0x4c: {  	_ =	swait.ge [sflag:s19], $0x800  }
0x4d: {  	[sflag:s19] =	ssyncset.done $0x0  }
0x4e: {  	[sflag:s19] =	ssyncadd.s32 $0xFFFFF800  }
0x4f: {  	_ =	swait.ge [sflag:s19], $0x100  }
0x50: {  	s22 =	sshll.u32 s2, $0x6;
	s21 =	sadd.s32 $0x1, s21;
	[sflag:s19] =	ssyncset.done $0x0  }
0x51: {  	s23 =	sshrl.u32 s5, $0x3;
	p0 =	sne.s32 s21, s6;
	[sflag:s19] =	ssyncadd.s32 $0xFFFFFF00  }
.Ltmp4:
0x52: {  	s22 =	sor.u32 $0x1C03, s22;
	[bflag:$0x0] =	sbarrier.arrive $0xFFFF;
	(pc) =	sbr.rel @p0 .LBB2_1-.Ltmp4, $4  }
0x53: {  	[hbm:s20], [sflag:s22] =	dma.local [spmem:s23], $0x2800  }
0x54: {  	_ =	swait.ge [sflag:s14], $0x2800  }
0x55: {  	[sflag:s14] =	ssyncset.done $0x0  }
0x56: {  	[sflag:s14] =	ssyncadd.s32 $0xFFFFD800  }
0x57: {  	_ =	sfence.sel $0x180000  }
0x58: {  	[bflag:$0x0] =	sbarrier.arrive $0xFFFF  }
0x59: {  	p0 =	sne.s32 s2, $0x0;
	_ =	strace $0x90000047  }
0x5a: {  	s0 =	sadd.s32 @!p0 $0x100000, s0;
	[bflag:$0x2] =	sbarrier.arrive $0xFFFF  }
0x5b: {  	[sflag:s0] =	ssyncadd.tile.s32 @!p0 $0x1;
	_ =	shalt  }
.Lfunc_end2:
_tile_overlayer_lowered:
.L_overlay_start_2:
0x5c: {  	(tag) =	ssettag $0x2  }
0x5d: {  	s0 =	rddreg [dreg:$0x0];
	s2 =	stileid.u32  }
0x5e: {  	s1 =	rddreg [dreg:$0x1];
	p0 =	sne.s32 s2, $0x0  }
0x5f: {  	s3 =	rddreg [dreg:$0x2];
	[bflag:$0x3] =	sbarrier.arrive $0xFFFF;
	s2 =	simm.s32 @!p0 $0x1C03  }
0x60: {  	[timem:s3], [sflag:s2] =	dma.local @!p0 [hbm:s0], s1  }
0x61: {  	s0 =	simm.s32 @!p0 $0x3  }
0x62: {  	_ =	swait.ge @!p0 [sflag:s0], s1  }
0x63: {  	s1 =	ssub.s32 @!p0 $0x0, s1;
	[sflag:s0] =	ssyncset.done @!p0 $0x0  }
0x64: {  	[sflag:s0] =	ssyncadd.s32 @!p0 s1  }
0x65: {  	[bflag:$0x3] =	sbarrier.arrive $0xFFFF  }
0x66: {  	_ =	shalt  }

</sc_bundles>
